<compile_context>
chip_gen: v7x
topology: tpu7x:2x2x1
jax: 0.10.2.dev20260603
libtpu: 0.0.44.dev20260713+nightly
codegen_flags: <defaults>
</compile_context>

<pallas_src>
import functools

import jax
import jax.numpy as jnp
from jax import lax
from jax.experimental import pallas as pl
from jax.experimental.pallas import tpu as pltpu
from jax.experimental.pallas import tpu_sc as plsc

D = 64
SCALE = 8.0
LANES = 16
NBG = 8
NBT = 2
TPITCH = 2 * D + 1

B_BLK = 128
NW = 32


def _make_kernel(S, NBB):
    mesh = plsc.VectorSubcoreMesh(core_axis_name="c", subcore_axis_name="s")

    @functools.partial(
        pl.kernel,
        mesh=mesh,
        out_type=jax.ShapeDtypeStruct((S, 8, NBB, 8, B_BLK), jnp.float32),
        scratch_types=[
            pltpu.VMEM((S, B_BLK), jnp.int32),
            pltpu.VMEM((NBG, B_BLK, D), jnp.float32),
            pltpu.VMEM((NBT, 8, 8, TPITCH), jnp.float32),
        ]
        + [pltpu.SemaphoreType.DMA] * NBG
        + [pltpu.SemaphoreType.DMA] * NBT,
        compiler_params=pltpu.CompilerParams(
            use_tc_tiling_on_sc=False, needs_layout_passes=False
        ),
    )
    def body(x_hbm, table_hbm, out_hbm, idx_v, rows_v, tbuf, *sems):
        gsem = sems[:NBG]
        wsem = sems[NBG:]
        bb = lax.axis_index("s") * 2 + lax.axis_index("c")

        pltpu.sync_copy(x_hbm.at[bb], idx_v)

        def fire_gather(g, slot):
            pltpu.async_copy(
                table_hbm.at[idx_v.at[g]], rows_v.at[slot], gsem[slot]
            )

        def wait_gather(g, slot):
            pltpu.make_async_copy(
                table_hbm.at[idx_v.at[g]], rows_v.at[slot], gsem[slot]
            ).wait()

        def assemble(slot, tslot):
            iota = lax.iota(jnp.int32, LANES)
            fdivs = tuple(
                (iota + (j * LANES)) >> 3 for j in range(D // LANES)
            )
            fmods = tuple(
                (iota + (j * LANES)) & 7 for j in range(D // LANES)
            )
            tb3d = tbuf.at[tslot]

            @plsc.parallel_loop(
                0, B_BLK, unroll=8, carry=jnp.zeros((LANES,), jnp.int32)
            )
            def per_row(bc, bcv):
                for j in range(D // LANES):
                    val = rows_v[slot, bc, pl.ds(j * LANES, LANES)]
                    plsc.store_scatter(
                        tb3d, [fdivs[j], fmods[j], bcv], val * SCALE
                    )
                return bcv + 1

        def fire_writes(g, tslot):
            pltpu.async_copy(
                tbuf.at[tslot, :, :, pl.ds(0, B_BLK)],
                out_hbm.at[g, :, bb],
                wsem[tslot],
            )

        def wait_writes(g, tslot):
            pltpu.make_async_copy(
                tbuf.at[tslot, :, :, pl.ds(0, B_BLK)],
                out_hbm.at[g, :, bb],
                wsem[tslot],
            ).wait()

        for b in range(NBG - 1):
            fire_gather(b, b)

        def outer(t, carry):
            for b in range(NBG):
                g = t * NBG + b
                wait_gather(g, b)

                nslot = (b - 1) % NBG

                @pl.when(g + NBG - 1 < S)
                def _():
                    fire_gather(g + NBG - 1, nslot)

                tslot = b % NBT

                @pl.when(g >= NBT)
                def _():
                    wait_writes(g - NBT, tslot)

                assemble(b, tslot)
                fire_writes(g, tslot)
            return carry

        lax.fori_loop(0, S // NBG, outer, 0)

        for g in range(S - NBT, S):
            wait_writes(g, g % NBT)

    return body


@jax.jit
def kernel(x, table):
    NB, S = x.shape
    nbb = NB // B_BLK
    x5 = x.T.astype(jnp.int32).reshape(S, nbb, B_BLK).transpose(1, 0, 2)
    out5 = _make_kernel(S, nbb)(x5, table)
    return out5.transpose(2, 4, 0, 1, 3).reshape(NB, S, D)

# --- scband reference (transcript-rebuilt; emitter-appended) ---
"""Pipeline reference for scband-embedding-76330158784748 (READ-ONLY COPY).

The authoritative reference and input builder live on the scoring server;
editing this copy changes nothing except your own understanding.
"""

import jax, jax.numpy as jnp
import numpy as np

VOCAB = 1000000
NINP = 64

def setup_inputs(seed: int = 0) -> dict:
    key = jax.random.key(seed)
    k1, k2 = jax.random.split(key)
    x = jax.random.randint(k1, (4096, 200), 0, VOCAB)
    table = jax.random.normal(k2, (VOCAB, NINP), dtype=jnp.float32)
    # nn.Embedding(padding_idx=1): row 1 initialized to zero
    table = table.at[1].set(0.0)
    return {"x": x, "table": table}

def reference(x, table):
    # Embedding.forward with inverse=False: encoder(x) * sqrt(ninp)
    emb = jnp.take(table, x, axis=0)
    return emb * np.sqrt(NINP)

if __name__ == "__main__":
    import jax
    _d = setup_inputs()
    print(jax.jit(kernel)(*tuple(_d.values())))

</pallas_src>

<mosaic_0001>
#map = affine_map<(d0, d1) -> (0, 0, 0)>
#map1 = affine_map<(d0, d1) -> (0, 0)>
#map2 = affine_map<(d0, d1) -> (0, 0, 0, 0, 0)>
module attributes {stable_mosaic.version = 14 : i64} {
  func.func @body(%arg0: i32, %arg1: i32, %arg2: memref<32x200x128xi32, #tpu.memory_space<hbm>>, %arg3: memref<1000000x64xf32, #tpu.memory_space<hbm>>, %arg4: memref<200x8x32x8x128xf32, #tpu.memory_space<hbm>>, %arg5: memref<200x128xi32, #tpu.memory_space<vmem>>, %arg6: memref<8x128x64xf32, #tpu.memory_space<vmem>>, %arg7: memref<2x8x8x129xf32, #tpu.memory_space<vmem>>, %arg8: memref<!tpu.dma_semaphore, #tpu.memory_space<semaphore_mem>>, %arg9: memref<!tpu.dma_semaphore, #tpu.memory_space<semaphore_mem>>, %arg10: memref<!tpu.dma_semaphore, #tpu.memory_space<semaphore_mem>>, %arg11: memref<!tpu.dma_semaphore, #tpu.memory_space<semaphore_mem>>, %arg12: memref<!tpu.dma_semaphore, #tpu.memory_space<semaphore_mem>>, %arg13: memref<!tpu.dma_semaphore, #tpu.memory_space<semaphore_mem>>, %arg14: memref<!tpu.dma_semaphore, #tpu.memory_space<semaphore_mem>>, %arg15: memref<!tpu.dma_semaphore, #tpu.memory_space<semaphore_mem>>, %arg16: memref<!tpu.dma_semaphore, #tpu.memory_space<semaphore_mem>>, %arg17: memref<!tpu.dma_semaphore, #tpu.memory_space<semaphore_mem>>) attributes {dimension_semantics = [#tpu.dimension_semantics<core_parallel>, #tpu.dimension_semantics<subcore_parallel>], iteration_bounds = array<i64: 2, 16>, scalar_prefetch = 0 : i64, scratch_operands = 13 : i64, tpu.core_type = #tpu.core_type<sc_vector_subcore>, window_params = [{transform_indices = #map}, {transform_indices = #map1}, {transform_indices = #map2}]} {
    %mul3A = arith.constant 2 : i32
    %mul3A_0 = arith.muli %arg1, %mul3A : i32
    %add3A = arith.addi %mul3A_0, %arg0 : i32
    "tpu.region"() ({
      %run_scoped3A = tpu.sem_alloc : memref<!tpu.dma_semaphore, #tpu.memory_space<semaphore_mem>>
      %dma_start3A_132 = arith.constant 0 : i32
      %dma_start3A_133 = arith.constant 0 : i32
      %dma_start3A_134 = tpu.memref_slice %arg2[%add3A, %dma_start3A_132, %dma_start3A_133] : memref<32x200x128xi32, #tpu.memory_space<hbm>> -> memref<1x200x128xi32, #tpu.memory_space<hbm>>
      %dma_start3A_135 = tpu.memref_squeeze %dma_start3A_134 : memref<1x200x128xi32, #tpu.memory_space<hbm>> -> memref<200x128xi32, #tpu.memory_space<hbm>>
      %dma_start3A_136 = arith.constant 0 : i32
      %dma_start3A_137 = arith.constant 0 : i32
      %dma_start3A_138 = tpu.memref_slice %arg2[%add3A, %dma_start3A_136, %dma_start3A_137] : memref<32x200x128xi32, #tpu.memory_space<hbm>> -> memref<1x200x128xi32, #tpu.memory_space<hbm>>
      %dma_start3A_139 = tpu.memref_squeeze %dma_start3A_138 : memref<1x200x128xi32, #tpu.memory_space<hbm>> -> memref<200x128xi32, #tpu.memory_space<hbm>>
      tpu.enqueue_dma source(%dma_start3A_139 : memref<200x128xi32, #tpu.memory_space<hbm>>) target(%arg5 : memref<200x128xi32, #tpu.memory_space<vmem>>) target_semaphore(%run_scoped3A : memref<!tpu.dma_semaphore, #tpu.memory_space<semaphore_mem>>)
      %dma_wait3A_140 = arith.constant 0 : i32
      %dma_wait3A_141 = arith.constant 0 : i32
      %dma_wait3A_142 = tpu.memref_slice %arg2[%add3A, %dma_wait3A_140, %dma_wait3A_141] : memref<32x200x128xi32, #tpu.memory_space<hbm>> -> memref<1x200x128xi32, #tpu.memory_space<hbm>>
      %dma_wait3A_143 = tpu.memref_squeeze %dma_wait3A_142 : memref<1x200x128xi32, #tpu.memory_space<hbm>> -> memref<200x128xi32, #tpu.memory_space<hbm>>
      %dma_wait3A_144 = arith.constant 0 : i32
      %dma_wait3A_145 = arith.constant 0 : i32
      %dma_wait3A_146 = tpu.memref_slice %arg2[%add3A, %dma_wait3A_144, %dma_wait3A_145] : memref<32x200x128xi32, #tpu.memory_space<hbm>> -> memref<1x200x128xi32, #tpu.memory_space<hbm>>
      %dma_wait3A_147 = tpu.memref_squeeze %dma_wait3A_146 : memref<1x200x128xi32, #tpu.memory_space<hbm>> -> memref<200x128xi32, #tpu.memory_space<hbm>>
      tpu.wait_dma2 semaphore(%run_scoped3A : memref<!tpu.dma_semaphore, #tpu.memory_space<semaphore_mem>>) src(%dma_wait3A_147 : memref<200x128xi32, #tpu.memory_space<hbm>>) dst(%arg5 : memref<200x128xi32, #tpu.memory_space<vmem>>)
      tpu.yield
    }) : () -> ()
    %dma_start3A = arith.constant 0 : i32
    %dma_start3A_1 = arith.constant 0 : i32
    %dma_start3A_2 = arith.constant 0 : i32
    %dma_start3A_3 = arith.constant 0 : i32
    %dma_start3A_4 = tpu.memref_slice %arg6[%dma_start3A_1, %dma_start3A_2, %dma_start3A_3] : memref<8x128x64xf32, #tpu.memory_space<vmem>> -> memref<1x128x64xf32, #tpu.memory_space<vmem>>
    %dma_start3A_5 = tpu.memref_squeeze %dma_start3A_4 : memref<1x128x64xf32, #tpu.memory_space<vmem>> -> memref<128x64xf32, #tpu.memory_space<vmem>>
    %dma_start3A_6 = arith.constant 0 : i32
    %dma_start3A_7 = tpu.memref_slice %arg5[%dma_start3A, %dma_start3A_6] : memref<200x128xi32, #tpu.memory_space<vmem>> -> memref<1x128xi32, #tpu.memory_space<vmem>>
    %dma_start3A_8 = tpu.memref_squeeze %dma_start3A_7 : memref<1x128xi32, #tpu.memory_space<vmem>> -> memref<128xi32, #tpu.memory_space<vmem>>
    %dma_start3A_9 = arith.constant 0 : i32
    %dma_start3A_10 = arith.constant 0 : i32
    %dma_start3A_11 = tpu.memref_slice %arg3[%dma_start3A_9, %dma_start3A_10] : memref<1000000x64xf32, #tpu.memory_space<hbm>> -> memref<1000000x64xf32, #tpu.memory_space<hbm>>
    tpu.enqueue_indirect_dma source(%dma_start3A_11 : memref<1000000x64xf32, #tpu.memory_space<hbm>>) target(%dma_start3A_5 : memref<128x64xf32, #tpu.memory_space<vmem>>) offsets(%dma_start3A_8 : memref<128xi32, #tpu.memory_space<vmem>>) semaphore(%arg8 : memref<!tpu.dma_semaphore, #tpu.memory_space<semaphore_mem>>)
    %dma_start3A_12 = arith.constant 1 : i32
    %dma_start3A_13 = arith.constant 1 : i32
    %dma_start3A_14 = arith.constant 0 : i32
    %dma_start3A_15 = arith.constant 0 : i32
    %dma_start3A_16 = tpu.memref_slice %arg6[%dma_start3A_13, %dma_start3A_14, %dma_start3A_15] : memref<8x128x64xf32, #tpu.memory_space<vmem>> -> memref<1x128x64xf32, #tpu.memory_space<vmem>>
    %dma_start3A_17 = tpu.memref_squeeze %dma_start3A_16 : memref<1x128x64xf32, #tpu.memory_space<vmem>> -> memref<128x64xf32, #tpu.memory_space<vmem>>
    %dma_start3A_18 = arith.constant 0 : i32
    %dma_start3A_19 = tpu.memref_slice %arg5[%dma_start3A_12, %dma_start3A_18] : memref<200x128xi32, #tpu.memory_space<vmem>> -> memref<1x128xi32, #tpu.memory_space<vmem>>
    %dma_start3A_20 = tpu.memref_squeeze %dma_start3A_19 : memref<1x128xi32, #tpu.memory_space<vmem>> -> memref<128xi32, #tpu.memory_space<vmem>>
    %dma_start3A_21 = arith.constant 0 : i32
    %dma_start3A_22 = arith.constant 0 : i32
    %dma_start3A_23 = tpu.memref_slice %arg3[%dma_start3A_21, %dma_start3A_22] : memref<1000000x64xf32, #tpu.memory_space<hbm>> -> memref<1000000x64xf32, #tpu.memory_space<hbm>>
    tpu.enqueue_indirect_dma source(%dma_start3A_23 : memref<1000000x64xf32, #tpu.memory_space<hbm>>) target(%dma_start3A_17 : memref<128x64xf32, #tpu.memory_space<vmem>>) offsets(%dma_start3A_20 : memref<128xi32, #tpu.memory_space<vmem>>) semaphore(%arg9 : memref<!tpu.dma_semaphore, #tpu.memory_space<semaphore_mem>>)
    %dma_start3A_24 = arith.constant 2 : i32
    %dma_start3A_25 = arith.constant 2 : i32
    %dma_start3A_26 = arith.constant 0 : i32
    %dma_start3A_27 = arith.constant 0 : i32
    %dma_start3A_28 = tpu.memref_slice %arg6[%dma_start3A_25, %dma_start3A_26, %dma_start3A_27] : memref<8x128x64xf32, #tpu.memory_space<vmem>> -> memref<1x128x64xf32, #tpu.memory_space<vmem>>
    %dma_start3A_29 = tpu.memref_squeeze %dma_start3A_28 : memref<1x128x64xf32, #tpu.memory_space<vmem>> -> memref<128x64xf32, #tpu.memory_space<vmem>>
    %dma_start3A_30 = arith.constant 0 : i32
    %dma_start3A_31 = tpu.memref_slice %arg5[%dma_start3A_24, %dma_start3A_30] : memref<200x128xi32, #tpu.memory_space<vmem>> -> memref<1x128xi32, #tpu.memory_space<vmem>>
    %dma_start3A_32 = tpu.memref_squeeze %dma_start3A_31 : memref<1x128xi32, #tpu.memory_space<vmem>> -> memref<128xi32, #tpu.memory_space<vmem>>
    %dma_start3A_33 = arith.constant 0 : i32
    %dma_start3A_34 = arith.constant 0 : i32
    %dma_start3A_35 = tpu.memref_slice %arg3[%dma_start3A_33, %dma_start3A_34] : memref<1000000x64xf32, #tpu.memory_space<hbm>> -> memref<1000000x64xf32, #tpu.memory_space<hbm>>
    tpu.enqueue_indirect_dma source(%dma_start3A_35 : memref<1000000x64xf32, #tpu.memory_space<hbm>>) target(%dma_start3A_29 : memref<128x64xf32, #tpu.memory_space<vmem>>) offsets(%dma_start3A_32 : memref<128xi32, #tpu.memory_space<vmem>>) semaphore(%arg10 : memref<!tpu.dma_semaphore, #tpu.memory_space<semaphore_mem>>)
    %dma_start3A_36 = arith.constant 3 : i32
    %dma_start3A_37 = arith.constant 3 : i32
    %dma_start3A_38 = arith.constant 0 : i32
    %dma_start3A_39 = arith.constant 0 : i32
    %dma_start3A_40 = tpu.memref_slice %arg6[%dma_start3A_37, %dma_start3A_38, %dma_start3A_39] : memref<8x128x64xf32, #tpu.memory_space<vmem>> -> memref<1x128x64xf32, #tpu.memory_space<vmem>>
    %dma_start3A_41 = tpu.memref_squeeze %dma_start3A_40 : memref<1x128x64xf32, #tpu.memory_space<vmem>> -> memref<128x64xf32, #tpu.memory_space<vmem>>
    %dma_start3A_42 = arith.constant 0 : i32
    %dma_start3A_43 = tpu.memref_slice %arg5[%dma_start3A_36, %dma_start3A_42] : memref<200x128xi32, #tpu.memory_space<vmem>> -> memref<1x128xi32, #tpu.memory_space<vmem>>
    %dma_start3A_44 = tpu.memref_squeeze %dma_start3A_43 : memref<1x128xi32, #tpu.memory_space<vmem>> -> memref<128xi32, #tpu.memory_space<vmem>>
    %dma_start3A_45 = arith.constant 0 : i32
    %dma_start3A_46 = arith.constant 0 : i32
    %dma_start3A_47 = tpu.memref_slice %arg3[%dma_start3A_45, %dma_start3A_46] : memref<1000000x64xf32, #tpu.memory_space<hbm>> -> memref<1000000x64xf32, #tpu.memory_space<hbm>>
    tpu.enqueue_indirect_dma source(%dma_start3A_47 : memref<1000000x64xf32, #tpu.memory_space<hbm>>) target(%dma_start3A_41 : memref<128x64xf32, #tpu.memory_space<vmem>>) offsets(%dma_start3A_44 : memref<128xi32, #tpu.memory_space<vmem>>) semaphore(%arg11 : memref<!tpu.dma_semaphore, #tpu.memory_space<semaphore_mem>>)
    %dma_start3A_48 = arith.constant 4 : i32
    %dma_start3A_49 = arith.constant 4 : i32
    %dma_start3A_50 = arith.constant 0 : i32
    %dma_start3A_51 = arith.constant 0 : i32
    %dma_start3A_52 = tpu.memref_slice %arg6[%dma_start3A_49, %dma_start3A_50, %dma_start3A_51] : memref<8x128x64xf32, #tpu.memory_space<vmem>> -> memref<1x128x64xf32, #tpu.memory_space<vmem>>
    %dma_start3A_53 = tpu.memref_squeeze %dma_start3A_52 : memref<1x128x64xf32, #tpu.memory_space<vmem>> -> memref<128x64xf32, #tpu.memory_space<vmem>>
    %dma_start3A_54 = arith.constant 0 : i32
    %dma_start3A_55 = tpu.memref_slice %arg5[%dma_start3A_48, %dma_start3A_54] : memref<200x128xi32, #tpu.memory_space<vmem>> -> memref<1x128xi32, #tpu.memory_space<vmem>>
    %dma_start3A_56 = tpu.memref_squeeze %dma_start3A_55 : memref<1x128xi32, #tpu.memory_space<vmem>> -> memref<128xi32, #tpu.memory_space<vmem>>
    %dma_start3A_57 = arith.constant 0 : i32
    %dma_start3A_58 = arith.constant 0 : i32
    %dma_start3A_59 = tpu.memref_slice %arg3[%dma_start3A_57, %dma_start3A_58] : memref<1000000x64xf32, #tpu.memory_space<hbm>> -> memref<1000000x64xf32, #tpu.memory_space<hbm>>
    tpu.enqueue_indirect_dma source(%dma_start3A_59 : memref<1000000x64xf32, #tpu.memory_space<hbm>>) target(%dma_start3A_53 : memref<128x64xf32, #tpu.memory_space<vmem>>) offsets(%dma_start3A_56 : memref<128xi32, #tpu.memory_space<vmem>>) semaphore(%arg12 : memref<!tpu.dma_semaphore, #tpu.memory_space<semaphore_mem>>)
    %dma_start3A_60 = arith.constant 5 : i32
    %dma_start3A_61 = arith.constant 5 : i32
    %dma_start3A_62 = arith.constant 0 : i32
    %dma_start3A_63 = arith.constant 0 : i32
    %dma_start3A_64 = tpu.memref_slice %arg6[%dma_start3A_61, %dma_start3A_62, %dma_start3A_63] : memref<8x128x64xf32, #tpu.memory_space<vmem>> -> memref<1x128x64xf32, #tpu.memory_space<vmem>>
    %dma_start3A_65 = tpu.memref_squeeze %dma_start3A_64 : memref<1x128x64xf32, #tpu.memory_space<vmem>> -> memref<128x64xf32, #tpu.memory_space<vmem>>
    %dma_start3A_66 = arith.constant 0 : i32
    %dma_start3A_67 = tpu.memref_slice %arg5[%dma_start3A_60, %dma_start3A_66] : memref<200x128xi32, #tpu.memory_space<vmem>> -> memref<1x128xi32, #tpu.memory_space<vmem>>
    %dma_start3A_68 = tpu.memref_squeeze %dma_start3A_67 : memref<1x128xi32, #tpu.memory_space<vmem>> -> memref<128xi32, #tpu.memory_space<vmem>>
    %dma_start3A_69 = arith.constant 0 : i32
    %dma_start3A_70 = arith.constant 0 : i32
    %dma_start3A_71 = tpu.memref_slice %arg3[%dma_start3A_69, %dma_start3A_70] : memref<1000000x64xf32, #tpu.memory_space<hbm>> -> memref<1000000x64xf32, #tpu.memory_space<hbm>>
    tpu.enqueue_indirect_dma source(%dma_start3A_71 : memref<1000000x64xf32, #tpu.memory_space<hbm>>) target(%dma_start3A_65 : memref<128x64xf32, #tpu.memory_space<vmem>>) offsets(%dma_start3A_68 : memref<128xi32, #tpu.memory_space<vmem>>) semaphore(%arg13 : memref<!tpu.dma_semaphore, #tpu.memory_space<semaphore_mem>>)
    %dma_start3A_72 = arith.constant 6 : i32
    %dma_start3A_73 = arith.constant 6 : i32
    %dma_start3A_74 = arith.constant 0 : i32
    %dma_start3A_75 = arith.constant 0 : i32
    %dma_start3A_76 = tpu.memref_slice %arg6[%dma_start3A_73, %dma_start3A_74, %dma_start3A_75] : memref<8x128x64xf32, #tpu.memory_space<vmem>> -> memref<1x128x64xf32, #tpu.memory_space<vmem>>
    %dma_start3A_77 = tpu.memref_squeeze %dma_start3A_76 : memref<1x128x64xf32, #tpu.memory_space<vmem>> -> memref<128x64xf32, #tpu.memory_space<vmem>>
    %dma_start3A_78 = arith.constant 0 : i32
    %dma_start3A_79 = tpu.memref_slice %arg5[%dma_start3A_72, %dma_start3A_78] : memref<200x128xi32, #tpu.memory_space<vmem>> -> memref<1x128xi32, #tpu.memory_space<vmem>>
    %dma_start3A_80 = tpu.memref_squeeze %dma_start3A_79 : memref<1x128xi32, #tpu.memory_space<vmem>> -> memref<128xi32, #tpu.memory_space<vmem>>
    %dma_start3A_81 = arith.constant 0 : i32
    %dma_start3A_82 = arith.constant 0 : i32
    %dma_start3A_83 = tpu.memref_slice %arg3[%dma_start3A_81, %dma_start3A_82] : memref<1000000x64xf32, #tpu.memory_space<hbm>> -> memref<1000000x64xf32, #tpu.memory_space<hbm>>
    tpu.enqueue_indirect_dma source(%dma_start3A_83 : memref<1000000x64xf32, #tpu.memory_space<hbm>>) target(%dma_start3A_77 : memref<128x64xf32, #tpu.memory_space<vmem>>) offsets(%dma_start3A_80 : memref<128xi32, #tpu.memory_space<vmem>>) semaphore(%arg14 : memref<!tpu.dma_semaphore, #tpu.memory_space<semaphore_mem>>)
    %scan3A = arith.constant 0 : i32
    %scan3A_84 = arith.constant 0 : i32
    %scan3A_85 = arith.constant 25 : i32
    %scan3A_86 = arith.addi %scan3A_84, %scan3A_85 : i32
    %scan3A_87 = arith.constant 1 : i32
    scf.for %scan3A_132 = %scan3A_84 to %scan3A_86 step %scan3A_87  : i32 {
      %mul3A_133 = arith.constant 8 : i32
      %mul3A_134 = arith.muli %scan3A_132, %mul3A_133 : i32
      %add3A_135 = arith.constant 0 : i32
      %add3A_136 = arith.addi %mul3A_134, %add3A_135 : i32
      %dma_wait3A_137 = arith.constant 0 : i32
      %dma_wait3A_138 = arith.constant 0 : i32
      %dma_wait3A_139 = arith.constant 0 : i32
      %dma_wait3A_140 = tpu.memref_slice %arg6[%dma_wait3A_137, %dma_wait3A_138, %dma_wait3A_139] : memref<8x128x64xf32, #tpu.memory_space<vmem>> -> memref<1x128x64xf32, #tpu.memory_space<vmem>>
      %dma_wait3A_141 = tpu.memref_squeeze %dma_wait3A_140 : memref<1x128x64xf32, #tpu.memory_space<vmem>> -> memref<128x64xf32, #tpu.memory_space<vmem>>
      %dma_wait3A_142 = arith.constant 0 : i32
      %dma_wait3A_143 = tpu.memref_slice %arg5[%add3A_136, %dma_wait3A_142] : memref<200x128xi32, #tpu.memory_space<vmem>> -> memref<1x128xi32, #tpu.memory_space<vmem>>
      %dma_wait3A_144 = tpu.memref_squeeze %dma_wait3A_143 : memref<1x128xi32, #tpu.memory_space<vmem>> -> memref<128xi32, #tpu.memory_space<vmem>>
      %dma_wait3A_145 = arith.constant 0 : i32
      %dma_wait3A_146 = arith.constant 0 : i32
      %dma_wait3A_147 = tpu.memref_slice %arg3[%dma_wait3A_145, %dma_wait3A_146] : memref<1000000x64xf32, #tpu.memory_space<hbm>> -> memref<1000000x64xf32, #tpu.memory_space<hbm>>
      tpu.wait_indirect_dma semaphore(%arg8 : memref<!tpu.dma_semaphore, #tpu.memory_space<semaphore_mem>>) src(%dma_wait3A_147 : memref<1000000x64xf32, #tpu.memory_space<hbm>>) dst(%dma_wait3A_141 : memref<128x64xf32, #tpu.memory_space<vmem>>)
      %add3A_148 = arith.constant 8 : i32
      %add3A_149 = arith.addi %add3A_136, %add3A_148 : i32
      %sub3A = arith.constant 1 : i32
      %sub3A_150 = arith.subi %add3A_149, %sub3A : i32
      %lt3A = arith.constant 200 : i32
      %lt3A_151 = arith.cmpi slt, %sub3A_150, %lt3A : i32
      %convert_element_type3A = arith.extui %lt3A_151 : i1 to i32
      %cond3A = arith.constant 0 : i32
      %cond3A_152 = arith.cmpi ne, %convert_element_type3A, %cond3A : i32
      scf.if %cond3A_152 {
        %add3A_971 = arith.constant 8 : i32
        %add3A_972 = arith.addi %add3A_136, %add3A_971 : i32
        %sub3A_973 = arith.constant 1 : i32
        %sub3A_974 = arith.subi %add3A_972, %sub3A_973 : i32
        %dma_start3A_975 = arith.constant 7 : i32
        %dma_start3A_976 = arith.constant 0 : i32
        %dma_start3A_977 = arith.constant 0 : i32
        %dma_start3A_978 = tpu.memref_slice %arg6[%dma_start3A_975, %dma_start3A_976, %dma_start3A_977] : memref<8x128x64xf32, #tpu.memory_space<vmem>> -> memref<1x128x64xf32, #tpu.memory_space<vmem>>
        %dma_start3A_979 = tpu.memref_squeeze %dma_start3A_978 : memref<1x128x64xf32, #tpu.memory_space<vmem>> -> memref<128x64xf32, #tpu.memory_space<vmem>>
        %dma_start3A_980 = arith.constant 0 : i32
        %dma_start3A_981 = tpu.memref_slice %arg5[%sub3A_974, %dma_start3A_980] : memref<200x128xi32, #tpu.memory_space<vmem>> -> memref<1x128xi32, #tpu.memory_space<vmem>>
        %dma_start3A_982 = tpu.memref_squeeze %dma_start3A_981 : memref<1x128xi32, #tpu.memory_space<vmem>> -> memref<128xi32, #tpu.memory_space<vmem>>
        %dma_start3A_983 = arith.constant 0 : i32
        %dma_start3A_984 = arith.constant 0 : i32
        %dma_start3A_985 = tpu.memref_slice %arg3[%dma_start3A_983, %dma_start3A_984] : memref<1000000x64xf32, #tpu.memory_space<hbm>> -> memref<1000000x64xf32, #tpu.memory_space<hbm>>
        tpu.enqueue_indirect_dma source(%dma_start3A_985 : memref<1000000x64xf32, #tpu.memory_space<hbm>>) target(%dma_start3A_979 : memref<128x64xf32, #tpu.memory_space<vmem>>) offsets(%dma_start3A_982 : memref<128xi32, #tpu.memory_space<vmem>>) semaphore(%arg15 : memref<!tpu.dma_semaphore, #tpu.memory_space<semaphore_mem>>)
      } else {
      }
      %ge3A = arith.constant 2 : i32
      %ge3A_153 = arith.cmpi sge, %add3A_136, %ge3A : i32
      %convert_element_type3A_154 = arith.extui %ge3A_153 : i1 to i32
      %cond3A_155 = arith.constant 0 : i32
      %cond3A_156 = arith.cmpi ne, %convert_element_type3A_154, %cond3A_155 : i32
      scf.if %cond3A_156 {
        %sub3A_971 = arith.constant 2 : i32
        %sub3A_972 = arith.subi %add3A_136, %sub3A_971 : i32
        %dma_wait3A_973 = arith.constant 0 : i32
        %dma_wait3A_974 = arith.constant 0 : i32
        %dma_wait3A_975 = arith.constant 0 : i32
        %dma_wait3A_976 = arith.constant 0 : i32
        %dma_wait3A_977 = tpu.memref_slice %arg7[%dma_wait3A_973, %dma_wait3A_974, %dma_wait3A_975, %dma_wait3A_976] : memref<2x8x8x129xf32, #tpu.memory_space<vmem>> -> memref<1x8x8x128xf32, #tpu.memory_space<vmem>>
        %dma_wait3A_978 = tpu.memref_squeeze %dma_wait3A_977 : memref<1x8x8x128xf32, #tpu.memory_space<vmem>> -> memref<8x8x128xf32, #tpu.memory_space<vmem>>
        %dma_wait3A_979 = arith.constant 0 : i32
        %dma_wait3A_980 = arith.constant 0 : i32
        %dma_wait3A_981 = arith.constant 0 : i32
        %dma_wait3A_982 = tpu.memref_slice %arg4[%sub3A_972, %dma_wait3A_979, %add3A, %dma_wait3A_980, %dma_wait3A_981] : memref<200x8x32x8x128xf32, #tpu.memory_space<hbm>> -> memref<1x8x1x8x128xf32, #tpu.memory_space<hbm>>
        %dma_wait3A_983 = tpu.memref_squeeze %dma_wait3A_982 : memref<1x8x1x8x128xf32, #tpu.memory_space<hbm>> -> memref<8x8x128xf32, #tpu.memory_space<hbm>>
        %dma_wait3A_984 = arith.constant 0 : i32
        %dma_wait3A_985 = arith.constant 0 : i32
        %dma_wait3A_986 = arith.constant 0 : i32
        %dma_wait3A_987 = tpu.memref_slice %arg4[%sub3A_972, %dma_wait3A_984, %add3A, %dma_wait3A_985, %dma_wait3A_986] : memref<200x8x32x8x128xf32, #tpu.memory_space<hbm>> -> memref<1x8x1x8x128xf32, #tpu.memory_space<hbm>>
        %dma_wait3A_988 = tpu.memref_squeeze %dma_wait3A_987 : memref<1x8x1x8x128xf32, #tpu.memory_space<hbm>> -> memref<8x8x128xf32, #tpu.memory_space<hbm>>
        %dma_wait3A_989 = arith.constant 0 : i32
        %dma_wait3A_990 = arith.constant 0 : i32
        %dma_wait3A_991 = arith.constant 0 : i32
        %dma_wait3A_992 = tpu.memref_slice %arg7[%dma_wait3A_973, %dma_wait3A_989, %dma_wait3A_990, %dma_wait3A_991] : memref<2x8x8x129xf32, #tpu.memory_space<vmem>> -> memref<1x8x8x128xf32, #tpu.memory_space<vmem>>
        %dma_wait3A_993 = tpu.memref_squeeze %dma_wait3A_992 : memref<1x8x8x128xf32, #tpu.memory_space<vmem>> -> memref<8x8x128xf32, #tpu.memory_space<vmem>>
        tpu.wait_dma2 semaphore(%arg16 : memref<!tpu.dma_semaphore, #tpu.memory_space<semaphore_mem>>) src(%dma_wait3A_993 : memref<8x8x128xf32, #tpu.memory_space<vmem>>) dst(%dma_wait3A_988 : memref<8x8x128xf32, #tpu.memory_space<hbm>>)
      } else {
      }
      %iota3A = tpu.iota {dimensions = array<i32: 0>} : vector<16xi32>
      %add3A_157 = arith.constant 0 : i32
      %add3A_158 = vector.broadcast %add3A_157 : i32 to vector<16xi32>
      %add3A_159 = arith.addi %iota3A, %add3A_158 : vector<16xi32>
      %shift_right_arithmetic3A = arith.constant 3 : i32
      %shift_right_arithmetic3A_160 = vector.broadcast %shift_right_arithmetic3A : i32 to vector<16xi32>
      %shift_right_arithmetic3A_161 = arith.shrsi %add3A_159, %shift_right_arithmetic3A_160 : vector<16xi32>
      %add3A_162 = arith.constant 16 : i32
      %add3A_163 = vector.broadcast %add3A_162 : i32 to vector<16xi32>
      %add3A_164 = arith.addi %iota3A, %add3A_163 : vector<16xi32>
      %shift_right_arithmetic3A_165 = arith.constant 3 : i32
      %shift_right_arithmetic3A_166 = vector.broadcast %shift_right_arithmetic3A_165 : i32 to vector<16xi32>
      %shift_right_arithmetic3A_167 = arith.shrsi %add3A_164, %shift_right_arithmetic3A_166 : vector<16xi32>
      %add3A_168 = arith.constant 32 : i32
      %add3A_169 = vector.broadcast %add3A_168 : i32 to vector<16xi32>
      %add3A_170 = arith.addi %iota3A, %add3A_169 : vector<16xi32>
      %shift_right_arithmetic3A_171 = arith.constant 3 : i32
      %shift_right_arithmetic3A_172 = vector.broadcast %shift_right_arithmetic3A_171 : i32 to vector<16xi32>
      %shift_right_arithmetic3A_173 = arith.shrsi %add3A_170, %shift_right_arithmetic3A_172 : vector<16xi32>
      %add3A_174 = arith.constant 48 : i32
      %add3A_175 = vector.broadcast %add3A_174 : i32 to vector<16xi32>
      %add3A_176 = arith.addi %iota3A, %add3A_175 : vector<16xi32>
      %shift_right_arithmetic3A_177 = arith.constant 3 : i32
      %shift_right_arithmetic3A_178 = vector.broadcast %shift_right_arithmetic3A_177 : i32 to vector<16xi32>
      %shift_right_arithmetic3A_179 = arith.shrsi %add3A_176, %shift_right_arithmetic3A_178 : vector<16xi32>
      %add3A_180 = arith.constant 0 : i32
      %add3A_181 = vector.broadcast %add3A_180 : i32 to vector<16xi32>
      %add3A_182 = arith.addi %iota3A, %add3A_181 : vector<16xi32>
      %and3A = arith.constant 7 : i32
      %and3A_183 = vector.broadcast %and3A : i32 to vector<16xi32>
      %and3A_184 = arith.andi %add3A_182, %and3A_183 : vector<16xi32>
      %add3A_185 = arith.constant 16 : i32
      %add3A_186 = vector.broadcast %add3A_185 : i32 to vector<16xi32>
      %add3A_187 = arith.addi %iota3A, %add3A_186 : vector<16xi32>
      %and3A_188 = arith.constant 7 : i32
      %and3A_189 = vector.broadcast %and3A_188 : i32 to vector<16xi32>
      %and3A_190 = arith.andi %add3A_187, %and3A_189 : vector<16xi32>
      %add3A_191 = arith.constant 32 : i32
      %add3A_192 = vector.broadcast %add3A_191 : i32 to vector<16xi32>
      %add3A_193 = arith.addi %iota3A, %add3A_192 : vector<16xi32>
      %and3A_194 = arith.constant 7 : i32
      %and3A_195 = vector.broadcast %and3A_194 : i32 to vector<16xi32>
      %and3A_196 = arith.andi %add3A_193, %and3A_195 : vector<16xi32>
      %add3A_197 = arith.constant 48 : i32
      %add3A_198 = vector.broadcast %add3A_197 : i32 to vector<16xi32>
      %add3A_199 = arith.addi %iota3A, %add3A_198 : vector<16xi32>
      %and3A_200 = arith.constant 7 : i32
      %and3A_201 = vector.broadcast %and3A_200 : i32 to vector<16xi32>
      %and3A_202 = arith.andi %add3A_199, %and3A_201 : vector<16xi32>
      %broadcast_in_dim3A = arith.constant 0 : i32
      %broadcast_in_dim3A_203 = vector.broadcast %broadcast_in_dim3A : i32 to vector<16xi32>
      %parallel_loop3A = arith.constant 0 : i32
      %parallel_loop3A_204 = arith.constant 128 : i32
      %parallel_loop3A_205 = arith.constant 1 : i32
      %parallel_loop3A_206 = arith.constant 0 : i32
      %parallel_loop3A_207 = scf.for %parallel_loop3A_971 = %parallel_loop3A to %parallel_loop3A_204 step %parallel_loop3A_205 iter_args(%parallel_loop3A_972 = %broadcast_in_dim3A_203) -> (vector<16xi32>)  : i32 {
        %parallel_loop3A_973 = arith.constant 0 : i32
        %parallel_loop3A_974 = arith.index_cast %parallel_loop3A_973 : i32 to index
        %parallel_loop3A_975 = arith.index_cast %parallel_loop3A_971 : i32 to index
        %parallel_loop3A_976 = arith.constant 0 : index
        %parallel_loop3A_977 = tpu.vector_load %arg6[%parallel_loop3A_974, %parallel_loop3A_975, %parallel_loop3A_976] {strides = array<i32>} : memref<8x128x64xf32, #tpu.memory_space<vmem>>, vector<16xf32>,
        %parallel_loop3A_978 = arith.constant 8.000000e+00 : f32
        %parallel_loop3A_979 = vector.broadcast %parallel_loop3A_978 : f32 to vector<16xf32>
        %parallel_loop3A_980 = arith.mulf %parallel_loop3A_977, %parallel_loop3A_979 : vector<16xf32>
        %parallel_loop3A_981 = arith.constant 0 : i32
        %parallel_loop3A_982 = arith.constant 0 : i32
        %parallel_loop3A_983 = arith.constant 0 : i32
        %parallel_loop3A_984 = tpu.memref_slice %arg7[%parallel_loop3A_206, %parallel_loop3A_981, %parallel_loop3A_982, %parallel_loop3A_983] : memref<2x8x8x129xf32, #tpu.memory_space<vmem>> -> memref<1x8x8x129xf32, #tpu.memory_space<vmem>>
        %parallel_loop3A_985 = tpu.memref_squeeze %parallel_loop3A_984 : memref<1x8x8x129xf32, #tpu.memory_space<vmem>> -> memref<8x8x129xf32, #tpu.memory_space<vmem>>
        tpu.vector_store_idx %parallel_loop3A_985[%shift_right_arithmetic3A_161, %and3A_184, %parallel_loop3A_972], %parallel_loop3A_980 : memref<8x8x129xf32, #tpu.memory_space<vmem>>[vector<16xi32>, vector<16xi32>, vector<16xi32>], vector<16xf32>,
        %parallel_loop3A_986 = arith.constant 0 : i32
        %parallel_loop3A_987 = arith.index_cast %parallel_loop3A_986 : i32 to index
        %parallel_loop3A_988 = arith.index_cast %parallel_loop3A_971 : i32 to index
        %parallel_loop3A_989 = arith.constant 16 : index
        %parallel_loop3A_990 = tpu.vector_load %arg6[%parallel_loop3A_987, %parallel_loop3A_988, %parallel_loop3A_989] {strides = array<i32>} : memref<8x128x64xf32, #tpu.memory_space<vmem>>, vector<16xf32>,
        %parallel_loop3A_991 = arith.constant 8.000000e+00 : f32
        %parallel_loop3A_992 = vector.broadcast %parallel_loop3A_991 : f32 to vector<16xf32>
        %parallel_loop3A_993 = arith.mulf %parallel_loop3A_990, %parallel_loop3A_992 : vector<16xf32>
        %parallel_loop3A_994 = arith.constant 0 : i32
        %parallel_loop3A_995 = arith.constant 0 : i32
        %parallel_loop3A_996 = arith.constant 0 : i32
        %parallel_loop3A_997 = tpu.memref_slice %arg7[%parallel_loop3A_206, %parallel_loop3A_994, %parallel_loop3A_995, %parallel_loop3A_996] : memref<2x8x8x129xf32, #tpu.memory_space<vmem>> -> memref<1x8x8x129xf32, #tpu.memory_space<vmem>>
        %parallel_loop3A_998 = tpu.memref_squeeze %parallel_loop3A_997 : memref<1x8x8x129xf32, #tpu.memory_space<vmem>> -> memref<8x8x129xf32, #tpu.memory_space<vmem>>
        tpu.vector_store_idx %parallel_loop3A_998[%shift_right_arithmetic3A_167, %and3A_190, %parallel_loop3A_972], %parallel_loop3A_993 : memref<8x8x129xf32, #tpu.memory_space<vmem>>[vector<16xi32>, vector<16xi32>, vector<16xi32>], vector<16xf32>,
        %parallel_loop3A_999 = arith.constant 0 : i32
        %parallel_loop3A_1000 = arith.index_cast %parallel_loop3A_999 : i32 to index
        %parallel_loop3A_1001 = arith.index_cast %parallel_loop3A_971 : i32 to index
        %parallel_loop3A_1002 = arith.constant 32 : index
        %parallel_loop3A_1003 = tpu.vector_load %arg6[%parallel_loop3A_1000, %parallel_loop3A_1001, %parallel_loop3A_1002] {strides = array<i32>} : memref<8x128x64xf32, #tpu.memory_space<vmem>>, vector<16xf32>,
        %parallel_loop3A_1004 = arith.constant 8.000000e+00 : f32
        %parallel_loop3A_1005 = vector.broadcast %parallel_loop3A_1004 : f32 to vector<16xf32>
        %parallel_loop3A_1006 = arith.mulf %parallel_loop3A_1003, %parallel_loop3A_1005 : vector<16xf32>
        %parallel_loop3A_1007 = arith.constant 0 : i32
        %parallel_loop3A_1008 = arith.constant 0 : i32
        %parallel_loop3A_1009 = arith.constant 0 : i32
        %parallel_loop3A_1010 = tpu.memref_slice %arg7[%parallel_loop3A_206, %parallel_loop3A_1007, %parallel_loop3A_1008, %parallel_loop3A_1009] : memref<2x8x8x129xf32, #tpu.memory_space<vmem>> -> memref<1x8x8x129xf32, #tpu.memory_space<vmem>>
        %parallel_loop3A_1011 = tpu.memref_squeeze %parallel_loop3A_1010 : memref<1x8x8x129xf32, #tpu.memory_space<vmem>> -> memref<8x8x129xf32, #tpu.memory_space<vmem>>
        tpu.vector_store_idx %parallel_loop3A_1011[%shift_right_arithmetic3A_173, %and3A_196, %parallel_loop3A_972], %parallel_loop3A_1006 : memref<8x8x129xf32, #tpu.memory_space<vmem>>[vector<16xi32>, vector<16xi32>, vector<16xi32>], vector<16xf32>,
        %parallel_loop3A_1012 = arith.constant 0 : i32
        %parallel_loop3A_1013 = arith.index_cast %parallel_loop3A_1012 : i32 to index
        %parallel_loop3A_1014 = arith.index_cast %parallel_loop3A_971 : i32 to index
        %parallel_loop3A_1015 = arith.constant 48 : index
        %parallel_loop3A_1016 = tpu.vector_load %arg6[%parallel_loop3A_1013, %parallel_loop3A_1014, %parallel_loop3A_1015] {strides = array<i32>} : memref<8x128x64xf32, #tpu.memory_space<vmem>>, vector<16xf32>,
        %parallel_loop3A_1017 = arith.constant 8.000000e+00 : f32
        %parallel_loop3A_1018 = vector.broadcast %parallel_loop3A_1017 : f32 to vector<16xf32>
        %parallel_loop3A_1019 = arith.mulf %parallel_loop3A_1016, %parallel_loop3A_1018 : vector<16xf32>
        %parallel_loop3A_1020 = arith.constant 0 : i32
        %parallel_loop3A_1021 = arith.constant 0 : i32
        %parallel_loop3A_1022 = arith.constant 0 : i32
        %parallel_loop3A_1023 = tpu.memref_slice %arg7[%parallel_loop3A_206, %parallel_loop3A_1020, %parallel_loop3A_1021, %parallel_loop3A_1022] : memref<2x8x8x129xf32, #tpu.memory_space<vmem>> -> memref<1x8x8x129xf32, #tpu.memory_space<vmem>>
        %parallel_loop3A_1024 = tpu.memref_squeeze %parallel_loop3A_1023 : memref<1x8x8x129xf32, #tpu.memory_space<vmem>> -> memref<8x8x129xf32, #tpu.memory_space<vmem>>
        tpu.vector_store_idx %parallel_loop3A_1024[%shift_right_arithmetic3A_179, %and3A_202, %parallel_loop3A_972], %parallel_loop3A_1019 : memref<8x8x129xf32, #tpu.memory_space<vmem>>[vector<16xi32>, vector<16xi32>, vector<16xi32>], vector<16xf32>,
        %parallel_loop3A_1025 = arith.constant 1 : i32
        %parallel_loop3A_1026 = vector.broadcast %parallel_loop3A_1025 : i32 to vector<16xi32>
        %parallel_loop3A_1027 = arith.addi %parallel_loop3A_972, %parallel_loop3A_1026 : vector<16xi32>
        scf.yield %parallel_loop3A_1027 : vector<16xi32>
      } {sc.loop_unroll_factor = 8 : i64, sc.parallel_access}
      %dma_start3A_208 = arith.constant 0 : i32
      %dma_start3A_209 = arith.constant 0 : i32
      %dma_start3A_210 = arith.constant 0 : i32
      %dma_start3A_211 = arith.constant 0 : i32
      %dma_start3A_212 = tpu.memref_slice %arg7[%dma_start3A_208, %dma_start3A_209, %dma_start3A_210, %dma_start3A_211] : memref<2x8x8x129xf32, #tpu.memory_space<vmem>> -> memref<1x8x8x128xf32, #tpu.memory_space<vmem>>
      %dma_start3A_213 = tpu.memref_squeeze %dma_start3A_212 : memref<1x8x8x128xf32, #tpu.memory_space<vmem>> -> memref<8x8x128xf32, #tpu.memory_space<vmem>>
      %dma_start3A_214 = arith.constant 0 : i32
      %dma_start3A_215 = arith.constant 0 : i32
      %dma_start3A_216 = arith.constant 0 : i32
      %dma_start3A_217 = tpu.memref_slice %arg4[%add3A_136, %dma_start3A_214, %add3A, %dma_start3A_215, %dma_start3A_216] : memref<200x8x32x8x128xf32, #tpu.memory_space<hbm>> -> memref<1x8x1x8x128xf32, #tpu.memory_space<hbm>>
      %dma_start3A_218 = tpu.memref_squeeze %dma_start3A_217 : memref<1x8x1x8x128xf32, #tpu.memory_space<hbm>> -> memref<8x8x128xf32, #tpu.memory_space<hbm>>
      %dma_start3A_219 = arith.constant 0 : i32
      %dma_start3A_220 = arith.constant 0 : i32
      %dma_start3A_221 = arith.constant 0 : i32
      %dma_start3A_222 = tpu.memref_slice %arg4[%add3A_136, %dma_start3A_219, %add3A, %dma_start3A_220, %dma_start3A_221] : memref<200x8x32x8x128xf32, #tpu.memory_space<hbm>> -> memref<1x8x1x8x128xf32, #tpu.memory_space<hbm>>
      %dma_start3A_223 = tpu.memref_squeeze %dma_start3A_222 : memref<1x8x1x8x128xf32, #tpu.memory_space<hbm>> -> memref<8x8x128xf32, #tpu.memory_space<hbm>>
      %dma_start3A_224 = arith.constant 0 : i32
      %dma_start3A_225 = arith.constant 0 : i32
      %dma_start3A_226 = arith.constant 0 : i32
      %dma_start3A_227 = tpu.memref_slice %arg7[%dma_start3A_208, %dma_start3A_224, %dma_start3A_225, %dma_start3A_226] : memref<2x8x8x129xf32, #tpu.memory_space<vmem>> -> memref<1x8x8x128xf32, #tpu.memory_space<vmem>>
      %dma_start3A_228 = tpu.memref_squeeze %dma_start3A_227 : memref<1x8x8x128xf32, #tpu.memory_space<vmem>> -> memref<8x8x128xf32, #tpu.memory_space<vmem>>
      tpu.enqueue_dma source(%dma_start3A_228 : memref<8x8x128xf32, #tpu.memory_space<vmem>>) target(%dma_start3A_223 : memref<8x8x128xf32, #tpu.memory_space<hbm>>) target_semaphore(%arg16 : memref<!tpu.dma_semaphore, #tpu.memory_space<semaphore_mem>>)
      %mul3A_229 = arith.constant 8 : i32
      %mul3A_230 = arith.muli %scan3A_132, %mul3A_229 : i32
      %add3A_231 = arith.constant 1 : i32
      %add3A_232 = arith.addi %mul3A_230, %add3A_231 : i32
      %dma_wait3A_233 = arith.constant 1 : i32
      %dma_wait3A_234 = arith.constant 0 : i32
      %dma_wait3A_235 = arith.constant 0 : i32
      %dma_wait3A_236 = tpu.memref_slice %arg6[%dma_wait3A_233, %dma_wait3A_234, %dma_wait3A_235] : memref<8x128x64xf32, #tpu.memory_space<vmem>> -> memref<1x128x64xf32, #tpu.memory_space<vmem>>
      %dma_wait3A_237 = tpu.memref_squeeze %dma_wait3A_236 : memref<1x128x64xf32, #tpu.memory_space<vmem>> -> memref<128x64xf32, #tpu.memory_space<vmem>>
      %dma_wait3A_238 = arith.constant 0 : i32
      %dma_wait3A_239 = tpu.memref_slice %arg5[%add3A_232, %dma_wait3A_238] : memref<200x128xi32, #tpu.memory_space<vmem>> -> memref<1x128xi32, #tpu.memory_space<vmem>>
      %dma_wait3A_240 = tpu.memref_squeeze %dma_wait3A_239 : memref<1x128xi32, #tpu.memory_space<vmem>> -> memref<128xi32, #tpu.memory_space<vmem>>
      %dma_wait3A_241 = arith.constant 0 : i32
      %dma_wait3A_242 = arith.constant 0 : i32
      %dma_wait3A_243 = tpu.memref_slice %arg3[%dma_wait3A_241, %dma_wait3A_242] : memref<1000000x64xf32, #tpu.memory_space<hbm>> -> memref<1000000x64xf32, #tpu.memory_space<hbm>>
      tpu.wait_indirect_dma semaphore(%arg9 : memref<!tpu.dma_semaphore, #tpu.memory_space<semaphore_mem>>) src(%dma_wait3A_243 : memref<1000000x64xf32, #tpu.memory_space<hbm>>) dst(%dma_wait3A_237 : memref<128x64xf32, #tpu.memory_space<vmem>>)
      %add3A_244 = arith.constant 8 : i32
      %add3A_245 = arith.addi %add3A_232, %add3A_244 : i32
      %sub3A_246 = arith.constant 1 : i32
      %sub3A_247 = arith.subi %add3A_245, %sub3A_246 : i32
      %lt3A_248 = arith.constant 200 : i32
      %lt3A_249 = arith.cmpi slt, %sub3A_247, %lt3A_248 : i32
      %convert_element_type3A_250 = arith.extui %lt3A_249 : i1 to i32
      %cond3A_251 = arith.constant 0 : i32
      %cond3A_252 = arith.cmpi ne, %convert_element_type3A_250, %cond3A_251 : i32
      scf.if %cond3A_252 {
        %add3A_971 = arith.constant 8 : i32
        %add3A_972 = arith.addi %add3A_232, %add3A_971 : i32
        %sub3A_973 = arith.constant 1 : i32
        %sub3A_974 = arith.subi %add3A_972, %sub3A_973 : i32
        %dma_start3A_975 = arith.constant 0 : i32
        %dma_start3A_976 = arith.constant 0 : i32
        %dma_start3A_977 = arith.constant 0 : i32
        %dma_start3A_978 = tpu.memref_slice %arg6[%dma_start3A_975, %dma_start3A_976, %dma_start3A_977] : memref<8x128x64xf32, #tpu.memory_space<vmem>> -> memref<1x128x64xf32, #tpu.memory_space<vmem>>
        %dma_start3A_979 = tpu.memref_squeeze %dma_start3A_978 : memref<1x128x64xf32, #tpu.memory_space<vmem>> -> memref<128x64xf32, #tpu.memory_space<vmem>>
        %dma_start3A_980 = arith.constant 0 : i32
        %dma_start3A_981 = tpu.memref_slice %arg5[%sub3A_974, %dma_start3A_980] : memref<200x128xi32, #tpu.memory_space<vmem>> -> memref<1x128xi32, #tpu.memory_space<vmem>>
        %dma_start3A_982 = tpu.memref_squeeze %dma_start3A_981 : memref<1x128xi32, #tpu.memory_space<vmem>> -> memref<128xi32, #tpu.memory_space<vmem>>
        %dma_start3A_983 = arith.constant 0 : i32
        %dma_start3A_984 = arith.constant 0 : i32
        %dma_start3A_985 = tpu.memref_slice %arg3[%dma_start3A_983, %dma_start3A_984] : memref<1000000x64xf32, #tpu.memory_space<hbm>> -> memref<1000000x64xf32, #tpu.memory_space<hbm>>
        tpu.enqueue_indirect_dma source(%dma_start3A_985 : memref<1000000x64xf32, #tpu.memory_space<hbm>>) target(%dma_start3A_979 : memref<128x64xf32, #tpu.memory_space<vmem>>) offsets(%dma_start3A_982 : memref<128xi32, #tpu.memory_space<vmem>>) semaphore(%arg8 : memref<!tpu.dma_semaphore, #tpu.memory_space<semaphore_mem>>)
      } else {
      }
      %ge3A_253 = arith.constant 2 : i32
      %ge3A_254 = arith.cmpi sge, %add3A_232, %ge3A_253 : i32
      %convert_element_type3A_255 = arith.extui %ge3A_254 : i1 to i32
      %cond3A_256 = arith.constant 0 : i32
      %cond3A_257 = arith.cmpi ne, %convert_element_type3A_255, %cond3A_256 : i32
      scf.if %cond3A_257 {
        %sub3A_971 = arith.constant 2 : i32
        %sub3A_972 = arith.subi %add3A_232, %sub3A_971 : i32
        %dma_wait3A_973 = arith.constant 1 : i32
        %dma_wait3A_974 = arith.constant 0 : i32
        %dma_wait3A_975 = arith.constant 0 : i32
        %dma_wait3A_976 = arith.constant 0 : i32
        %dma_wait3A_977 = tpu.memref_slice %arg7[%dma_wait3A_973, %dma_wait3A_974, %dma_wait3A_975, %dma_wait3A_976] : memref<2x8x8x129xf32, #tpu.memory_space<vmem>> -> memref<1x8x8x128xf32, #tpu.memory_space<vmem>>
        %dma_wait3A_978 = tpu.memref_squeeze %dma_wait3A_977 : memref<1x8x8x128xf32, #tpu.memory_space<vmem>> -> memref<8x8x128xf32, #tpu.memory_space<vmem>>
        %dma_wait3A_979 = arith.constant 0 : i32
        %dma_wait3A_980 = arith.constant 0 : i32
        %dma_wait3A_981 = arith.constant 0 : i32
        %dma_wait3A_982 = tpu.memref_slice %arg4[%sub3A_972, %dma_wait3A_979, %add3A, %dma_wait3A_980, %dma_wait3A_981] : memref<200x8x32x8x128xf32, #tpu.memory_space<hbm>> -> memref<1x8x1x8x128xf32, #tpu.memory_space<hbm>>
        %dma_wait3A_983 = tpu.memref_squeeze %dma_wait3A_982 : memref<1x8x1x8x128xf32, #tpu.memory_space<hbm>> -> memref<8x8x128xf32, #tpu.memory_space<hbm>>
        %dma_wait3A_984 = arith.constant 0 : i32
        %dma_wait3A_985 = arith.constant 0 : i32
        %dma_wait3A_986 = arith.constant 0 : i32
        %dma_wait3A_987 = tpu.memref_slice %arg4[%sub3A_972, %dma_wait3A_984, %add3A, %dma_wait3A_985, %dma_wait3A_986] : memref<200x8x32x8x128xf32, #tpu.memory_space<hbm>> -> memref<1x8x1x8x128xf32, #tpu.memory_space<hbm>>
        %dma_wait3A_988 = tpu.memref_squeeze %dma_wait3A_987 : memref<1x8x1x8x128xf32, #tpu.memory_space<hbm>> -> memref<8x8x128xf32, #tpu.memory_space<hbm>>
        %dma_wait3A_989 = arith.constant 0 : i32
        %dma_wait3A_990 = arith.constant 0 : i32
        %dma_wait3A_991 = arith.constant 0 : i32
        %dma_wait3A_992 = tpu.memref_slice %arg7[%dma_wait3A_973, %dma_wait3A_989, %dma_wait3A_990, %dma_wait3A_991] : memref<2x8x8x129xf32, #tpu.memory_space<vmem>> -> memref<1x8x8x128xf32, #tpu.memory_space<vmem>>
        %dma_wait3A_993 = tpu.memref_squeeze %dma_wait3A_992 : memref<1x8x8x128xf32, #tpu.memory_space<vmem>> -> memref<8x8x128xf32, #tpu.memory_space<vmem>>
        tpu.wait_dma2 semaphore(%arg17 : memref<!tpu.dma_semaphore, #tpu.memory_space<semaphore_mem>>) src(%dma_wait3A_993 : memref<8x8x128xf32, #tpu.memory_space<vmem>>) dst(%dma_wait3A_988 : memref<8x8x128xf32, #tpu.memory_space<hbm>>)
      } else {
      }
      %iota3A_258 = tpu.iota {dimensions = array<i32: 0>} : vector<16xi32>
      %add3A_259 = arith.constant 0 : i32
      %add3A_260 = vector.broadcast %add3A_259 : i32 to vector<16xi32>
      %add3A_261 = arith.addi %iota3A_258, %add3A_260 : vector<16xi32>
      %shift_right_arithmetic3A_262 = arith.constant 3 : i32
      %shift_right_arithmetic3A_263 = vector.broadcast %shift_right_arithmetic3A_262 : i32 to vector<16xi32>
      %shift_right_arithmetic3A_264 = arith.shrsi %add3A_261, %shift_right_arithmetic3A_263 : vector<16xi32>
      %add3A_265 = arith.constant 16 : i32
      %add3A_266 = vector.broadcast %add3A_265 : i32 to vector<16xi32>
      %add3A_267 = arith.addi %iota3A_258, %add3A_266 : vector<16xi32>
      %shift_right_arithmetic3A_268 = arith.constant 3 : i32
      %shift_right_arithmetic3A_269 = vector.broadcast %shift_right_arithmetic3A_268 : i32 to vector<16xi32>
      %shift_right_arithmetic3A_270 = arith.shrsi %add3A_267, %shift_right_arithmetic3A_269 : vector<16xi32>
      %add3A_271 = arith.constant 32 : i32
      %add3A_272 = vector.broadcast %add3A_271 : i32 to vector<16xi32>
      %add3A_273 = arith.addi %iota3A_258, %add3A_272 : vector<16xi32>
      %shift_right_arithmetic3A_274 = arith.constant 3 : i32
      %shift_right_arithmetic3A_275 = vector.broadcast %shift_right_arithmetic3A_274 : i32 to vector<16xi32>
      %shift_right_arithmetic3A_276 = arith.shrsi %add3A_273, %shift_right_arithmetic3A_275 : vector<16xi32>
      %add3A_277 = arith.constant 48 : i32
      %add3A_278 = vector.broadcast %add3A_277 : i32 to vector<16xi32>
      %add3A_279 = arith.addi %iota3A_258, %add3A_278 : vector<16xi32>
      %shift_right_arithmetic3A_280 = arith.constant 3 : i32
      %shift_right_arithmetic3A_281 = vector.broadcast %shift_right_arithmetic3A_280 : i32 to vector<16xi32>
      %shift_right_arithmetic3A_282 = arith.shrsi %add3A_279, %shift_right_arithmetic3A_281 : vector<16xi32>
      %add3A_283 = arith.constant 0 : i32
      %add3A_284 = vector.broadcast %add3A_283 : i32 to vector<16xi32>
      %add3A_285 = arith.addi %iota3A_258, %add3A_284 : vector<16xi32>
      %and3A_286 = arith.constant 7 : i32
      %and3A_287 = vector.broadcast %and3A_286 : i32 to vector<16xi32>
      %and3A_288 = arith.andi %add3A_285, %and3A_287 : vector<16xi32>
      %add3A_289 = arith.constant 16 : i32
      %add3A_290 = vector.broadcast %add3A_289 : i32 to vector<16xi32>
      %add3A_291 = arith.addi %iota3A_258, %add3A_290 : vector<16xi32>
      %and3A_292 = arith.constant 7 : i32
      %and3A_293 = vector.broadcast %and3A_292 : i32 to vector<16xi32>
      %and3A_294 = arith.andi %add3A_291, %and3A_293 : vector<16xi32>
      %add3A_295 = arith.constant 32 : i32
      %add3A_296 = vector.broadcast %add3A_295 : i32 to vector<16xi32>
      %add3A_297 = arith.addi %iota3A_258, %add3A_296 : vector<16xi32>
      %and3A_298 = arith.constant 7 : i32
      %and3A_299 = vector.broadcast %and3A_298 : i32 to vector<16xi32>
      %and3A_300 = arith.andi %add3A_297, %and3A_299 : vector<16xi32>
      %add3A_301 = arith.constant 48 : i32
      %add3A_302 = vector.broadcast %add3A_301 : i32 to vector<16xi32>
      %add3A_303 = arith.addi %iota3A_258, %add3A_302 : vector<16xi32>
      %and3A_304 = arith.constant 7 : i32
      %and3A_305 = vector.broadcast %and3A_304 : i32 to vector<16xi32>
      %and3A_306 = arith.andi %add3A_303, %and3A_305 : vector<16xi32>
      %broadcast_in_dim3A_307 = arith.constant 0 : i32
      %broadcast_in_dim3A_308 = vector.broadcast %broadcast_in_dim3A_307 : i32 to vector<16xi32>
      %parallel_loop3A_309 = arith.constant 0 : i32
      %parallel_loop3A_310 = arith.constant 128 : i32
      %parallel_loop3A_311 = arith.constant 1 : i32
      %parallel_loop3A_312 = arith.constant 1 : i32
      %parallel_loop3A_313 = scf.for %parallel_loop3A_971 = %parallel_loop3A_309 to %parallel_loop3A_310 step %parallel_loop3A_311 iter_args(%parallel_loop3A_972 = %broadcast_in_dim3A_308) -> (vector<16xi32>)  : i32 {
        %parallel_loop3A_973 = arith.constant 1 : i32
        %parallel_loop3A_974 = arith.index_cast %parallel_loop3A_973 : i32 to index
        %parallel_loop3A_975 = arith.index_cast %parallel_loop3A_971 : i32 to index
        %parallel_loop3A_976 = arith.constant 0 : index
        %parallel_loop3A_977 = tpu.vector_load %arg6[%parallel_loop3A_974, %parallel_loop3A_975, %parallel_loop3A_976] {strides = array<i32>} : memref<8x128x64xf32, #tpu.memory_space<vmem>>, vector<16xf32>,
        %parallel_loop3A_978 = arith.constant 8.000000e+00 : f32
        %parallel_loop3A_979 = vector.broadcast %parallel_loop3A_978 : f32 to vector<16xf32>
        %parallel_loop3A_980 = arith.mulf %parallel_loop3A_977, %parallel_loop3A_979 : vector<16xf32>
        %parallel_loop3A_981 = arith.constant 0 : i32
        %parallel_loop3A_982 = arith.constant 0 : i32
        %parallel_loop3A_983 = arith.constant 0 : i32
        %parallel_loop3A_984 = tpu.memref_slice %arg7[%parallel_loop3A_312, %parallel_loop3A_981, %parallel_loop3A_982, %parallel_loop3A_983] : memref<2x8x8x129xf32, #tpu.memory_space<vmem>> -> memref<1x8x8x129xf32, #tpu.memory_space<vmem>>
        %parallel_loop3A_985 = tpu.memref_squeeze %parallel_loop3A_984 : memref<1x8x8x129xf32, #tpu.memory_space<vmem>> -> memref<8x8x129xf32, #tpu.memory_space<vmem>>
        tpu.vector_store_idx %parallel_loop3A_985[%shift_right_arithmetic3A_264, %and3A_288, %parallel_loop3A_972], %parallel_loop3A_980 : memref<8x8x129xf32, #tpu.memory_space<vmem>>[vector<16xi32>, vector<16xi32>, vector<16xi32>], vector<16xf32>,
        %parallel_loop3A_986 = arith.constant 1 : i32
        %parallel_loop3A_987 = arith.index_cast %parallel_loop3A_986 : i32 to index
        %parallel_loop3A_988 = arith.index_cast %parallel_loop3A_971 : i32 to index
        %parallel_loop3A_989 = arith.constant 16 : index
        %parallel_loop3A_990 = tpu.vector_load %arg6[%parallel_loop3A_987, %parallel_loop3A_988, %parallel_loop3A_989] {strides = array<i32>} : memref<8x128x64xf32, #tpu.memory_space<vmem>>, vector<16xf32>,
        %parallel_loop3A_991 = arith.constant 8.000000e+00 : f32
        %parallel_loop3A_992 = vector.broadcast %parallel_loop3A_991 : f32 to vector<16xf32>
        %parallel_loop3A_993 = arith.mulf %parallel_loop3A_990, %parallel_loop3A_992 : vector<16xf32>
        %parallel_loop3A_994 = arith.constant 0 : i32
        %parallel_loop3A_995 = arith.constant 0 : i32
        %parallel_loop3A_996 = arith.constant 0 : i32
        %parallel_loop3A_997 = tpu.memref_slice %arg7[%parallel_loop3A_312, %parallel_loop3A_994, %parallel_loop3A_995, %parallel_loop3A_996] : memref<2x8x8x129xf32, #tpu.memory_space<vmem>> -> memref<1x8x8x129xf32, #tpu.memory_space<vmem>>
        %parallel_loop3A_998 = tpu.memref_squeeze %parallel_loop3A_997 : memref<1x8x8x129xf32, #tpu.memory_space<vmem>> -> memref<8x8x129xf32, #tpu.memory_space<vmem>>
        tpu.vector_store_idx %parallel_loop3A_998[%shift_right_arithmetic3A_270, %and3A_294, %parallel_loop3A_972], %parallel_loop3A_993 : memref<8x8x129xf32, #tpu.memory_space<vmem>>[vector<16xi32>, vector<16xi32>, vector<16xi32>], vector<16xf32>,
        %parallel_loop3A_999 = arith.constant 1 : i32
        %parallel_loop3A_1000 = arith.index_cast %parallel_loop3A_999 : i32 to index
        %parallel_loop3A_1001 = arith.index_cast %parallel_loop3A_971 : i32 to index
        %parallel_loop3A_1002 = arith.constant 32 : index
        %parallel_loop3A_1003 = tpu.vector_load %arg6[%parallel_loop3A_1000, %parallel_loop3A_1001, %parallel_loop3A_1002] {strides = array<i32>} : memref<8x128x64xf32, #tpu.memory_space<vmem>>, vector<16xf32>,
        %parallel_loop3A_1004 = arith.constant 8.000000e+00 : f32
        %parallel_loop3A_1005 = vector.broadcast %parallel_loop3A_1004 : f32 to vector<16xf32>
        %parallel_loop3A_1006 = arith.mulf %parallel_loop3A_1003, %parallel_loop3A_1005 : vector<16xf32>
        %parallel_loop3A_1007 = arith.constant 0 : i32
        %parallel_loop3A_1008 = arith.constant 0 : i32
        %parallel_loop3A_1009 = arith.constant 0 : i32
        %parallel_loop3A_1010 = tpu.memref_slice %arg7[%parallel_loop3A_312, %parallel_loop3A_1007, %parallel_loop3A_1008, %parallel_loop3A_1009] : memref<2x8x8x129xf32, #tpu.memory_space<vmem>> -> memref<1x8x8x129xf32, #tpu.memory_space<vmem>>
        %parallel_loop3A_1011 = tpu.memref_squeeze %parallel_loop3A_1010 : memref<1x8x8x129xf32, #tpu.memory_space<vmem>> -> memref<8x8x129xf32, #tpu.memory_space<vmem>>
        tpu.vector_store_idx %parallel_loop3A_1011[%shift_right_arithmetic3A_276, %and3A_300, %parallel_loop3A_972], %parallel_loop3A_1006 : memref<8x8x129xf32, #tpu.memory_space<vmem>>[vector<16xi32>, vector<16xi32>, vector<16xi32>], vector<16xf32>,
        %parallel_loop3A_1012 = arith.constant 1 : i32
        %parallel_loop3A_1013 = arith.index_cast %parallel_loop3A_1012 : i32 to index
        %parallel_loop3A_1014 = arith.index_cast %parallel_loop3A_971 : i32 to index
        %parallel_loop3A_1015 = arith.constant 48 : index
        %parallel_loop3A_1016 = tpu.vector_load %arg6[%parallel_loop3A_1013, %parallel_loop3A_1014, %parallel_loop3A_1015] {strides = array<i32>} : memref<8x128x64xf32, #tpu.memory_space<vmem>>, vector<16xf32>,
        %parallel_loop3A_1017 = arith.constant 8.000000e+00 : f32
        %parallel_loop3A_1018 = vector.broadcast %parallel_loop3A_1017 : f32 to vector<16xf32>
        %parallel_loop3A_1019 = arith.mulf %parallel_loop3A_1016, %parallel_loop3A_1018 : vector<16xf32>
        %parallel_loop3A_1020 = arith.constant 0 : i32
        %parallel_loop3A_1021 = arith.constant 0 : i32
        %parallel_loop3A_1022 = arith.constant 0 : i32
        %parallel_loop3A_1023 = tpu.memref_slice %arg7[%parallel_loop3A_312, %parallel_loop3A_1020, %parallel_loop3A_1021, %parallel_loop3A_1022] : memref<2x8x8x129xf32, #tpu.memory_space<vmem>> -> memref<1x8x8x129xf32, #tpu.memory_space<vmem>>
        %parallel_loop3A_1024 = tpu.memref_squeeze %parallel_loop3A_1023 : memref<1x8x8x129xf32, #tpu.memory_space<vmem>> -> memref<8x8x129xf32, #tpu.memory_space<vmem>>
        tpu.vector_store_idx %parallel_loop3A_1024[%shift_right_arithmetic3A_282, %and3A_306, %parallel_loop3A_972], %parallel_loop3A_1019 : memref<8x8x129xf32, #tpu.memory_space<vmem>>[vector<16xi32>, vector<16xi32>, vector<16xi32>], vector<16xf32>,
        %parallel_loop3A_1025 = arith.constant 1 : i32
        %parallel_loop3A_1026 = vector.broadcast %parallel_loop3A_1025 : i32 to vector<16xi32>
        %parallel_loop3A_1027 = arith.addi %parallel_loop3A_972, %parallel_loop3A_1026 : vector<16xi32>
        scf.yield %parallel_loop3A_1027 : vector<16xi32>
      } {sc.loop_unroll_factor = 8 : i64, sc.parallel_access}
      %dma_start3A_314 = arith.constant 1 : i32
      %dma_start3A_315 = arith.constant 0 : i32
      %dma_start3A_316 = arith.constant 0 : i32
      %dma_start3A_317 = arith.constant 0 : i32
      %dma_start3A_318 = tpu.memref_slice %arg7[%dma_start3A_314, %dma_start3A_315, %dma_start3A_316, %dma_start3A_317] : memref<2x8x8x129xf32, #tpu.memory_space<vmem>> -> memref<1x8x8x128xf32, #tpu.memory_space<vmem>>
      %dma_start3A_319 = tpu.memref_squeeze %dma_start3A_318 : memref<1x8x8x128xf32, #tpu.memory_space<vmem>> -> memref<8x8x128xf32, #tpu.memory_space<vmem>>
      %dma_start3A_320 = arith.constant 0 : i32
      %dma_start3A_321 = arith.constant 0 : i32
      %dma_start3A_322 = arith.constant 0 : i32
      %dma_start3A_323 = tpu.memref_slice %arg4[%add3A_232, %dma_start3A_320, %add3A, %dma_start3A_321, %dma_start3A_322] : memref<200x8x32x8x128xf32, #tpu.memory_space<hbm>> -> memref<1x8x1x8x128xf32, #tpu.memory_space<hbm>>
      %dma_start3A_324 = tpu.memref_squeeze %dma_start3A_323 : memref<1x8x1x8x128xf32, #tpu.memory_space<hbm>> -> memref<8x8x128xf32, #tpu.memory_space<hbm>>
      %dma_start3A_325 = arith.constant 0 : i32
      %dma_start3A_326 = arith.constant 0 : i32
      %dma_start3A_327 = arith.constant 0 : i32
      %dma_start3A_328 = tpu.memref_slice %arg4[%add3A_232, %dma_start3A_325, %add3A, %dma_start3A_326, %dma_start3A_327] : memref<200x8x32x8x128xf32, #tpu.memory_space<hbm>> -> memref<1x8x1x8x128xf32, #tpu.memory_space<hbm>>
      %dma_start3A_329 = tpu.memref_squeeze %dma_start3A_328 : memref<1x8x1x8x128xf32, #tpu.memory_space<hbm>> -> memref<8x8x128xf32, #tpu.memory_space<hbm>>
      %dma_start3A_330 = arith.constant 0 : i32
      %dma_start3A_331 = arith.constant 0 : i32
      %dma_start3A_332 = arith.constant 0 : i32
      %dma_start3A_333 = tpu.memref_slice %arg7[%dma_start3A_314, %dma_start3A_330, %dma_start3A_331, %dma_start3A_332] : memref<2x8x8x129xf32, #tpu.memory_space<vmem>> -> memref<1x8x8x128xf32, #tpu.memory_space<vmem>>
      %dma_start3A_334 = tpu.memref_squeeze %dma_start3A_333 : memref<1x8x8x128xf32, #tpu.memory_space<vmem>> -> memref<8x8x128xf32, #tpu.memory_space<vmem>>
      tpu.enqueue_dma source(%dma_start3A_334 : memref<8x8x128xf32, #tpu.memory_space<vmem>>) target(%dma_start3A_329 : memref<8x8x128xf32, #tpu.memory_space<hbm>>) target_semaphore(%arg17 : memref<!tpu.dma_semaphore, #tpu.memory_space<semaphore_mem>>)
      %mul3A_335 = arith.constant 8 : i32
      %mul3A_336 = arith.muli %scan3A_132, %mul3A_335 : i32
      %add3A_337 = arith.constant 2 : i32
      %add3A_338 = arith.addi %mul3A_336, %add3A_337 : i32
      %dma_wait3A_339 = arith.constant 2 : i32
      %dma_wait3A_340 = arith.constant 0 : i32
      %dma_wait3A_341 = arith.constant 0 : i32
      %dma_wait3A_342 = tpu.memref_slice %arg6[%dma_wait3A_339, %dma_wait3A_340, %dma_wait3A_341] : memref<8x128x64xf32, #tpu.memory_space<vmem>> -> memref<1x128x64xf32, #tpu.memory_space<vmem>>
      %dma_wait3A_343 = tpu.memref_squeeze %dma_wait3A_342 : memref<1x128x64xf32, #tpu.memory_space<vmem>> -> memref<128x64xf32, #tpu.memory_space<vmem>>
      %dma_wait3A_344 = arith.constant 0 : i32
      %dma_wait3A_345 = tpu.memref_slice %arg5[%add3A_338, %dma_wait3A_344] : memref<200x128xi32, #tpu.memory_space<vmem>> -> memref<1x128xi32, #tpu.memory_space<vmem>>
      %dma_wait3A_346 = tpu.memref_squeeze %dma_wait3A_345 : memref<1x128xi32, #tpu.memory_space<vmem>> -> memref<128xi32, #tpu.memory_space<vmem>>
      %dma_wait3A_347 = arith.constant 0 : i32
      %dma_wait3A_348 = arith.constant 0 : i32
      %dma_wait3A_349 = tpu.memref_slice %arg3[%dma_wait3A_347, %dma_wait3A_348] : memref<1000000x64xf32, #tpu.memory_space<hbm>> -> memref<1000000x64xf32, #tpu.memory_space<hbm>>
      tpu.wait_indirect_dma semaphore(%arg10 : memref<!tpu.dma_semaphore, #tpu.memory_space<semaphore_mem>>) src(%dma_wait3A_349 : memref<1000000x64xf32, #tpu.memory_space<hbm>>) dst(%dma_wait3A_343 : memref<128x64xf32, #tpu.memory_space<vmem>>)
      %add3A_350 = arith.constant 8 : i32
      %add3A_351 = arith.addi %add3A_338, %add3A_350 : i32
      %sub3A_352 = arith.constant 1 : i32
      %sub3A_353 = arith.subi %add3A_351, %sub3A_352 : i32
      %lt3A_354 = arith.constant 200 : i32
      %lt3A_355 = arith.cmpi slt, %sub3A_353, %lt3A_354 : i32
      %convert_element_type3A_356 = arith.extui %lt3A_355 : i1 to i32
      %cond3A_357 = arith.constant 0 : i32
      %cond3A_358 = arith.cmpi ne, %convert_element_type3A_356, %cond3A_357 : i32
      scf.if %cond3A_358 {
        %add3A_971 = arith.constant 8 : i32
        %add3A_972 = arith.addi %add3A_338, %add3A_971 : i32
        %sub3A_973 = arith.constant 1 : i32
        %sub3A_974 = arith.subi %add3A_972, %sub3A_973 : i32
        %dma_start3A_975 = arith.constant 1 : i32
        %dma_start3A_976 = arith.constant 0 : i32
        %dma_start3A_977 = arith.constant 0 : i32
        %dma_start3A_978 = tpu.memref_slice %arg6[%dma_start3A_975, %dma_start3A_976, %dma_start3A_977] : memref<8x128x64xf32, #tpu.memory_space<vmem>> -> memref<1x128x64xf32, #tpu.memory_space<vmem>>
        %dma_start3A_979 = tpu.memref_squeeze %dma_start3A_978 : memref<1x128x64xf32, #tpu.memory_space<vmem>> -> memref<128x64xf32, #tpu.memory_space<vmem>>
        %dma_start3A_980 = arith.constant 0 : i32
        %dma_start3A_981 = tpu.memref_slice %arg5[%sub3A_974, %dma_start3A_980] : memref<200x128xi32, #tpu.memory_space<vmem>> -> memref<1x128xi32, #tpu.memory_space<vmem>>
        %dma_start3A_982 = tpu.memref_squeeze %dma_start3A_981 : memref<1x128xi32, #tpu.memory_space<vmem>> -> memref<128xi32, #tpu.memory_space<vmem>>
        %dma_start3A_983 = arith.constant 0 : i32
        %dma_start3A_984 = arith.constant 0 : i32
        %dma_start3A_985 = tpu.memref_slice %arg3[%dma_start3A_983, %dma_start3A_984] : memref<1000000x64xf32, #tpu.memory_space<hbm>> -> memref<1000000x64xf32, #tpu.memory_space<hbm>>
        tpu.enqueue_indirect_dma source(%dma_start3A_985 : memref<1000000x64xf32, #tpu.memory_space<hbm>>) target(%dma_start3A_979 : memref<128x64xf32, #tpu.memory_space<vmem>>) offsets(%dma_start3A_982 : memref<128xi32, #tpu.memory_space<vmem>>) semaphore(%arg9 : memref<!tpu.dma_semaphore, #tpu.memory_space<semaphore_mem>>)
      } else {
      }
      %ge3A_359 = arith.constant 2 : i32
      %ge3A_360 = arith.cmpi sge, %add3A_338, %ge3A_359 : i32
      %convert_element_type3A_361 = arith.extui %ge3A_360 : i1 to i32
      %cond3A_362 = arith.constant 0 : i32
      %cond3A_363 = arith.cmpi ne, %convert_element_type3A_361, %cond3A_362 : i32
      scf.if %cond3A_363 {
        %sub3A_971 = arith.constant 2 : i32
        %sub3A_972 = arith.subi %add3A_338, %sub3A_971 : i32
        %dma_wait3A_973 = arith.constant 0 : i32
        %dma_wait3A_974 = arith.constant 0 : i32
        %dma_wait3A_975 = arith.constant 0 : i32
        %dma_wait3A_976 = arith.constant 0 : i32
        %dma_wait3A_977 = tpu.memref_slice %arg7[%dma_wait3A_973, %dma_wait3A_974, %dma_wait3A_975, %dma_wait3A_976] : memref<2x8x8x129xf32, #tpu.memory_space<vmem>> -> memref<1x8x8x128xf32, #tpu.memory_space<vmem>>
        %dma_wait3A_978 = tpu.memref_squeeze %dma_wait3A_977 : memref<1x8x8x128xf32, #tpu.memory_space<vmem>> -> memref<8x8x128xf32, #tpu.memory_space<vmem>>
        %dma_wait3A_979 = arith.constant 0 : i32
        %dma_wait3A_980 = arith.constant 0 : i32
        %dma_wait3A_981 = arith.constant 0 : i32
        %dma_wait3A_982 = tpu.memref_slice %arg4[%sub3A_972, %dma_wait3A_979, %add3A, %dma_wait3A_980, %dma_wait3A_981] : memref<200x8x32x8x128xf32, #tpu.memory_space<hbm>> -> memref<1x8x1x8x128xf32, #tpu.memory_space<hbm>>
        %dma_wait3A_983 = tpu.memref_squeeze %dma_wait3A_982 : memref<1x8x1x8x128xf32, #tpu.memory_space<hbm>> -> memref<8x8x128xf32, #tpu.memory_space<hbm>>
        %dma_wait3A_984 = arith.constant 0 : i32
        %dma_wait3A_985 = arith.constant 0 : i32
        %dma_wait3A_986 = arith.constant 0 : i32
        %dma_wait3A_987 = tpu.memref_slice %arg4[%sub3A_972, %dma_wait3A_984, %add3A, %dma_wait3A_985, %dma_wait3A_986] : memref<200x8x32x8x128xf32, #tpu.memory_space<hbm>> -> memref<1x8x1x8x128xf32, #tpu.memory_space<hbm>>
        %dma_wait3A_988 = tpu.memref_squeeze %dma_wait3A_987 : memref<1x8x1x8x128xf32, #tpu.memory_space<hbm>> -> memref<8x8x128xf32, #tpu.memory_space<hbm>>
        %dma_wait3A_989 = arith.constant 0 : i32
        %dma_wait3A_990 = arith.constant 0 : i32
        %dma_wait3A_991 = arith.constant 0 : i32
        %dma_wait3A_992 = tpu.memref_slice %arg7[%dma_wait3A_973, %dma_wait3A_989, %dma_wait3A_990, %dma_wait3A_991] : memref<2x8x8x129xf32, #tpu.memory_space<vmem>> -> memref<1x8x8x128xf32, #tpu.memory_space<vmem>>
        %dma_wait3A_993 = tpu.memref_squeeze %dma_wait3A_992 : memref<1x8x8x128xf32, #tpu.memory_space<vmem>> -> memref<8x8x128xf32, #tpu.memory_space<vmem>>
        tpu.wait_dma2 semaphore(%arg16 : memref<!tpu.dma_semaphore, #tpu.memory_space<semaphore_mem>>) src(%dma_wait3A_993 : memref<8x8x128xf32, #tpu.memory_space<vmem>>) dst(%dma_wait3A_988 : memref<8x8x128xf32, #tpu.memory_space<hbm>>)
      } else {
      }
      %iota3A_364 = tpu.iota {dimensions = array<i32: 0>} : vector<16xi32>
      %add3A_365 = arith.constant 0 : i32
      %add3A_366 = vector.broadcast %add3A_365 : i32 to vector<16xi32>
      %add3A_367 = arith.addi %iota3A_364, %add3A_366 : vector<16xi32>
      %shift_right_arithmetic3A_368 = arith.constant 3 : i32
      %shift_right_arithmetic3A_369 = vector.broadcast %shift_right_arithmetic3A_368 : i32 to vector<16xi32>
      %shift_right_arithmetic3A_370 = arith.shrsi %add3A_367, %shift_right_arithmetic3A_369 : vector<16xi32>
      %add3A_371 = arith.constant 16 : i32
      %add3A_372 = vector.broadcast %add3A_371 : i32 to vector<16xi32>
      %add3A_373 = arith.addi %iota3A_364, %add3A_372 : vector<16xi32>
      %shift_right_arithmetic3A_374 = arith.constant 3 : i32
      %shift_right_arithmetic3A_375 = vector.broadcast %shift_right_arithmetic3A_374 : i32 to vector<16xi32>
      %shift_right_arithmetic3A_376 = arith.shrsi %add3A_373, %shift_right_arithmetic3A_375 : vector<16xi32>
      %add3A_377 = arith.constant 32 : i32
      %add3A_378 = vector.broadcast %add3A_377 : i32 to vector<16xi32>
      %add3A_379 = arith.addi %iota3A_364, %add3A_378 : vector<16xi32>
      %shift_right_arithmetic3A_380 = arith.constant 3 : i32
      %shift_right_arithmetic3A_381 = vector.broadcast %shift_right_arithmetic3A_380 : i32 to vector<16xi32>
      %shift_right_arithmetic3A_382 = arith.shrsi %add3A_379, %shift_right_arithmetic3A_381 : vector<16xi32>
      %add3A_383 = arith.constant 48 : i32
      %add3A_384 = vector.broadcast %add3A_383 : i32 to vector<16xi32>
      %add3A_385 = arith.addi %iota3A_364, %add3A_384 : vector<16xi32>
      %shift_right_arithmetic3A_386 = arith.constant 3 : i32
      %shift_right_arithmetic3A_387 = vector.broadcast %shift_right_arithmetic3A_386 : i32 to vector<16xi32>
      %shift_right_arithmetic3A_388 = arith.shrsi %add3A_385, %shift_right_arithmetic3A_387 : vector<16xi32>
      %add3A_389 = arith.constant 0 : i32
      %add3A_390 = vector.broadcast %add3A_389 : i32 to vector<16xi32>
      %add3A_391 = arith.addi %iota3A_364, %add3A_390 : vector<16xi32>
      %and3A_392 = arith.constant 7 : i32
      %and3A_393 = vector.broadcast %and3A_392 : i32 to vector<16xi32>
      %and3A_394 = arith.andi %add3A_391, %and3A_393 : vector<16xi32>
      %add3A_395 = arith.constant 16 : i32
      %add3A_396 = vector.broadcast %add3A_395 : i32 to vector<16xi32>
      %add3A_397 = arith.addi %iota3A_364, %add3A_396 : vector<16xi32>
      %and3A_398 = arith.constant 7 : i32
      %and3A_399 = vector.broadcast %and3A_398 : i32 to vector<16xi32>
      %and3A_400 = arith.andi %add3A_397, %and3A_399 : vector<16xi32>
      %add3A_401 = arith.constant 32 : i32
      %add3A_402 = vector.broadcast %add3A_401 : i32 to vector<16xi32>
      %add3A_403 = arith.addi %iota3A_364, %add3A_402 : vector<16xi32>
      %and3A_404 = arith.constant 7 : i32
      %and3A_405 = vector.broadcast %and3A_404 : i32 to vector<16xi32>
      %and3A_406 = arith.andi %add3A_403, %and3A_405 : vector<16xi32>
      %add3A_407 = arith.constant 48 : i32
      %add3A_408 = vector.broadcast %add3A_407 : i32 to vector<16xi32>
      %add3A_409 = arith.addi %iota3A_364, %add3A_408 : vector<16xi32>
      %and3A_410 = arith.constant 7 : i32
      %and3A_411 = vector.broadcast %and3A_410 : i32 to vector<16xi32>
      %and3A_412 = arith.andi %add3A_409, %and3A_411 : vector<16xi32>
      %broadcast_in_dim3A_413 = arith.constant 0 : i32
      %broadcast_in_dim3A_414 = vector.broadcast %broadcast_in_dim3A_413 : i32 to vector<16xi32>
      %parallel_loop3A_415 = arith.constant 0 : i32
      %parallel_loop3A_416 = arith.constant 128 : i32
      %parallel_loop3A_417 = arith.constant 1 : i32
      %parallel_loop3A_418 = arith.constant 0 : i32
      %parallel_loop3A_419 = scf.for %parallel_loop3A_971 = %parallel_loop3A_415 to %parallel_loop3A_416 step %parallel_loop3A_417 iter_args(%parallel_loop3A_972 = %broadcast_in_dim3A_414) -> (vector<16xi32>)  : i32 {
        %parallel_loop3A_973 = arith.constant 2 : i32
        %parallel_loop3A_974 = arith.index_cast %parallel_loop3A_973 : i32 to index
        %parallel_loop3A_975 = arith.index_cast %parallel_loop3A_971 : i32 to index
        %parallel_loop3A_976 = arith.constant 0 : index
        %parallel_loop3A_977 = tpu.vector_load %arg6[%parallel_loop3A_974, %parallel_loop3A_975, %parallel_loop3A_976] {strides = array<i32>} : memref<8x128x64xf32, #tpu.memory_space<vmem>>, vector<16xf32>,
        %parallel_loop3A_978 = arith.constant 8.000000e+00 : f32
        %parallel_loop3A_979 = vector.broadcast %parallel_loop3A_978 : f32 to vector<16xf32>
        %parallel_loop3A_980 = arith.mulf %parallel_loop3A_977, %parallel_loop3A_979 : vector<16xf32>
        %parallel_loop3A_981 = arith.constant 0 : i32
        %parallel_loop3A_982 = arith.constant 0 : i32
        %parallel_loop3A_983 = arith.constant 0 : i32
        %parallel_loop3A_984 = tpu.memref_slice %arg7[%parallel_loop3A_418, %parallel_loop3A_981, %parallel_loop3A_982, %parallel_loop3A_983] : memref<2x8x8x129xf32, #tpu.memory_space<vmem>> -> memref<1x8x8x129xf32, #tpu.memory_space<vmem>>
        %parallel_loop3A_985 = tpu.memref_squeeze %parallel_loop3A_984 : memref<1x8x8x129xf32, #tpu.memory_space<vmem>> -> memref<8x8x129xf32, #tpu.memory_space<vmem>>
        tpu.vector_store_idx %parallel_loop3A_985[%shift_right_arithmetic3A_370, %and3A_394, %parallel_loop3A_972], %parallel_loop3A_980 : memref<8x8x129xf32, #tpu.memory_space<vmem>>[vector<16xi32>, vector<16xi32>, vector<16xi32>], vector<16xf32>,
        %parallel_loop3A_986 = arith.constant 2 : i32
        %parallel_loop3A_987 = arith.index_cast %parallel_loop3A_986 : i32 to index
        %parallel_loop3A_988 = arith.index_cast %parallel_loop3A_971 : i32 to index
        %parallel_loop3A_989 = arith.constant 16 : index
        %parallel_loop3A_990 = tpu.vector_load %arg6[%parallel_loop3A_987, %parallel_loop3A_988, %parallel_loop3A_989] {strides = array<i32>} : memref<8x128x64xf32, #tpu.memory_space<vmem>>, vector<16xf32>,
        %parallel_loop3A_991 = arith.constant 8.000000e+00 : f32
        %parallel_loop3A_992 = vector.broadcast %parallel_loop3A_991 : f32 to vector<16xf32>
        %parallel_loop3A_993 = arith.mulf %parallel_loop3A_990, %parallel_loop3A_992 : vector<16xf32>
        %parallel_loop3A_994 = arith.constant 0 : i32
        %parallel_loop3A_995 = arith.constant 0 : i32
        %parallel_loop3A_996 = arith.constant 0 : i32
        %parallel_loop3A_997 = tpu.memref_slice %arg7[%parallel_loop3A_418, %parallel_loop3A_994, %parallel_loop3A_995, %parallel_loop3A_996] : memref<2x8x8x129xf32, #tpu.memory_space<vmem>> -> memref<1x8x8x129xf32, #tpu.memory_space<vmem>>
        %parallel_loop3A_998 = tpu.memref_squeeze %parallel_loop3A_997 : memref<1x8x8x129xf32, #tpu.memory_space<vmem>> -> memref<8x8x129xf32, #tpu.memory_space<vmem>>
        tpu.vector_store_idx %parallel_loop3A_998[%shift_right_arithmetic3A_376, %and3A_400, %parallel_loop3A_972], %parallel_loop3A_993 : memref<8x8x129xf32, #tpu.memory_space<vmem>>[vector<16xi32>, vector<16xi32>, vector<16xi32>], vector<16xf32>,
        %parallel_loop3A_999 = arith.constant 2 : i32
        %parallel_loop3A_1000 = arith.index_cast %parallel_loop3A_999 : i32 to index
        %parallel_loop3A_1001 = arith.index_cast %parallel_loop3A_971 : i32 to index
        %parallel_loop3A_1002 = arith.constant 32 : index
        %parallel_loop3A_1003 = tpu.vector_load %arg6[%parallel_loop3A_1000, %parallel_loop3A_1001, %parallel_loop3A_1002] {strides = array<i32>} : memref<8x128x64xf32, #tpu.memory_space<vmem>>, vector<16xf32>,
        %parallel_loop3A_1004 = arith.constant 8.000000e+00 : f32
        %parallel_loop3A_1005 = vector.broadcast %parallel_loop3A_1004 : f32 to vector<16xf32>
        %parallel_loop3A_1006 = arith.mulf %parallel_loop3A_1003, %parallel_loop3A_1005 : vector<16xf32>
        %parallel_loop3A_1007 = arith.constant 0 : i32
        %parallel_loop3A_1008 = arith.constant 0 : i32
        %parallel_loop3A_1009 = arith.constant 0 : i32
        %parallel_loop3A_1010 = tpu.memref_slice %arg7[%parallel_loop3A_418, %parallel_loop3A_1007, %parallel_loop3A_1008, %parallel_loop3A_1009] : memref<2x8x8x129xf32, #tpu.memory_space<vmem>> -> memref<1x8x8x129xf32, #tpu.memory_space<vmem>>
        %parallel_loop3A_1011 = tpu.memref_squeeze %parallel_loop3A_1010 : memref<1x8x8x129xf32, #tpu.memory_space<vmem>> -> memref<8x8x129xf32, #tpu.memory_space<vmem>>
        tpu.vector_store_idx %parallel_loop3A_1011[%shift_right_arithmetic3A_382, %and3A_406, %parallel_loop3A_972], %parallel_loop3A_1006 : memref<8x8x129xf32, #tpu.memory_space<vmem>>[vector<16xi32>, vector<16xi32>, vector<16xi32>], vector<16xf32>,
        %parallel_loop3A_1012 = arith.constant 2 : i32
        %parallel_loop3A_1013 = arith.index_cast %parallel_loop3A_1012 : i32 to index
        %parallel_loop3A_1014 = arith.index_cast %parallel_loop3A_971 : i32 to index
        %parallel_loop3A_1015 = arith.constant 48 : index
        %parallel_loop3A_1016 = tpu.vector_load %arg6[%parallel_loop3A_1013, %parallel_loop3A_1014, %parallel_loop3A_1015] {strides = array<i32>} : memref<8x128x64xf32, #tpu.memory_space<vmem>>, vector<16xf32>,
        %parallel_loop3A_1017 = arith.constant 8.000000e+00 : f32
        %parallel_loop3A_1018 = vector.broadcast %parallel_loop3A_1017 : f32 to vector<16xf32>
        %parallel_loop3A_1019 = arith.mulf %parallel_loop3A_1016, %parallel_loop3A_1018 : vector<16xf32>
        %parallel_loop3A_1020 = arith.constant 0 : i32
        %parallel_loop3A_1021 = arith.constant 0 : i32
        %parallel_loop3A_1022 = arith.constant 0 : i32
        %parallel_loop3A_1023 = tpu.memref_slice %arg7[%parallel_loop3A_418, %parallel_loop3A_1020, %parallel_loop3A_1021, %parallel_loop3A_1022] : memref<2x8x8x129xf32, #tpu.memory_space<vmem>> -> memref<1x8x8x129xf32, #tpu.memory_space<vmem>>
        %parallel_loop3A_1024 = tpu.memref_squeeze %parallel_loop3A_1023 : memref<1x8x8x129xf32, #tpu.memory_space<vmem>> -> memref<8x8x129xf32, #tpu.memory_space<vmem>>
        tpu.vector_store_idx %parallel_loop3A_1024[%shift_right_arithmetic3A_388, %and3A_412, %parallel_loop3A_972], %parallel_loop3A_1019 : memref<8x8x129xf32, #tpu.memory_space<vmem>>[vector<16xi32>, vector<16xi32>, vector<16xi32>], vector<16xf32>,
        %parallel_loop3A_1025 = arith.constant 1 : i32
        %parallel_loop3A_1026 = vector.broadcast %parallel_loop3A_1025 : i32 to vector<16xi32>
        %parallel_loop3A_1027 = arith.addi %parallel_loop3A_972, %parallel_loop3A_1026 : vector<16xi32>
        scf.yield %parallel_loop3A_1027 : vector<16xi32>
      } {sc.loop_unroll_factor = 8 : i64, sc.parallel_access}
      %dma_start3A_420 = arith.constant 0 : i32
      %dma_start3A_421 = arith.constant 0 : i32
      %dma_start3A_422 = arith.constant 0 : i32
      %dma_start3A_423 = arith.constant 0 : i32
      %dma_start3A_424 = tpu.memref_slice %arg7[%dma_start3A_420, %dma_start3A_421, %dma_start3A_422, %dma_start3A_423] : memref<2x8x8x129xf32, #tpu.memory_space<vmem>> -> memref<1x8x8x128xf32, #tpu.memory_space<vmem>>
      %dma_start3A_425 = tpu.memref_squeeze %dma_start3A_424 : memref<1x8x8x128xf32, #tpu.memory_space<vmem>> -> memref<8x8x128xf32, #tpu.memory_space<vmem>>
      %dma_start3A_426 = arith.constant 0 : i32
      %dma_start3A_427 = arith.constant 0 : i32
      %dma_start3A_428 = arith.constant 0 : i32
      %dma_start3A_429 = tpu.memref_slice %arg4[%add3A_338, %dma_start3A_426, %add3A, %dma_start3A_427, %dma_start3A_428] : memref<200x8x32x8x128xf32, #tpu.memory_space<hbm>> -> memref<1x8x1x8x128xf32, #tpu.memory_space<hbm>>
      %dma_start3A_430 = tpu.memref_squeeze %dma_start3A_429 : memref<1x8x1x8x128xf32, #tpu.memory_space<hbm>> -> memref<8x8x128xf32, #tpu.memory_space<hbm>>
      %dma_start3A_431 = arith.constant 0 : i32
      %dma_start3A_432 = arith.constant 0 : i32
      %dma_start3A_433 = arith.constant 0 : i32
      %dma_start3A_434 = tpu.memref_slice %arg4[%add3A_338, %dma_start3A_431, %add3A, %dma_start3A_432, %dma_start3A_433] : memref<200x8x32x8x128xf32, #tpu.memory_space<hbm>> -> memref<1x8x1x8x128xf32, #tpu.memory_space<hbm>>
      %dma_start3A_435 = tpu.memref_squeeze %dma_start3A_434 : memref<1x8x1x8x128xf32, #tpu.memory_space<hbm>> -> memref<8x8x128xf32, #tpu.memory_space<hbm>>
      %dma_start3A_436 = arith.constant 0 : i32
      %dma_start3A_437 = arith.constant 0 : i32
      %dma_start3A_438 = arith.constant 0 : i32
      %dma_start3A_439 = tpu.memref_slice %arg7[%dma_start3A_420, %dma_start3A_436, %dma_start3A_437, %dma_start3A_438] : memref<2x8x8x129xf32, #tpu.memory_space<vmem>> -> memref<1x8x8x128xf32, #tpu.memory_space<vmem>>
      %dma_start3A_440 = tpu.memref_squeeze %dma_start3A_439 : memref<1x8x8x128xf32, #tpu.memory_space<vmem>> -> memref<8x8x128xf32, #tpu.memory_space<vmem>>
      tpu.enqueue_dma source(%dma_start3A_440 : memref<8x8x128xf32, #tpu.memory_space<vmem>>) target(%dma_start3A_435 : memref<8x8x128xf32, #tpu.memory_space<hbm>>) target_semaphore(%arg16 : memref<!tpu.dma_semaphore, #tpu.memory_space<semaphore_mem>>)
      %mul3A_441 = arith.constant 8 : i32
      %mul3A_442 = arith.muli %scan3A_132, %mul3A_441 : i32
      %add3A_443 = arith.constant 3 : i32
      %add3A_444 = arith.addi %mul3A_442, %add3A_443 : i32
      %dma_wait3A_445 = arith.constant 3 : i32
      %dma_wait3A_446 = arith.constant 0 : i32
      %dma_wait3A_447 = arith.constant 0 : i32
      %dma_wait3A_448 = tpu.memref_slice %arg6[%dma_wait3A_445, %dma_wait3A_446, %dma_wait3A_447] : memref<8x128x64xf32, #tpu.memory_space<vmem>> -> memref<1x128x64xf32, #tpu.memory_space<vmem>>
      %dma_wait3A_449 = tpu.memref_squeeze %dma_wait3A_448 : memref<1x128x64xf32, #tpu.memory_space<vmem>> -> memref<128x64xf32, #tpu.memory_space<vmem>>
      %dma_wait3A_450 = arith.constant 0 : i32
      %dma_wait3A_451 = tpu.memref_slice %arg5[%add3A_444, %dma_wait3A_450] : memref<200x128xi32, #tpu.memory_space<vmem>> -> memref<1x128xi32, #tpu.memory_space<vmem>>
      %dma_wait3A_452 = tpu.memref_squeeze %dma_wait3A_451 : memref<1x128xi32, #tpu.memory_space<vmem>> -> memref<128xi32, #tpu.memory_space<vmem>>
      %dma_wait3A_453 = arith.constant 0 : i32
      %dma_wait3A_454 = arith.constant 0 : i32
      %dma_wait3A_455 = tpu.memref_slice %arg3[%dma_wait3A_453, %dma_wait3A_454] : memref<1000000x64xf32, #tpu.memory_space<hbm>> -> memref<1000000x64xf32, #tpu.memory_space<hbm>>
      tpu.wait_indirect_dma semaphore(%arg11 : memref<!tpu.dma_semaphore, #tpu.memory_space<semaphore_mem>>) src(%dma_wait3A_455 : memref<1000000x64xf32, #tpu.memory_space<hbm>>) dst(%dma_wait3A_449 : memref<128x64xf32, #tpu.memory_space<vmem>>)
      %add3A_456 = arith.constant 8 : i32
      %add3A_457 = arith.addi %add3A_444, %add3A_456 : i32
      %sub3A_458 = arith.constant 1 : i32
      %sub3A_459 = arith.subi %add3A_457, %sub3A_458 : i32
      %lt3A_460 = arith.constant 200 : i32
      %lt3A_461 = arith.cmpi slt, %sub3A_459, %lt3A_460 : i32
      %convert_element_type3A_462 = arith.extui %lt3A_461 : i1 to i32
      %cond3A_463 = arith.constant 0 : i32
      %cond3A_464 = arith.cmpi ne, %convert_element_type3A_462, %cond3A_463 : i32
      scf.if %cond3A_464 {
        %add3A_971 = arith.constant 8 : i32
        %add3A_972 = arith.addi %add3A_444, %add3A_971 : i32
        %sub3A_973 = arith.constant 1 : i32
        %sub3A_974 = arith.subi %add3A_972, %sub3A_973 : i32
        %dma_start3A_975 = arith.constant 2 : i32
        %dma_start3A_976 = arith.constant 0 : i32
        %dma_start3A_977 = arith.constant 0 : i32
        %dma_start3A_978 = tpu.memref_slice %arg6[%dma_start3A_975, %dma_start3A_976, %dma_start3A_977] : memref<8x128x64xf32, #tpu.memory_space<vmem>> -> memref<1x128x64xf32, #tpu.memory_space<vmem>>
        %dma_start3A_979 = tpu.memref_squeeze %dma_start3A_978 : memref<1x128x64xf32, #tpu.memory_space<vmem>> -> memref<128x64xf32, #tpu.memory_space<vmem>>
        %dma_start3A_980 = arith.constant 0 : i32
        %dma_start3A_981 = tpu.memref_slice %arg5[%sub3A_974, %dma_start3A_980] : memref<200x128xi32, #tpu.memory_space<vmem>> -> memref<1x128xi32, #tpu.memory_space<vmem>>
        %dma_start3A_982 = tpu.memref_squeeze %dma_start3A_981 : memref<1x128xi32, #tpu.memory_space<vmem>> -> memref<128xi32, #tpu.memory_space<vmem>>
        %dma_start3A_983 = arith.constant 0 : i32
        %dma_start3A_984 = arith.constant 0 : i32
        %dma_start3A_985 = tpu.memref_slice %arg3[%dma_start3A_983, %dma_start3A_984] : memref<1000000x64xf32, #tpu.memory_space<hbm>> -> memref<1000000x64xf32, #tpu.memory_space<hbm>>
        tpu.enqueue_indirect_dma source(%dma_start3A_985 : memref<1000000x64xf32, #tpu.memory_space<hbm>>) target(%dma_start3A_979 : memref<128x64xf32, #tpu.memory_space<vmem>>) offsets(%dma_start3A_982 : memref<128xi32, #tpu.memory_space<vmem>>) semaphore(%arg10 : memref<!tpu.dma_semaphore, #tpu.memory_space<semaphore_mem>>)
      } else {
      }
      %ge3A_465 = arith.constant 2 : i32
      %ge3A_466 = arith.cmpi sge, %add3A_444, %ge3A_465 : i32
      %convert_element_type3A_467 = arith.extui %ge3A_466 : i1 to i32
      %cond3A_468 = arith.constant 0 : i32
      %cond3A_469 = arith.cmpi ne, %convert_element_type3A_467, %cond3A_468 : i32
      scf.if %cond3A_469 {
        %sub3A_971 = arith.constant 2 : i32
        %sub3A_972 = arith.subi %add3A_444, %sub3A_971 : i32
        %dma_wait3A_973 = arith.constant 1 : i32
        %dma_wait3A_974 = arith.constant 0 : i32
        %dma_wait3A_975 = arith.constant 0 : i32
        %dma_wait3A_976 = arith.constant 0 : i32
        %dma_wait3A_977 = tpu.memref_slice %arg7[%dma_wait3A_973, %dma_wait3A_974, %dma_wait3A_975, %dma_wait3A_976] : memref<2x8x8x129xf32, #tpu.memory_space<vmem>> -> memref<1x8x8x128xf32, #tpu.memory_space<vmem>>
        %dma_wait3A_978 = tpu.memref_squeeze %dma_wait3A_977 : memref<1x8x8x128xf32, #tpu.memory_space<vmem>> -> memref<8x8x128xf32, #tpu.memory_space<vmem>>
        %dma_wait3A_979 = arith.constant 0 : i32
        %dma_wait3A_980 = arith.constant 0 : i32
        %dma_wait3A_981 = arith.constant 0 : i32
        %dma_wait3A_982 = tpu.memref_slice %arg4[%sub3A_972, %dma_wait3A_979, %add3A, %dma_wait3A_980, %dma_wait3A_981] : memref<200x8x32x8x128xf32, #tpu.memory_space<hbm>> -> memref<1x8x1x8x128xf32, #tpu.memory_space<hbm>>
        %dma_wait3A_983 = tpu.memref_squeeze %dma_wait3A_982 : memref<1x8x1x8x128xf32, #tpu.memory_space<hbm>> -> memref<8x8x128xf32, #tpu.memory_space<hbm>>
        %dma_wait3A_984 = arith.constant 0 : i32
        %dma_wait3A_985 = arith.constant 0 : i32
        %dma_wait3A_986 = arith.constant 0 : i32
        %dma_wait3A_987 = tpu.memref_slice %arg4[%sub3A_972, %dma_wait3A_984, %add3A, %dma_wait3A_985, %dma_wait3A_986] : memref<200x8x32x8x128xf32, #tpu.memory_space<hbm>> -> memref<1x8x1x8x128xf32, #tpu.memory_space<hbm>>
        %dma_wait3A_988 = tpu.memref_squeeze %dma_wait3A_987 : memref<1x8x1x8x128xf32, #tpu.memory_space<hbm>> -> memref<8x8x128xf32, #tpu.memory_space<hbm>>
        %dma_wait3A_989 = arith.constant 0 : i32
        %dma_wait3A_990 = arith.constant 0 : i32
        %dma_wait3A_991 = arith.constant 0 : i32
        %dma_wait3A_992 = tpu.memref_slice %arg7[%dma_wait3A_973, %dma_wait3A_989, %dma_wait3A_990, %dma_wait3A_991] : memref<2x8x8x129xf32, #tpu.memory_space<vmem>> -> memref<1x8x8x128xf32, #tpu.memory_space<vmem>>
        %dma_wait3A_993 = tpu.memref_squeeze %dma_wait3A_992 : memref<1x8x8x128xf32, #tpu.memory_space<vmem>> -> memref<8x8x128xf32, #tpu.memory_space<vmem>>
        tpu.wait_dma2 semaphore(%arg17 : memref<!tpu.dma_semaphore, #tpu.memory_space<semaphore_mem>>) src(%dma_wait3A_993 : memref<8x8x128xf32, #tpu.memory_space<vmem>>) dst(%dma_wait3A_988 : memref<8x8x128xf32, #tpu.memory_space<hbm>>)
      } else {
      }
      %iota3A_470 = tpu.iota {dimensions = array<i32: 0>} : vector<16xi32>
      %add3A_471 = arith.constant 0 : i32
      %add3A_472 = vector.broadcast %add3A_471 : i32 to vector<16xi32>
      %add3A_473 = arith.addi %iota3A_470, %add3A_472 : vector<16xi32>
      %shift_right_arithmetic3A_474 = arith.constant 3 : i32
      %shift_right_arithmetic3A_475 = vector.broadcast %shift_right_arithmetic3A_474 : i32 to vector<16xi32>
      %shift_right_arithmetic3A_476 = arith.shrsi %add3A_473, %shift_right_arithmetic3A_475 : vector<16xi32>
      %add3A_477 = arith.constant 16 : i32
      %add3A_478 = vector.broadcast %add3A_477 : i32 to vector<16xi32>
      %add3A_479 = arith.addi %iota3A_470, %add3A_478 : vector<16xi32>
      %shift_right_arithmetic3A_480 = arith.constant 3 : i32
      %shift_right_arithmetic3A_481 = vector.broadcast %shift_right_arithmetic3A_480 : i32 to vector<16xi32>
      %shift_right_arithmetic3A_482 = arith.shrsi %add3A_479, %shift_right_arithmetic3A_481 : vector<16xi32>
      %add3A_483 = arith.constant 32 : i32
      %add3A_484 = vector.broadcast %add3A_483 : i32 to vector<16xi32>
      %add3A_485 = arith.addi %iota3A_470, %add3A_484 : vector<16xi32>
      %shift_right_arithmetic3A_486 = arith.constant 3 : i32
      %shift_right_arithmetic3A_487 = vector.broadcast %shift_right_arithmetic3A_486 : i32 to vector<16xi32>
      %shift_right_arithmetic3A_488 = arith.shrsi %add3A_485, %shift_right_arithmetic3A_487 : vector<16xi32>
      %add3A_489 = arith.constant 48 : i32
      %add3A_490 = vector.broadcast %add3A_489 : i32 to vector<16xi32>
      %add3A_491 = arith.addi %iota3A_470, %add3A_490 : vector<16xi32>
      %shift_right_arithmetic3A_492 = arith.constant 3 : i32
      %shift_right_arithmetic3A_493 = vector.broadcast %shift_right_arithmetic3A_492 : i32 to vector<16xi32>
      %shift_right_arithmetic3A_494 = arith.shrsi %add3A_491, %shift_right_arithmetic3A_493 : vector<16xi32>
      %add3A_495 = arith.constant 0 : i32
      %add3A_496 = vector.broadcast %add3A_495 : i32 to vector<16xi32>
      %add3A_497 = arith.addi %iota3A_470, %add3A_496 : vector<16xi32>
      %and3A_498 = arith.constant 7 : i32
      %and3A_499 = vector.broadcast %and3A_498 : i32 to vector<16xi32>
      %and3A_500 = arith.andi %add3A_497, %and3A_499 : vector<16xi32>
      %add3A_501 = arith.constant 16 : i32
      %add3A_502 = vector.broadcast %add3A_501 : i32 to vector<16xi32>
      %add3A_503 = arith.addi %iota3A_470, %add3A_502 : vector<16xi32>
      %and3A_504 = arith.constant 7 : i32
      %and3A_505 = vector.broadcast %and3A_504 : i32 to vector<16xi32>
      %and3A_506 = arith.andi %add3A_503, %and3A_505 : vector<16xi32>
      %add3A_507 = arith.constant 32 : i32
      %add3A_508 = vector.broadcast %add3A_507 : i32 to vector<16xi32>
      %add3A_509 = arith.addi %iota3A_470, %add3A_508 : vector<16xi32>
      %and3A_510 = arith.constant 7 : i32
      %and3A_511 = vector.broadcast %and3A_510 : i32 to vector<16xi32>
      %and3A_512 = arith.andi %add3A_509, %and3A_511 : vector<16xi32>
      %add3A_513 = arith.constant 48 : i32
      %add3A_514 = vector.broadcast %add3A_513 : i32 to vector<16xi32>
      %add3A_515 = arith.addi %iota3A_470, %add3A_514 : vector<16xi32>
      %and3A_516 = arith.constant 7 : i32
      %and3A_517 = vector.broadcast %and3A_516 : i32 to vector<16xi32>
      %and3A_518 = arith.andi %add3A_515, %and3A_517 : vector<16xi32>
      %broadcast_in_dim3A_519 = arith.constant 0 : i32
      %broadcast_in_dim3A_520 = vector.broadcast %broadcast_in_dim3A_519 : i32 to vector<16xi32>
      %parallel_loop3A_521 = arith.constant 0 : i32
      %parallel_loop3A_522 = arith.constant 128 : i32
      %parallel_loop3A_523 = arith.constant 1 : i32
      %parallel_loop3A_524 = arith.constant 1 : i32
      %parallel_loop3A_525 = scf.for %parallel_loop3A_971 = %parallel_loop3A_521 to %parallel_loop3A_522 step %parallel_loop3A_523 iter_args(%parallel_loop3A_972 = %broadcast_in_dim3A_520) -> (vector<16xi32>)  : i32 {
        %parallel_loop3A_973 = arith.constant 3 : i32
        %parallel_loop3A_974 = arith.index_cast %parallel_loop3A_973 : i32 to index
        %parallel_loop3A_975 = arith.index_cast %parallel_loop3A_971 : i32 to index
        %parallel_loop3A_976 = arith.constant 0 : index
        %parallel_loop3A_977 = tpu.vector_load %arg6[%parallel_loop3A_974, %parallel_loop3A_975, %parallel_loop3A_976] {strides = array<i32>} : memref<8x128x64xf32, #tpu.memory_space<vmem>>, vector<16xf32>,
        %parallel_loop3A_978 = arith.constant 8.000000e+00 : f32
        %parallel_loop3A_979 = vector.broadcast %parallel_loop3A_978 : f32 to vector<16xf32>
        %parallel_loop3A_980 = arith.mulf %parallel_loop3A_977, %parallel_loop3A_979 : vector<16xf32>
        %parallel_loop3A_981 = arith.constant 0 : i32
        %parallel_loop3A_982 = arith.constant 0 : i32
        %parallel_loop3A_983 = arith.constant 0 : i32
        %parallel_loop3A_984 = tpu.memref_slice %arg7[%parallel_loop3A_524, %parallel_loop3A_981, %parallel_loop3A_982, %parallel_loop3A_983] : memref<2x8x8x129xf32, #tpu.memory_space<vmem>> -> memref<1x8x8x129xf32, #tpu.memory_space<vmem>>
        %parallel_loop3A_985 = tpu.memref_squeeze %parallel_loop3A_984 : memref<1x8x8x129xf32, #tpu.memory_space<vmem>> -> memref<8x8x129xf32, #tpu.memory_space<vmem>>
        tpu.vector_store_idx %parallel_loop3A_985[%shift_right_arithmetic3A_476, %and3A_500, %parallel_loop3A_972], %parallel_loop3A_980 : memref<8x8x129xf32, #tpu.memory_space<vmem>>[vector<16xi32>, vector<16xi32>, vector<16xi32>], vector<16xf32>,
        %parallel_loop3A_986 = arith.constant 3 : i32
        %parallel_loop3A_987 = arith.index_cast %parallel_loop3A_986 : i32 to index
        %parallel_loop3A_988 = arith.index_cast %parallel_loop3A_971 : i32 to index
        %parallel_loop3A_989 = arith.constant 16 : index
        %parallel_loop3A_990 = tpu.vector_load %arg6[%parallel_loop3A_987, %parallel_loop3A_988, %parallel_loop3A_989] {strides = array<i32>} : memref<8x128x64xf32, #tpu.memory_space<vmem>>, vector<16xf32>,
        %parallel_loop3A_991 = arith.constant 8.000000e+00 : f32
        %parallel_loop3A_992 = vector.broadcast %parallel_loop3A_991 : f32 to vector<16xf32>
        %parallel_loop3A_993 = arith.mulf %parallel_loop3A_990, %parallel_loop3A_992 : vector<16xf32>
        %parallel_loop3A_994 = arith.constant 0 : i32
        %parallel_loop3A_995 = arith.constant 0 : i32
        %parallel_loop3A_996 = arith.constant 0 : i32
        %parallel_loop3A_997 = tpu.memref_slice %arg7[%parallel_loop3A_524, %parallel_loop3A_994, %parallel_loop3A_995, %parallel_loop3A_996] : memref<2x8x8x129xf32, #tpu.memory_space<vmem>> -> memref<1x8x8x129xf32, #tpu.memory_space<vmem>>
        %parallel_loop3A_998 = tpu.memref_squeeze %parallel_loop3A_997 : memref<1x8x8x129xf32, #tpu.memory_space<vmem>> -> memref<8x8x129xf32, #tpu.memory_space<vmem>>
        tpu.vector_store_idx %parallel_loop3A_998[%shift_right_arithmetic3A_482, %and3A_506, %parallel_loop3A_972], %parallel_loop3A_993 : memref<8x8x129xf32, #tpu.memory_space<vmem>>[vector<16xi32>, vector<16xi32>, vector<16xi32>], vector<16xf32>,
        %parallel_loop3A_999 = arith.constant 3 : i32
        %parallel_loop3A_1000 = arith.index_cast %parallel_loop3A_999 : i32 to index
        %parallel_loop3A_1001 = arith.index_cast %parallel_loop3A_971 : i32 to index
        %parallel_loop3A_1002 = arith.constant 32 : index
        %parallel_loop3A_1003 = tpu.vector_load %arg6[%parallel_loop3A_1000, %parallel_loop3A_1001, %parallel_loop3A_1002] {strides = array<i32>} : memref<8x128x64xf32, #tpu.memory_space<vmem>>, vector<16xf32>,
        %parallel_loop3A_1004 = arith.constant 8.000000e+00 : f32
        %parallel_loop3A_1005 = vector.broadcast %parallel_loop3A_1004 : f32 to vector<16xf32>
        %parallel_loop3A_1006 = arith.mulf %parallel_loop3A_1003, %parallel_loop3A_1005 : vector<16xf32>
        %parallel_loop3A_1007 = arith.constant 0 : i32
        %parallel_loop3A_1008 = arith.constant 0 : i32
        %parallel_loop3A_1009 = arith.constant 0 : i32
        %parallel_loop3A_1010 = tpu.memref_slice %arg7[%parallel_loop3A_524, %parallel_loop3A_1007, %parallel_loop3A_1008, %parallel_loop3A_1009] : memref<2x8x8x129xf32, #tpu.memory_space<vmem>> -> memref<1x8x8x129xf32, #tpu.memory_space<vmem>>
        %parallel_loop3A_1011 = tpu.memref_squeeze %parallel_loop3A_1010 : memref<1x8x8x129xf32, #tpu.memory_space<vmem>> -> memref<8x8x129xf32, #tpu.memory_space<vmem>>
        tpu.vector_store_idx %parallel_loop3A_1011[%shift_right_arithmetic3A_488, %and3A_512, %parallel_loop3A_972], %parallel_loop3A_1006 : memref<8x8x129xf32, #tpu.memory_space<vmem>>[vector<16xi32>, vector<16xi32>, vector<16xi32>], vector<16xf32>,
        %parallel_loop3A_1012 = arith.constant 3 : i32
        %parallel_loop3A_1013 = arith.index_cast %parallel_loop3A_1012 : i32 to index
        %parallel_loop3A_1014 = arith.index_cast %parallel_loop3A_971 : i32 to index
        %parallel_loop3A_1015 = arith.constant 48 : index
        %parallel_loop3A_1016 = tpu.vector_load %arg6[%parallel_loop3A_1013, %parallel_loop3A_1014, %parallel_loop3A_1015] {strides = array<i32>} : memref<8x128x64xf32, #tpu.memory_space<vmem>>, vector<16xf32>,
        %parallel_loop3A_1017 = arith.constant 8.000000e+00 : f32
        %parallel_loop3A_1018 = vector.broadcast %parallel_loop3A_1017 : f32 to vector<16xf32>
        %parallel_loop3A_1019 = arith.mulf %parallel_loop3A_1016, %parallel_loop3A_1018 : vector<16xf32>
        %parallel_loop3A_1020 = arith.constant 0 : i32
        %parallel_loop3A_1021 = arith.constant 0 : i32
        %parallel_loop3A_1022 = arith.constant 0 : i32
        %parallel_loop3A_1023 = tpu.memref_slice %arg7[%parallel_loop3A_524, %parallel_loop3A_1020, %parallel_loop3A_1021, %parallel_loop3A_1022] : memref<2x8x8x129xf32, #tpu.memory_space<vmem>> -> memref<1x8x8x129xf32, #tpu.memory_space<vmem>>
        %parallel_loop3A_1024 = tpu.memref_squeeze %parallel_loop3A_1023 : memref<1x8x8x129xf32, #tpu.memory_space<vmem>> -> memref<8x8x129xf32, #tpu.memory_space<vmem>>
        tpu.vector_store_idx %parallel_loop3A_1024[%shift_right_arithmetic3A_494, %and3A_518, %parallel_loop3A_972], %parallel_loop3A_1019 : memref<8x8x129xf32, #tpu.memory_space<vmem>>[vector<16xi32>, vector<16xi32>, vector<16xi32>], vector<16xf32>,
        %parallel_loop3A_1025 = arith.constant 1 : i32
        %parallel_loop3A_1026 = vector.broadcast %parallel_loop3A_1025 : i32 to vector<16xi32>
        %parallel_loop3A_1027 = arith.addi %parallel_loop3A_972, %parallel_loop3A_1026 : vector<16xi32>
        scf.yield %parallel_loop3A_1027 : vector<16xi32>
      } {sc.loop_unroll_factor = 8 : i64, sc.parallel_access}
      %dma_start3A_526 = arith.constant 1 : i32
      %dma_start3A_527 = arith.constant 0 : i32
      %dma_start3A_528 = arith.constant 0 : i32
      %dma_start3A_529 = arith.constant 0 : i32
      %dma_start3A_530 = tpu.memref_slice %arg7[%dma_start3A_526, %dma_start3A_527, %dma_start3A_528, %dma_start3A_529] : memref<2x8x8x129xf32, #tpu.memory_space<vmem>> -> memref<1x8x8x128xf32, #tpu.memory_space<vmem>>
      %dma_start3A_531 = tpu.memref_squeeze %dma_start3A_530 : memref<1x8x8x128xf32, #tpu.memory_space<vmem>> -> memref<8x8x128xf32, #tpu.memory_space<vmem>>
      %dma_start3A_532 = arith.constant 0 : i32
      %dma_start3A_533 = arith.constant 0 : i32
      %dma_start3A_534 = arith.constant 0 : i32
      %dma_start3A_535 = tpu.memref_slice %arg4[%add3A_444, %dma_start3A_532, %add3A, %dma_start3A_533, %dma_start3A_534] : memref<200x8x32x8x128xf32, #tpu.memory_space<hbm>> -> memref<1x8x1x8x128xf32, #tpu.memory_space<hbm>>
      %dma_start3A_536 = tpu.memref_squeeze %dma_start3A_535 : memref<1x8x1x8x128xf32, #tpu.memory_space<hbm>> -> memref<8x8x128xf32, #tpu.memory_space<hbm>>
      %dma_start3A_537 = arith.constant 0 : i32
      %dma_start3A_538 = arith.constant 0 : i32
      %dma_start3A_539 = arith.constant 0 : i32
      %dma_start3A_540 = tpu.memref_slice %arg4[%add3A_444, %dma_start3A_537, %add3A, %dma_start3A_538, %dma_start3A_539] : memref<200x8x32x8x128xf32, #tpu.memory_space<hbm>> -> memref<1x8x1x8x128xf32, #tpu.memory_space<hbm>>
      %dma_start3A_541 = tpu.memref_squeeze %dma_start3A_540 : memref<1x8x1x8x128xf32, #tpu.memory_space<hbm>> -> memref<8x8x128xf32, #tpu.memory_space<hbm>>
      %dma_start3A_542 = arith.constant 0 : i32
      %dma_start3A_543 = arith.constant 0 : i32
      %dma_start3A_544 = arith.constant 0 : i32
      %dma_start3A_545 = tpu.memref_slice %arg7[%dma_start3A_526, %dma_start3A_542, %dma_start3A_543, %dma_start3A_544] : memref<2x8x8x129xf32, #tpu.memory_space<vmem>> -> memref<1x8x8x128xf32, #tpu.memory_space<vmem>>
      %dma_start3A_546 = tpu.memref_squeeze %dma_start3A_545 : memref<1x8x8x128xf32, #tpu.memory_space<vmem>> -> memref<8x8x128xf32, #tpu.memory_space<vmem>>
      tpu.enqueue_dma source(%dma_start3A_546 : memref<8x8x128xf32, #tpu.memory_space<vmem>>) target(%dma_start3A_541 : memref<8x8x128xf32, #tpu.memory_space<hbm>>) target_semaphore(%arg17 : memref<!tpu.dma_semaphore, #tpu.memory_space<semaphore_mem>>)
      %mul3A_547 = arith.constant 8 : i32
      %mul3A_548 = arith.muli %scan3A_132, %mul3A_547 : i32
      %add3A_549 = arith.constant 4 : i32
      %add3A_550 = arith.addi %mul3A_548, %add3A_549 : i32
      %dma_wait3A_551 = arith.constant 4 : i32
      %dma_wait3A_552 = arith.constant 0 : i32
      %dma_wait3A_553 = arith.constant 0 : i32
      %dma_wait3A_554 = tpu.memref_slice %arg6[%dma_wait3A_551, %dma_wait3A_552, %dma_wait3A_553] : memref<8x128x64xf32, #tpu.memory_space<vmem>> -> memref<1x128x64xf32, #tpu.memory_space<vmem>>
      %dma_wait3A_555 = tpu.memref_squeeze %dma_wait3A_554 : memref<1x128x64xf32, #tpu.memory_space<vmem>> -> memref<128x64xf32, #tpu.memory_space<vmem>>
      %dma_wait3A_556 = arith.constant 0 : i32
      %dma_wait3A_557 = tpu.memref_slice %arg5[%add3A_550, %dma_wait3A_556] : memref<200x128xi32, #tpu.memory_space<vmem>> -> memref<1x128xi32, #tpu.memory_space<vmem>>
      %dma_wait3A_558 = tpu.memref_squeeze %dma_wait3A_557 : memref<1x128xi32, #tpu.memory_space<vmem>> -> memref<128xi32, #tpu.memory_space<vmem>>
      %dma_wait3A_559 = arith.constant 0 : i32
      %dma_wait3A_560 = arith.constant 0 : i32
      %dma_wait3A_561 = tpu.memref_slice %arg3[%dma_wait3A_559, %dma_wait3A_560] : memref<1000000x64xf32, #tpu.memory_space<hbm>> -> memref<1000000x64xf32, #tpu.memory_space<hbm>>
      tpu.wait_indirect_dma semaphore(%arg12 : memref<!tpu.dma_semaphore, #tpu.memory_space<semaphore_mem>>) src(%dma_wait3A_561 : memref<1000000x64xf32, #tpu.memory_space<hbm>>) dst(%dma_wait3A_555 : memref<128x64xf32, #tpu.memory_space<vmem>>)
      %add3A_562 = arith.constant 8 : i32
      %add3A_563 = arith.addi %add3A_550, %add3A_562 : i32
      %sub3A_564 = arith.constant 1 : i32
      %sub3A_565 = arith.subi %add3A_563, %sub3A_564 : i32
      %lt3A_566 = arith.constant 200 : i32
      %lt3A_567 = arith.cmpi slt, %sub3A_565, %lt3A_566 : i32
      %convert_element_type3A_568 = arith.extui %lt3A_567 : i1 to i32
      %cond3A_569 = arith.constant 0 : i32
      %cond3A_570 = arith.cmpi ne, %convert_element_type3A_568, %cond3A_569 : i32
      scf.if %cond3A_570 {
        %add3A_971 = arith.constant 8 : i32
        %add3A_972 = arith.addi %add3A_550, %add3A_971 : i32
        %sub3A_973 = arith.constant 1 : i32
        %sub3A_974 = arith.subi %add3A_972, %sub3A_973 : i32
        %dma_start3A_975 = arith.constant 3 : i32
        %dma_start3A_976 = arith.constant 0 : i32
        %dma_start3A_977 = arith.constant 0 : i32
        %dma_start3A_978 = tpu.memref_slice %arg6[%dma_start3A_975, %dma_start3A_976, %dma_start3A_977] : memref<8x128x64xf32, #tpu.memory_space<vmem>> -> memref<1x128x64xf32, #tpu.memory_space<vmem>>
        %dma_start3A_979 = tpu.memref_squeeze %dma_start3A_978 : memref<1x128x64xf32, #tpu.memory_space<vmem>> -> memref<128x64xf32, #tpu.memory_space<vmem>>
        %dma_start3A_980 = arith.constant 0 : i32
        %dma_start3A_981 = tpu.memref_slice %arg5[%sub3A_974, %dma_start3A_980] : memref<200x128xi32, #tpu.memory_space<vmem>> -> memref<1x128xi32, #tpu.memory_space<vmem>>
        %dma_start3A_982 = tpu.memref_squeeze %dma_start3A_981 : memref<1x128xi32, #tpu.memory_space<vmem>> -> memref<128xi32, #tpu.memory_space<vmem>>
        %dma_start3A_983 = arith.constant 0 : i32
        %dma_start3A_984 = arith.constant 0 : i32
        %dma_start3A_985 = tpu.memref_slice %arg3[%dma_start3A_983, %dma_start3A_984] : memref<1000000x64xf32, #tpu.memory_space<hbm>> -> memref<1000000x64xf32, #tpu.memory_space<hbm>>
        tpu.enqueue_indirect_dma source(%dma_start3A_985 : memref<1000000x64xf32, #tpu.memory_space<hbm>>) target(%dma_start3A_979 : memref<128x64xf32, #tpu.memory_space<vmem>>) offsets(%dma_start3A_982 : memref<128xi32, #tpu.memory_space<vmem>>) semaphore(%arg11 : memref<!tpu.dma_semaphore, #tpu.memory_space<semaphore_mem>>)
      } else {
      }
      %ge3A_571 = arith.constant 2 : i32
      %ge3A_572 = arith.cmpi sge, %add3A_550, %ge3A_571 : i32
      %convert_element_type3A_573 = arith.extui %ge3A_572 : i1 to i32
      %cond3A_574 = arith.constant 0 : i32
      %cond3A_575 = arith.cmpi ne, %convert_element_type3A_573, %cond3A_574 : i32
      scf.if %cond3A_575 {
        %sub3A_971 = arith.constant 2 : i32
        %sub3A_972 = arith.subi %add3A_550, %sub3A_971 : i32
        %dma_wait3A_973 = arith.constant 0 : i32
        %dma_wait3A_974 = arith.constant 0 : i32
        %dma_wait3A_975 = arith.constant 0 : i32
        %dma_wait3A_976 = arith.constant 0 : i32
        %dma_wait3A_977 = tpu.memref_slice %arg7[%dma_wait3A_973, %dma_wait3A_974, %dma_wait3A_975, %dma_wait3A_976] : memref<2x8x8x129xf32, #tpu.memory_space<vmem>> -> memref<1x8x8x128xf32, #tpu.memory_space<vmem>>
        %dma_wait3A_978 = tpu.memref_squeeze %dma_wait3A_977 : memref<1x8x8x128xf32, #tpu.memory_space<vmem>> -> memref<8x8x128xf32, #tpu.memory_space<vmem>>
        %dma_wait3A_979 = arith.constant 0 : i32
        %dma_wait3A_980 = arith.constant 0 : i32
        %dma_wait3A_981 = arith.constant 0 : i32
        %dma_wait3A_982 = tpu.memref_slice %arg4[%sub3A_972, %dma_wait3A_979, %add3A, %dma_wait3A_980, %dma_wait3A_981] : memref<200x8x32x8x128xf32, #tpu.memory_space<hbm>> -> memref<1x8x1x8x128xf32, #tpu.memory_space<hbm>>
        %dma_wait3A_983 = tpu.memref_squeeze %dma_wait3A_982 : memref<1x8x1x8x128xf32, #tpu.memory_space<hbm>> -> memref<8x8x128xf32, #tpu.memory_space<hbm>>
        %dma_wait3A_984 = arith.constant 0 : i32
        %dma_wait3A_985 = arith.constant 0 : i32
        %dma_wait3A_986 = arith.constant 0 : i32
        %dma_wait3A_987 = tpu.memref_slice %arg4[%sub3A_972, %dma_wait3A_984, %add3A, %dma_wait3A_985, %dma_wait3A_986] : memref<200x8x32x8x128xf32, #tpu.memory_space<hbm>> -> memref<1x8x1x8x128xf32, #tpu.memory_space<hbm>>
        %dma_wait3A_988 = tpu.memref_squeeze %dma_wait3A_987 : memref<1x8x1x8x128xf32, #tpu.memory_space<hbm>> -> memref<8x8x128xf32, #tpu.memory_space<hbm>>
        %dma_wait3A_989 = arith.constant 0 : i32
        %dma_wait3A_990 = arith.constant 0 : i32
        %dma_wait3A_991 = arith.constant 0 : i32
        %dma_wait3A_992 = tpu.memref_slice %arg7[%dma_wait3A_973, %dma_wait3A_989, %dma_wait3A_990, %dma_wait3A_991] : memref<2x8x8x129xf32, #tpu.memory_space<vmem>> -> memref<1x8x8x128xf32, #tpu.memory_space<vmem>>
        %dma_wait3A_993 = tpu.memref_squeeze %dma_wait3A_992 : memref<1x8x8x128xf32, #tpu.memory_space<vmem>> -> memref<8x8x128xf32, #tpu.memory_space<vmem>>
        tpu.wait_dma2 semaphore(%arg16 : memref<!tpu.dma_semaphore, #tpu.memory_space<semaphore_mem>>) src(%dma_wait3A_993 : memref<8x8x128xf32, #tpu.memory_space<vmem>>) dst(%dma_wait3A_988 : memref<8x8x128xf32, #tpu.memory_space<hbm>>)
      } else {
      }
      %iota3A_576 = tpu.iota {dimensions = array<i32: 0>} : vector<16xi32>
      %add3A_577 = arith.constant 0 : i32
      %add3A_578 = vector.broadcast %add3A_577 : i32 to vector<16xi32>
      %add3A_579 = arith.addi %iota3A_576, %add3A_578 : vector<16xi32>
      %shift_right_arithmetic3A_580 = arith.constant 3 : i32
      %shift_right_arithmetic3A_581 = vector.broadcast %shift_right_arithmetic3A_580 : i32 to vector<16xi32>
      %shift_right_arithmetic3A_582 = arith.shrsi %add3A_579, %shift_right_arithmetic3A_581 : vector<16xi32>
      %add3A_583 = arith.constant 16 : i32
      %add3A_584 = vector.broadcast %add3A_583 : i32 to vector<16xi32>
      %add3A_585 = arith.addi %iota3A_576, %add3A_584 : vector<16xi32>
      %shift_right_arithmetic3A_586 = arith.constant 3 : i32
      %shift_right_arithmetic3A_587 = vector.broadcast %shift_right_arithmetic3A_586 : i32 to vector<16xi32>
      %shift_right_arithmetic3A_588 = arith.shrsi %add3A_585, %shift_right_arithmetic3A_587 : vector<16xi32>
      %add3A_589 = arith.constant 32 : i32
      %add3A_590 = vector.broadcast %add3A_589 : i32 to vector<16xi32>
      %add3A_591 = arith.addi %iota3A_576, %add3A_590 : vector<16xi32>
      %shift_right_arithmetic3A_592 = arith.constant 3 : i32
      %shift_right_arithmetic3A_593 = vector.broadcast %shift_right_arithmetic3A_592 : i32 to vector<16xi32>
      %shift_right_arithmetic3A_594 = arith.shrsi %add3A_591, %shift_right_arithmetic3A_593 : vector<16xi32>
      %add3A_595 = arith.constant 48 : i32
      %add3A_596 = vector.broadcast %add3A_595 : i32 to vector<16xi32>
      %add3A_597 = arith.addi %iota3A_576, %add3A_596 : vector<16xi32>
      %shift_right_arithmetic3A_598 = arith.constant 3 : i32
      %shift_right_arithmetic3A_599 = vector.broadcast %shift_right_arithmetic3A_598 : i32 to vector<16xi32>
      %shift_right_arithmetic3A_600 = arith.shrsi %add3A_597, %shift_right_arithmetic3A_599 : vector<16xi32>
      %add3A_601 = arith.constant 0 : i32
      %add3A_602 = vector.broadcast %add3A_601 : i32 to vector<16xi32>
      %add3A_603 = arith.addi %iota3A_576, %add3A_602 : vector<16xi32>
      %and3A_604 = arith.constant 7 : i32
      %and3A_605 = vector.broadcast %and3A_604 : i32 to vector<16xi32>
      %and3A_606 = arith.andi %add3A_603, %and3A_605 : vector<16xi32>
      %add3A_607 = arith.constant 16 : i32
      %add3A_608 = vector.broadcast %add3A_607 : i32 to vector<16xi32>
      %add3A_609 = arith.addi %iota3A_576, %add3A_608 : vector<16xi32>
      %and3A_610 = arith.constant 7 : i32
      %and3A_611 = vector.broadcast %and3A_610 : i32 to vector<16xi32>
      %and3A_612 = arith.andi %add3A_609, %and3A_611 : vector<16xi32>
      %add3A_613 = arith.constant 32 : i32
      %add3A_614 = vector.broadcast %add3A_613 : i32 to vector<16xi32>
      %add3A_615 = arith.addi %iota3A_576, %add3A_614 : vector<16xi32>
      %and3A_616 = arith.constant 7 : i32
      %and3A_617 = vector.broadcast %and3A_616 : i32 to vector<16xi32>
      %and3A_618 = arith.andi %add3A_615, %and3A_617 : vector<16xi32>
      %add3A_619 = arith.constant 48 : i32
      %add3A_620 = vector.broadcast %add3A_619 : i32 to vector<16xi32>
      %add3A_621 = arith.addi %iota3A_576, %add3A_620 : vector<16xi32>
      %and3A_622 = arith.constant 7 : i32
      %and3A_623 = vector.broadcast %and3A_622 : i32 to vector<16xi32>
      %and3A_624 = arith.andi %add3A_621, %and3A_623 : vector<16xi32>
      %broadcast_in_dim3A_625 = arith.constant 0 : i32
      %broadcast_in_dim3A_626 = vector.broadcast %broadcast_in_dim3A_625 : i32 to vector<16xi32>
      %parallel_loop3A_627 = arith.constant 0 : i32
      %parallel_loop3A_628 = arith.constant 128 : i32
      %parallel_loop3A_629 = arith.constant 1 : i32
      %parallel_loop3A_630 = arith.constant 0 : i32
      %parallel_loop3A_631 = scf.for %parallel_loop3A_971 = %parallel_loop3A_627 to %parallel_loop3A_628 step %parallel_loop3A_629 iter_args(%parallel_loop3A_972 = %broadcast_in_dim3A_626) -> (vector<16xi32>)  : i32 {
        %parallel_loop3A_973 = arith.constant 4 : i32
        %parallel_loop3A_974 = arith.index_cast %parallel_loop3A_973 : i32 to index
        %parallel_loop3A_975 = arith.index_cast %parallel_loop3A_971 : i32 to index
        %parallel_loop3A_976 = arith.constant 0 : index
        %parallel_loop3A_977 = tpu.vector_load %arg6[%parallel_loop3A_974, %parallel_loop3A_975, %parallel_loop3A_976] {strides = array<i32>} : memref<8x128x64xf32, #tpu.memory_space<vmem>>, vector<16xf32>,
        %parallel_loop3A_978 = arith.constant 8.000000e+00 : f32
        %parallel_loop3A_979 = vector.broadcast %parallel_loop3A_978 : f32 to vector<16xf32>
        %parallel_loop3A_980 = arith.mulf %parallel_loop3A_977, %parallel_loop3A_979 : vector<16xf32>
        %parallel_loop3A_981 = arith.constant 0 : i32
        %parallel_loop3A_982 = arith.constant 0 : i32
        %parallel_loop3A_983 = arith.constant 0 : i32
        %parallel_loop3A_984 = tpu.memref_slice %arg7[%parallel_loop3A_630, %parallel_loop3A_981, %parallel_loop3A_982, %parallel_loop3A_983] : memref<2x8x8x129xf32, #tpu.memory_space<vmem>> -> memref<1x8x8x129xf32, #tpu.memory_space<vmem>>
        %parallel_loop3A_985 = tpu.memref_squeeze %parallel_loop3A_984 : memref<1x8x8x129xf32, #tpu.memory_space<vmem>> -> memref<8x8x129xf32, #tpu.memory_space<vmem>>
        tpu.vector_store_idx %parallel_loop3A_985[%shift_right_arithmetic3A_582, %and3A_606, %parallel_loop3A_972], %parallel_loop3A_980 : memref<8x8x129xf32, #tpu.memory_space<vmem>>[vector<16xi32>, vector<16xi32>, vector<16xi32>], vector<16xf32>,
        %parallel_loop3A_986 = arith.constant 4 : i32
        %parallel_loop3A_987 = arith.index_cast %parallel_loop3A_986 : i32 to index
        %parallel_loop3A_988 = arith.index_cast %parallel_loop3A_971 : i32 to index
        %parallel_loop3A_989 = arith.constant 16 : index
        %parallel_loop3A_990 = tpu.vector_load %arg6[%parallel_loop3A_987, %parallel_loop3A_988, %parallel_loop3A_989] {strides = array<i32>} : memref<8x128x64xf32, #tpu.memory_space<vmem>>, vector<16xf32>,
        %parallel_loop3A_991 = arith.constant 8.000000e+00 : f32
        %parallel_loop3A_992 = vector.broadcast %parallel_loop3A_991 : f32 to vector<16xf32>
        %parallel_loop3A_993 = arith.mulf %parallel_loop3A_990, %parallel_loop3A_992 : vector<16xf32>
        %parallel_loop3A_994 = arith.constant 0 : i32
        %parallel_loop3A_995 = arith.constant 0 : i32
        %parallel_loop3A_996 = arith.constant 0 : i32
        %parallel_loop3A_997 = tpu.memref_slice %arg7[%parallel_loop3A_630, %parallel_loop3A_994, %parallel_loop3A_995, %parallel_loop3A_996] : memref<2x8x8x129xf32, #tpu.memory_space<vmem>> -> memref<1x8x8x129xf32, #tpu.memory_space<vmem>>
        %parallel_loop3A_998 = tpu.memref_squeeze %parallel_loop3A_997 : memref<1x8x8x129xf32, #tpu.memory_space<vmem>> -> memref<8x8x129xf32, #tpu.memory_space<vmem>>
        tpu.vector_store_idx %parallel_loop3A_998[%shift_right_arithmetic3A_588, %and3A_612, %parallel_loop3A_972], %parallel_loop3A_993 : memref<8x8x129xf32, #tpu.memory_space<vmem>>[vector<16xi32>, vector<16xi32>, vector<16xi32>], vector<16xf32>,
        %parallel_loop3A_999 = arith.constant 4 : i32
        %parallel_loop3A_1000 = arith.index_cast %parallel_loop3A_999 : i32 to index
        %parallel_loop3A_1001 = arith.index_cast %parallel_loop3A_971 : i32 to index
        %parallel_loop3A_1002 = arith.constant 32 : index
        %parallel_loop3A_1003 = tpu.vector_load %arg6[%parallel_loop3A_1000, %parallel_loop3A_1001, %parallel_loop3A_1002] {strides = array<i32>} : memref<8x128x64xf32, #tpu.memory_space<vmem>>, vector<16xf32>,
        %parallel_loop3A_1004 = arith.constant 8.000000e+00 : f32
        %parallel_loop3A_1005 = vector.broadcast %parallel_loop3A_1004 : f32 to vector<16xf32>
        %parallel_loop3A_1006 = arith.mulf %parallel_loop3A_1003, %parallel_loop3A_1005 : vector<16xf32>
        %parallel_loop3A_1007 = arith.constant 0 : i32
        %parallel_loop3A_1008 = arith.constant 0 : i32
        %parallel_loop3A_1009 = arith.constant 0 : i32
        %parallel_loop3A_1010 = tpu.memref_slice %arg7[%parallel_loop3A_630, %parallel_loop3A_1007, %parallel_loop3A_1008, %parallel_loop3A_1009] : memref<2x8x8x129xf32, #tpu.memory_space<vmem>> -> memref<1x8x8x129xf32, #tpu.memory_space<vmem>>
        %parallel_loop3A_1011 = tpu.memref_squeeze %parallel_loop3A_1010 : memref<1x8x8x129xf32, #tpu.memory_space<vmem>> -> memref<8x8x129xf32, #tpu.memory_space<vmem>>
        tpu.vector_store_idx %parallel_loop3A_1011[%shift_right_arithmetic3A_594, %and3A_618, %parallel_loop3A_972], %parallel_loop3A_1006 : memref<8x8x129xf32, #tpu.memory_space<vmem>>[vector<16xi32>, vector<16xi32>, vector<16xi32>], vector<16xf32>,
        %parallel_loop3A_1012 = arith.constant 4 : i32
        %parallel_loop3A_1013 = arith.index_cast %parallel_loop3A_1012 : i32 to index
        %parallel_loop3A_1014 = arith.index_cast %parallel_loop3A_971 : i32 to index
        %parallel_loop3A_1015 = arith.constant 48 : index
        %parallel_loop3A_1016 = tpu.vector_load %arg6[%parallel_loop3A_1013, %parallel_loop3A_1014, %parallel_loop3A_1015] {strides = array<i32>} : memref<8x128x64xf32, #tpu.memory_space<vmem>>, vector<16xf32>,
        %parallel_loop3A_1017 = arith.constant 8.000000e+00 : f32
        %parallel_loop3A_1018 = vector.broadcast %parallel_loop3A_1017 : f32 to vector<16xf32>
        %parallel_loop3A_1019 = arith.mulf %parallel_loop3A_1016, %parallel_loop3A_1018 : vector<16xf32>
        %parallel_loop3A_1020 = arith.constant 0 : i32
        %parallel_loop3A_1021 = arith.constant 0 : i32
        %parallel_loop3A_1022 = arith.constant 0 : i32
        %parallel_loop3A_1023 = tpu.memref_slice %arg7[%parallel_loop3A_630, %parallel_loop3A_1020, %parallel_loop3A_1021, %parallel_loop3A_1022] : memref<2x8x8x129xf32, #tpu.memory_space<vmem>> -> memref<1x8x8x129xf32, #tpu.memory_space<vmem>>
        %parallel_loop3A_1024 = tpu.memref_squeeze %parallel_loop3A_1023 : memref<1x8x8x129xf32, #tpu.memory_space<vmem>> -> memref<8x8x129xf32, #tpu.memory_space<vmem>>
        tpu.vector_store_idx %parallel_loop3A_1024[%shift_right_arithmetic3A_600, %and3A_624, %parallel_loop3A_972], %parallel_loop3A_1019 : memref<8x8x129xf32, #tpu.memory_space<vmem>>[vector<16xi32>, vector<16xi32>, vector<16xi32>], vector<16xf32>,
        %parallel_loop3A_1025 = arith.constant 1 : i32
        %parallel_loop3A_1026 = vector.broadcast %parallel_loop3A_1025 : i32 to vector<16xi32>
        %parallel_loop3A_1027 = arith.addi %parallel_loop3A_972, %parallel_loop3A_1026 : vector<16xi32>
        scf.yield %parallel_loop3A_1027 : vector<16xi32>
      } {sc.loop_unroll_factor = 8 : i64, sc.parallel_access}
      %dma_start3A_632 = arith.constant 0 : i32
      %dma_start3A_633 = arith.constant 0 : i32
      %dma_start3A_634 = arith.constant 0 : i32
      %dma_start3A_635 = arith.constant 0 : i32
      %dma_start3A_636 = tpu.memref_slice %arg7[%dma_start3A_632, %dma_start3A_633, %dma_start3A_634, %dma_start3A_635] : memref<2x8x8x129xf32, #tpu.memory_space<vmem>> -> memref<1x8x8x128xf32, #tpu.memory_space<vmem>>
      %dma_start3A_637 = tpu.memref_squeeze %dma_start3A_636 : memref<1x8x8x128xf32, #tpu.memory_space<vmem>> -> memref<8x8x128xf32, #tpu.memory_space<vmem>>
      %dma_start3A_638 = arith.constant 0 : i32
      %dma_start3A_639 = arith.constant 0 : i32
      %dma_start3A_640 = arith.constant 0 : i32
      %dma_start3A_641 = tpu.memref_slice %arg4[%add3A_550, %dma_start3A_638, %add3A, %dma_start3A_639, %dma_start3A_640] : memref<200x8x32x8x128xf32, #tpu.memory_space<hbm>> -> memref<1x8x1x8x128xf32, #tpu.memory_space<hbm>>
      %dma_start3A_642 = tpu.memref_squeeze %dma_start3A_641 : memref<1x8x1x8x128xf32, #tpu.memory_space<hbm>> -> memref<8x8x128xf32, #tpu.memory_space<hbm>>
      %dma_start3A_643 = arith.constant 0 : i32
      %dma_start3A_644 = arith.constant 0 : i32
      %dma_start3A_645 = arith.constant 0 : i32
      %dma_start3A_646 = tpu.memref_slice %arg4[%add3A_550, %dma_start3A_643, %add3A, %dma_start3A_644, %dma_start3A_645] : memref<200x8x32x8x128xf32, #tpu.memory_space<hbm>> -> memref<1x8x1x8x128xf32, #tpu.memory_space<hbm>>
      %dma_start3A_647 = tpu.memref_squeeze %dma_start3A_646 : memref<1x8x1x8x128xf32, #tpu.memory_space<hbm>> -> memref<8x8x128xf32, #tpu.memory_space<hbm>>
      %dma_start3A_648 = arith.constant 0 : i32
      %dma_start3A_649 = arith.constant 0 : i32
      %dma_start3A_650 = arith.constant 0 : i32
      %dma_start3A_651 = tpu.memref_slice %arg7[%dma_start3A_632, %dma_start3A_648, %dma_start3A_649, %dma_start3A_650] : memref<2x8x8x129xf32, #tpu.memory_space<vmem>> -> memref<1x8x8x128xf32, #tpu.memory_space<vmem>>
      %dma_start3A_652 = tpu.memref_squeeze %dma_start3A_651 : memref<1x8x8x128xf32, #tpu.memory_space<vmem>> -> memref<8x8x128xf32, #tpu.memory_space<vmem>>
      tpu.enqueue_dma source(%dma_start3A_652 : memref<8x8x128xf32, #tpu.memory_space<vmem>>) target(%dma_start3A_647 : memref<8x8x128xf32, #tpu.memory_space<hbm>>) target_semaphore(%arg16 : memref<!tpu.dma_semaphore, #tpu.memory_space<semaphore_mem>>)
      %mul3A_653 = arith.constant 8 : i32
      %mul3A_654 = arith.muli %scan3A_132, %mul3A_653 : i32
      %add3A_655 = arith.constant 5 : i32
      %add3A_656 = arith.addi %mul3A_654, %add3A_655 : i32
      %dma_wait3A_657 = arith.constant 5 : i32
      %dma_wait3A_658 = arith.constant 0 : i32
      %dma_wait3A_659 = arith.constant 0 : i32
      %dma_wait3A_660 = tpu.memref_slice %arg6[%dma_wait3A_657, %dma_wait3A_658, %dma_wait3A_659] : memref<8x128x64xf32, #tpu.memory_space<vmem>> -> memref<1x128x64xf32, #tpu.memory_space<vmem>>
      %dma_wait3A_661 = tpu.memref_squeeze %dma_wait3A_660 : memref<1x128x64xf32, #tpu.memory_space<vmem>> -> memref<128x64xf32, #tpu.memory_space<vmem>>
      %dma_wait3A_662 = arith.constant 0 : i32
      %dma_wait3A_663 = tpu.memref_slice %arg5[%add3A_656, %dma_wait3A_662] : memref<200x128xi32, #tpu.memory_space<vmem>> -> memref<1x128xi32, #tpu.memory_space<vmem>>
      %dma_wait3A_664 = tpu.memref_squeeze %dma_wait3A_663 : memref<1x128xi32, #tpu.memory_space<vmem>> -> memref<128xi32, #tpu.memory_space<vmem>>
      %dma_wait3A_665 = arith.constant 0 : i32
      %dma_wait3A_666 = arith.constant 0 : i32
      %dma_wait3A_667 = tpu.memref_slice %arg3[%dma_wait3A_665, %dma_wait3A_666] : memref<1000000x64xf32, #tpu.memory_space<hbm>> -> memref<1000000x64xf32, #tpu.memory_space<hbm>>
      tpu.wait_indirect_dma semaphore(%arg13 : memref<!tpu.dma_semaphore, #tpu.memory_space<semaphore_mem>>) src(%dma_wait3A_667 : memref<1000000x64xf32, #tpu.memory_space<hbm>>) dst(%dma_wait3A_661 : memref<128x64xf32, #tpu.memory_space<vmem>>)
      %add3A_668 = arith.constant 8 : i32
      %add3A_669 = arith.addi %add3A_656, %add3A_668 : i32
      %sub3A_670 = arith.constant 1 : i32
      %sub3A_671 = arith.subi %add3A_669, %sub3A_670 : i32
      %lt3A_672 = arith.constant 200 : i32
      %lt3A_673 = arith.cmpi slt, %sub3A_671, %lt3A_672 : i32
      %convert_element_type3A_674 = arith.extui %lt3A_673 : i1 to i32
      %cond3A_675 = arith.constant 0 : i32
      %cond3A_676 = arith.cmpi ne, %convert_element_type3A_674, %cond3A_675 : i32
      scf.if %cond3A_676 {
        %add3A_971 = arith.constant 8 : i32
        %add3A_972 = arith.addi %add3A_656, %add3A_971 : i32
        %sub3A_973 = arith.constant 1 : i32
        %sub3A_974 = arith.subi %add3A_972, %sub3A_973 : i32
        %dma_start3A_975 = arith.constant 4 : i32
        %dma_start3A_976 = arith.constant 0 : i32
        %dma_start3A_977 = arith.constant 0 : i32
        %dma_start3A_978 = tpu.memref_slice %arg6[%dma_start3A_975, %dma_start3A_976, %dma_start3A_977] : memref<8x128x64xf32, #tpu.memory_space<vmem>> -> memref<1x128x64xf32, #tpu.memory_space<vmem>>
        %dma_start3A_979 = tpu.memref_squeeze %dma_start3A_978 : memref<1x128x64xf32, #tpu.memory_space<vmem>> -> memref<128x64xf32, #tpu.memory_space<vmem>>
        %dma_start3A_980 = arith.constant 0 : i32
        %dma_start3A_981 = tpu.memref_slice %arg5[%sub3A_974, %dma_start3A_980] : memref<200x128xi32, #tpu.memory_space<vmem>> -> memref<1x128xi32, #tpu.memory_space<vmem>>
        %dma_start3A_982 = tpu.memref_squeeze %dma_start3A_981 : memref<1x128xi32, #tpu.memory_space<vmem>> -> memref<128xi32, #tpu.memory_space<vmem>>
        %dma_start3A_983 = arith.constant 0 : i32
        %dma_start3A_984 = arith.constant 0 : i32
        %dma_start3A_985 = tpu.memref_slice %arg3[%dma_start3A_983, %dma_start3A_984] : memref<1000000x64xf32, #tpu.memory_space<hbm>> -> memref<1000000x64xf32, #tpu.memory_space<hbm>>
        tpu.enqueue_indirect_dma source(%dma_start3A_985 : memref<1000000x64xf32, #tpu.memory_space<hbm>>) target(%dma_start3A_979 : memref<128x64xf32, #tpu.memory_space<vmem>>) offsets(%dma_start3A_982 : memref<128xi32, #tpu.memory_space<vmem>>) semaphore(%arg12 : memref<!tpu.dma_semaphore, #tpu.memory_space<semaphore_mem>>)
      } else {
      }
      %ge3A_677 = arith.constant 2 : i32
      %ge3A_678 = arith.cmpi sge, %add3A_656, %ge3A_677 : i32
      %convert_element_type3A_679 = arith.extui %ge3A_678 : i1 to i32
      %cond3A_680 = arith.constant 0 : i32
      %cond3A_681 = arith.cmpi ne, %convert_element_type3A_679, %cond3A_680 : i32
      scf.if %cond3A_681 {
        %sub3A_971 = arith.constant 2 : i32
        %sub3A_972 = arith.subi %add3A_656, %sub3A_971 : i32
        %dma_wait3A_973 = arith.constant 1 : i32
        %dma_wait3A_974 = arith.constant 0 : i32
        %dma_wait3A_975 = arith.constant 0 : i32
        %dma_wait3A_976 = arith.constant 0 : i32
        %dma_wait3A_977 = tpu.memref_slice %arg7[%dma_wait3A_973, %dma_wait3A_974, %dma_wait3A_975, %dma_wait3A_976] : memref<2x8x8x129xf32, #tpu.memory_space<vmem>> -> memref<1x8x8x128xf32, #tpu.memory_space<vmem>>
        %dma_wait3A_978 = tpu.memref_squeeze %dma_wait3A_977 : memref<1x8x8x128xf32, #tpu.memory_space<vmem>> -> memref<8x8x128xf32, #tpu.memory_space<vmem>>
        %dma_wait3A_979 = arith.constant 0 : i32
        %dma_wait3A_980 = arith.constant 0 : i32
        %dma_wait3A_981 = arith.constant 0 : i32
        %dma_wait3A_982 = tpu.memref_slice %arg4[%sub3A_972, %dma_wait3A_979, %add3A, %dma_wait3A_980, %dma_wait3A_981] : memref<200x8x32x8x128xf32, #tpu.memory_space<hbm>> -> memref<1x8x1x8x128xf32, #tpu.memory_space<hbm>>
        %dma_wait3A_983 = tpu.memref_squeeze %dma_wait3A_982 : memref<1x8x1x8x128xf32, #tpu.memory_space<hbm>> -> memref<8x8x128xf32, #tpu.memory_space<hbm>>
        %dma_wait3A_984 = arith.constant 0 : i32
        %dma_wait3A_985 = arith.constant 0 : i32
        %dma_wait3A_986 = arith.constant 0 : i32
        %dma_wait3A_987 = tpu.memref_slice %arg4[%sub3A_972, %dma_wait3A_984, %add3A, %dma_wait3A_985, %dma_wait3A_986] : memref<200x8x32x8x128xf32, #tpu.memory_space<hbm>> -> memref<1x8x1x8x128xf32, #tpu.memory_space<hbm>>
        %dma_wait3A_988 = tpu.memref_squeeze %dma_wait3A_987 : memref<1x8x1x8x128xf32, #tpu.memory_space<hbm>> -> memref<8x8x128xf32, #tpu.memory_space<hbm>>
        %dma_wait3A_989 = arith.constant 0 : i32
        %dma_wait3A_990 = arith.constant 0 : i32
        %dma_wait3A_991 = arith.constant 0 : i32
        %dma_wait3A_992 = tpu.memref_slice %arg7[%dma_wait3A_973, %dma_wait3A_989, %dma_wait3A_990, %dma_wait3A_991] : memref<2x8x8x129xf32, #tpu.memory_space<vmem>> -> memref<1x8x8x128xf32, #tpu.memory_space<vmem>>
        %dma_wait3A_993 = tpu.memref_squeeze %dma_wait3A_992 : memref<1x8x8x128xf32, #tpu.memory_space<vmem>> -> memref<8x8x128xf32, #tpu.memory_space<vmem>>
        tpu.wait_dma2 semaphore(%arg17 : memref<!tpu.dma_semaphore, #tpu.memory_space<semaphore_mem>>) src(%dma_wait3A_993 : memref<8x8x128xf32, #tpu.memory_space<vmem>>) dst(%dma_wait3A_988 : memref<8x8x128xf32, #tpu.memory_space<hbm>>)
      } else {
      }
      %iota3A_682 = tpu.iota {dimensions = array<i32: 0>} : vector<16xi32>
      %add3A_683 = arith.constant 0 : i32
      %add3A_684 = vector.broadcast %add3A_683 : i32 to vector<16xi32>
      %add3A_685 = arith.addi %iota3A_682, %add3A_684 : vector<16xi32>
      %shift_right_arithmetic3A_686 = arith.constant 3 : i32
      %shift_right_arithmetic3A_687 = vector.broadcast %shift_right_arithmetic3A_686 : i32 to vector<16xi32>
      %shift_right_arithmetic3A_688 = arith.shrsi %add3A_685, %shift_right_arithmetic3A_687 : vector<16xi32>
      %add3A_689 = arith.constant 16 : i32
      %add3A_690 = vector.broadcast %add3A_689 : i32 to vector<16xi32>
      %add3A_691 = arith.addi %iota3A_682, %add3A_690 : vector<16xi32>
      %shift_right_arithmetic3A_692 = arith.constant 3 : i32
      %shift_right_arithmetic3A_693 = vector.broadcast %shift_right_arithmetic3A_692 : i32 to vector<16xi32>
      %shift_right_arithmetic3A_694 = arith.shrsi %add3A_691, %shift_right_arithmetic3A_693 : vector<16xi32>
      %add3A_695 = arith.constant 32 : i32
      %add3A_696 = vector.broadcast %add3A_695 : i32 to vector<16xi32>
      %add3A_697 = arith.addi %iota3A_682, %add3A_696 : vector<16xi32>
      %shift_right_arithmetic3A_698 = arith.constant 3 : i32
      %shift_right_arithmetic3A_699 = vector.broadcast %shift_right_arithmetic3A_698 : i32 to vector<16xi32>
      %shift_right_arithmetic3A_700 = arith.shrsi %add3A_697, %shift_right_arithmetic3A_699 : vector<16xi32>
      %add3A_701 = arith.constant 48 : i32
      %add3A_702 = vector.broadcast %add3A_701 : i32 to vector<16xi32>
      %add3A_703 = arith.addi %iota3A_682, %add3A_702 : vector<16xi32>
      %shift_right_arithmetic3A_704 = arith.constant 3 : i32
      %shift_right_arithmetic3A_705 = vector.broadcast %shift_right_arithmetic3A_704 : i32 to vector<16xi32>
      %shift_right_arithmetic3A_706 = arith.shrsi %add3A_703, %shift_right_arithmetic3A_705 : vector<16xi32>
      %add3A_707 = arith.constant 0 : i32
      %add3A_708 = vector.broadcast %add3A_707 : i32 to vector<16xi32>
      %add3A_709 = arith.addi %iota3A_682, %add3A_708 : vector<16xi32>
      %and3A_710 = arith.constant 7 : i32
      %and3A_711 = vector.broadcast %and3A_710 : i32 to vector<16xi32>
      %and3A_712 = arith.andi %add3A_709, %and3A_711 : vector<16xi32>
      %add3A_713 = arith.constant 16 : i32
      %add3A_714 = vector.broadcast %add3A_713 : i32 to vector<16xi32>
      %add3A_715 = arith.addi %iota3A_682, %add3A_714 : vector<16xi32>
      %and3A_716 = arith.constant 7 : i32
      %and3A_717 = vector.broadcast %and3A_716 : i32 to vector<16xi32>
      %and3A_718 = arith.andi %add3A_715, %and3A_717 : vector<16xi32>
      %add3A_719 = arith.constant 32 : i32
      %add3A_720 = vector.broadcast %add3A_719 : i32 to vector<16xi32>
      %add3A_721 = arith.addi %iota3A_682, %add3A_720 : vector<16xi32>
      %and3A_722 = arith.constant 7 : i32
      %and3A_723 = vector.broadcast %and3A_722 : i32 to vector<16xi32>
      %and3A_724 = arith.andi %add3A_721, %and3A_723 : vector<16xi32>
      %add3A_725 = arith.constant 48 : i32
      %add3A_726 = vector.broadcast %add3A_725 : i32 to vector<16xi32>
      %add3A_727 = arith.addi %iota3A_682, %add3A_726 : vector<16xi32>
      %and3A_728 = arith.constant 7 : i32
      %and3A_729 = vector.broadcast %and3A_728 : i32 to vector<16xi32>
      %and3A_730 = arith.andi %add3A_727, %and3A_729 : vector<16xi32>
      %broadcast_in_dim3A_731 = arith.constant 0 : i32
      %broadcast_in_dim3A_732 = vector.broadcast %broadcast_in_dim3A_731 : i32 to vector<16xi32>
      %parallel_loop3A_733 = arith.constant 0 : i32
      %parallel_loop3A_734 = arith.constant 128 : i32
      %parallel_loop3A_735 = arith.constant 1 : i32
      %parallel_loop3A_736 = arith.constant 1 : i32
      %parallel_loop3A_737 = scf.for %parallel_loop3A_971 = %parallel_loop3A_733 to %parallel_loop3A_734 step %parallel_loop3A_735 iter_args(%parallel_loop3A_972 = %broadcast_in_dim3A_732) -> (vector<16xi32>)  : i32 {
        %parallel_loop3A_973 = arith.constant 5 : i32
        %parallel_loop3A_974 = arith.index_cast %parallel_loop3A_973 : i32 to index
        %parallel_loop3A_975 = arith.index_cast %parallel_loop3A_971 : i32 to index
        %parallel_loop3A_976 = arith.constant 0 : index
        %parallel_loop3A_977 = tpu.vector_load %arg6[%parallel_loop3A_974, %parallel_loop3A_975, %parallel_loop3A_976] {strides = array<i32>} : memref<8x128x64xf32, #tpu.memory_space<vmem>>, vector<16xf32>,
        %parallel_loop3A_978 = arith.constant 8.000000e+00 : f32
        %parallel_loop3A_979 = vector.broadcast %parallel_loop3A_978 : f32 to vector<16xf32>
        %parallel_loop3A_980 = arith.mulf %parallel_loop3A_977, %parallel_loop3A_979 : vector<16xf32>
        %parallel_loop3A_981 = arith.constant 0 : i32
        %parallel_loop3A_982 = arith.constant 0 : i32
        %parallel_loop3A_983 = arith.constant 0 : i32
        %parallel_loop3A_984 = tpu.memref_slice %arg7[%parallel_loop3A_736, %parallel_loop3A_981, %parallel_loop3A_982, %parallel_loop3A_983] : memref<2x8x8x129xf32, #tpu.memory_space<vmem>> -> memref<1x8x8x129xf32, #tpu.memory_space<vmem>>
        %parallel_loop3A_985 = tpu.memref_squeeze %parallel_loop3A_984 : memref<1x8x8x129xf32, #tpu.memory_space<vmem>> -> memref<8x8x129xf32, #tpu.memory_space<vmem>>
        tpu.vector_store_idx %parallel_loop3A_985[%shift_right_arithmetic3A_688, %and3A_712, %parallel_loop3A_972], %parallel_loop3A_980 : memref<8x8x129xf32, #tpu.memory_space<vmem>>[vector<16xi32>, vector<16xi32>, vector<16xi32>], vector<16xf32>,
        %parallel_loop3A_986 = arith.constant 5 : i32
        %parallel_loop3A_987 = arith.index_cast %parallel_loop3A_986 : i32 to index
        %parallel_loop3A_988 = arith.index_cast %parallel_loop3A_971 : i32 to index
        %parallel_loop3A_989 = arith.constant 16 : index
        %parallel_loop3A_990 = tpu.vector_load %arg6[%parallel_loop3A_987, %parallel_loop3A_988, %parallel_loop3A_989] {strides = array<i32>} : memref<8x128x64xf32, #tpu.memory_space<vmem>>, vector<16xf32>,
        %parallel_loop3A_991 = arith.constant 8.000000e+00 : f32
        %parallel_loop3A_992 = vector.broadcast %parallel_loop3A_991 : f32 to vector<16xf32>
        %parallel_loop3A_993 = arith.mulf %parallel_loop3A_990, %parallel_loop3A_992 : vector<16xf32>
        %parallel_loop3A_994 = arith.constant 0 : i32
        %parallel_loop3A_995 = arith.constant 0 : i32
        %parallel_loop3A_996 = arith.constant 0 : i32
        %parallel_loop3A_997 = tpu.memref_slice %arg7[%parallel_loop3A_736, %parallel_loop3A_994, %parallel_loop3A_995, %parallel_loop3A_996] : memref<2x8x8x129xf32, #tpu.memory_space<vmem>> -> memref<1x8x8x129xf32, #tpu.memory_space<vmem>>
        %parallel_loop3A_998 = tpu.memref_squeeze %parallel_loop3A_997 : memref<1x8x8x129xf32, #tpu.memory_space<vmem>> -> memref<8x8x129xf32, #tpu.memory_space<vmem>>
        tpu.vector_store_idx %parallel_loop3A_998[%shift_right_arithmetic3A_694, %and3A_718, %parallel_loop3A_972], %parallel_loop3A_993 : memref<8x8x129xf32, #tpu.memory_space<vmem>>[vector<16xi32>, vector<16xi32>, vector<16xi32>], vector<16xf32>,
        %parallel_loop3A_999 = arith.constant 5 : i32
        %parallel_loop3A_1000 = arith.index_cast %parallel_loop3A_999 : i32 to index
        %parallel_loop3A_1001 = arith.index_cast %parallel_loop3A_971 : i32 to index
        %parallel_loop3A_1002 = arith.constant 32 : index
        %parallel_loop3A_1003 = tpu.vector_load %arg6[%parallel_loop3A_1000, %parallel_loop3A_1001, %parallel_loop3A_1002] {strides = array<i32>} : memref<8x128x64xf32, #tpu.memory_space<vmem>>, vector<16xf32>,
        %parallel_loop3A_1004 = arith.constant 8.000000e+00 : f32
        %parallel_loop3A_1005 = vector.broadcast %parallel_loop3A_1004 : f32 to vector<16xf32>
        %parallel_loop3A_1006 = arith.mulf %parallel_loop3A_1003, %parallel_loop3A_1005 : vector<16xf32>
        %parallel_loop3A_1007 = arith.constant 0 : i32
        %parallel_loop3A_1008 = arith.constant 0 : i32
        %parallel_loop3A_1009 = arith.constant 0 : i32
        %parallel_loop3A_1010 = tpu.memref_slice %arg7[%parallel_loop3A_736, %parallel_loop3A_1007, %parallel_loop3A_1008, %parallel_loop3A_1009] : memref<2x8x8x129xf32, #tpu.memory_space<vmem>> -> memref<1x8x8x129xf32, #tpu.memory_space<vmem>>
        %parallel_loop3A_1011 = tpu.memref_squeeze %parallel_loop3A_1010 : memref<1x8x8x129xf32, #tpu.memory_space<vmem>> -> memref<8x8x129xf32, #tpu.memory_space<vmem>>
        tpu.vector_store_idx %parallel_loop3A_1011[%shift_right_arithmetic3A_700, %and3A_724, %parallel_loop3A_972], %parallel_loop3A_1006 : memref<8x8x129xf32, #tpu.memory_space<vmem>>[vector<16xi32>, vector<16xi32>, vector<16xi32>], vector<16xf32>,
        %parallel_loop3A_1012 = arith.constant 5 : i32
        %parallel_loop3A_1013 = arith.index_cast %parallel_loop3A_1012 : i32 to index
        %parallel_loop3A_1014 = arith.index_cast %parallel_loop3A_971 : i32 to index
        %parallel_loop3A_1015 = arith.constant 48 : index
        %parallel_loop3A_1016 = tpu.vector_load %arg6[%parallel_loop3A_1013, %parallel_loop3A_1014, %parallel_loop3A_1015] {strides = array<i32>} : memref<8x128x64xf32, #tpu.memory_space<vmem>>, vector<16xf32>,
        %parallel_loop3A_1017 = arith.constant 8.000000e+00 : f32
        %parallel_loop3A_1018 = vector.broadcast %parallel_loop3A_1017 : f32 to vector<16xf32>
        %parallel_loop3A_1019 = arith.mulf %parallel_loop3A_1016, %parallel_loop3A_1018 : vector<16xf32>
        %parallel_loop3A_1020 = arith.constant 0 : i32
        %parallel_loop3A_1021 = arith.constant 0 : i32
        %parallel_loop3A_1022 = arith.constant 0 : i32
        %parallel_loop3A_1023 = tpu.memref_slice %arg7[%parallel_loop3A_736, %parallel_loop3A_1020, %parallel_loop3A_1021, %parallel_loop3A_1022] : memref<2x8x8x129xf32, #tpu.memory_space<vmem>> -> memref<1x8x8x129xf32, #tpu.memory_space<vmem>>
        %parallel_loop3A_1024 = tpu.memref_squeeze %parallel_loop3A_1023 : memref<1x8x8x129xf32, #tpu.memory_space<vmem>> -> memref<8x8x129xf32, #tpu.memory_space<vmem>>
        tpu.vector_store_idx %parallel_loop3A_1024[%shift_right_arithmetic3A_706, %and3A_730, %parallel_loop3A_972], %parallel_loop3A_1019 : memref<8x8x129xf32, #tpu.memory_space<vmem>>[vector<16xi32>, vector<16xi32>, vector<16xi32>], vector<16xf32>,
        %parallel_loop3A_1025 = arith.constant 1 : i32
        %parallel_loop3A_1026 = vector.broadcast %parallel_loop3A_1025 : i32 to vector<16xi32>
        %parallel_loop3A_1027 = arith.addi %parallel_loop3A_972, %parallel_loop3A_1026 : vector<16xi32>
        scf.yield %parallel_loop3A_1027 : vector<16xi32>
      } {sc.loop_unroll_factor = 8 : i64, sc.parallel_access}
      %dma_start3A_738 = arith.constant 1 : i32
      %dma_start3A_739 = arith.constant 0 : i32
      %dma_start3A_740 = arith.constant 0 : i32
      %dma_start3A_741 = arith.constant 0 : i32
      %dma_start3A_742 = tpu.memref_slice %arg7[%dma_start3A_738, %dma_start3A_739, %dma_start3A_740, %dma_start3A_741] : memref<2x8x8x129xf32, #tpu.memory_space<vmem>> -> memref<1x8x8x128xf32, #tpu.memory_space<vmem>>
      %dma_start3A_743 = tpu.memref_squeeze %dma_start3A_742 : memref<1x8x8x128xf32, #tpu.memory_space<vmem>> -> memref<8x8x128xf32, #tpu.memory_space<vmem>>
      %dma_start3A_744 = arith.constant 0 : i32
      %dma_start3A_745 = arith.constant 0 : i32
      %dma_start3A_746 = arith.constant 0 : i32
      %dma_start3A_747 = tpu.memref_slice %arg4[%add3A_656, %dma_start3A_744, %add3A, %dma_start3A_745, %dma_start3A_746] : memref<200x8x32x8x128xf32, #tpu.memory_space<hbm>> -> memref<1x8x1x8x128xf32, #tpu.memory_space<hbm>>
      %dma_start3A_748 = tpu.memref_squeeze %dma_start3A_747 : memref<1x8x1x8x128xf32, #tpu.memory_space<hbm>> -> memref<8x8x128xf32, #tpu.memory_space<hbm>>
      %dma_start3A_749 = arith.constant 0 : i32
      %dma_start3A_750 = arith.constant 0 : i32
      %dma_start3A_751 = arith.constant 0 : i32
      %dma_start3A_752 = tpu.memref_slice %arg4[%add3A_656, %dma_start3A_749, %add3A, %dma_start3A_750, %dma_start3A_751] : memref<200x8x32x8x128xf32, #tpu.memory_space<hbm>> -> memref<1x8x1x8x128xf32, #tpu.memory_space<hbm>>
      %dma_start3A_753 = tpu.memref_squeeze %dma_start3A_752 : memref<1x8x1x8x128xf32, #tpu.memory_space<hbm>> -> memref<8x8x128xf32, #tpu.memory_space<hbm>>
      %dma_start3A_754 = arith.constant 0 : i32
      %dma_start3A_755 = arith.constant 0 : i32
      %dma_start3A_756 = arith.constant 0 : i32
      %dma_start3A_757 = tpu.memref_slice %arg7[%dma_start3A_738, %dma_start3A_754, %dma_start3A_755, %dma_start3A_756] : memref<2x8x8x129xf32, #tpu.memory_space<vmem>> -> memref<1x8x8x128xf32, #tpu.memory_space<vmem>>
      %dma_start3A_758 = tpu.memref_squeeze %dma_start3A_757 : memref<1x8x8x128xf32, #tpu.memory_space<vmem>> -> memref<8x8x128xf32, #tpu.memory_space<vmem>>
      tpu.enqueue_dma source(%dma_start3A_758 : memref<8x8x128xf32, #tpu.memory_space<vmem>>) target(%dma_start3A_753 : memref<8x8x128xf32, #tpu.memory_space<hbm>>) target_semaphore(%arg17 : memref<!tpu.dma_semaphore, #tpu.memory_space<semaphore_mem>>)
      %mul3A_759 = arith.constant 8 : i32
      %mul3A_760 = arith.muli %scan3A_132, %mul3A_759 : i32
      %add3A_761 = arith.constant 6 : i32
      %add3A_762 = arith.addi %mul3A_760, %add3A_761 : i32
      %dma_wait3A_763 = arith.constant 6 : i32
      %dma_wait3A_764 = arith.constant 0 : i32
      %dma_wait3A_765 = arith.constant 0 : i32
      %dma_wait3A_766 = tpu.memref_slice %arg6[%dma_wait3A_763, %dma_wait3A_764, %dma_wait3A_765] : memref<8x128x64xf32, #tpu.memory_space<vmem>> -> memref<1x128x64xf32, #tpu.memory_space<vmem>>
      %dma_wait3A_767 = tpu.memref_squeeze %dma_wait3A_766 : memref<1x128x64xf32, #tpu.memory_space<vmem>> -> memref<128x64xf32, #tpu.memory_space<vmem>>
      %dma_wait3A_768 = arith.constant 0 : i32
      %dma_wait3A_769 = tpu.memref_slice %arg5[%add3A_762, %dma_wait3A_768] : memref<200x128xi32, #tpu.memory_space<vmem>> -> memref<1x128xi32, #tpu.memory_space<vmem>>
      %dma_wait3A_770 = tpu.memref_squeeze %dma_wait3A_769 : memref<1x128xi32, #tpu.memory_space<vmem>> -> memref<128xi32, #tpu.memory_space<vmem>>
      %dma_wait3A_771 = arith.constant 0 : i32
      %dma_wait3A_772 = arith.constant 0 : i32
      %dma_wait3A_773 = tpu.memref_slice %arg3[%dma_wait3A_771, %dma_wait3A_772] : memref<1000000x64xf32, #tpu.memory_space<hbm>> -> memref<1000000x64xf32, #tpu.memory_space<hbm>>
      tpu.wait_indirect_dma semaphore(%arg14 : memref<!tpu.dma_semaphore, #tpu.memory_space<semaphore_mem>>) src(%dma_wait3A_773 : memref<1000000x64xf32, #tpu.memory_space<hbm>>) dst(%dma_wait3A_767 : memref<128x64xf32, #tpu.memory_space<vmem>>)
      %add3A_774 = arith.constant 8 : i32
      %add3A_775 = arith.addi %add3A_762, %add3A_774 : i32
      %sub3A_776 = arith.constant 1 : i32
      %sub3A_777 = arith.subi %add3A_775, %sub3A_776 : i32
      %lt3A_778 = arith.constant 200 : i32
      %lt3A_779 = arith.cmpi slt, %sub3A_777, %lt3A_778 : i32
      %convert_element_type3A_780 = arith.extui %lt3A_779 : i1 to i32
      %cond3A_781 = arith.constant 0 : i32
      %cond3A_782 = arith.cmpi ne, %convert_element_type3A_780, %cond3A_781 : i32
      scf.if %cond3A_782 {
        %add3A_971 = arith.constant 8 : i32
        %add3A_972 = arith.addi %add3A_762, %add3A_971 : i32
        %sub3A_973 = arith.constant 1 : i32
        %sub3A_974 = arith.subi %add3A_972, %sub3A_973 : i32
        %dma_start3A_975 = arith.constant 5 : i32
        %dma_start3A_976 = arith.constant 0 : i32
        %dma_start3A_977 = arith.constant 0 : i32
        %dma_start3A_978 = tpu.memref_slice %arg6[%dma_start3A_975, %dma_start3A_976, %dma_start3A_977] : memref<8x128x64xf32, #tpu.memory_space<vmem>> -> memref<1x128x64xf32, #tpu.memory_space<vmem>>
        %dma_start3A_979 = tpu.memref_squeeze %dma_start3A_978 : memref<1x128x64xf32, #tpu.memory_space<vmem>> -> memref<128x64xf32, #tpu.memory_space<vmem>>
        %dma_start3A_980 = arith.constant 0 : i32
        %dma_start3A_981 = tpu.memref_slice %arg5[%sub3A_974, %dma_start3A_980] : memref<200x128xi32, #tpu.memory_space<vmem>> -> memref<1x128xi32, #tpu.memory_space<vmem>>
        %dma_start3A_982 = tpu.memref_squeeze %dma_start3A_981 : memref<1x128xi32, #tpu.memory_space<vmem>> -> memref<128xi32, #tpu.memory_space<vmem>>
        %dma_start3A_983 = arith.constant 0 : i32
        %dma_start3A_984 = arith.constant 0 : i32
        %dma_start3A_985 = tpu.memref_slice %arg3[%dma_start3A_983, %dma_start3A_984] : memref<1000000x64xf32, #tpu.memory_space<hbm>> -> memref<1000000x64xf32, #tpu.memory_space<hbm>>
        tpu.enqueue_indirect_dma source(%dma_start3A_985 : memref<1000000x64xf32, #tpu.memory_space<hbm>>) target(%dma_start3A_979 : memref<128x64xf32, #tpu.memory_space<vmem>>) offsets(%dma_start3A_982 : memref<128xi32, #tpu.memory_space<vmem>>) semaphore(%arg13 : memref<!tpu.dma_semaphore, #tpu.memory_space<semaphore_mem>>)
      } else {
      }
      %ge3A_783 = arith.constant 2 : i32
      %ge3A_784 = arith.cmpi sge, %add3A_762, %ge3A_783 : i32
      %convert_element_type3A_785 = arith.extui %ge3A_784 : i1 to i32
      %cond3A_786 = arith.constant 0 : i32
      %cond3A_787 = arith.cmpi ne, %convert_element_type3A_785, %cond3A_786 : i32
      scf.if %cond3A_787 {
        %sub3A_971 = arith.constant 2 : i32
        %sub3A_972 = arith.subi %add3A_762, %sub3A_971 : i32
        %dma_wait3A_973 = arith.constant 0 : i32
        %dma_wait3A_974 = arith.constant 0 : i32
        %dma_wait3A_975 = arith.constant 0 : i32
        %dma_wait3A_976 = arith.constant 0 : i32
        %dma_wait3A_977 = tpu.memref_slice %arg7[%dma_wait3A_973, %dma_wait3A_974, %dma_wait3A_975, %dma_wait3A_976] : memref<2x8x8x129xf32, #tpu.memory_space<vmem>> -> memref<1x8x8x128xf32, #tpu.memory_space<vmem>>
        %dma_wait3A_978 = tpu.memref_squeeze %dma_wait3A_977 : memref<1x8x8x128xf32, #tpu.memory_space<vmem>> -> memref<8x8x128xf32, #tpu.memory_space<vmem>>
        %dma_wait3A_979 = arith.constant 0 : i32
        %dma_wait3A_980 = arith.constant 0 : i32
        %dma_wait3A_981 = arith.constant 0 : i32
        %dma_wait3A_982 = tpu.memref_slice %arg4[%sub3A_972, %dma_wait3A_979, %add3A, %dma_wait3A_980, %dma_wait3A_981] : memref<200x8x32x8x128xf32, #tpu.memory_space<hbm>> -> memref<1x8x1x8x128xf32, #tpu.memory_space<hbm>>
        %dma_wait3A_983 = tpu.memref_squeeze %dma_wait3A_982 : memref<1x8x1x8x128xf32, #tpu.memory_space<hbm>> -> memref<8x8x128xf32, #tpu.memory_space<hbm>>
        %dma_wait3A_984 = arith.constant 0 : i32
        %dma_wait3A_985 = arith.constant 0 : i32
        %dma_wait3A_986 = arith.constant 0 : i32
        %dma_wait3A_987 = tpu.memref_slice %arg4[%sub3A_972, %dma_wait3A_984, %add3A, %dma_wait3A_985, %dma_wait3A_986] : memref<200x8x32x8x128xf32, #tpu.memory_space<hbm>> -> memref<1x8x1x8x128xf32, #tpu.memory_space<hbm>>
        %dma_wait3A_988 = tpu.memref_squeeze %dma_wait3A_987 : memref<1x8x1x8x128xf32, #tpu.memory_space<hbm>> -> memref<8x8x128xf32, #tpu.memory_space<hbm>>
        %dma_wait3A_989 = arith.constant 0 : i32
        %dma_wait3A_990 = arith.constant 0 : i32
        %dma_wait3A_991 = arith.constant 0 : i32
        %dma_wait3A_992 = tpu.memref_slice %arg7[%dma_wait3A_973, %dma_wait3A_989, %dma_wait3A_990, %dma_wait3A_991] : memref<2x8x8x129xf32, #tpu.memory_space<vmem>> -> memref<1x8x8x128xf32, #tpu.memory_space<vmem>>
        %dma_wait3A_993 = tpu.memref_squeeze %dma_wait3A_992 : memref<1x8x8x128xf32, #tpu.memory_space<vmem>> -> memref<8x8x128xf32, #tpu.memory_space<vmem>>
        tpu.wait_dma2 semaphore(%arg16 : memref<!tpu.dma_semaphore, #tpu.memory_space<semaphore_mem>>) src(%dma_wait3A_993 : memref<8x8x128xf32, #tpu.memory_space<vmem>>) dst(%dma_wait3A_988 : memref<8x8x128xf32, #tpu.memory_space<hbm>>)
      } else {
      }
      %iota3A_788 = tpu.iota {dimensions = array<i32: 0>} : vector<16xi32>
      %add3A_789 = arith.constant 0 : i32
      %add3A_790 = vector.broadcast %add3A_789 : i32 to vector<16xi32>
      %add3A_791 = arith.addi %iota3A_788, %add3A_790 : vector<16xi32>
      %shift_right_arithmetic3A_792 = arith.constant 3 : i32
      %shift_right_arithmetic3A_793 = vector.broadcast %shift_right_arithmetic3A_792 : i32 to vector<16xi32>
      %shift_right_arithmetic3A_794 = arith.shrsi %add3A_791, %shift_right_arithmetic3A_793 : vector<16xi32>
      %add3A_795 = arith.constant 16 : i32
      %add3A_796 = vector.broadcast %add3A_795 : i32 to vector<16xi32>
      %add3A_797 = arith.addi %iota3A_788, %add3A_796 : vector<16xi32>
      %shift_right_arithmetic3A_798 = arith.constant 3 : i32
      %shift_right_arithmetic3A_799 = vector.broadcast %shift_right_arithmetic3A_798 : i32 to vector<16xi32>
      %shift_right_arithmetic3A_800 = arith.shrsi %add3A_797, %shift_right_arithmetic3A_799 : vector<16xi32>
      %add3A_801 = arith.constant 32 : i32
      %add3A_802 = vector.broadcast %add3A_801 : i32 to vector<16xi32>
      %add3A_803 = arith.addi %iota3A_788, %add3A_802 : vector<16xi32>
      %shift_right_arithmetic3A_804 = arith.constant 3 : i32
      %shift_right_arithmetic3A_805 = vector.broadcast %shift_right_arithmetic3A_804 : i32 to vector<16xi32>
      %shift_right_arithmetic3A_806 = arith.shrsi %add3A_803, %shift_right_arithmetic3A_805 : vector<16xi32>
      %add3A_807 = arith.constant 48 : i32
      %add3A_808 = vector.broadcast %add3A_807 : i32 to vector<16xi32>
      %add3A_809 = arith.addi %iota3A_788, %add3A_808 : vector<16xi32>
      %shift_right_arithmetic3A_810 = arith.constant 3 : i32
      %shift_right_arithmetic3A_811 = vector.broadcast %shift_right_arithmetic3A_810 : i32 to vector<16xi32>
      %shift_right_arithmetic3A_812 = arith.shrsi %add3A_809, %shift_right_arithmetic3A_811 : vector<16xi32>
      %add3A_813 = arith.constant 0 : i32
      %add3A_814 = vector.broadcast %add3A_813 : i32 to vector<16xi32>
      %add3A_815 = arith.addi %iota3A_788, %add3A_814 : vector<16xi32>
      %and3A_816 = arith.constant 7 : i32
      %and3A_817 = vector.broadcast %and3A_816 : i32 to vector<16xi32>
      %and3A_818 = arith.andi %add3A_815, %and3A_817 : vector<16xi32>
      %add3A_819 = arith.constant 16 : i32
      %add3A_820 = vector.broadcast %add3A_819 : i32 to vector<16xi32>
      %add3A_821 = arith.addi %iota3A_788, %add3A_820 : vector<16xi32>
      %and3A_822 = arith.constant 7 : i32
      %and3A_823 = vector.broadcast %and3A_822 : i32 to vector<16xi32>
      %and3A_824 = arith.andi %add3A_821, %and3A_823 : vector<16xi32>
      %add3A_825 = arith.constant 32 : i32
      %add3A_826 = vector.broadcast %add3A_825 : i32 to vector<16xi32>
      %add3A_827 = arith.addi %iota3A_788, %add3A_826 : vector<16xi32>
      %and3A_828 = arith.constant 7 : i32
      %and3A_829 = vector.broadcast %and3A_828 : i32 to vector<16xi32>
      %and3A_830 = arith.andi %add3A_827, %and3A_829 : vector<16xi32>
      %add3A_831 = arith.constant 48 : i32
      %add3A_832 = vector.broadcast %add3A_831 : i32 to vector<16xi32>
      %add3A_833 = arith.addi %iota3A_788, %add3A_832 : vector<16xi32>
      %and3A_834 = arith.constant 7 : i32
      %and3A_835 = vector.broadcast %and3A_834 : i32 to vector<16xi32>
      %and3A_836 = arith.andi %add3A_833, %and3A_835 : vector<16xi32>
      %broadcast_in_dim3A_837 = arith.constant 0 : i32
      %broadcast_in_dim3A_838 = vector.broadcast %broadcast_in_dim3A_837 : i32 to vector<16xi32>
      %parallel_loop3A_839 = arith.constant 0 : i32
      %parallel_loop3A_840 = arith.constant 128 : i32
      %parallel_loop3A_841 = arith.constant 1 : i32
      %parallel_loop3A_842 = arith.constant 0 : i32
      %parallel_loop3A_843 = scf.for %parallel_loop3A_971 = %parallel_loop3A_839 to %parallel_loop3A_840 step %parallel_loop3A_841 iter_args(%parallel_loop3A_972 = %broadcast_in_dim3A_838) -> (vector<16xi32>)  : i32 {
        %parallel_loop3A_973 = arith.constant 6 : i32
        %parallel_loop3A_974 = arith.index_cast %parallel_loop3A_973 : i32 to index
        %parallel_loop3A_975 = arith.index_cast %parallel_loop3A_971 : i32 to index
        %parallel_loop3A_976 = arith.constant 0 : index
        %parallel_loop3A_977 = tpu.vector_load %arg6[%parallel_loop3A_974, %parallel_loop3A_975, %parallel_loop3A_976] {strides = array<i32>} : memref<8x128x64xf32, #tpu.memory_space<vmem>>, vector<16xf32>,
        %parallel_loop3A_978 = arith.constant 8.000000e+00 : f32
        %parallel_loop3A_979 = vector.broadcast %parallel_loop3A_978 : f32 to vector<16xf32>
        %parallel_loop3A_980 = arith.mulf %parallel_loop3A_977, %parallel_loop3A_979 : vector<16xf32>
        %parallel_loop3A_981 = arith.constant 0 : i32
        %parallel_loop3A_982 = arith.constant 0 : i32
        %parallel_loop3A_983 = arith.constant 0 : i32
        %parallel_loop3A_984 = tpu.memref_slice %arg7[%parallel_loop3A_842, %parallel_loop3A_981, %parallel_loop3A_982, %parallel_loop3A_983] : memref<2x8x8x129xf32, #tpu.memory_space<vmem>> -> memref<1x8x8x129xf32, #tpu.memory_space<vmem>>
        %parallel_loop3A_985 = tpu.memref_squeeze %parallel_loop3A_984 : memref<1x8x8x129xf32, #tpu.memory_space<vmem>> -> memref<8x8x129xf32, #tpu.memory_space<vmem>>
        tpu.vector_store_idx %parallel_loop3A_985[%shift_right_arithmetic3A_794, %and3A_818, %parallel_loop3A_972], %parallel_loop3A_980 : memref<8x8x129xf32, #tpu.memory_space<vmem>>[vector<16xi32>, vector<16xi32>, vector<16xi32>], vector<16xf32>,
        %parallel_loop3A_986 = arith.constant 6 : i32
        %parallel_loop3A_987 = arith.index_cast %parallel_loop3A_986 : i32 to index
        %parallel_loop3A_988 = arith.index_cast %parallel_loop3A_971 : i32 to index
        %parallel_loop3A_989 = arith.constant 16 : index
        %parallel_loop3A_990 = tpu.vector_load %arg6[%parallel_loop3A_987, %parallel_loop3A_988, %parallel_loop3A_989] {strides = array<i32>} : memref<8x128x64xf32, #tpu.memory_space<vmem>>, vector<16xf32>,
        %parallel_loop3A_991 = arith.constant 8.000000e+00 : f32
        %parallel_loop3A_992 = vector.broadcast %parallel_loop3A_991 : f32 to vector<16xf32>
        %parallel_loop3A_993 = arith.mulf %parallel_loop3A_990, %parallel_loop3A_992 : vector<16xf32>
        %parallel_loop3A_994 = arith.constant 0 : i32
        %parallel_loop3A_995 = arith.constant 0 : i32
        %parallel_loop3A_996 = arith.constant 0 : i32
        %parallel_loop3A_997 = tpu.memref_slice %arg7[%parallel_loop3A_842, %parallel_loop3A_994, %parallel_loop3A_995, %parallel_loop3A_996] : memref<2x8x8x129xf32, #tpu.memory_space<vmem>> -> memref<1x8x8x129xf32, #tpu.memory_space<vmem>>
        %parallel_loop3A_998 = tpu.memref_squeeze %parallel_loop3A_997 : memref<1x8x8x129xf32, #tpu.memory_space<vmem>> -> memref<8x8x129xf32, #tpu.memory_space<vmem>>
        tpu.vector_store_idx %parallel_loop3A_998[%shift_right_arithmetic3A_800, %and3A_824, %parallel_loop3A_972], %parallel_loop3A_993 : memref<8x8x129xf32, #tpu.memory_space<vmem>>[vector<16xi32>, vector<16xi32>, vector<16xi32>], vector<16xf32>,
        %parallel_loop3A_999 = arith.constant 6 : i32
        %parallel_loop3A_1000 = arith.index_cast %parallel_loop3A_999 : i32 to index
        %parallel_loop3A_1001 = arith.index_cast %parallel_loop3A_971 : i32 to index
        %parallel_loop3A_1002 = arith.constant 32 : index
        %parallel_loop3A_1003 = tpu.vector_load %arg6[%parallel_loop3A_1000, %parallel_loop3A_1001, %parallel_loop3A_1002] {strides = array<i32>} : memref<8x128x64xf32, #tpu.memory_space<vmem>>, vector<16xf32>,
        %parallel_loop3A_1004 = arith.constant 8.000000e+00 : f32
        %parallel_loop3A_1005 = vector.broadcast %parallel_loop3A_1004 : f32 to vector<16xf32>
        %parallel_loop3A_1006 = arith.mulf %parallel_loop3A_1003, %parallel_loop3A_1005 : vector<16xf32>
        %parallel_loop3A_1007 = arith.constant 0 : i32
        %parallel_loop3A_1008 = arith.constant 0 : i32
        %parallel_loop3A_1009 = arith.constant 0 : i32
        %parallel_loop3A_1010 = tpu.memref_slice %arg7[%parallel_loop3A_842, %parallel_loop3A_1007, %parallel_loop3A_1008, %parallel_loop3A_1009] : memref<2x8x8x129xf32, #tpu.memory_space<vmem>> -> memref<1x8x8x129xf32, #tpu.memory_space<vmem>>
        %parallel_loop3A_1011 = tpu.memref_squeeze %parallel_loop3A_1010 : memref<1x8x8x129xf32, #tpu.memory_space<vmem>> -> memref<8x8x129xf32, #tpu.memory_space<vmem>>
        tpu.vector_store_idx %parallel_loop3A_1011[%shift_right_arithmetic3A_806, %and3A_830, %parallel_loop3A_972], %parallel_loop3A_1006 : memref<8x8x129xf32, #tpu.memory_space<vmem>>[vector<16xi32>, vector<16xi32>, vector<16xi32>], vector<16xf32>,
        %parallel_loop3A_1012 = arith.constant 6 : i32
        %parallel_loop3A_1013 = arith.index_cast %parallel_loop3A_1012 : i32 to index
        %parallel_loop3A_1014 = arith.index_cast %parallel_loop3A_971 : i32 to index
        %parallel_loop3A_1015 = arith.constant 48 : index
        %parallel_loop3A_1016 = tpu.vector_load %arg6[%parallel_loop3A_1013, %parallel_loop3A_1014, %parallel_loop3A_1015] {strides = array<i32>} : memref<8x128x64xf32, #tpu.memory_space<vmem>>, vector<16xf32>,
        %parallel_loop3A_1017 = arith.constant 8.000000e+00 : f32
        %parallel_loop3A_1018 = vector.broadcast %parallel_loop3A_1017 : f32 to vector<16xf32>
        %parallel_loop3A_1019 = arith.mulf %parallel_loop3A_1016, %parallel_loop3A_1018 : vector<16xf32>
        %parallel_loop3A_1020 = arith.constant 0 : i32
        %parallel_loop3A_1021 = arith.constant 0 : i32
        %parallel_loop3A_1022 = arith.constant 0 : i32
        %parallel_loop3A_1023 = tpu.memref_slice %arg7[%parallel_loop3A_842, %parallel_loop3A_1020, %parallel_loop3A_1021, %parallel_loop3A_1022] : memref<2x8x8x129xf32, #tpu.memory_space<vmem>> -> memref<1x8x8x129xf32, #tpu.memory_space<vmem>>
        %parallel_loop3A_1024 = tpu.memref_squeeze %parallel_loop3A_1023 : memref<1x8x8x129xf32, #tpu.memory_space<vmem>> -> memref<8x8x129xf32, #tpu.memory_space<vmem>>
        tpu.vector_store_idx %parallel_loop3A_1024[%shift_right_arithmetic3A_812, %and3A_836, %parallel_loop3A_972], %parallel_loop3A_1019 : memref<8x8x129xf32, #tpu.memory_space<vmem>>[vector<16xi32>, vector<16xi32>, vector<16xi32>], vector<16xf32>,
        %parallel_loop3A_1025 = arith.constant 1 : i32
        %parallel_loop3A_1026 = vector.broadcast %parallel_loop3A_1025 : i32 to vector<16xi32>
        %parallel_loop3A_1027 = arith.addi %parallel_loop3A_972, %parallel_loop3A_1026 : vector<16xi32>
        scf.yield %parallel_loop3A_1027 : vector<16xi32>
      } {sc.loop_unroll_factor = 8 : i64, sc.parallel_access}
      %dma_start3A_844 = arith.constant 0 : i32
      %dma_start3A_845 = arith.constant 0 : i32
      %dma_start3A_846 = arith.constant 0 : i32
      %dma_start3A_847 = arith.constant 0 : i32
      %dma_start3A_848 = tpu.memref_slice %arg7[%dma_start3A_844, %dma_start3A_845, %dma_start3A_846, %dma_start3A_847] : memref<2x8x8x129xf32, #tpu.memory_space<vmem>> -> memref<1x8x8x128xf32, #tpu.memory_space<vmem>>
      %dma_start3A_849 = tpu.memref_squeeze %dma_start3A_848 : memref<1x8x8x128xf32, #tpu.memory_space<vmem>> -> memref<8x8x128xf32, #tpu.memory_space<vmem>>
      %dma_start3A_850 = arith.constant 0 : i32
      %dma_start3A_851 = arith.constant 0 : i32
      %dma_start3A_852 = arith.constant 0 : i32
      %dma_start3A_853 = tpu.memref_slice %arg4[%add3A_762, %dma_start3A_850, %add3A, %dma_start3A_851, %dma_start3A_852] : memref<200x8x32x8x128xf32, #tpu.memory_space<hbm>> -> memref<1x8x1x8x128xf32, #tpu.memory_space<hbm>>
      %dma_start3A_854 = tpu.memref_squeeze %dma_start3A_853 : memref<1x8x1x8x128xf32, #tpu.memory_space<hbm>> -> memref<8x8x128xf32, #tpu.memory_space<hbm>>
      %dma_start3A_855 = arith.constant 0 : i32
      %dma_start3A_856 = arith.constant 0 : i32
      %dma_start3A_857 = arith.constant 0 : i32
      %dma_start3A_858 = tpu.memref_slice %arg4[%add3A_762, %dma_start3A_855, %add3A, %dma_start3A_856, %dma_start3A_857] : memref<200x8x32x8x128xf32, #tpu.memory_space<hbm>> -> memref<1x8x1x8x128xf32, #tpu.memory_space<hbm>>
      %dma_start3A_859 = tpu.memref_squeeze %dma_start3A_858 : memref<1x8x1x8x128xf32, #tpu.memory_space<hbm>> -> memref<8x8x128xf32, #tpu.memory_space<hbm>>
      %dma_start3A_860 = arith.constant 0 : i32
      %dma_start3A_861 = arith.constant 0 : i32
      %dma_start3A_862 = arith.constant 0 : i32
      %dma_start3A_863 = tpu.memref_slice %arg7[%dma_start3A_844, %dma_start3A_860, %dma_start3A_861, %dma_start3A_862] : memref<2x8x8x129xf32, #tpu.memory_space<vmem>> -> memref<1x8x8x128xf32, #tpu.memory_space<vmem>>
      %dma_start3A_864 = tpu.memref_squeeze %dma_start3A_863 : memref<1x8x8x128xf32, #tpu.memory_space<vmem>> -> memref<8x8x128xf32, #tpu.memory_space<vmem>>
      tpu.enqueue_dma source(%dma_start3A_864 : memref<8x8x128xf32, #tpu.memory_space<vmem>>) target(%dma_start3A_859 : memref<8x8x128xf32, #tpu.memory_space<hbm>>) target_semaphore(%arg16 : memref<!tpu.dma_semaphore, #tpu.memory_space<semaphore_mem>>)
      %mul3A_865 = arith.constant 8 : i32
      %mul3A_866 = arith.muli %scan3A_132, %mul3A_865 : i32
      %add3A_867 = arith.constant 7 : i32
      %add3A_868 = arith.addi %mul3A_866, %add3A_867 : i32
      %dma_wait3A_869 = arith.constant 7 : i32
      %dma_wait3A_870 = arith.constant 0 : i32
      %dma_wait3A_871 = arith.constant 0 : i32
      %dma_wait3A_872 = tpu.memref_slice %arg6[%dma_wait3A_869, %dma_wait3A_870, %dma_wait3A_871] : memref<8x128x64xf32, #tpu.memory_space<vmem>> -> memref<1x128x64xf32, #tpu.memory_space<vmem>>
      %dma_wait3A_873 = tpu.memref_squeeze %dma_wait3A_872 : memref<1x128x64xf32, #tpu.memory_space<vmem>> -> memref<128x64xf32, #tpu.memory_space<vmem>>
      %dma_wait3A_874 = arith.constant 0 : i32
      %dma_wait3A_875 = tpu.memref_slice %arg5[%add3A_868, %dma_wait3A_874] : memref<200x128xi32, #tpu.memory_space<vmem>> -> memref<1x128xi32, #tpu.memory_space<vmem>>
      %dma_wait3A_876 = tpu.memref_squeeze %dma_wait3A_875 : memref<1x128xi32, #tpu.memory_space<vmem>> -> memref<128xi32, #tpu.memory_space<vmem>>
      %dma_wait3A_877 = arith.constant 0 : i32
      %dma_wait3A_878 = arith.constant 0 : i32
      %dma_wait3A_879 = tpu.memref_slice %arg3[%dma_wait3A_877, %dma_wait3A_878] : memref<1000000x64xf32, #tpu.memory_space<hbm>> -> memref<1000000x64xf32, #tpu.memory_space<hbm>>
      tpu.wait_indirect_dma semaphore(%arg15 : memref<!tpu.dma_semaphore, #tpu.memory_space<semaphore_mem>>) src(%dma_wait3A_879 : memref<1000000x64xf32, #tpu.memory_space<hbm>>) dst(%dma_wait3A_873 : memref<128x64xf32, #tpu.memory_space<vmem>>)
      %add3A_880 = arith.constant 8 : i32
      %add3A_881 = arith.addi %add3A_868, %add3A_880 : i32
      %sub3A_882 = arith.constant 1 : i32
      %sub3A_883 = arith.subi %add3A_881, %sub3A_882 : i32
      %lt3A_884 = arith.constant 200 : i32
      %lt3A_885 = arith.cmpi slt, %sub3A_883, %lt3A_884 : i32
      %convert_element_type3A_886 = arith.extui %lt3A_885 : i1 to i32
      %cond3A_887 = arith.constant 0 : i32
      %cond3A_888 = arith.cmpi ne, %convert_element_type3A_886, %cond3A_887 : i32
      scf.if %cond3A_888 {
        %add3A_971 = arith.constant 8 : i32
        %add3A_972 = arith.addi %add3A_868, %add3A_971 : i32
        %sub3A_973 = arith.constant 1 : i32
        %sub3A_974 = arith.subi %add3A_972, %sub3A_973 : i32
        %dma_start3A_975 = arith.constant 6 : i32
        %dma_start3A_976 = arith.constant 0 : i32
        %dma_start3A_977 = arith.constant 0 : i32
        %dma_start3A_978 = tpu.memref_slice %arg6[%dma_start3A_975, %dma_start3A_976, %dma_start3A_977] : memref<8x128x64xf32, #tpu.memory_space<vmem>> -> memref<1x128x64xf32, #tpu.memory_space<vmem>>
        %dma_start3A_979 = tpu.memref_squeeze %dma_start3A_978 : memref<1x128x64xf32, #tpu.memory_space<vmem>> -> memref<128x64xf32, #tpu.memory_space<vmem>>
        %dma_start3A_980 = arith.constant 0 : i32
        %dma_start3A_981 = tpu.memref_slice %arg5[%sub3A_974, %dma_start3A_980] : memref<200x128xi32, #tpu.memory_space<vmem>> -> memref<1x128xi32, #tpu.memory_space<vmem>>
        %dma_start3A_982 = tpu.memref_squeeze %dma_start3A_981 : memref<1x128xi32, #tpu.memory_space<vmem>> -> memref<128xi32, #tpu.memory_space<vmem>>
        %dma_start3A_983 = arith.constant 0 : i32
        %dma_start3A_984 = arith.constant 0 : i32
        %dma_start3A_985 = tpu.memref_slice %arg3[%dma_start3A_983, %dma_start3A_984] : memref<1000000x64xf32, #tpu.memory_space<hbm>> -> memref<1000000x64xf32, #tpu.memory_space<hbm>>
        tpu.enqueue_indirect_dma source(%dma_start3A_985 : memref<1000000x64xf32, #tpu.memory_space<hbm>>) target(%dma_start3A_979 : memref<128x64xf32, #tpu.memory_space<vmem>>) offsets(%dma_start3A_982 : memref<128xi32, #tpu.memory_space<vmem>>) semaphore(%arg14 : memref<!tpu.dma_semaphore, #tpu.memory_space<semaphore_mem>>)
      } else {
      }
      %ge3A_889 = arith.constant 2 : i32
      %ge3A_890 = arith.cmpi sge, %add3A_868, %ge3A_889 : i32
      %convert_element_type3A_891 = arith.extui %ge3A_890 : i1 to i32
      %cond3A_892 = arith.constant 0 : i32
      %cond3A_893 = arith.cmpi ne, %convert_element_type3A_891, %cond3A_892 : i32
      scf.if %cond3A_893 {
        %sub3A_971 = arith.constant 2 : i32
        %sub3A_972 = arith.subi %add3A_868, %sub3A_971 : i32
        %dma_wait3A_973 = arith.constant 1 : i32
        %dma_wait3A_974 = arith.constant 0 : i32
        %dma_wait3A_975 = arith.constant 0 : i32
        %dma_wait3A_976 = arith.constant 0 : i32
        %dma_wait3A_977 = tpu.memref_slice %arg7[%dma_wait3A_973, %dma_wait3A_974, %dma_wait3A_975, %dma_wait3A_976] : memref<2x8x8x129xf32, #tpu.memory_space<vmem>> -> memref<1x8x8x128xf32, #tpu.memory_space<vmem>>
        %dma_wait3A_978 = tpu.memref_squeeze %dma_wait3A_977 : memref<1x8x8x128xf32, #tpu.memory_space<vmem>> -> memref<8x8x128xf32, #tpu.memory_space<vmem>>
        %dma_wait3A_979 = arith.constant 0 : i32
        %dma_wait3A_980 = arith.constant 0 : i32
        %dma_wait3A_981 = arith.constant 0 : i32
        %dma_wait3A_982 = tpu.memref_slice %arg4[%sub3A_972, %dma_wait3A_979, %add3A, %dma_wait3A_980, %dma_wait3A_981] : memref<200x8x32x8x128xf32, #tpu.memory_space<hbm>> -> memref<1x8x1x8x128xf32, #tpu.memory_space<hbm>>
        %dma_wait3A_983 = tpu.memref_squeeze %dma_wait3A_982 : memref<1x8x1x8x128xf32, #tpu.memory_space<hbm>> -> memref<8x8x128xf32, #tpu.memory_space<hbm>>
        %dma_wait3A_984 = arith.constant 0 : i32
        %dma_wait3A_985 = arith.constant 0 : i32
        %dma_wait3A_986 = arith.constant 0 : i32
        %dma_wait3A_987 = tpu.memref_slice %arg4[%sub3A_972, %dma_wait3A_984, %add3A, %dma_wait3A_985, %dma_wait3A_986] : memref<200x8x32x8x128xf32, #tpu.memory_space<hbm>> -> memref<1x8x1x8x128xf32, #tpu.memory_space<hbm>>
        %dma_wait3A_988 = tpu.memref_squeeze %dma_wait3A_987 : memref<1x8x1x8x128xf32, #tpu.memory_space<hbm>> -> memref<8x8x128xf32, #tpu.memory_space<hbm>>
        %dma_wait3A_989 = arith.constant 0 : i32
        %dma_wait3A_990 = arith.constant 0 : i32
        %dma_wait3A_991 = arith.constant 0 : i32
        %dma_wait3A_992 = tpu.memref_slice %arg7[%dma_wait3A_973, %dma_wait3A_989, %dma_wait3A_990, %dma_wait3A_991] : memref<2x8x8x129xf32, #tpu.memory_space<vmem>> -> memref<1x8x8x128xf32, #tpu.memory_space<vmem>>
        %dma_wait3A_993 = tpu.memref_squeeze %dma_wait3A_992 : memref<1x8x8x128xf32, #tpu.memory_space<vmem>> -> memref<8x8x128xf32, #tpu.memory_space<vmem>>
        tpu.wait_dma2 semaphore(%arg17 : memref<!tpu.dma_semaphore, #tpu.memory_space<semaphore_mem>>) src(%dma_wait3A_993 : memref<8x8x128xf32, #tpu.memory_space<vmem>>) dst(%dma_wait3A_988 : memref<8x8x128xf32, #tpu.memory_space<hbm>>)
      } else {
      }
      %iota3A_894 = tpu.iota {dimensions = array<i32: 0>} : vector<16xi32>
      %add3A_895 = arith.constant 0 : i32
      %add3A_896 = vector.broadcast %add3A_895 : i32 to vector<16xi32>
      %add3A_897 = arith.addi %iota3A_894, %add3A_896 : vector<16xi32>
      %shift_right_arithmetic3A_898 = arith.constant 3 : i32
      %shift_right_arithmetic3A_899 = vector.broadcast %shift_right_arithmetic3A_898 : i32 to vector<16xi32>
      %shift_right_arithmetic3A_900 = arith.shrsi %add3A_897, %shift_right_arithmetic3A_899 : vector<16xi32>
      %add3A_901 = arith.constant 16 : i32
      %add3A_902 = vector.broadcast %add3A_901 : i32 to vector<16xi32>
      %add3A_903 = arith.addi %iota3A_894, %add3A_902 : vector<16xi32>
      %shift_right_arithmetic3A_904 = arith.constant 3 : i32
      %shift_right_arithmetic3A_905 = vector.broadcast %shift_right_arithmetic3A_904 : i32 to vector<16xi32>
      %shift_right_arithmetic3A_906 = arith.shrsi %add3A_903, %shift_right_arithmetic3A_905 : vector<16xi32>
      %add3A_907 = arith.constant 32 : i32
      %add3A_908 = vector.broadcast %add3A_907 : i32 to vector<16xi32>
      %add3A_909 = arith.addi %iota3A_894, %add3A_908 : vector<16xi32>
      %shift_right_arithmetic3A_910 = arith.constant 3 : i32
      %shift_right_arithmetic3A_911 = vector.broadcast %shift_right_arithmetic3A_910 : i32 to vector<16xi32>
      %shift_right_arithmetic3A_912 = arith.shrsi %add3A_909, %shift_right_arithmetic3A_911 : vector<16xi32>
      %add3A_913 = arith.constant 48 : i32
      %add3A_914 = vector.broadcast %add3A_913 : i32 to vector<16xi32>
      %add3A_915 = arith.addi %iota3A_894, %add3A_914 : vector<16xi32>
      %shift_right_arithmetic3A_916 = arith.constant 3 : i32
      %shift_right_arithmetic3A_917 = vector.broadcast %shift_right_arithmetic3A_916 : i32 to vector<16xi32>
      %shift_right_arithmetic3A_918 = arith.shrsi %add3A_915, %shift_right_arithmetic3A_917 : vector<16xi32>
      %add3A_919 = arith.constant 0 : i32
      %add3A_920 = vector.broadcast %add3A_919 : i32 to vector<16xi32>
      %add3A_921 = arith.addi %iota3A_894, %add3A_920 : vector<16xi32>
      %and3A_922 = arith.constant 7 : i32
      %and3A_923 = vector.broadcast %and3A_922 : i32 to vector<16xi32>
      %and3A_924 = arith.andi %add3A_921, %and3A_923 : vector<16xi32>
      %add3A_925 = arith.constant 16 : i32
      %add3A_926 = vector.broadcast %add3A_925 : i32 to vector<16xi32>
      %add3A_927 = arith.addi %iota3A_894, %add3A_926 : vector<16xi32>
      %and3A_928 = arith.constant 7 : i32
      %and3A_929 = vector.broadcast %and3A_928 : i32 to vector<16xi32>
      %and3A_930 = arith.andi %add3A_927, %and3A_929 : vector<16xi32>
      %add3A_931 = arith.constant 32 : i32
      %add3A_932 = vector.broadcast %add3A_931 : i32 to vector<16xi32>
      %add3A_933 = arith.addi %iota3A_894, %add3A_932 : vector<16xi32>
      %and3A_934 = arith.constant 7 : i32
      %and3A_935 = vector.broadcast %and3A_934 : i32 to vector<16xi32>
      %and3A_936 = arith.andi %add3A_933, %and3A_935 : vector<16xi32>
      %add3A_937 = arith.constant 48 : i32
      %add3A_938 = vector.broadcast %add3A_937 : i32 to vector<16xi32>
      %add3A_939 = arith.addi %iota3A_894, %add3A_938 : vector<16xi32>
      %and3A_940 = arith.constant 7 : i32
      %and3A_941 = vector.broadcast %and3A_940 : i32 to vector<16xi32>
      %and3A_942 = arith.andi %add3A_939, %and3A_941 : vector<16xi32>
      %broadcast_in_dim3A_943 = arith.constant 0 : i32
      %broadcast_in_dim3A_944 = vector.broadcast %broadcast_in_dim3A_943 : i32 to vector<16xi32>
      %parallel_loop3A_945 = arith.constant 0 : i32
      %parallel_loop3A_946 = arith.constant 128 : i32
      %parallel_loop3A_947 = arith.constant 1 : i32
      %parallel_loop3A_948 = arith.constant 1 : i32
      %parallel_loop3A_949 = scf.for %parallel_loop3A_971 = %parallel_loop3A_945 to %parallel_loop3A_946 step %parallel_loop3A_947 iter_args(%parallel_loop3A_972 = %broadcast_in_dim3A_944) -> (vector<16xi32>)  : i32 {
        %parallel_loop3A_973 = arith.constant 7 : i32
        %parallel_loop3A_974 = arith.index_cast %parallel_loop3A_973 : i32 to index
        %parallel_loop3A_975 = arith.index_cast %parallel_loop3A_971 : i32 to index
        %parallel_loop3A_976 = arith.constant 0 : index
        %parallel_loop3A_977 = tpu.vector_load %arg6[%parallel_loop3A_974, %parallel_loop3A_975, %parallel_loop3A_976] {strides = array<i32>} : memref<8x128x64xf32, #tpu.memory_space<vmem>>, vector<16xf32>,
        %parallel_loop3A_978 = arith.constant 8.000000e+00 : f32
        %parallel_loop3A_979 = vector.broadcast %parallel_loop3A_978 : f32 to vector<16xf32>
        %parallel_loop3A_980 = arith.mulf %parallel_loop3A_977, %parallel_loop3A_979 : vector<16xf32>
        %parallel_loop3A_981 = arith.constant 0 : i32
        %parallel_loop3A_982 = arith.constant 0 : i32
        %parallel_loop3A_983 = arith.constant 0 : i32
        %parallel_loop3A_984 = tpu.memref_slice %arg7[%parallel_loop3A_948, %parallel_loop3A_981, %parallel_loop3A_982, %parallel_loop3A_983] : memref<2x8x8x129xf32, #tpu.memory_space<vmem>> -> memref<1x8x8x129xf32, #tpu.memory_space<vmem>>
        %parallel_loop3A_985 = tpu.memref_squeeze %parallel_loop3A_984 : memref<1x8x8x129xf32, #tpu.memory_space<vmem>> -> memref<8x8x129xf32, #tpu.memory_space<vmem>>
        tpu.vector_store_idx %parallel_loop3A_985[%shift_right_arithmetic3A_900, %and3A_924, %parallel_loop3A_972], %parallel_loop3A_980 : memref<8x8x129xf32, #tpu.memory_space<vmem>>[vector<16xi32>, vector<16xi32>, vector<16xi32>], vector<16xf32>,
        %parallel_loop3A_986 = arith.constant 7 : i32
        %parallel_loop3A_987 = arith.index_cast %parallel_loop3A_986 : i32 to index
        %parallel_loop3A_988 = arith.index_cast %parallel_loop3A_971 : i32 to index
        %parallel_loop3A_989 = arith.constant 16 : index
        %parallel_loop3A_990 = tpu.vector_load %arg6[%parallel_loop3A_987, %parallel_loop3A_988, %parallel_loop3A_989] {strides = array<i32>} : memref<8x128x64xf32, #tpu.memory_space<vmem>>, vector<16xf32>,
        %parallel_loop3A_991 = arith.constant 8.000000e+00 : f32
        %parallel_loop3A_992 = vector.broadcast %parallel_loop3A_991 : f32 to vector<16xf32>
        %parallel_loop3A_993 = arith.mulf %parallel_loop3A_990, %parallel_loop3A_992 : vector<16xf32>
        %parallel_loop3A_994 = arith.constant 0 : i32
        %parallel_loop3A_995 = arith.constant 0 : i32
        %parallel_loop3A_996 = arith.constant 0 : i32
        %parallel_loop3A_997 = tpu.memref_slice %arg7[%parallel_loop3A_948, %parallel_loop3A_994, %parallel_loop3A_995, %parallel_loop3A_996] : memref<2x8x8x129xf32, #tpu.memory_space<vmem>> -> memref<1x8x8x129xf32, #tpu.memory_space<vmem>>
        %parallel_loop3A_998 = tpu.memref_squeeze %parallel_loop3A_997 : memref<1x8x8x129xf32, #tpu.memory_space<vmem>> -> memref<8x8x129xf32, #tpu.memory_space<vmem>>
        tpu.vector_store_idx %parallel_loop3A_998[%shift_right_arithmetic3A_906, %and3A_930, %parallel_loop3A_972], %parallel_loop3A_993 : memref<8x8x129xf32, #tpu.memory_space<vmem>>[vector<16xi32>, vector<16xi32>, vector<16xi32>], vector<16xf32>,
        %parallel_loop3A_999 = arith.constant 7 : i32
        %parallel_loop3A_1000 = arith.index_cast %parallel_loop3A_999 : i32 to index
        %parallel_loop3A_1001 = arith.index_cast %parallel_loop3A_971 : i32 to index
        %parallel_loop3A_1002 = arith.constant 32 : index
        %parallel_loop3A_1003 = tpu.vector_load %arg6[%parallel_loop3A_1000, %parallel_loop3A_1001, %parallel_loop3A_1002] {strides = array<i32>} : memref<8x128x64xf32, #tpu.memory_space<vmem>>, vector<16xf32>,
        %parallel_loop3A_1004 = arith.constant 8.000000e+00 : f32
        %parallel_loop3A_1005 = vector.broadcast %parallel_loop3A_1004 : f32 to vector<16xf32>
        %parallel_loop3A_1006 = arith.mulf %parallel_loop3A_1003, %parallel_loop3A_1005 : vector<16xf32>
        %parallel_loop3A_1007 = arith.constant 0 : i32
        %parallel_loop3A_1008 = arith.constant 0 : i32
        %parallel_loop3A_1009 = arith.constant 0 : i32
        %parallel_loop3A_1010 = tpu.memref_slice %arg7[%parallel_loop3A_948, %parallel_loop3A_1007, %parallel_loop3A_1008, %parallel_loop3A_1009] : memref<2x8x8x129xf32, #tpu.memory_space<vmem>> -> memref<1x8x8x129xf32, #tpu.memory_space<vmem>>
        %parallel_loop3A_1011 = tpu.memref_squeeze %parallel_loop3A_1010 : memref<1x8x8x129xf32, #tpu.memory_space<vmem>> -> memref<8x8x129xf32, #tpu.memory_space<vmem>>
        tpu.vector_store_idx %parallel_loop3A_1011[%shift_right_arithmetic3A_912, %and3A_936, %parallel_loop3A_972], %parallel_loop3A_1006 : memref<8x8x129xf32, #tpu.memory_space<vmem>>[vector<16xi32>, vector<16xi32>, vector<16xi32>], vector<16xf32>,
        %parallel_loop3A_1012 = arith.constant 7 : i32
        %parallel_loop3A_1013 = arith.index_cast %parallel_loop3A_1012 : i32 to index
        %parallel_loop3A_1014 = arith.index_cast %parallel_loop3A_971 : i32 to index
        %parallel_loop3A_1015 = arith.constant 48 : index
        %parallel_loop3A_1016 = tpu.vector_load %arg6[%parallel_loop3A_1013, %parallel_loop3A_1014, %parallel_loop3A_1015] {strides = array<i32>} : memref<8x128x64xf32, #tpu.memory_space<vmem>>, vector<16xf32>,
        %parallel_loop3A_1017 = arith.constant 8.000000e+00 : f32
        %parallel_loop3A_1018 = vector.broadcast %parallel_loop3A_1017 : f32 to vector<16xf32>
        %parallel_loop3A_1019 = arith.mulf %parallel_loop3A_1016, %parallel_loop3A_1018 : vector<16xf32>
        %parallel_loop3A_1020 = arith.constant 0 : i32
        %parallel_loop3A_1021 = arith.constant 0 : i32
        %parallel_loop3A_1022 = arith.constant 0 : i32
        %parallel_loop3A_1023 = tpu.memref_slice %arg7[%parallel_loop3A_948, %parallel_loop3A_1020, %parallel_loop3A_1021, %parallel_loop3A_1022] : memref<2x8x8x129xf32, #tpu.memory_space<vmem>> -> memref<1x8x8x129xf32, #tpu.memory_space<vmem>>
        %parallel_loop3A_1024 = tpu.memref_squeeze %parallel_loop3A_1023 : memref<1x8x8x129xf32, #tpu.memory_space<vmem>> -> memref<8x8x129xf32, #tpu.memory_space<vmem>>
        tpu.vector_store_idx %parallel_loop3A_1024[%shift_right_arithmetic3A_918, %and3A_942, %parallel_loop3A_972], %parallel_loop3A_1019 : memref<8x8x129xf32, #tpu.memory_space<vmem>>[vector<16xi32>, vector<16xi32>, vector<16xi32>], vector<16xf32>,
        %parallel_loop3A_1025 = arith.constant 1 : i32
        %parallel_loop3A_1026 = vector.broadcast %parallel_loop3A_1025 : i32 to vector<16xi32>
        %parallel_loop3A_1027 = arith.addi %parallel_loop3A_972, %parallel_loop3A_1026 : vector<16xi32>
        scf.yield %parallel_loop3A_1027 : vector<16xi32>
      } {sc.loop_unroll_factor = 8 : i64, sc.parallel_access}
      %dma_start3A_950 = arith.constant 1 : i32
      %dma_start3A_951 = arith.constant 0 : i32
      %dma_start3A_952 = arith.constant 0 : i32
      %dma_start3A_953 = arith.constant 0 : i32
      %dma_start3A_954 = tpu.memref_slice %arg7[%dma_start3A_950, %dma_start3A_951, %dma_start3A_952, %dma_start3A_953] : memref<2x8x8x129xf32, #tpu.memory_space<vmem>> -> memref<1x8x8x128xf32, #tpu.memory_space<vmem>>
      %dma_start3A_955 = tpu.memref_squeeze %dma_start3A_954 : memref<1x8x8x128xf32, #tpu.memory_space<vmem>> -> memref<8x8x128xf32, #tpu.memory_space<vmem>>
      %dma_start3A_956 = arith.constant 0 : i32
      %dma_start3A_957 = arith.constant 0 : i32
      %dma_start3A_958 = arith.constant 0 : i32
      %dma_start3A_959 = tpu.memref_slice %arg4[%add3A_868, %dma_start3A_956, %add3A, %dma_start3A_957, %dma_start3A_958] : memref<200x8x32x8x128xf32, #tpu.memory_space<hbm>> -> memref<1x8x1x8x128xf32, #tpu.memory_space<hbm>>
      %dma_start3A_960 = tpu.memref_squeeze %dma_start3A_959 : memref<1x8x1x8x128xf32, #tpu.memory_space<hbm>> -> memref<8x8x128xf32, #tpu.memory_space<hbm>>
      %dma_start3A_961 = arith.constant 0 : i32
      %dma_start3A_962 = arith.constant 0 : i32
      %dma_start3A_963 = arith.constant 0 : i32
      %dma_start3A_964 = tpu.memref_slice %arg4[%add3A_868, %dma_start3A_961, %add3A, %dma_start3A_962, %dma_start3A_963] : memref<200x8x32x8x128xf32, #tpu.memory_space<hbm>> -> memref<1x8x1x8x128xf32, #tpu.memory_space<hbm>>
      %dma_start3A_965 = tpu.memref_squeeze %dma_start3A_964 : memref<1x8x1x8x128xf32, #tpu.memory_space<hbm>> -> memref<8x8x128xf32, #tpu.memory_space<hbm>>
      %dma_start3A_966 = arith.constant 0 : i32
      %dma_start3A_967 = arith.constant 0 : i32
      %dma_start3A_968 = arith.constant 0 : i32
      %dma_start3A_969 = tpu.memref_slice %arg7[%dma_start3A_950, %dma_start3A_966, %dma_start3A_967, %dma_start3A_968] : memref<2x8x8x129xf32, #tpu.memory_space<vmem>> -> memref<1x8x8x128xf32, #tpu.memory_space<vmem>>
      %dma_start3A_970 = tpu.memref_squeeze %dma_start3A_969 : memref<1x8x8x128xf32, #tpu.memory_space<vmem>> -> memref<8x8x128xf32, #tpu.memory_space<vmem>>
      tpu.enqueue_dma source(%dma_start3A_970 : memref<8x8x128xf32, #tpu.memory_space<vmem>>) target(%dma_start3A_965 : memref<8x8x128xf32, #tpu.memory_space<hbm>>) target_semaphore(%arg17 : memref<!tpu.dma_semaphore, #tpu.memory_space<semaphore_mem>>)
    }
    %scan3A_88 = arith.constant 25 : i32
    %dma_wait3A = arith.constant 0 : i32
    %dma_wait3A_89 = arith.constant 198 : i32
    %dma_wait3A_90 = arith.constant 0 : i32
    %dma_wait3A_91 = arith.constant 0 : i32
    %dma_wait3A_92 = arith.constant 0 : i32
    %dma_wait3A_93 = tpu.memref_slice %arg7[%dma_wait3A, %dma_wait3A_90, %dma_wait3A_91, %dma_wait3A_92] : memref<2x8x8x129xf32, #tpu.memory_space<vmem>> -> memref<1x8x8x128xf32, #tpu.memory_space<vmem>>
    %dma_wait3A_94 = tpu.memref_squeeze %dma_wait3A_93 : memref<1x8x8x128xf32, #tpu.memory_space<vmem>> -> memref<8x8x128xf32, #tpu.memory_space<vmem>>
    %dma_wait3A_95 = arith.constant 0 : i32
    %dma_wait3A_96 = arith.constant 0 : i32
    %dma_wait3A_97 = arith.constant 0 : i32
    %dma_wait3A_98 = tpu.memref_slice %arg4[%dma_wait3A_89, %dma_wait3A_95, %add3A, %dma_wait3A_96, %dma_wait3A_97] : memref<200x8x32x8x128xf32, #tpu.memory_space<hbm>> -> memref<1x8x1x8x128xf32, #tpu.memory_space<hbm>>
    %dma_wait3A_99 = tpu.memref_squeeze %dma_wait3A_98 : memref<1x8x1x8x128xf32, #tpu.memory_space<hbm>> -> memref<8x8x128xf32, #tpu.memory_space<hbm>>
    %dma_wait3A_100 = arith.constant 0 : i32
    %dma_wait3A_101 = arith.constant 0 : i32
    %dma_wait3A_102 = arith.constant 0 : i32
    %dma_wait3A_103 = tpu.memref_slice %arg4[%dma_wait3A_89, %dma_wait3A_100, %add3A, %dma_wait3A_101, %dma_wait3A_102] : memref<200x8x32x8x128xf32, #tpu.memory_space<hbm>> -> memref<1x8x1x8x128xf32, #tpu.memory_space<hbm>>
    %dma_wait3A_104 = tpu.memref_squeeze %dma_wait3A_103 : memref<1x8x1x8x128xf32, #tpu.memory_space<hbm>> -> memref<8x8x128xf32, #tpu.memory_space<hbm>>
    %dma_wait3A_105 = arith.constant 0 : i32
    %dma_wait3A_106 = arith.constant 0 : i32
    %dma_wait3A_107 = arith.constant 0 : i32
    %dma_wait3A_108 = tpu.memref_slice %arg7[%dma_wait3A, %dma_wait3A_105, %dma_wait3A_106, %dma_wait3A_107] : memref<2x8x8x129xf32, #tpu.memory_space<vmem>> -> memref<1x8x8x128xf32, #tpu.memory_space<vmem>>
    %dma_wait3A_109 = tpu.memref_squeeze %dma_wait3A_108 : memref<1x8x8x128xf32, #tpu.memory_space<vmem>> -> memref<8x8x128xf32, #tpu.memory_space<vmem>>
    tpu.wait_dma2 semaphore(%arg16 : memref<!tpu.dma_semaphore, #tpu.memory_space<semaphore_mem>>) src(%dma_wait3A_109 : memref<8x8x128xf32, #tpu.memory_space<vmem>>) dst(%dma_wait3A_104 : memref<8x8x128xf32, #tpu.memory_space<hbm>>)
    %dma_wait3A_110 = arith.constant 1 : i32
    %dma_wait3A_111 = arith.constant 199 : i32
    %dma_wait3A_112 = arith.constant 0 : i32
    %dma_wait3A_113 = arith.constant 0 : i32
    %dma_wait3A_114 = arith.constant 0 : i32
    %dma_wait3A_115 = tpu.memref_slice %arg7[%dma_wait3A_110, %dma_wait3A_112, %dma_wait3A_113, %dma_wait3A_114] : memref<2x8x8x129xf32, #tpu.memory_space<vmem>> -> memref<1x8x8x128xf32, #tpu.memory_space<vmem>>
    %dma_wait3A_116 = tpu.memref_squeeze %dma_wait3A_115 : memref<1x8x8x128xf32, #tpu.memory_space<vmem>> -> memref<8x8x128xf32, #tpu.memory_space<vmem>>
    %dma_wait3A_117 = arith.constant 0 : i32
    %dma_wait3A_118 = arith.constant 0 : i32
    %dma_wait3A_119 = arith.constant 0 : i32
    %dma_wait3A_120 = tpu.memref_slice %arg4[%dma_wait3A_111, %dma_wait3A_117, %add3A, %dma_wait3A_118, %dma_wait3A_119] : memref<200x8x32x8x128xf32, #tpu.memory_space<hbm>> -> memref<1x8x1x8x128xf32, #tpu.memory_space<hbm>>
    %dma_wait3A_121 = tpu.memref_squeeze %dma_wait3A_120 : memref<1x8x1x8x128xf32, #tpu.memory_space<hbm>> -> memref<8x8x128xf32, #tpu.memory_space<hbm>>
    %dma_wait3A_122 = arith.constant 0 : i32
    %dma_wait3A_123 = arith.constant 0 : i32
    %dma_wait3A_124 = arith.constant 0 : i32
    %dma_wait3A_125 = tpu.memref_slice %arg4[%dma_wait3A_111, %dma_wait3A_122, %add3A, %dma_wait3A_123, %dma_wait3A_124] : memref<200x8x32x8x128xf32, #tpu.memory_space<hbm>> -> memref<1x8x1x8x128xf32, #tpu.memory_space<hbm>>
    %dma_wait3A_126 = tpu.memref_squeeze %dma_wait3A_125 : memref<1x8x1x8x128xf32, #tpu.memory_space<hbm>> -> memref<8x8x128xf32, #tpu.memory_space<hbm>>
    %dma_wait3A_127 = arith.constant 0 : i32
    %dma_wait3A_128 = arith.constant 0 : i32
    %dma_wait3A_129 = arith.constant 0 : i32
    %dma_wait3A_130 = tpu.memref_slice %arg7[%dma_wait3A_110, %dma_wait3A_127, %dma_wait3A_128, %dma_wait3A_129] : memref<2x8x8x129xf32, #tpu.memory_space<vmem>> -> memref<1x8x8x128xf32, #tpu.memory_space<vmem>>
    %dma_wait3A_131 = tpu.memref_squeeze %dma_wait3A_130 : memref<1x8x8x128xf32, #tpu.memory_space<vmem>> -> memref<8x8x128xf32, #tpu.memory_space<vmem>>
    tpu.wait_dma2 semaphore(%arg17 : memref<!tpu.dma_semaphore, #tpu.memory_space<semaphore_mem>>) src(%dma_wait3A_131 : memref<8x8x128xf32, #tpu.memory_space<vmem>>) dst(%dma_wait3A_126 : memref<8x8x128xf32, #tpu.memory_space<hbm>>)
    return
  }
}

</mosaic_0001>

<sc_bundles>
// kernel: kernel.3.cloned.1.call-start
scs
__scs_entry_jumppad:
0x0: {  	(pc) =	sbr.rel $0x88, $3  }
0x1: {  	(tag) =	ssettag $0x0;
	lr =	simm.s32 $0x1  }
0x2: {  	[smem:$0x3F9F] =	sst lr;
	_ =	strace $0xD0000000  }
0x3: {  	_ = 	snop  }
0x4: {  	_ = 	snop  }
0x5: {  	_ = 	snop  }
0x6: {  	_ = 	snop  }
0x7: {  	_ = 	snop  }
__scs_overlays_trampoline_lowered:
0x8: {  	[smem:$0x3FAE] =	sst s0  }
0x9: {  	[smem:$0x3FAF] =	sst s1  }
0xa: {  	[smem:$0x3FB0] =	sst s2  }
0xb: {  	[smem:$0x3FB1] =	sst s3  }
0xc: {  	[smem:$0x3FB2] =	sst s4  }
0xd: {  	[smem:$0x3FB3] =	sst s5  }
0xe: {  	[smem:$0x3FB4] =	sst s6  }
0xf: {  	[smem:$0x3FB5] =	sst s7  }
0x10: {  	[smem:$0x3FB6] =	sst s8  }
0x11: {  	[smem:$0x3FB7] =	sst s9;
	s0 =	simm.s32 @!p0 $0x0  }
0x12: {  	s1 =	sld [smem:$0x3F9D];
	s0 =	simm.s32 @p0 $0x1  }
0x13: {  	[smem:$0x3FB8] =	sst s0;
	s0 =	simm.s32 @!p1 $0x0  }
0x14: {  	s2 =	sld [smem:$0x3F9C];
	s0 =	simm.s32 @p1 $0x1  }
0x15: {  	[smem:$0x3FB9] =	sst s0;
	s0 =	simm.s32 @!p2 $0x0  }
0x16: {  	s3 =	sld [smem:$0x3FDB];
	s0 =	simm.s32 @p2 $0x1  }
0x17: {  	s4 =	simm.s32 $0x1BF5;
	[smem:$0x3FBB] =	sst s0  }
0x18: {  	s0 =	sld [smem:$0x3F9E];
	_ =	swait.ge [sflag:s4], $0x0  }
0x19: {  	s7 =	sld [smem:$0x3F9F]  }
0x1a: {  	s8 =	sadd.s32 $0xFFFFE003, lr  }
0x1b: {  	s9 =	sadd.s32 $0xFFFFFEF7, lr;
	s5 =	simm.s32 $0xFFFFFFFF;
	p2 =	slt.u32 s8, $0xFFFFF086  }
0x1c: {  	p1 =	slt.u32 s9, $0xF7A;
	s5 =	simm.s32 @!p2 $0x0  }
0x1d: {  	s5 =	simm.s32 @p1 $0x1;
	p0 =	seq.s32 s7, s2  }
0x1e: {  	s7 =	smul.u32 @!p0 $0xF7A, s2;
	p2 =	seq.s32 @!p0 s5, $0x0  }
0x1f: {  	s9 =	smul.u32 $0xF7A, s1;
	s8 =	simm.s32 @!p0 $0x1BF5;
	p2 =	por !p2, p0  }
0x20: {  	[sflag:s8] =	ssyncset.s32 @!p0 $0xFFFFF086;
	s6 =	sadd.s32 @!p0 s3, s7;
	s7 =	simm.s32 @!p0 $0x108  }
0x21: {  	s3 =	sadd.s32 s3, s9;
	s6 =	sadd.s32 @!p0 $0x88, s6;
	s7 =	simm.s32 @p2 $0x1082  }
0x22: {  	[simem:s7], [sflag:s8] =	dma.local @!p0 [hbm:s6], $0xF7A  }
0x23: {  	s9 =	sor.u32 $0xD0000000, s2;
	s6 =	simm.s32 $0x108;
	_ =	swait.ge @!p0 [sflag:s8], $0x0  }
0x24: {  	s3 =	sadd.s32 $0x88, s3;
	s6 =	simm.s32 @!p1 $0x1082;
	[sflag:s4] =	ssyncset.s32 $0xFFFFF086  }
0x25: {  	[simem:s6], [sflag:s4] =	dma.local [hbm:s3], $0xF7A  }
0x26: {  	[smem:$0x3F9F] =	sst s1;
	(tag) =	ssettag s2;
	_ =	strace s9  }
0x27: {  	s1 =	sld [smem:$0x3FAF]  }
0x28: {  	s2 =	sld [smem:$0x3FB0]  }
0x29: {  	s4 =	sld [smem:$0x3FB2]  }
0x2a: {  	p0 =	seq.s32 s5, $0x0;
	s5 =	sld [smem:$0x3FB3]  }
0x2b: {  	s6 =	sld [smem:$0x3FB4]  }
0x2c: {  	s7 =	sld [smem:$0x3FB5]  }
0x2d: {  	s3 =	simm.s32 $0x108;
	s8 =	sld [smem:$0x3FB6]  }
0x2e: {  	s3 =	simm.s32 @!p0 $0x1082;
	s9 =	sld [smem:$0x3FB7]  }
0x2f: {  	lr =	sadd.s32 s0, s3;
	s0 =	sld [smem:$0x3FAE]  }
0x30: {  	s3 =	sld [smem:$0x3FB1]  }
0x31: {  	[smem:$0x3FBA] =	sst s10  }
0x32: {  	s10 =	sld [smem:$0x3FB8];
	_ =	sdelay $0x3  }
0x33: {  	p0 =	seq.s32 s10, $0x1;
	s10 =	sld [smem:$0x3FBA];
	_ =	sdelay $0x3  }
0x34: {  	[smem:$0x3FBA] =	sst s10  }
0x35: {  	s10 =	sld [smem:$0x3FB9];
	_ =	sdelay $0x3  }
0x36: {  	p1 =	seq.s32 s10, $0x1;
	s10 =	sld [smem:$0x3FBA];
	_ =	sdelay $0x3  }
0x37: {  	[smem:$0x3FBA] =	sst s10  }
0x38: {  	s10 =	sld [smem:$0x3FBB]  }
0x39: {  	_ = 	snop;
	(pc) =	sbr.ind lr, $3  }
0x3a: {  	_ = 	snop  }
0x3b: {  	_ = 	snop  }
0x3c: {  	p2 =	seq.s32 s10, $0x1;
	s10 =	sld [smem:$0x3FBA]  }
0x3d: {  	_ =	shalt  }
0x3e: {  	_ =	shalt  }
0x3f: {  	_ =	shalt  }
0x40: {  	_ =	shalt  }
0x41: {  	_ =	shalt  }
0x42: {  	_ =	shalt  }
0x43: {  	_ =	shalt  }
0x44: {  	_ =	shalt  }
0x45: {  	_ =	shalt  }
0x46: {  	_ =	shalt  }
0x47: {  	_ =	shalt  }
0x48: {  	_ =	shalt  }
0x49: {  	_ =	shalt  }
0x4a: {  	_ =	shalt  }
0x4b: {  	_ =	shalt  }
0x4c: {  	_ =	shalt  }
0x4d: {  	_ =	shalt  }
0x4e: {  	_ =	shalt  }
0x4f: {  	_ =	shalt  }
0x50: {  	_ =	shalt  }
0x51: {  	_ =	shalt  }
0x52: {  	_ =	shalt  }
0x53: {  	_ =	shalt  }
0x54: {  	_ =	shalt  }
0x55: {  	_ =	shalt  }
0x56: {  	_ =	shalt  }
0x57: {  	_ =	shalt  }
0x58: {  	_ =	shalt  }
0x59: {  	_ =	shalt  }
0x5a: {  	_ =	shalt  }
0x5b: {  	_ =	shalt  }
0x5c: {  	_ =	shalt  }
0x5d: {  	_ =	shalt  }
0x5e: {  	_ =	shalt  }
0x5f: {  	_ =	shalt  }
0x60: {  	_ =	shalt  }
0x61: {  	_ =	shalt  }
0x62: {  	_ =	shalt  }
0x63: {  	_ =	shalt  }
0x64: {  	_ =	shalt  }
0x65: {  	_ =	shalt  }
0x66: {  	_ =	shalt  }
0x67: {  	_ =	shalt  }
0x68: {  	_ =	shalt  }
0x69: {  	_ =	shalt  }
0x6a: {  	_ =	shalt  }
0x6b: {  	_ =	shalt  }
0x6c: {  	_ =	shalt  }
0x6d: {  	_ =	shalt  }
0x6e: {  	_ =	shalt  }
0x6f: {  	_ =	shalt  }
0x70: {  	_ =	shalt  }
0x71: {  	_ =	shalt  }
0x72: {  	_ =	shalt  }
0x73: {  	_ =	shalt  }
0x74: {  	_ =	shalt  }
0x75: {  	_ =	shalt  }
0x76: {  	_ =	shalt  }
0x77: {  	_ =	shalt  }
0x78: {  	_ =	shalt  }
0x79: {  	_ =	shalt  }
0x7a: {  	_ =	shalt  }
0x7b: {  	_ =	shalt  }
0x7c: {  	_ =	shalt  }
0x7d: {  	_ =	shalt  }
0x7e: {  	_ =	shalt  }
0x7f: {  	_ =	shalt  }
0x80: {  	_ =	shalt  }
0x81: {  	_ =	shalt  }
0x82: {  	_ =	shalt  }
0x83: {  	_ =	shalt  }
0x84: {  	_ =	shalt  }
0x85: {  	_ =	shalt  }
0x86: {  	_ =	shalt  }
0x87: {  	_ =	shalt  }
.Lfunc_end0:
.L_simem_size_0:
called_computation_lowered:
.L_overlay_start_0:
0x88: {  	s2 =	sld [smem:$0x3FD9]  }
0x89: {  	s3 =	sld [smem:$0x3FFE];
	_ =	sdelay $0x1  }
0x8a: {  	s1 =	srdreg.scid  }
0x8b: {  	s0 =	sand.u32 $0x1, s1  }
0x8c: {  	s17 =	sshll.u32 s0, $0xA;
	s2 =	sadd.s32 s3, s2  }
0x8d: {  	s2 =	sadd.s32 s2, s17  }
0x8e: {  	[smem:$0x3FC6] =	sst s2  }
0x8f: {  	_ = 	snop  }
0x90: {  	s2 =	sld [smem:$0x3FD0];
	(tm) =	ssettm $0x1  }
0x91: {  	s18 =	sld [smem:$0x3FFB];
	_ =	sdelay $0x3  }
0x92: {  	_ =	strace s18  }
0x93: {  	s3 =	sld [smem:$0x3FFC];
	_ =	sdelay $0x3  }
0x94: {  	_ =	strace s3  }
0x95: {  	s3 =	sld [smem:$0x3FFD];
	_ =	sdelay $0x3  }
0x96: {  	_ =	strace s3  }
0x97: {  	_ =	strace $0x8FFFFFFF  }
0x98: {  	s19 =	sld [smem:$0x3FDB];
	_ =	sdelay $0x1  }
0x99: {  	s4 =	simm.s32 $_scs_section_size  }
0x9a: {  	s5 =	simm.s32 $_size__tile_overlayer_lowered;
	s6 =	simm.s32 $_tile_overlayer_lowered  }
0x9b: {  	s22 =	simm.s32 $0x1BFF;
	s21 =	sshll.u32 s6, $0x1;
	s3 =	sadd.s32 s4, s19  }
0x9c: {  	s7 =	simm.s32 $0x0;
	s20 =	sshll.u32 s5, $0x1;
	s5 =	sadd.s32 s21, s3  }
0x9d: {  	[timem:s7], [sflag:s22] =	dma.local [hbm:s5], s20  }
0x9e: {  	_ =	swait.ge [sflag:s22], s20  }
0x9f: {  	s4 =	ssub.s32 $0x0, s20;
	[sflag:s22] =	ssyncset.done $0x0  }
0xa0: {  	[sflag:s22] =	ssyncadd.s32 s4;
	_ =	sdelay $0x1  }
0xa1: {  	s23 =	simm.s32 $0x1B8B  }
0xa2: {  	_ =	swait.ge [sflag:s23], $0x1  }
0xa3: {  	[sflag:s23] =	ssyncset.done $0x0  }
0xa4: {  	s25 =	simm.s32 $0x1B8E;
	s24 =	sld [smem:$0x3FFE];
	[sflag:s23] =	ssyncadd.s32 $0xFFFFFFFF  }
0xa5: {  	s26 =	simm.s32 $execute0_lowered;
	[smem:$0x3FD2] =	sst s25  }
0xa6: {  	s5 =	sshll.u32 s26, $0x1;
	_ =	strace $0x80000046;
	[dreg:$0x1] =	wrdreg $0xFFFFFFFF  }
0xa7: {  	s28 =	simm.s32 $_size_execute0_lowered;
	s3 =	sadd.s32 s3, s5;
	[dreg:$0x0] =	wrdreg $0x0  }
0xa8: {  	s5 =	sshll.u32 s28, $0x1;
	[dreg:$0x2] =	wrdreg s3  }
0xa9: {  	[dreg:$0x3] =	wrdreg s5  }
0xaa: {  	[dreg:$0x4] =	wrdreg $0xC0  }
0xab: {  	_ =	task [dreg:s7], $0x5FFFF  }
0xac: {  	[dreg:$0x1] =	wrdreg $0xFFFFFFFF  }
0xad: {  	[dreg:$0x0] =	wrdreg $0x60  }
0xae: {  	[dreg:$0x2] =	wrdreg s24  }
0xaf: {  	[dreg:$0x3] =	wrdreg s2  }
0xb0: {  	[dreg:$0x4] =	wrdreg $0x9  }
0xb1: {  	_ =	task.clear_ibuf [dreg:s7], $0x5FFFF;
	_ =	strace $0x90000046  }
0xb2: {  	s29 =	simm.s32 $0x9;
	_ =	strace $0x80000048  }
0xb3: {  	_ =	swait.ge [sflag:s29], $0x1  }
0xb4: {  	[sflag:s29] =	ssyncadd.s32 $0xFFFFFFFF  }
0xb5: {  	_ =	strace $0x90000048  }
0xb6: {  	_ =	sfence  }
0xb7: {  	s30 =	sld [smem:$0x0];
	_ =	sdelay $0x2  }
0xb8: {  	s31 =	sshll.u32 s1, $0xD;
	s1 =	sshrl.u32 s1, $0x2  }
0xb9: {  	s3 =	sand.u32 $0x4000, s31;
	s1 =	sadd.s32 s1, s30  }
0xba: {  	s0 =	sor.u32 s3, s0;
	s1 =	sshll.u32 s1, $0x11  }
0xbb: {  	s0 =	sor.u32 s1, s0  }
0xbc: {  	s0 =	sadd.s32 $0x8F2B, s0  }
0xbd: {  	[sflag:s0] =	ssyncadd.remote.s32 $0x1  }
0xbe: {  	_ =	sfence.sel $0xFFFF  }
0xbf: {  	[dreg:$0x0] =	wrdreg $0xFFFFFFFF;
	(pc) =	sbr.abs _section_cstart, $3  }
0xc0: {  	[dreg:$0x1] =	wrdreg $0xFFFFFFFF  }
0xc1: {  	_ =	task.clear_ibuf [dreg:s7], $0x2FFFF;
	_ =	strace $0x9FFFFFFF  }
0xc2: {  	(tm) =	ssettm $0x7FFFFFFF  }
0xc3: {  	_ =	shalt  }
tec
execute0_lowered:
.L_overlay_start_1:
0x0: {  	(tag) =	ssettag $0x1  }
0x1: {  	s0 =	srdreg.scid  }
0x2: {  	s2 =	stileid.u32;
	s1 =	rddreg [dreg:$0x0];
	v0 =	vlaneseq.u32  }
0x3: {  	s30 =	rddreg [dreg:$0x1];
	s29 =	simm.s32 $0x1;
	s31 =	simm.s32 $0x16400;
	v0 =	vmul.u32 $0x88, v0  }
0x4: {  	s16 =	simm.s32 $0x3;
	s17 =	simm.s32 $0x9;
	s18 =	simm.s32 $0x4  }
0x5: {  	s19 =	simm.s32 $0xA;
	s20 =	simm.s32 $0x5;
	s21 =	simm.s32 $0x6;
	v1 =	vadd.s32 $0x880, v0  }
0x6: {  	s22 =	simm.s32 $0x7;
	s23 =	simm.s32 $0x8;
	s0 =	sand.u32 $0x1, s0;
	v2 =	vadd.s32 $0x1100, v0;
	v3 =	vadd.s32 $0x1980, v0;
	v4 =	vor.u32 $0x1, v0  }
0x7: {  	s3 =	sshll.u32 s2, $0x1;
	s26 =	sadd.s32 $0x8000, s30;
	s28 =	sadd.s32 $0x10000, s30;
	v5 =	vadd.s32 $0x881, v0;
	v6 =	vadd.s32 $0x1101, v0;
	v7 =	vadd.s32 $0x1981, v0  }
0x8: {  	s9 =	sadd.s32 $0x18000, s30;
	s10 =	sadd.s32 $0x20000, s30;
	s11 =	sadd.s32 $0x28000, s30;
	v8 =	vor.u32 $0x2, v0;
	v9 =	vadd.s32 $0x882, v0;
	v10 =	vadd.s32 $0x1102, v0  }
0x9: {  	s12 =	sadd.s32 $0x30000, s30;
	s5 =	sor.u32 s0, s3;
	s3 =	simm.s32 $0x0;
	v11 =	vadd.s32 $0x1982, v0;
	v12 =	vor.u32 $0x3, v0;
	v13 =	vadd.s32 $0x883, v0  }
0xa: {  	s0 =	ssub.s32 $0x2, s0;
	s4 =	smul.u32 $0xC80, s5;
	[smem:$0x7FF] =	sst s3;
	v14 =	vadd.s32 $0x1103, v0;
	v15 =	vadd.s32 $0x1983, v0;
	v16 =	vor.u32 $0x4, v0  }
0xb: {  	s7 =	sshrl.u32 s0, $0x1;
	v17 =	vadd.s32 $0x884, v0;
	v18 =	vadd.s32 $0x1104, v0;
	v19 =	vadd.s32 $0x1984, v0;
	_ =	strace $0x80000047;
	[dreg:$0x4] =	wrdreg s26  }
0xc: {  	v20 =	vor.u32 $0x5, v0;
	v21 =	vadd.s32 $0x885, v0;
	v22 =	vadd.s32 $0x1105, v0;
	s0 =	ssub.s32 s0, s7;
	[dreg:$0x5] =	wrdreg s28;
	s6 =	sadd.s32 s4, s1  }
0xd: {  	v23 =	vadd.s32 $0x1985, v0;
	v24 =	vor.u32 $0x6, v0;
	v25 =	vadd.s32 $0x886, v0;
	s4 =	sadd.s32 $0xF42A00, s1;
	s0 =	smax.u32 s0, $0x1;
	s1 =	simm.s32 $0x2  }
0xe: {  	v26 =	vadd.s32 $0x1106, v0;
	v27 =	vadd.s32 $0x1986, v0;
	v28 =	vor.u32 $0x7, v0;
	s25 =	sadd.s32 $0x600, s6;
	s6 =	sshll.u32 s5, $0xA;
	[dreg:$0x6] =	wrdreg s0  }
0xf: {  	v29 =	vadd.s32 $0x887, v0;
	v30 =	vadd.s32 $0x1107, v0;
	v31 =	vadd.s32 $0x1987, v0;
	s0 =	simm.s32 $0x18600;
	s5 =	simm.s32 $0x0;
	[dreg:$0x3] =	wrdreg s25  }
.LBB2_1:
0x10: {  	[dreg:$0x7] =	wrdreg s5  }
0x11: {  	s2 =	rddreg [dreg:$0x3];
	s24 =	simm.s32 $0xB  }
0x12: {  	[tilespmem:s3], [sflag:$0xB] =	stream.linear.gather [hbm4b:s2+s3], $0x6400, $0x38;
	[tilespmem:$0x1A800] =	vst v63  }
0x13: {  	_ =	swait.ge [sflag:s24], $0x6400  }
0x14: {  	[sflag:s24] =	ssyncset.done $0x0  }
0x15: {  	s25 =	simm.s32 $0x6400;
	s2 =	simm.s32 $0x80;
	[sflag:s24] =	ssyncadd.s32 $0xFFFF9C00  }
0x16: {  	[tilespmem:s25], [sflag:$0x1] =	stream.indirect.gather [hbm4b:s4+s2], $0x40, s3, s2, $0xb8;
	[tilespmem:$0x1A800] =	vst v63  }
0x17: {  	s26 =	simm.s32 $0x8400  }
0x18: {  	[tilespmem:s26], [sflag:$0x2] =	stream.indirect.gather [hbm4b:s4+s2], $0x40, s2, s2, $0xb8;
	[tilespmem:$0x1A800] =	vst v63  }
0x19: {  	s28 =	simm.s32 $0x100;
	s7 =	simm.s32 $0xA400  }
0x1a: {  	[tilespmem:s7], [sflag:$0x3] =	stream.indirect.gather [hbm4b:s4+s2], $0x40, s28, s2, $0xb8;
	[tilespmem:$0x1A800] =	vst v63  }
0x1b: {  	s8 =	simm.s32 $0x180;
	s13 =	simm.s32 $0xC400  }
0x1c: {  	[tilespmem:s13], [sflag:$0x4] =	stream.indirect.gather [hbm4b:s4+s2], $0x40, s8, s2, $0xb8;
	[tilespmem:$0x1A800] =	vst v63  }
0x1d: {  	s14 =	simm.s32 $0x200;
	s15 =	simm.s32 $0xE400  }
0x1e: {  	[tilespmem:s15], [sflag:$0x5] =	stream.indirect.gather [hbm4b:s4+s2], $0x40, s14, s2, $0xb8;
	[tilespmem:$0x1A800] =	vst v63  }
0x1f: {  	s24 =	simm.s32 $0x280;
	s25 =	simm.s32 $0x10400  }
0x20: {  	[tilespmem:s25], [sflag:$0x6] =	stream.indirect.gather [hbm4b:s4+s2], $0x40, s24, s2, $0xb8;
	[tilespmem:$0x1A800] =	vst v63  }
0x21: {  	s26 =	simm.s32 $0x300;
	s28 =	simm.s32 $0x12400;
	s25 =	simm.s32 $0x0  }
0x22: {  	[tilespmem:s28], [sflag:$0x7] =	stream.indirect.gather [hbm4b:s4+s2], $0x40, s26, s2, $0xb8;
	[tilespmem:$0x1A800] =	vst v63  }
.LBB2_2:
0x23: {  	_ =	swait.ge [sflag:s29], $0x2000;
	s26 =	sshllo.u32 s25, $0x3;
	s2 =	simm.s32 $0x80  }
0x24: {  	s7 =	simm.s32 $0x14400;
	[sflag:s29] =	ssyncset.done $0x0;
	s5 =	sshll.u32 s26, $0x7  }
0x25: {  	p0 =	seq.s32 s25, $0x0;
	[sflag:s29] =	ssyncadd.s32 $0xFFFFE000;
	s5 =	sand.u32 $0x3FFFFF80, s5  }
0x26: {  	[tilespmem:s7], [sflag:$0x8] =	stream.indirect.gather [hbm4b:s4+s2], $0x40, s5, s2, $0xb8;
	[tilespmem:$0x1A800] =	vst v63  }
0x27: {  	s5 =	simm.s32 @!p0 $0x9  }
0x28: {  	_ =	swait.ge @!p0 [sflag:s5], $0x2000  }
0x29: {  	[sflag:s5] =	ssyncset.done @!p0 $0x0  }
0x2a: {  	s13 =	simm.s32 $0x6500;
	[sflag:s5] =	ssyncadd.s32 @!p0 $0xFFFFE000  }
0x2b: {  	v32 =	vld [tilespmem:s13+$0xFFFFFF80]  }
0x2c: {  	v34 =	vld [tilespmem:s13+$0x40]  }
0x2d: {  	v36 =	vld [tilespmem:s13+$0xC0]  }
0x2e: {  	v35 =	vimm.s32 $0x0;
	v37 =	vld [tilespmem:s13+$0x0]  }
0x2f: {  	v33 =	vadd.s32 v8, v35;
	v41 =	vld [tilespmem:s13+$0xFFFFFF00]  }
0x30: {  	v42 =	vadd.s32 v16, v35;
	v39 =	vld [tilespmem:s13+$0xFFFFFFC0]  }
0x31: {  	v57 =	vadd.s32 v0, v35;
	v45 =	vld [tilespmem:s13+$0xFFFFFF40]  }
0x32: {  	v40 =	vadd.s32 v28, v35;
	s5 =	simm.s32 $0x6700;
	v43 =	vld [tilespmem:s13+$0x80];
	v32 =	vmul.f32 $8.000000000e+00, v32  }
0x33: {  	v49 =	vld [tilespmem:s5+$0xFFFFFF80];
	v58 =	vmul.f32 $8.000000000e+00, v37  }
0x34: {  	v56 =	vadd.s32 v12, v35;
	v62 =	vmul.f32 $8.000000000e+00, v41;
	[tilespmem:v33+s31+$0x0] =	vst.idx.msk $0xffff, v32;
	v32 =	vld [tilespmem:s5+$0x80]  }
0x35: {  	v36 =	vmul.f32 $8.000000000e+00, v36;
	[tilespmem:v42+s31+$0x0] =	vst.idx.msk $0xffff, v58;
	v58 =	vld [tilespmem:s5+$0x40]  }
0x36: {  	[tilespmem:v57+s31+$0x0] =	vst.idx.msk $0xffff, v62;
	v57 =	vmul.f32 $8.000000000e+00, v45;
	v45 =	vld [tilespmem:s5+$0x0]  }
0x37: {  	v38 =	vadd.s32 v20, v35;
	v59 =	vmul.f32 $8.000000000e+00, v39;
	[tilespmem:v40+s31+$0x0] =	vst.idx.msk $0xffff, v36;
	v40 =	vld [tilespmem:s5+$0xC0]  }
0x38: {  	v54 =	vadd.s32 v4, v35;
	v44 =	vld [tilespmem:s13+$0xFFFFFF90]  }
0x39: {  	[tilespmem:v56+s31+$0x0] =	vst.idx.msk $0xffff, v59;
	v61 =	vld [tilespmem:s13+$0xD0]  }
0x3a: {  	v48 =	vadd.s32 v24, v35;
	v55 =	vmul.f32 $8.000000000e+00, v34;
	v53 =	vld [tilespmem:s13+$0xFFFFFFD0]  }
0x3b: {  	v60 =	vadd.s32 v9, v35;
	v63 =	vld [tilespmem:s13+$0x10]  }
0x3c: {  	[tilespmem:v38+s31+$0x0] =	vst.idx.msk $0xffff, v55;
	v56 =	vadd.s32 v13, v35;
	v55 =	vld [tilespmem:s13+$0xFFFFFF10]  }
0x3d: {  	v47 =	vadd.s32 v29, v35;
	v43 =	vmul.f32 $8.000000000e+00, v43;
	v38 =	vld [tilespmem:s13+$0x50];
	[tilespmem:v54+s31+$0x0] =	vst.idx.msk $0xffff, v57  }
0x3e: {  	v46 =	vadd.s32 v1, v35;
	v42 =	vld [tilespmem:s13+$0xFFFFFF50];
	v52 =	vmul.f32 $8.000000000e+00, v44  }
0x3f: {  	v59 =	vadd.s32 v21, v35;
	[tilespmem:v48+s31+$0x0] =	vst.idx.msk $0xffff, v43;
	v54 =	vmul.f32 $8.000000000e+00, v49;
	v49 =	vld [tilespmem:s5+$0xFFFFFF40];
	v34 =	vmul.f32 $8.000000000e+00, v53  }
0x40: {  	v50 =	vadd.s32 v5, v35;
	v39 =	vmul.f32 $8.000000000e+00, v61;
	v33 =	vmul.f32 $8.000000000e+00, v63;
	v63 =	vld [tilespmem:s13+$0x90];
	[tilespmem:v60+s31+$0x0] =	vst.idx.msk $0xffff, v52  }
0x41: {  	v41 =	vmul.f32 $8.000000000e+00, v55;
	[tilespmem:v56+s31+$0x0] =	vst.idx.msk $0xffff, v34;
	v52 =	vld [tilespmem:s5+$0xFFFFFF00];
	v60 =	vadd.s32 v17, v35  }
0x42: {  	v38 =	vmul.f32 $8.000000000e+00, v38;
	v34 =	vadd.s32 $0x8, v35;
	[tilespmem:v47+s31+$0x0] =	vst.idx.msk $0xffff, v39;
	v47 =	vld [tilespmem:s5+$0xFFFFFFC0];
	v56 =	vadd.s32 v25, v35  }
0x43: {  	[tilespmem:v46+s31+$0x0] =	vst.idx.msk $0xffff, v41;
	v42 =	vmul.f32 $8.000000000e+00, v42;
	v36 =	vld [tilespmem:s13+$0xFFFFFFA0];
	v61 =	vadd.s32 v8, v34  }
0x44: {  	[tilespmem:v59+s31+$0x0] =	vst.idx.msk $0xffff, v38;
	v51 =	vld [tilespmem:s13+$0xFFFFFFE0];
	v62 =	vadd.s32 v20, v34  }
0x45: {  	v46 =	vld [tilespmem:s13+$0xFFFFFF20];
	[tilespmem:v50+s31+$0x0] =	vst.idx.msk $0xffff, v42;
	v50 =	vadd.s32 v28, v34;
	v37 =	vmul.f32 $8.000000000e+00, v63  }
0x46: {  	v53 =	vadd.s32 v10, v35;
	v42 =	vld [tilespmem:s13+$0xE0];
	[tilespmem:v60+s31+$0x0] =	vst.idx.msk $0xffff, v33  }
0x47: {  	v58 =	vmul.f32 $8.000000000e+00, v58;
	v55 =	vadd.s32 v2, v35;
	v33 =	vld [tilespmem:s13+$0x60];
	[tilespmem:v56+s31+$0x0] =	vst.idx.msk $0xffff, v37  }
0x48: {  	v40 =	vmul.f32 $8.000000000e+00, v40;
	v59 =	vadd.s32 v14, v35;
	[tilespmem:v61+s31+$0x0] =	vst.idx.msk $0xffff, v54;
	v63 =	vld [tilespmem:s13+$0x20]  }
0x49: {  	v36 =	vmul.f32 $8.000000000e+00, v36;
	v61 =	vadd.s32 v22, v35;
	[tilespmem:v62+s31+$0x0] =	vst.idx.msk $0xffff, v58;
	v39 =	vld [tilespmem:s13+$0xA0]  }
0x4a: {  	v38 =	vadd.s32 v30, v35;
	v60 =	vmul.f32 $8.000000000e+00, v46;
	v46 =	vld [tilespmem:s5+$0xFFFFFF90];
	[tilespmem:v50+s31+$0x0] =	vst.idx.msk $0xffff, v40  }
0x4b: {  	v57 =	vadd.s32 v12, v34;
	v62 =	vmul.f32 $8.000000000e+00, v51;
	v54 =	vld [tilespmem:s5+$0x50];
	[tilespmem:v53+s31+$0x0] =	vst.idx.msk $0xffff, v36  }
0x4c: {  	v58 =	vadd.s32 v16, v34;
	[tilespmem:v55+s31+$0x0] =	vst.idx.msk $0xffff, v60;
	v53 =	vld [tilespmem:s13+$0xFFFFFF60];
	v33 =	vmul.f32 $8.000000000e+00, v33  }
0x4d: {  	v44 =	vadd.s32 v18, v35;
	[tilespmem:v59+s31+$0x0] =	vst.idx.msk $0xffff, v62;
	v59 =	vmul.f32 $8.000000000e+00, v42;
	v62 =	vmul.f32 $8.000000000e+00, v45;
	v45 =	vld [tilespmem:s5+$0xD0]  }
0x4e: {  	v60 =	vmul.f32 $8.000000000e+00, v47;
	v43 =	vld [tilespmem:s13+$0xFFFFFFB0];
	[tilespmem:v61+s31+$0x0] =	vst.idx.msk $0xffff, v33;
	v61 =	vadd.s32 v26, v35  }
0x4f: {  	v55 =	vadd.s32 v0, v34;
	v42 =	vld [tilespmem:s13+$0xFFFFFFF0];
	[tilespmem:v38+s31+$0x0] =	vst.idx.msk $0xffff, v59  }
0x50: {  	v51 =	vadd.s32 v6, v35;
	v38 =	vld [tilespmem:s13+$0xFFFFFF30];
	[tilespmem:v57+s31+$0x0] =	vst.idx.msk $0xffff, v60;
	v63 =	vmul.f32 $8.000000000e+00, v63  }
0x51: {  	v56 =	vadd.s32 v15, v35;
	[tilespmem:v58+s31+$0x0] =	vst.idx.msk $0xffff, v62;
	v48 =	vmul.f32 $8.000000000e+00, v39;
	v57 =	vld [tilespmem:s13+$0xF0]  }
0x52: {  	v41 =	vmul.f32 $8.000000000e+00, v49;
	v50 =	vmul.f32 $8.000000000e+00, v52;
	v52 =	vadd.s32 v9, v34;
	v40 =	vld [tilespmem:s5+$0x10];
	[tilespmem:v44+s31+$0x0] =	vst.idx.msk $0xffff, v63  }
0x53: {  	v49 =	vadd.s32 v19, v35;
	v58 =	vadd.s32 v11, v35;
	v60 =	vmul.f32 $8.000000000e+00, v53;
	v59 =	vld [tilespmem:s13+$0x30];
	[tilespmem:v61+s31+$0x0] =	vst.idx.msk $0xffff, v48  }
0x54: {  	v36 =	vadd.s32 v27, v35;
	[tilespmem:v55+s31+$0x0] =	vst.idx.msk $0xffff, v50;
	v50 =	vadd.s32 v4, v34;
	v62 =	vmul.f32 $8.000000000e+00, v42;
	v47 =	vld [tilespmem:s13+$0xB0]  }
0x55: {  	v39 =	vadd.s32 v23, v35;
	[tilespmem:v51+s31+$0x0] =	vst.idx.msk $0xffff, v60;
	v61 =	vmul.f32 $8.000000000e+00, v46;
	v46 =	vld [tilespmem:s5+$0xFFFFFFD0];
	v48 =	vadd.s32 v29, v34  }
0x56: {  	v33 =	vadd.s32 v27, v34;
	v37 =	vmul.f32 $8.000000000e+00, v54;
	v63 =	vmul.f32 $8.000000000e+00, v43;
	v44 =	vld [tilespmem:s13+$0xFFFFFF70];
	[tilespmem:v56+s31+$0x0] =	vst.idx.msk $0xffff, v62  }
0x57: {  	v53 =	vmul.f32 $8.000000000e+00, v45;
	v42 =	vadd.s32 v7, v35;
	v43 =	vld [tilespmem:s13+$0x70];
	[tilespmem:v52+s31+$0x0] =	vst.idx.msk $0xffff, v61;
	v52 =	vadd.s32 v31, v35  }
0x58: {  	s14 =	simm.s32 $0x6900;
	v45 =	vld [tilespmem:s5+$0xFFFFFF10];
	v51 =	vadd.s32 v3, v35;
	[tilespmem:v58+s31+$0x0] =	vst.idx.msk $0xffff, v63;
	v54 =	vmul.f32 $8.000000000e+00, v57;
	s13 =	simm.s32 $0x8;
	v55 =	vmul.f32 $8.000000000e+00, v59;
	v35 =	vmovc v34  }
.LBB2_3:
0x59: {  	s13 =	sadd.s32 $0x8, s13;
	[tilespmem:v50+s31+$0x0] =	vst.idx.msk $0xffff, v41;
	v41 =	vmul.f32 $8.000000000e+00, v32;
	v32 =	vld [tilespmem:s14+$0x80];
	v34 =	vadd.s32 $0x8, v34;
	v47 =	vmul.f32 $8.000000000e+00, v47  }
0x5a: {  	v56 =	vadd.s32 v13, v35;
	v40 =	vmul.f32 $8.000000000e+00, v40;
	p0 =	slt.u32 s13, $0x78;
	v50 =	vld [tilespmem:s5+$0xFFFFFFA0];
	v46 =	vmul.f32 $8.000000000e+00, v46;
	[tilespmem:v48+s31+$0x0] =	vst.idx.msk $0xffff, v53  }
0x5b: {  	v38 =	vmul.f32 $8.000000000e+00, v38;
	v48 =	vadd.s32 v8, v34;
	v53 =	vld [tilespmem:s14+$0x40];
	v44 =	vmul.f32 $8.000000000e+00, v44;
	[tilespmem:v49+s31+$0x0] =	vst.idx.msk $0xffff, v55  }
0x5c: {  	v57 =	vadd.s32 v1, v35;
	v49 =	vadd.s32 v0, v34;
	v55 =	vld [tilespmem:s14+$0x0];
	v43 =	vmul.f32 $8.000000000e+00, v43;
	[tilespmem:v52+s31+$0x0] =	vst.idx.msk $0xffff, v54  }
0x5d: {  	v52 =	vadd.s32 v27, v34;
	v54 =	vld [tilespmem:s14+$0xC0];
	[tilespmem:v51+s31+$0x0] =	vst.idx.msk $0xffff, v38  }
0x5e: {  	v38 =	vmul.f32 $8.000000000e+00, v45;
	v51 =	vadd.s32 v24, v35;
	v45 =	vld [tilespmem:s5+$0xFFFFFF50];
	[tilespmem:v36+s31+$0x0] =	vst.idx.msk $0xffff, v47;
	v36 =	vmovc v33;
	v33 =	vmov v52  }
0x5f: {  	v47 =	vld [tilespmem:s14+$0xFFFFFF80];
	[tilespmem:v56+s31+$0x0] =	vst.idx.msk $0xffff, v46;
	v46 =	vadd.s32 v21, v35  }
0x60: {  	v52 =	vadd.s32 v5, v35;
	v50 =	vmul.f32 $8.000000000e+00, v50;
	v56 =	vld [tilespmem:s5+$0xFFFFFFE0];
	[tilespmem:v42+s31+$0x0] =	vst.idx.msk $0xffff, v44  }
0x61: {  	v42 =	vld [tilespmem:s14+$0xFFFFFF00];
	[tilespmem:v57+s31+$0x0] =	vst.idx.msk $0xffff, v38;
	v38 =	vadd.s32 v17, v35  }
0x62: {  	v44 =	vld [tilespmem:s5+$0xFFFFFF20];
	[tilespmem:v39+s31+$0x0] =	vst.idx.msk $0xffff, v43  }
0x63: {  	v39 =	vld [tilespmem:s14+$0xFFFFFFC0];
	v43 =	vmul.f32 $8.000000000e+00, v45;
	v45 =	vadd.s32 v10, v35;
	[tilespmem:v51+s31+$0x0] =	vst.idx.msk $0xffff, v41  }
0x64: {  	v41 =	vmul.f32 $8.000000000e+00, v47;
	v47 =	vadd.s32 v20, v34;
	[tilespmem:v46+s31+$0x0] =	vst.idx.msk $0xffff, v37;
	v37 =	vld [tilespmem:s5+$0x90]  }
0x65: {  	v51 =	vadd.s32 v2, v35;
	v46 =	vadd.s32 v28, v34;
	[tilespmem:v52+s31+$0x0] =	vst.idx.msk $0xffff, v43;
	v43 =	vld [tilespmem:s5+$0xE0]  }
0x66: {  	[tilespmem:v38+s31+$0x0] =	vst.idx.msk $0xffff, v40;
	v38 =	vld [tilespmem:s5+$0x60];
	v40 =	vadd.s32 v25, v35  }
0x67: {  	v52 =	vld [tilespmem:s14+$0xFFFFFF40];
	[tilespmem:v48+s31+$0x0] =	vst.idx.msk $0xffff, v41;
	v41 =	vmul.f32 $8.000000000e+00, v53;
	v44 =	vmul.f32 $8.000000000e+00, v44;
	v48 =	vadd.s32 v14, v35  }
0x68: {  	v54 =	vmul.f32 $8.000000000e+00, v54;
	v53 =	vld [tilespmem:s14+$0xFFFFFF90];
	[tilespmem:v45+s31+$0x0] =	vst.idx.msk $0xffff, v50;
	v45 =	vadd.s32 v22, v35  }
0x69: {  	v39 =	vmul.f32 $8.000000000e+00, v39;
	v50 =	vadd.s32 v30, v35;
	[tilespmem:v47+s31+$0x0] =	vst.idx.msk $0xffff, v41;
	v47 =	vld [tilespmem:s5+$0xFFFFFFB0];
	v37 =	vmul.f32 $8.000000000e+00, v37  }
0x6a: {  	v55 =	vmul.f32 $8.000000000e+00, v55;
	v41 =	vmul.f32 $8.000000000e+00, v56;
	[tilespmem:v51+s31+$0x0] =	vst.idx.msk $0xffff, v44;
	v44 =	vld [tilespmem:s5+$0x20]  }
0x6b: {  	v51 =	vadd.s32 v12, v34;
	v56 =	vld [tilespmem:s5+$0xFFFFFF60];
	v38 =	vmul.f32 $8.000000000e+00, v38;
	[tilespmem:v40+s31+$0x0] =	vst.idx.msk $0xffff, v37  }
0x6c: {  	v43 =	vmul.f32 $8.000000000e+00, v43;
	v37 =	vadd.s32 v16, v34;
	[tilespmem:v48+s31+$0x0] =	vst.idx.msk $0xffff, v41;
	v40 =	vld [tilespmem:s5+$0xA0]  }
0x6d: {  	v57 =	vadd.s32 v18, v35;
	v48 =	vld [tilespmem:s5+$0xFFFFFFF0];
	[tilespmem:v45+s31+$0x0] =	vst.idx.msk $0xffff, v38  }
0x6e: {  	v41 =	vmul.f32 $8.000000000e+00, v52;
	v52 =	vadd.s32 v26, v35;
	v45 =	vld [tilespmem:s14+$0x50];
	[tilespmem:v50+s31+$0x0] =	vst.idx.msk $0xffff, v43  }
0x6f: {  	[tilespmem:v46+s31+$0x0] =	vst.idx.msk $0xffff, v54;
	v38 =	vld [tilespmem:s5+$0xFFFFFF30]  }
0x70: {  	v44 =	vmul.f32 $8.000000000e+00, v44;
	[tilespmem:v51+s31+$0x0] =	vst.idx.msk $0xffff, v39;
	v43 =	vld [tilespmem:s14+$0xD0];
	v39 =	vmul.f32 $8.000000000e+00, v56;
	v51 =	vadd.s32 v6, v35  }
0x71: {  	v53 =	vmul.f32 $8.000000000e+00, v53;
	v54 =	vadd.s32 v15, v35;
	[tilespmem:v37+s31+$0x0] =	vst.idx.msk $0xffff, v55;
	v37 =	vmul.f32 $8.000000000e+00, v40;
	v56 =	vld [tilespmem:s5+$0xF0]  }
0x72: {  	v42 =	vmul.f32 $8.000000000e+00, v42;
	v55 =	vadd.s32 v9, v34;
	v40 =	vld [tilespmem:s14+$0x10];
	[tilespmem:v57+s31+$0x0] =	vst.idx.msk $0xffff, v44  }
0x73: {  	v58 =	vadd.s32 v11, v35;
	v57 =	vmul.f32 $8.000000000e+00, v47;
	v59 =	vld [tilespmem:s5+$0x30];
	[tilespmem:v52+s31+$0x0] =	vst.idx.msk $0xffff, v37  }
.Ltmp0:
0x74: {  	v50 =	vadd.s32 v4, v34;
	v37 =	vmul.f32 $8.000000000e+00, v45;
	[tilespmem:v49+s31+$0x0] =	vst.idx.msk $0xffff, v42;
	v42 =	vmul.f32 $8.000000000e+00, v48;
	v47 =	vld [tilespmem:s5+$0xB0];
	(pc) =	sbr.rel @p0 .LBB2_3-.Ltmp0, $4  }
0x75: {  	v48 =	vadd.s32 v29, v34;
	v46 =	vld [tilespmem:s14+$0xFFFFFFD0];
	[tilespmem:v51+s31+$0x0] =	vst.idx.msk $0xffff, v39  }
0x76: {  	v49 =	vadd.s32 v19, v35;
	v39 =	vadd.s32 v23, v35;
	v44 =	vld [tilespmem:s5+$0xFFFFFF70];
	[tilespmem:v54+s31+$0x0] =	vst.idx.msk $0xffff, v42  }
0x77: {  	v52 =	vadd.s32 v31, v35;
	v42 =	vadd.s32 v7, v35;
	[tilespmem:v55+s31+$0x0] =	vst.idx.msk $0xffff, v53;
	v53 =	vmul.f32 $8.000000000e+00, v43;
	v43 =	vld [tilespmem:s5+$0x70];
	s5 =	smov.u32 s14  }
0x78: {  	v51 =	vadd.s32 v3, v35;
	v54 =	vmul.f32 $8.000000000e+00, v56;
	v35 =	vmovc v34;
	s14 =	sadd.s32 $0x200, s14;
	v45 =	vld [tilespmem:s5+$0xFFFFFF10];
	[tilespmem:v58+s31+$0x0] =	vst.idx.msk $0xffff, v57;
	v55 =	vmul.f32 $8.000000000e+00, v59  }
0x79: {  	_ =	sdelay $0x3  }
0x7a: {  	v34 =	vadd.s32 v24, v35;
	[tilespmem:v50+s31+$0x0] =	vst.idx.msk $0xffff, v41  }
0x7b: {  	[tilespmem:v48+s31+$0x0] =	vst.idx.msk $0xffff, v53  }
0x7c: {  	v57 =	vadd.s32 v13, v35;
	v38 =	vmul.f32 $8.000000000e+00, v38;
	[tilespmem:v49+s31+$0x0] =	vst.idx.msk $0xffff, v55  }
0x7d: {  	v32 =	vmul.f32 $8.000000000e+00, v32;
	v58 =	vadd.s32 v17, v35;
	[tilespmem:v52+s31+$0x0] =	vst.idx.msk $0xffff, v54  }
0x7e: {  	v62 =	vld [tilespmem:s5+$0xFFFFFF50];
	[tilespmem:v51+s31+$0x0] =	vst.idx.msk $0xffff, v38;
	v44 =	vmul.f32 $8.000000000e+00, v44  }
0x7f: {  	v60 =	vadd.s32 v1, v35;
	v59 =	vmul.f32 $8.000000000e+00, v46;
	[tilespmem:v34+s31+$0x0] =	vst.idx.msk $0xffff, v32  }
0x80: {  	v63 =	vmul.f32 $8.000000000e+00, v40;
	v51 =	vadd.s32 v5, v35;
	[tilespmem:v42+s31+$0x0] =	vst.idx.msk $0xffff, v44;
	v61 =	vld [tilespmem:s5+$0x90]  }
0x81: {  	v53 =	vld [tilespmem:s5+$0xFFFFFFA0];
	v54 =	vadd.s32 v21, v35;
	v43 =	vmul.f32 $8.000000000e+00, v43;
	[tilespmem:v57+s31+$0x0] =	vst.idx.msk $0xffff, v59  }
0x82: {  	v49 =	vadd.s32 v25, v35;
	v50 =	vmul.f32 $8.000000000e+00, v45;
	[tilespmem:v58+s31+$0x0] =	vst.idx.msk $0xffff, v63;
	v52 =	vld [tilespmem:s5+$0xFFFFFFE0]  }
0x83: {  	[tilespmem:v39+s31+$0x0] =	vst.idx.msk $0xffff, v43;
	v59 =	vadd.s32 v10, v35;
	v57 =	vld [tilespmem:s5+$0x20];
	v58 =	vmul.f32 $8.000000000e+00, v62  }
0x84: {  	v55 =	vadd.s32 v14, v35;
	[tilespmem:v60+s31+$0x0] =	vst.idx.msk $0xffff, v50;
	v60 =	vld [tilespmem:s5+$0xE0]  }
0x85: {  	v62 =	vadd.s32 v18, v35;
	[tilespmem:v51+s31+$0x0] =	vst.idx.msk $0xffff, v58;
	v56 =	vmul.f32 $8.000000000e+00, v61;
	v61 =	vld [tilespmem:s5+$0xFFFFFF20]  }
0x86: {  	v63 =	vadd.s32 v30, v35;
	v42 =	vmul.f32 $8.000000000e+00, v53;
	[tilespmem:v54+s31+$0x0] =	vst.idx.msk $0xffff, v37;
	v51 =	vld [tilespmem:s5+$0xFFFFFF60]  }
0x87: {  	v50 =	vadd.s32 v2, v35;
	v48 =	vmul.f32 $8.000000000e+00, v52;
	v52 =	vld [tilespmem:s5+$0x60];
	[tilespmem:v49+s31+$0x0] =	vst.idx.msk $0xffff, v56  }
0x88: {  	[tilespmem:v59+s31+$0x0] =	vst.idx.msk $0xffff, v42;
	v38 =	vmul.f32 $8.000000000e+00, v57;
	v56 =	vadd.s32 v6, v35;
	v49 =	vld [tilespmem:s5+$0xA0]  }
0x89: {  	v58 =	vadd.s32 v22, v35;
	v54 =	vmul.f32 $8.000000000e+00, v60;
	v59 =	vld [tilespmem:s5+$0xFFFFFFB0];
	[tilespmem:v55+s31+$0x0] =	vst.idx.msk $0xffff, v48  }
0x8a: {  	v53 =	vadd.s32 v26, v35;
	[tilespmem:v62+s31+$0x0] =	vst.idx.msk $0xffff, v38;
	v55 =	vld [tilespmem:s5+$0xFFFFFFF0];
	v57 =	vmul.f32 $8.000000000e+00, v61  }
0x8b: {  	[tilespmem:v63+s31+$0x0] =	vst.idx.msk $0xffff, v54;
	v62 =	vmul.f32 $8.000000000e+00, v51  }
0x8c: {  	v63 =	vadd.s32 v11, v35;
	v38 =	vld [tilespmem:s5+$0x30];
	v48 =	vmul.f32 $8.000000000e+00, v52;
	[tilespmem:v50+s31+$0x0] =	vst.idx.msk $0xffff, v57  }
0x8d: {  	v60 =	vadd.s32 v15, v35;
	v39 =	vld [tilespmem:s5+$0xF0];
	[tilespmem:v56+s31+$0x0] =	vst.idx.msk $0xffff, v62;
	v61 =	vmul.f32 $8.000000000e+00, v49  }
0x8e: {  	v47 =	vmul.f32 $8.000000000e+00, v47;
	v50 =	vadd.s32 v19, v35;
	[tilespmem:v58+s31+$0x0] =	vst.idx.msk $0xffff, v48;
	v49 =	vld [tilespmem:s5+$0xFFFFFF30]  }
0x8f: {  	v54 =	vmul.f32 $8.000000000e+00, v59;
	v51 =	vmul.f32 $8.000000000e+00, v55;
	v55 =	vld [tilespmem:s5+$0xFFFFFF70];
	[tilespmem:v53+s31+$0x0] =	vst.idx.msk $0xffff, v61;
	v53 =	vadd.s32 v31, v35  }
0x90: {  	[tilespmem:v36+s31+$0x0] =	vst.idx.msk $0xffff, v47;
	v56 =	vadd.s32 v3, v35;
	v57 =	vld [tilespmem:s5+$0x70]  }
0x91: {  	v59 =	vadd.s32 v7, v35;
	[tilespmem:v63+s31+$0x0] =	vst.idx.msk $0xffff, v54;
	v58 =	vmul.f32 $8.000000000e+00, v38;
	v52 =	vld [tilespmem:s5+$0xB0]  }
0x92: {  	v39 =	vmul.f32 $8.000000000e+00, v39;
	[tilespmem:v60+s31+$0x0] =	vst.idx.msk $0xffff, v51;
	v60 =	vadd.s32 v23, v35  }
0x93: {  	[tilespmem:v50+s31+$0x0] =	vst.idx.msk $0xffff, v58;
	v61 =	vmul.f32 $8.000000000e+00, v49  }
0x94: {  	v63 =	vmul.f32 $8.000000000e+00, v55;
	[tilespmem:v53+s31+$0x0] =	vst.idx.msk $0xffff, v39  }
0x95: {  	s24 =	sshll.u32 s25, $0x15;
	v32 =	vmul.f32 $8.000000000e+00, v57;
	[tilespmem:v56+s31+$0x0] =	vst.idx.msk $0xffff, v61  }
0x96: {  	s5 =	sor.u32 s6, s24;
	[tilespmem:v59+s31+$0x0] =	vst.idx.msk $0xffff, v63;
	v62 =	vmul.f32 $8.000000000e+00, v52  }
0x97: {  	s28 =	sshrl.u32 s5, $0x3;
	[tilespmem:v60+s31+$0x0] =	vst.idx.msk $0xffff, v32  }
0x98: {  	s2 =	simm.s32 $0x16400;
	s13 =	sadd.s32 s30, s28;
	[tilespmem:v33+s31+$0x0] =	vst.idx.msk $0xffff, v62  }
0x99: {  	[hbm4b:s13+s3] =	stream.linear.scatter [tilespmem:s2], [sflag:$0x9], $0x80, $0x38;
	[tilespmem:$0x1A800] =	vst v63  }
0x9a: {  	s7 =	simm.s32 $0x16488;
	s14 =	sadd.s32 $0x10, s13  }
0x9b: {  	[hbm4b:s14+s3] =	stream.linear.scatter [tilespmem:s7], [sflag:$0x9], $0x80, $0x38;
	[tilespmem:$0x1A800] =	vst v63  }
0x9c: {  	s15 =	simm.s32 $0x16510;
	s24 =	sadd.s32 $0x20, s13  }
0x9d: {  	[hbm4b:s24+s3] =	stream.linear.scatter [tilespmem:s15], [sflag:$0x9], $0x80, $0x38;
	[tilespmem:$0x1A800] =	vst v63  }
0x9e: {  	s2 =	simm.s32 $0x16598;
	s7 =	sadd.s32 $0x30, s13  }
0x9f: {  	[hbm4b:s7+s3] =	stream.linear.scatter [tilespmem:s2], [sflag:$0x9], $0x80, $0x38;
	[tilespmem:$0x1A800] =	vst v63  }
0xa0: {  	s8 =	smov.u32 s30;
	s15 =	simm.s32 $0x16620;
	s24 =	sadd.s32 $0x40, s13  }
0xa1: {  	[hbm4b:s24+s3] =	stream.linear.scatter [tilespmem:s15], [sflag:$0x9], $0x80, $0x38;
	[tilespmem:$0x1A800] =	vst v63  }
0xa2: {  	s5 =	simm.s32 $0x440;
	s2 =	simm.s32 $0x166A8;
	s7 =	sadd.s32 $0x50, s13  }
0xa3: {  	[hbm4b:s7+s3] =	stream.linear.scatter [tilespmem:s2], [sflag:$0x9], $0x80, $0x38;
	[tilespmem:$0x1A800] =	vst v63  }
0xa4: {  	s30 =	sadd.s32 $0x70, s13;
	s15 =	simm.s32 $0x16730;
	s24 =	sadd.s32 $0x60, s13  }
0xa5: {  	[hbm4b:s24+s3] =	stream.linear.scatter [tilespmem:s15], [sflag:$0x9], $0x80, $0x38;
	[tilespmem:$0x1A800] =	vst v63  }
0xa6: {  	s14 =	simm.s32 $0x2200;
	s13 =	sadd.s32 $0x1000, s13;
	s24 =	simm.s32 $0x167B8  }
.LBB2_5:
0xa7: {  	[hbm4b:s30+s3] =	stream.linear.scatter [tilespmem:s24], [sflag:$0x9], $0x80, $0x38;
	[tilespmem:$0x1A800] =	vst v63  }
0xa8: {  	s15 =	smov.u32 s5;
	s5 =	smov.u32 s14  }
0xa9: {  	s2 =	sadd.s32 $0x1100, s14;
	s5 =	sshra.s32 s5, $0x2;
	s24 =	sadd.s32 $0x16400, s15  }
0xaa: {  	[hbm4b:s13+s3] =	stream.linear.scatter [tilespmem:s24], [sflag:$0x9], $0x80, $0x38;
	[tilespmem:$0x1A800] =	vst v63  }
0xab: {  	p0 =	sne.s32 s14, $0x7700;
	s14 =	sadd.s32 $0x16488, s15;
	s24 =	sadd.s32 $0x10, s13  }
0xac: {  	[hbm4b:s24+s3] =	stream.linear.scatter [tilespmem:s14], [sflag:$0x9], $0x80, $0x38;
	[tilespmem:$0x1A800] =	vst v63  }
0xad: {  	s14 =	sadd.s32 $0x16510, s15;
	s24 =	sadd.s32 $0x20, s13  }
0xae: {  	[hbm4b:s24+s3] =	stream.linear.scatter [tilespmem:s14], [sflag:$0x9], $0x80, $0x38;
	[tilespmem:$0x1A800] =	vst v63  }
0xaf: {  	s14 =	sadd.s32 $0x16598, s15;
	s24 =	sadd.s32 $0x30, s13  }
0xb0: {  	[hbm4b:s24+s3] =	stream.linear.scatter [tilespmem:s14], [sflag:$0x9], $0x80, $0x38;
	[tilespmem:$0x1A800] =	vst v63  }
0xb1: {  	s14 =	sadd.s32 $0x16620, s15;
	s24 =	sadd.s32 $0x40, s13  }
0xb2: {  	[hbm4b:s24+s3] =	stream.linear.scatter [tilespmem:s14], [sflag:$0x9], $0x80, $0x38;
	[tilespmem:$0x1A800] =	vst v63  }
.Ltmp1:
0xb3: {  	s14 =	sadd.s32 $0x166A8, s15;
	s24 =	sadd.s32 $0x50, s13;
	(pc) =	sbr.rel @p0 .LBB2_5-.Ltmp1, $4  }
0xb4: {  	[hbm4b:s24+s3] =	stream.linear.scatter [tilespmem:s14], [sflag:$0x9], $0x80, $0x38;
	[tilespmem:$0x1A800] =	vst v63  }
0xb5: {  	s30 =	sadd.s32 $0x70, s13;
	s14 =	sadd.s32 $0x16730, s15;
	s24 =	sadd.s32 $0x60, s13  }
0xb6: {  	[hbm4b:s24+s3] =	stream.linear.scatter [tilespmem:s14], [sflag:$0x9], $0x80, $0x38;
	[tilespmem:$0x1A800] =	vst v63  }
0xb7: {  	s13 =	sadd.s32 $0x1000, s13;
	s24 =	sadd.s32 $0x167B8, s15;
	s14 =	smov.u32 s2  }
0xb8: {  	[hbm4b:s30+s3] =	stream.linear.scatter [tilespmem:s24], [sflag:$0x9], $0x80, $0x38;
	[tilespmem:$0x1A800] =	vst v63  }
0xb9: {  	s2 =	sadd.s32 $0x16400, s5  }
0xba: {  	[hbm4b:s13+s3] =	stream.linear.scatter [tilespmem:s2], [sflag:$0x9], $0x80, $0x38;
	[tilespmem:$0x1A800] =	vst v63  }
0xbb: {  	s24 =	sadd.s32 $0x16488, s5;
	s14 =	sadd.s32 $0x10, s13  }
0xbc: {  	[hbm4b:s14+s3] =	stream.linear.scatter [tilespmem:s24], [sflag:$0x9], $0x80, $0x38;
	[tilespmem:$0x1A800] =	vst v63  }
0xbd: {  	s30 =	sadd.s32 $0x16510, s5;
	s7 =	sadd.s32 $0x20, s13  }
0xbe: {  	[hbm4b:s7+s3] =	stream.linear.scatter [tilespmem:s30], [sflag:$0x9], $0x80, $0x38;
	[tilespmem:$0x1A800] =	vst v63  }
0xbf: {  	s15 =	sadd.s32 $0x16598, s5;
	s24 =	sadd.s32 $0x30, s13  }
0xc0: {  	[hbm4b:s24+s3] =	stream.linear.scatter [tilespmem:s15], [sflag:$0x9], $0x80, $0x38;
	[tilespmem:$0x1A800] =	vst v63  }
0xc1: {  	s30 =	sadd.s32 $0x16620, s5;
	s7 =	sadd.s32 $0x40, s13  }
0xc2: {  	[hbm4b:s7+s3] =	stream.linear.scatter [tilespmem:s30], [sflag:$0x9], $0x80, $0x38;
	[tilespmem:$0x1A800] =	vst v63  }
0xc3: {  	s15 =	sadd.s32 $0x166A8, s5;
	s24 =	sadd.s32 $0x50, s13  }
0xc4: {  	[hbm4b:s24+s3] =	stream.linear.scatter [tilespmem:s15], [sflag:$0x9], $0x80, $0x38;
	[tilespmem:$0x1A800] =	vst v63  }
0xc5: {  	p0 =	seq.s32 s25, $0x18;
	s30 =	sadd.s32 $0x16730, s5;
	s7 =	sadd.s32 $0x60, s13  }
0xc6: {  	[hbm4b:s7+s3] =	stream.linear.scatter [tilespmem:s30], [sflag:$0x9], $0x80, $0x38;
	[tilespmem:$0x1A800] =	vst v63  }
0xc7: {  	p1 =	seq.s32 @!p0 s25, $0x0;
	s15 =	sadd.s32 $0x167B8, s5;
	s24 =	sadd.s32 $0x70, s13  }
0xc8: {  	[hbm4b:s24+s3] =	stream.linear.scatter [tilespmem:s15], [sflag:$0x9], $0x80, $0x38;
	[tilespmem:$0x1A800] =	vst v63  }
0xc9: {  	s2 =	sshll.u32 @!p0 s25, $0xA;
	p1 =	por p0, !p1;
	_ =	swait.ge [sflag:s1], $0x2000  }
0xca: {  	s14 =	simm.s32 @!p0 $0x6400;
	s5 =	sand.u32 @!p0 $0x3FFFFC00, s2;
	[sflag:s1] =	ssyncset.done $0x0  }
0xcb: {  	s13 =	simm.s32 @!p0 $0x80;
	s2 =	sadd.s32 @!p0 $0x400, s5;
	[sflag:s1] =	ssyncadd.s32 $0xFFFFE000  }
0xcc: {  	[tilespmem:s14], [sflag:$0x1] =	stream.indirect.gather @!p0 [hbm4b:s4+s13], $0x40, s2, s13, $0xb8;
	[tilespmem:$0x1A800] =	vst v63  }
0xcd: {  	_ =	swait.ge @p1 [sflag:s19], $0x2000  }
0xce: {  	[sflag:s19] =	ssyncset.done @p1 $0x0  }
0xcf: {  	s30 =	simm.s32 $0x85F0;
	[sflag:s19] =	ssyncadd.s32 @p1 $0xFFFFE000  }
0xd0: {  	v32 =	vld [tilespmem:s30+$0xFFFFFE90]  }
0xd1: {  	v34 =	vld [tilespmem:s30+$0xFFFFFF50]  }
0xd2: {  	v36 =	vld [tilespmem:s30+$0xFFFFFFD0]  }
0xd3: {  	v35 =	vimm.s32 $0x0;
	v37 =	vld [tilespmem:s30+$0xFFFFFF10]  }
0xd4: {  	v33 =	vadd.s32 v8, v35;
	v41 =	vld [tilespmem:s30+$0xFFFFFE10]  }
0xd5: {  	v42 =	vadd.s32 v16, v35;
	v39 =	vld [tilespmem:s30+$0xFFFFFED0]  }
0xd6: {  	v57 =	vadd.s32 v0, v35;
	v45 =	vld [tilespmem:s30+$0xFFFFFE50]  }
0xd7: {  	v40 =	vadd.s32 v28, v35;
	s13 =	simm.s32 $0x87F0;
	v43 =	vld [tilespmem:s30+$0xFFFFFF90];
	v32 =	vmul.f32 $8.000000000e+00, v32  }
0xd8: {  	v49 =	vld [tilespmem:s13+$0xFFFFFE90];
	v58 =	vmul.f32 $8.000000000e+00, v37  }
0xd9: {  	v56 =	vadd.s32 v12, v35;
	v62 =	vmul.f32 $8.000000000e+00, v41;
	[tilespmem:v33+s0+$0x0] =	vst.idx.msk $0xffff, v32;
	v32 =	vld [tilespmem:s13+$0xFFFFFF90]  }
0xda: {  	v36 =	vmul.f32 $8.000000000e+00, v36;
	[tilespmem:v42+s0+$0x0] =	vst.idx.msk $0xffff, v58;
	v58 =	vld [tilespmem:s13+$0xFFFFFF50]  }
0xdb: {  	[tilespmem:v57+s0+$0x0] =	vst.idx.msk $0xffff, v62;
	v57 =	vmul.f32 $8.000000000e+00, v45;
	v45 =	vld [tilespmem:s13+$0xFFFFFF10]  }
0xdc: {  	v38 =	vadd.s32 v20, v35;
	v59 =	vmul.f32 $8.000000000e+00, v39;
	[tilespmem:v40+s0+$0x0] =	vst.idx.msk $0xffff, v36;
	v40 =	vld [tilespmem:s13+$0xFFFFFFD0]  }
0xdd: {  	v54 =	vadd.s32 v4, v35;
	v44 =	vld [tilespmem:s30+$0xFFFFFEA0]  }
0xde: {  	[tilespmem:v56+s0+$0x0] =	vst.idx.msk $0xffff, v59;
	v61 =	vld [tilespmem:s30+$0xFFFFFFE0]  }
0xdf: {  	v48 =	vadd.s32 v24, v35;
	v55 =	vmul.f32 $8.000000000e+00, v34;
	v53 =	vld [tilespmem:s30+$0xFFFFFEE0]  }
0xe0: {  	v60 =	vadd.s32 v9, v35;
	v63 =	vld [tilespmem:s30+$0xFFFFFF20]  }
0xe1: {  	[tilespmem:v38+s0+$0x0] =	vst.idx.msk $0xffff, v55;
	v56 =	vadd.s32 v13, v35;
	v55 =	vld [tilespmem:s30+$0xFFFFFE20]  }
0xe2: {  	v47 =	vadd.s32 v29, v35;
	v43 =	vmul.f32 $8.000000000e+00, v43;
	v38 =	vld [tilespmem:s30+$0xFFFFFF60];
	[tilespmem:v54+s0+$0x0] =	vst.idx.msk $0xffff, v57  }
0xe3: {  	v46 =	vadd.s32 v1, v35;
	v42 =	vld [tilespmem:s30+$0xFFFFFE60];
	v52 =	vmul.f32 $8.000000000e+00, v44  }
0xe4: {  	v59 =	vadd.s32 v21, v35;
	[tilespmem:v48+s0+$0x0] =	vst.idx.msk $0xffff, v43;
	v54 =	vmul.f32 $8.000000000e+00, v49;
	v49 =	vld [tilespmem:s13+$0xFFFFFE50];
	v34 =	vmul.f32 $8.000000000e+00, v53  }
0xe5: {  	v50 =	vadd.s32 v5, v35;
	v39 =	vmul.f32 $8.000000000e+00, v61;
	v33 =	vmul.f32 $8.000000000e+00, v63;
	v63 =	vld [tilespmem:s30+$0xFFFFFFA0];
	[tilespmem:v60+s0+$0x0] =	vst.idx.msk $0xffff, v52  }
0xe6: {  	v41 =	vmul.f32 $8.000000000e+00, v55;
	[tilespmem:v56+s0+$0x0] =	vst.idx.msk $0xffff, v34;
	v52 =	vld [tilespmem:s13+$0xFFFFFE10];
	v60 =	vadd.s32 v17, v35  }
0xe7: {  	v38 =	vmul.f32 $8.000000000e+00, v38;
	v34 =	vadd.s32 $0x8, v35;
	[tilespmem:v47+s0+$0x0] =	vst.idx.msk $0xffff, v39;
	v47 =	vld [tilespmem:s13+$0xFFFFFED0];
	v56 =	vadd.s32 v25, v35  }
0xe8: {  	[tilespmem:v46+s0+$0x0] =	vst.idx.msk $0xffff, v41;
	v42 =	vmul.f32 $8.000000000e+00, v42;
	v36 =	vld [tilespmem:s30+$0xFFFFFEB0];
	v61 =	vadd.s32 v8, v34  }
0xe9: {  	[tilespmem:v59+s0+$0x0] =	vst.idx.msk $0xffff, v38;
	v51 =	vld [tilespmem:s30+$0xFFFFFEF0];
	v62 =	vadd.s32 v20, v34  }
0xea: {  	v46 =	vld [tilespmem:s30+$0xFFFFFE30];
	[tilespmem:v50+s0+$0x0] =	vst.idx.msk $0xffff, v42;
	v50 =	vadd.s32 v28, v34;
	v37 =	vmul.f32 $8.000000000e+00, v63  }
0xeb: {  	v53 =	vadd.s32 v10, v35;
	v42 =	vld [tilespmem:s30+$0xFFFFFFF0];
	[tilespmem:v60+s0+$0x0] =	vst.idx.msk $0xffff, v33  }
0xec: {  	v58 =	vmul.f32 $8.000000000e+00, v58;
	v55 =	vadd.s32 v2, v35;
	v33 =	vld [tilespmem:s30+$0xFFFFFF70];
	[tilespmem:v56+s0+$0x0] =	vst.idx.msk $0xffff, v37  }
0xed: {  	v40 =	vmul.f32 $8.000000000e+00, v40;
	v59 =	vadd.s32 v14, v35;
	[tilespmem:v61+s0+$0x0] =	vst.idx.msk $0xffff, v54;
	v63 =	vld [tilespmem:s30+$0xFFFFFF30]  }
0xee: {  	v36 =	vmul.f32 $8.000000000e+00, v36;
	v61 =	vadd.s32 v22, v35;
	[tilespmem:v62+s0+$0x0] =	vst.idx.msk $0xffff, v58;
	v39 =	vld [tilespmem:s30+$0xFFFFFFB0]  }
0xef: {  	v38 =	vadd.s32 v30, v35;
	v60 =	vmul.f32 $8.000000000e+00, v46;
	v46 =	vld [tilespmem:s13+$0xFFFFFEA0];
	[tilespmem:v50+s0+$0x0] =	vst.idx.msk $0xffff, v40  }
0xf0: {  	v57 =	vadd.s32 v12, v34;
	v62 =	vmul.f32 $8.000000000e+00, v51;
	v54 =	vld [tilespmem:s13+$0xFFFFFF60];
	[tilespmem:v53+s0+$0x0] =	vst.idx.msk $0xffff, v36  }
0xf1: {  	v58 =	vadd.s32 v16, v34;
	[tilespmem:v55+s0+$0x0] =	vst.idx.msk $0xffff, v60;
	v53 =	vld [tilespmem:s30+$0xFFFFFE70];
	v33 =	vmul.f32 $8.000000000e+00, v33  }
0xf2: {  	v44 =	vadd.s32 v18, v35;
	[tilespmem:v59+s0+$0x0] =	vst.idx.msk $0xffff, v62;
	v59 =	vmul.f32 $8.000000000e+00, v42;
	v62 =	vmul.f32 $8.000000000e+00, v45;
	v45 =	vld [tilespmem:s13+$0xFFFFFFE0]  }
0xf3: {  	v60 =	vmul.f32 $8.000000000e+00, v47;
	v43 =	vld [tilespmem:s30+$0xFFFFFEC0];
	[tilespmem:v61+s0+$0x0] =	vst.idx.msk $0xffff, v33;
	v61 =	vadd.s32 v26, v35  }
0xf4: {  	v55 =	vadd.s32 v0, v34;
	v42 =	vld [tilespmem:s30+$0xFFFFFF00];
	[tilespmem:v38+s0+$0x0] =	vst.idx.msk $0xffff, v59  }
0xf5: {  	v51 =	vadd.s32 v6, v35;
	v38 =	vld [tilespmem:s30+$0xFFFFFE40];
	[tilespmem:v57+s0+$0x0] =	vst.idx.msk $0xffff, v60;
	v63 =	vmul.f32 $8.000000000e+00, v63  }
0xf6: {  	v56 =	vadd.s32 v15, v35;
	[tilespmem:v58+s0+$0x0] =	vst.idx.msk $0xffff, v62;
	v48 =	vmul.f32 $8.000000000e+00, v39;
	v57 =	vld [tilespmem:s30+$0x0]  }
0xf7: {  	v41 =	vmul.f32 $8.000000000e+00, v49;
	v50 =	vmul.f32 $8.000000000e+00, v52;
	v52 =	vadd.s32 v9, v34;
	v40 =	vld [tilespmem:s13+$0xFFFFFF20];
	[tilespmem:v44+s0+$0x0] =	vst.idx.msk $0xffff, v63  }
0xf8: {  	v49 =	vadd.s32 v19, v35;
	v58 =	vadd.s32 v11, v35;
	v60 =	vmul.f32 $8.000000000e+00, v53;
	v59 =	vld [tilespmem:s30+$0xFFFFFF40];
	[tilespmem:v61+s0+$0x0] =	vst.idx.msk $0xffff, v48  }
0xf9: {  	v36 =	vadd.s32 v27, v35;
	[tilespmem:v55+s0+$0x0] =	vst.idx.msk $0xffff, v50;
	v50 =	vadd.s32 v4, v34;
	v62 =	vmul.f32 $8.000000000e+00, v42;
	v47 =	vld [tilespmem:s30+$0xFFFFFFC0]  }
0xfa: {  	v39 =	vadd.s32 v23, v35;
	[tilespmem:v51+s0+$0x0] =	vst.idx.msk $0xffff, v60;
	v61 =	vmul.f32 $8.000000000e+00, v46;
	v46 =	vld [tilespmem:s13+$0xFFFFFEE0];
	v48 =	vadd.s32 v29, v34  }
0xfb: {  	v33 =	vadd.s32 v27, v34;
	v37 =	vmul.f32 $8.000000000e+00, v54;
	v63 =	vmul.f32 $8.000000000e+00, v43;
	v44 =	vld [tilespmem:s30+$0xFFFFFE80];
	[tilespmem:v56+s0+$0x0] =	vst.idx.msk $0xffff, v62  }
0xfc: {  	v53 =	vmul.f32 $8.000000000e+00, v45;
	v42 =	vadd.s32 v7, v35;
	v43 =	vld [tilespmem:s30+$0xFFFFFF80];
	[tilespmem:v52+s0+$0x0] =	vst.idx.msk $0xffff, v61;
	v52 =	vadd.s32 v31, v35  }
0xfd: {  	s24 =	simm.s32 $0x89F0;
	s14 =	simm.s32 $0x8;
	v45 =	vld [tilespmem:s13+$0xFFFFFE20];
	v51 =	vadd.s32 v3, v35;
	[tilespmem:v58+s0+$0x0] =	vst.idx.msk $0xffff, v63;
	v54 =	vmul.f32 $8.000000000e+00, v57;
	v55 =	vmul.f32 $8.000000000e+00, v59;
	v35 =	vmovc v34  }
.LBB2_7:
0xfe: {  	s14 =	sadd.s32 $0x8, s14;
	[tilespmem:v50+s0+$0x0] =	vst.idx.msk $0xffff, v41;
	v41 =	vmul.f32 $8.000000000e+00, v32;
	v32 =	vld [tilespmem:s24+$0xFFFFFF90];
	v34 =	vadd.s32 $0x8, v34;
	v47 =	vmul.f32 $8.000000000e+00, v47  }
0xff: {  	v56 =	vadd.s32 v13, v35;
	v40 =	vmul.f32 $8.000000000e+00, v40;
	p1 =	slt.u32 s14, $0x78;
	v50 =	vld [tilespmem:s13+$0xFFFFFEB0];
	v46 =	vmul.f32 $8.000000000e+00, v46;
	[tilespmem:v48+s0+$0x0] =	vst.idx.msk $0xffff, v53  }
0x100: {  	v38 =	vmul.f32 $8.000000000e+00, v38;
	v48 =	vadd.s32 v8, v34;
	v53 =	vld [tilespmem:s24+$0xFFFFFF50];
	v44 =	vmul.f32 $8.000000000e+00, v44;
	[tilespmem:v49+s0+$0x0] =	vst.idx.msk $0xffff, v55  }
0x101: {  	v57 =	vadd.s32 v1, v35;
	v49 =	vadd.s32 v0, v34;
	v55 =	vld [tilespmem:s24+$0xFFFFFF10];
	v43 =	vmul.f32 $8.000000000e+00, v43;
	[tilespmem:v52+s0+$0x0] =	vst.idx.msk $0xffff, v54  }
0x102: {  	v52 =	vadd.s32 v27, v34;
	v54 =	vld [tilespmem:s24+$0xFFFFFFD0];
	[tilespmem:v51+s0+$0x0] =	vst.idx.msk $0xffff, v38  }
0x103: {  	v38 =	vmul.f32 $8.000000000e+00, v45;
	v51 =	vadd.s32 v24, v35;
	v45 =	vld [tilespmem:s13+$0xFFFFFE60];
	[tilespmem:v36+s0+$0x0] =	vst.idx.msk $0xffff, v47;
	v36 =	vmovc v33;
	v33 =	vmov v52  }
0x104: {  	v47 =	vld [tilespmem:s24+$0xFFFFFE90];
	[tilespmem:v56+s0+$0x0] =	vst.idx.msk $0xffff, v46;
	v46 =	vadd.s32 v21, v35  }
0x105: {  	v52 =	vadd.s32 v5, v35;
	v50 =	vmul.f32 $8.000000000e+00, v50;
	v56 =	vld [tilespmem:s13+$0xFFFFFEF0];
	[tilespmem:v42+s0+$0x0] =	vst.idx.msk $0xffff, v44  }
0x106: {  	v42 =	vld [tilespmem:s24+$0xFFFFFE10];
	[tilespmem:v57+s0+$0x0] =	vst.idx.msk $0xffff, v38;
	v38 =	vadd.s32 v17, v35  }
0x107: {  	v44 =	vld [tilespmem:s13+$0xFFFFFE30];
	[tilespmem:v39+s0+$0x0] =	vst.idx.msk $0xffff, v43  }
0x108: {  	v39 =	vld [tilespmem:s24+$0xFFFFFED0];
	v43 =	vmul.f32 $8.000000000e+00, v45;
	v45 =	vadd.s32 v10, v35;
	[tilespmem:v51+s0+$0x0] =	vst.idx.msk $0xffff, v41  }
0x109: {  	v41 =	vmul.f32 $8.000000000e+00, v47;
	v47 =	vadd.s32 v20, v34;
	[tilespmem:v46+s0+$0x0] =	vst.idx.msk $0xffff, v37;
	v37 =	vld [tilespmem:s13+$0xFFFFFFA0]  }
0x10a: {  	v51 =	vadd.s32 v2, v35;
	v46 =	vadd.s32 v28, v34;
	[tilespmem:v52+s0+$0x0] =	vst.idx.msk $0xffff, v43;
	v43 =	vld [tilespmem:s13+$0xFFFFFFF0]  }
0x10b: {  	[tilespmem:v38+s0+$0x0] =	vst.idx.msk $0xffff, v40;
	v38 =	vld [tilespmem:s13+$0xFFFFFF70];
	v40 =	vadd.s32 v25, v35  }
0x10c: {  	v52 =	vld [tilespmem:s24+$0xFFFFFE50];
	[tilespmem:v48+s0+$0x0] =	vst.idx.msk $0xffff, v41;
	v41 =	vmul.f32 $8.000000000e+00, v53;
	v44 =	vmul.f32 $8.000000000e+00, v44;
	v48 =	vadd.s32 v14, v35  }
0x10d: {  	v54 =	vmul.f32 $8.000000000e+00, v54;
	v53 =	vld [tilespmem:s24+$0xFFFFFEA0];
	[tilespmem:v45+s0+$0x0] =	vst.idx.msk $0xffff, v50;
	v45 =	vadd.s32 v22, v35  }
0x10e: {  	v39 =	vmul.f32 $8.000000000e+00, v39;
	v50 =	vadd.s32 v30, v35;
	[tilespmem:v47+s0+$0x0] =	vst.idx.msk $0xffff, v41;
	v47 =	vld [tilespmem:s13+$0xFFFFFEC0];
	v37 =	vmul.f32 $8.000000000e+00, v37  }
0x10f: {  	v55 =	vmul.f32 $8.000000000e+00, v55;
	v41 =	vmul.f32 $8.000000000e+00, v56;
	[tilespmem:v51+s0+$0x0] =	vst.idx.msk $0xffff, v44;
	v44 =	vld [tilespmem:s13+$0xFFFFFF30]  }
0x110: {  	v51 =	vadd.s32 v12, v34;
	v56 =	vld [tilespmem:s13+$0xFFFFFE70];
	v38 =	vmul.f32 $8.000000000e+00, v38;
	[tilespmem:v40+s0+$0x0] =	vst.idx.msk $0xffff, v37  }
0x111: {  	v43 =	vmul.f32 $8.000000000e+00, v43;
	v37 =	vadd.s32 v16, v34;
	[tilespmem:v48+s0+$0x0] =	vst.idx.msk $0xffff, v41;
	v40 =	vld [tilespmem:s13+$0xFFFFFFB0]  }
0x112: {  	v57 =	vadd.s32 v18, v35;
	v48 =	vld [tilespmem:s13+$0xFFFFFF00];
	[tilespmem:v45+s0+$0x0] =	vst.idx.msk $0xffff, v38  }
0x113: {  	v41 =	vmul.f32 $8.000000000e+00, v52;
	v52 =	vadd.s32 v26, v35;
	v45 =	vld [tilespmem:s24+$0xFFFFFF60];
	[tilespmem:v50+s0+$0x0] =	vst.idx.msk $0xffff, v43  }
0x114: {  	[tilespmem:v46+s0+$0x0] =	vst.idx.msk $0xffff, v54;
	v38 =	vld [tilespmem:s13+$0xFFFFFE40]  }
0x115: {  	v44 =	vmul.f32 $8.000000000e+00, v44;
	[tilespmem:v51+s0+$0x0] =	vst.idx.msk $0xffff, v39;
	v43 =	vld [tilespmem:s24+$0xFFFFFFE0];
	v39 =	vmul.f32 $8.000000000e+00, v56;
	v51 =	vadd.s32 v6, v35  }
0x116: {  	v53 =	vmul.f32 $8.000000000e+00, v53;
	v54 =	vadd.s32 v15, v35;
	[tilespmem:v37+s0+$0x0] =	vst.idx.msk $0xffff, v55;
	v37 =	vmul.f32 $8.000000000e+00, v40;
	v56 =	vld [tilespmem:s13+$0x0]  }
0x117: {  	v42 =	vmul.f32 $8.000000000e+00, v42;
	v55 =	vadd.s32 v9, v34;
	v40 =	vld [tilespmem:s24+$0xFFFFFF20];
	[tilespmem:v57+s0+$0x0] =	vst.idx.msk $0xffff, v44  }
0x118: {  	v58 =	vadd.s32 v11, v35;
	v57 =	vmul.f32 $8.000000000e+00, v47;
	v59 =	vld [tilespmem:s13+$0xFFFFFF40];
	[tilespmem:v52+s0+$0x0] =	vst.idx.msk $0xffff, v37  }
.Ltmp2:
0x119: {  	v50 =	vadd.s32 v4, v34;
	v37 =	vmul.f32 $8.000000000e+00, v45;
	[tilespmem:v49+s0+$0x0] =	vst.idx.msk $0xffff, v42;
	v42 =	vmul.f32 $8.000000000e+00, v48;
	v47 =	vld [tilespmem:s13+$0xFFFFFFC0];
	(pc) =	sbr.rel @p1 .LBB2_7-.Ltmp2, $4  }
0x11a: {  	v48 =	vadd.s32 v29, v34;
	v46 =	vld [tilespmem:s24+$0xFFFFFEE0];
	[tilespmem:v51+s0+$0x0] =	vst.idx.msk $0xffff, v39  }
0x11b: {  	v49 =	vadd.s32 v19, v35;
	v39 =	vadd.s32 v23, v35;
	v44 =	vld [tilespmem:s13+$0xFFFFFE80];
	[tilespmem:v54+s0+$0x0] =	vst.idx.msk $0xffff, v42  }
0x11c: {  	v52 =	vadd.s32 v31, v35;
	v42 =	vadd.s32 v7, v35;
	[tilespmem:v55+s0+$0x0] =	vst.idx.msk $0xffff, v53;
	v53 =	vmul.f32 $8.000000000e+00, v43;
	v43 =	vld [tilespmem:s13+$0xFFFFFF80];
	s13 =	smov.u32 s24  }
0x11d: {  	v51 =	vadd.s32 v3, v35;
	v54 =	vmul.f32 $8.000000000e+00, v56;
	v35 =	vmovc v34;
	s24 =	sadd.s32 $0x200, s24;
	v45 =	vld [tilespmem:s13+$0xFFFFFE20];
	[tilespmem:v58+s0+$0x0] =	vst.idx.msk $0xffff, v57;
	v55 =	vmul.f32 $8.000000000e+00, v59  }
0x11e: {  	_ =	sdelay $0x3  }
0x11f: {  	v34 =	vadd.s32 v24, v35;
	[tilespmem:v50+s0+$0x0] =	vst.idx.msk $0xffff, v41  }
0x120: {  	[tilespmem:v48+s0+$0x0] =	vst.idx.msk $0xffff, v53  }
0x121: {  	v57 =	vadd.s32 v13, v35;
	v38 =	vmul.f32 $8.000000000e+00, v38;
	[tilespmem:v49+s0+$0x0] =	vst.idx.msk $0xffff, v55  }
0x122: {  	v32 =	vmul.f32 $8.000000000e+00, v32;
	v58 =	vadd.s32 v17, v35;
	[tilespmem:v52+s0+$0x0] =	vst.idx.msk $0xffff, v54  }
0x123: {  	v62 =	vld [tilespmem:s13+$0xFFFFFE60];
	[tilespmem:v51+s0+$0x0] =	vst.idx.msk $0xffff, v38;
	v44 =	vmul.f32 $8.000000000e+00, v44  }
0x124: {  	v60 =	vadd.s32 v1, v35;
	v59 =	vmul.f32 $8.000000000e+00, v46;
	[tilespmem:v34+s0+$0x0] =	vst.idx.msk $0xffff, v32  }
0x125: {  	v63 =	vmul.f32 $8.000000000e+00, v40;
	v51 =	vadd.s32 v5, v35;
	[tilespmem:v42+s0+$0x0] =	vst.idx.msk $0xffff, v44;
	v61 =	vld [tilespmem:s13+$0xFFFFFFA0]  }
0x126: {  	v53 =	vld [tilespmem:s13+$0xFFFFFEB0];
	v54 =	vadd.s32 v21, v35;
	v43 =	vmul.f32 $8.000000000e+00, v43;
	[tilespmem:v57+s0+$0x0] =	vst.idx.msk $0xffff, v59  }
0x127: {  	v49 =	vadd.s32 v25, v35;
	v50 =	vmul.f32 $8.000000000e+00, v45;
	[tilespmem:v58+s0+$0x0] =	vst.idx.msk $0xffff, v63;
	v52 =	vld [tilespmem:s13+$0xFFFFFEF0]  }
0x128: {  	[tilespmem:v39+s0+$0x0] =	vst.idx.msk $0xffff, v43;
	v59 =	vadd.s32 v10, v35;
	v57 =	vld [tilespmem:s13+$0xFFFFFF30];
	v58 =	vmul.f32 $8.000000000e+00, v62  }
0x129: {  	v55 =	vadd.s32 v14, v35;
	[tilespmem:v60+s0+$0x0] =	vst.idx.msk $0xffff, v50;
	v60 =	vld [tilespmem:s13+$0xFFFFFFF0]  }
0x12a: {  	v62 =	vadd.s32 v18, v35;
	[tilespmem:v51+s0+$0x0] =	vst.idx.msk $0xffff, v58;
	v56 =	vmul.f32 $8.000000000e+00, v61;
	v61 =	vld [tilespmem:s13+$0xFFFFFE30]  }
0x12b: {  	v63 =	vadd.s32 v30, v35;
	v42 =	vmul.f32 $8.000000000e+00, v53;
	[tilespmem:v54+s0+$0x0] =	vst.idx.msk $0xffff, v37;
	v51 =	vld [tilespmem:s13+$0xFFFFFE70]  }
0x12c: {  	v50 =	vadd.s32 v2, v35;
	v48 =	vmul.f32 $8.000000000e+00, v52;
	v52 =	vld [tilespmem:s13+$0xFFFFFF70];
	[tilespmem:v49+s0+$0x0] =	vst.idx.msk $0xffff, v56  }
0x12d: {  	[tilespmem:v59+s0+$0x0] =	vst.idx.msk $0xffff, v42;
	v38 =	vmul.f32 $8.000000000e+00, v57;
	v56 =	vadd.s32 v6, v35;
	v49 =	vld [tilespmem:s13+$0xFFFFFFB0]  }
0x12e: {  	v58 =	vadd.s32 v22, v35;
	v54 =	vmul.f32 $8.000000000e+00, v60;
	v59 =	vld [tilespmem:s13+$0xFFFFFEC0];
	[tilespmem:v55+s0+$0x0] =	vst.idx.msk $0xffff, v48  }
0x12f: {  	v53 =	vadd.s32 v26, v35;
	[tilespmem:v62+s0+$0x0] =	vst.idx.msk $0xffff, v38;
	v55 =	vld [tilespmem:s13+$0xFFFFFF00];
	v57 =	vmul.f32 $8.000000000e+00, v61  }
0x130: {  	[tilespmem:v63+s0+$0x0] =	vst.idx.msk $0xffff, v54;
	v62 =	vmul.f32 $8.000000000e+00, v51  }
0x131: {  	v63 =	vadd.s32 v11, v35;
	v38 =	vld [tilespmem:s13+$0xFFFFFF40];
	v48 =	vmul.f32 $8.000000000e+00, v52;
	[tilespmem:v50+s0+$0x0] =	vst.idx.msk $0xffff, v57  }
0x132: {  	v60 =	vadd.s32 v15, v35;
	v39 =	vld [tilespmem:s13+$0x0];
	[tilespmem:v56+s0+$0x0] =	vst.idx.msk $0xffff, v62;
	v61 =	vmul.f32 $8.000000000e+00, v49  }
0x133: {  	v47 =	vmul.f32 $8.000000000e+00, v47;
	v50 =	vadd.s32 v19, v35;
	[tilespmem:v58+s0+$0x0] =	vst.idx.msk $0xffff, v48;
	v49 =	vld [tilespmem:s13+$0xFFFFFE40]  }
0x134: {  	v54 =	vmul.f32 $8.000000000e+00, v59;
	v51 =	vmul.f32 $8.000000000e+00, v55;
	v55 =	vld [tilespmem:s13+$0xFFFFFE80];
	[tilespmem:v53+s0+$0x0] =	vst.idx.msk $0xffff, v61;
	v53 =	vadd.s32 v31, v35  }
0x135: {  	[tilespmem:v36+s0+$0x0] =	vst.idx.msk $0xffff, v47;
	v56 =	vadd.s32 v3, v35;
	v57 =	vld [tilespmem:s13+$0xFFFFFF80]  }
0x136: {  	v59 =	vadd.s32 v7, v35;
	[tilespmem:v63+s0+$0x0] =	vst.idx.msk $0xffff, v54;
	v58 =	vmul.f32 $8.000000000e+00, v38;
	v52 =	vld [tilespmem:s13+$0xFFFFFFC0]  }
0x137: {  	v39 =	vmul.f32 $8.000000000e+00, v39;
	[tilespmem:v60+s0+$0x0] =	vst.idx.msk $0xffff, v51;
	v60 =	vadd.s32 v23, v35  }
0x138: {  	[tilespmem:v50+s0+$0x0] =	vst.idx.msk $0xffff, v58;
	v61 =	vmul.f32 $8.000000000e+00, v49  }
0x139: {  	v63 =	vmul.f32 $8.000000000e+00, v55;
	[tilespmem:v53+s0+$0x0] =	vst.idx.msk $0xffff, v39  }
0x13a: {  	v32 =	vmul.f32 $8.000000000e+00, v57;
	[tilespmem:v56+s0+$0x0] =	vst.idx.msk $0xffff, v61  }
0x13b: {  	[tilespmem:v59+s0+$0x0] =	vst.idx.msk $0xffff, v63;
	v62 =	vmul.f32 $8.000000000e+00, v52  }
0x13c: {  	[tilespmem:v60+s0+$0x0] =	vst.idx.msk $0xffff, v32  }
0x13d: {  	[tilespmem:v33+s0+$0x0] =	vst.idx.msk $0xffff, v62  }
0x13e: {  	s2 =	rddreg [dreg:$0x4]  }
0x13f: {  	s24 =	simm.s32 $0x18600;
	s2 =	sadd.s32 s28, s2  }
0x140: {  	[hbm4b:s2+s3] =	stream.linear.scatter [tilespmem:s24], [sflag:$0xA], $0x80, $0x38;
	[tilespmem:$0x1A800] =	vst v63  }
0x141: {  	s7 =	simm.s32 $0x18688;
	s14 =	sadd.s32 $0x10, s2  }
0x142: {  	[hbm4b:s14+s3] =	stream.linear.scatter [tilespmem:s7], [sflag:$0xA], $0x80, $0x38;
	[tilespmem:$0x1A800] =	vst v63  }
0x143: {  	s15 =	sadd.s32 $0x20, s2;
	s14 =	simm.s32 $0x18710  }
0x144: {  	[hbm4b:s15+s3] =	stream.linear.scatter [tilespmem:s14], [sflag:$0xA], $0x80, $0x38;
	[tilespmem:$0x1A800] =	vst v63  }
0x145: {  	s24 =	simm.s32 $0x18798;
	s7 =	sadd.s32 $0x30, s2  }
0x146: {  	[hbm4b:s7+s3] =	stream.linear.scatter [tilespmem:s24], [sflag:$0xA], $0x80, $0x38;
	[tilespmem:$0x1A800] =	vst v63  }
0x147: {  	s14 =	simm.s32 $0x18820;
	s15 =	sadd.s32 $0x40, s2  }
0x148: {  	[hbm4b:s15+s3] =	stream.linear.scatter [tilespmem:s14], [sflag:$0xA], $0x80, $0x38;
	[tilespmem:$0x1A800] =	vst v63  }
0x149: {  	s30 =	simm.s32 $0x189B8;
	s24 =	simm.s32 $0x188A8;
	s7 =	sadd.s32 $0x50, s2  }
0x14a: {  	[hbm4b:s7+s3] =	stream.linear.scatter [tilespmem:s24], [sflag:$0xA], $0x80, $0x38;
	[tilespmem:$0x1A800] =	vst v63  }
0x14b: {  	s13 =	simm.s32 $0x440;
	s15 =	simm.s32 $0x18930;
	s24 =	sadd.s32 $0x60, s2  }
0x14c: {  	[hbm4b:s24+s3] =	stream.linear.scatter [tilespmem:s15], [sflag:$0xA], $0x80, $0x38;
	[tilespmem:$0x1A800] =	vst v63  }
0x14d: {  	s14 =	sadd.s32 $0x1000, s2;
	s24 =	simm.s32 $0x2200;
	s15 =	sadd.s32 $0x70, s2  }
.LBB2_9:
0x14e: {  	[hbm4b:s15+s3] =	stream.linear.scatter [tilespmem:s30], [sflag:$0xA], $0x80, $0x38;
	[tilespmem:$0x1A800] =	vst v63  }
0x14f: {  	s2 =	smov.u32 s13;
	s13 =	smov.u32 s24  }
0x150: {  	s7 =	sadd.s32 $0x1100, s24;
	s13 =	sshra.s32 s13, $0x2;
	s15 =	sadd.s32 $0x18600, s2  }
0x151: {  	[hbm4b:s14+s3] =	stream.linear.scatter [tilespmem:s15], [sflag:$0xA], $0x80, $0x38;
	[tilespmem:$0x1A800] =	vst v63  }
0x152: {  	p1 =	sne.s32 s24, $0x7700;
	s24 =	sadd.s32 $0x10, s14;
	s15 =	sadd.s32 $0x18688, s2  }
0x153: {  	[hbm4b:s24+s3] =	stream.linear.scatter [tilespmem:s15], [sflag:$0xA], $0x80, $0x38;
	[tilespmem:$0x1A800] =	vst v63  }
0x154: {  	s15 =	sadd.s32 $0x18710, s2;
	s24 =	sadd.s32 $0x20, s14  }
0x155: {  	[hbm4b:s24+s3] =	stream.linear.scatter [tilespmem:s15], [sflag:$0xA], $0x80, $0x38;
	[tilespmem:$0x1A800] =	vst v63  }
0x156: {  	s15 =	sadd.s32 $0x18798, s2;
	s24 =	sadd.s32 $0x30, s14  }
0x157: {  	[hbm4b:s24+s3] =	stream.linear.scatter [tilespmem:s15], [sflag:$0xA], $0x80, $0x38;
	[tilespmem:$0x1A800] =	vst v63  }
0x158: {  	s15 =	sadd.s32 $0x18820, s2;
	s24 =	sadd.s32 $0x40, s14  }
0x159: {  	[hbm4b:s24+s3] =	stream.linear.scatter [tilespmem:s15], [sflag:$0xA], $0x80, $0x38;
	[tilespmem:$0x1A800] =	vst v63  }
.Ltmp3:
0x15a: {  	s15 =	sadd.s32 $0x188A8, s2;
	s24 =	sadd.s32 $0x50, s14;
	(pc) =	sbr.rel @p1 .LBB2_9-.Ltmp3, $4  }
0x15b: {  	[hbm4b:s24+s3] =	stream.linear.scatter [tilespmem:s15], [sflag:$0xA], $0x80, $0x38;
	[tilespmem:$0x1A800] =	vst v63  }
0x15c: {  	s30 =	sadd.s32 $0x189B8, s2;
	s15 =	sadd.s32 $0x18930, s2;
	s24 =	sadd.s32 $0x60, s14  }
0x15d: {  	[hbm4b:s24+s3] =	stream.linear.scatter [tilespmem:s15], [sflag:$0xA], $0x80, $0x38;
	[tilespmem:$0x1A800] =	vst v63  }
0x15e: {  	s15 =	sadd.s32 $0x70, s14;
	s14 =	sadd.s32 $0x1000, s14;
	s24 =	smov.u32 s7  }
0x15f: {  	[hbm4b:s15+s3] =	stream.linear.scatter [tilespmem:s30], [sflag:$0xA], $0x80, $0x38;
	[tilespmem:$0x1A800] =	vst v63  }
0x160: {  	s2 =	sadd.s32 $0x18600, s13  }
0x161: {  	[hbm4b:s14+s3] =	stream.linear.scatter [tilespmem:s2], [sflag:$0xA], $0x80, $0x38;
	[tilespmem:$0x1A800] =	vst v63  }
0x162: {  	s15 =	sadd.s32 $0x18688, s13;
	s7 =	sadd.s32 $0x10, s14  }
0x163: {  	[hbm4b:s7+s3] =	stream.linear.scatter [tilespmem:s15], [sflag:$0xA], $0x80, $0x38;
	[tilespmem:$0x1A800] =	vst v63  }
0x164: {  	s24 =	sadd.s32 $0x18710, s13;
	s30 =	sadd.s32 $0x20, s14  }
0x165: {  	[hbm4b:s30+s3] =	stream.linear.scatter [tilespmem:s24], [sflag:$0xA], $0x80, $0x38;
	[tilespmem:$0x1A800] =	vst v63  }
0x166: {  	s7 =	sadd.s32 $0x18798, s13;
	s15 =	sadd.s32 $0x30, s14  }
0x167: {  	[hbm4b:s15+s3] =	stream.linear.scatter [tilespmem:s7], [sflag:$0xA], $0x80, $0x38;
	[tilespmem:$0x1A800] =	vst v63  }
0x168: {  	s24 =	sadd.s32 $0x18820, s13;
	s30 =	sadd.s32 $0x40, s14  }
0x169: {  	[hbm4b:s30+s3] =	stream.linear.scatter [tilespmem:s24], [sflag:$0xA], $0x80, $0x38;
	[tilespmem:$0x1A800] =	vst v63  }
0x16a: {  	s7 =	sadd.s32 $0x188A8, s13;
	s15 =	sadd.s32 $0x50, s14  }
0x16b: {  	[hbm4b:s15+s3] =	stream.linear.scatter [tilespmem:s7], [sflag:$0xA], $0x80, $0x38;
	[tilespmem:$0x1A800] =	vst v63  }
0x16c: {  	s24 =	sadd.s32 $0x18930, s13;
	s30 =	sadd.s32 $0x60, s14  }
0x16d: {  	[hbm4b:s30+s3] =	stream.linear.scatter [tilespmem:s24], [sflag:$0xA], $0x80, $0x38;
	[tilespmem:$0x1A800] =	vst v63  }
0x16e: {  	s15 =	sadd.s32 $0x189B8, s13;
	s24 =	sadd.s32 $0x70, s14  }
0x16f: {  	[hbm4b:s24+s3] =	stream.linear.scatter [tilespmem:s15], [sflag:$0xA], $0x80, $0x38;
	[tilespmem:$0x1A800] =	vst v63  }
0x170: {  	_ =	swait.ge [sflag:s16], $0x2000  }
0x171: {  	s2 =	sadd.s32 @!p0 $0x480, s5;
	[sflag:s16] =	ssyncset.done $0x0  }
0x172: {  	s7 =	simm.s32 @!p0 $0x80;
	s13 =	simm.s32 @!p0 $0x8400;
	[sflag:s16] =	ssyncadd.s32 $0xFFFFE000  }
0x173: {  	[tilespmem:s13], [sflag:$0x2] =	stream.indirect.gather @!p0 [hbm4b:s4+s7], $0x40, s2, s7, $0xb8;
	[tilespmem:$0x1A800] =	vst v63  }
0x174: {  	_ =	swait.ge [sflag:s17], $0x2000  }
0x175: {  	[sflag:s17] =	ssyncset.done $0x0  }
0x176: {  	s30 =	simm.s32 $0xA400;
	[sflag:s17] =	ssyncadd.s32 $0xFFFFE000  }
0x177: {  	v32 =	vld [tilespmem:s30+$0x80]  }
0x178: {  	v34 =	vld [tilespmem:s30+$0x140]  }
0x179: {  	v36 =	vld [tilespmem:s30+$0x1C0]  }
0x17a: {  	v35 =	vimm.s32 $0x0;
	v37 =	vld [tilespmem:s30+$0x100]  }
0x17b: {  	v33 =	vadd.s32 v8, v35;
	v41 =	vld [tilespmem:s30+$0x0]  }
0x17c: {  	v42 =	vadd.s32 v16, v35;
	v39 =	vld [tilespmem:s30+$0xC0]  }
0x17d: {  	v57 =	vadd.s32 v0, v35;
	v45 =	vld [tilespmem:s30+$0x40]  }
0x17e: {  	v40 =	vadd.s32 v28, v35;
	s13 =	simm.s32 $0xA600;
	v43 =	vld [tilespmem:s30+$0x180];
	v32 =	vmul.f32 $8.000000000e+00, v32  }
0x17f: {  	v49 =	vld [tilespmem:s13+$0x80];
	v58 =	vmul.f32 $8.000000000e+00, v37  }
0x180: {  	v56 =	vadd.s32 v12, v35;
	v62 =	vmul.f32 $8.000000000e+00, v41;
	[tilespmem:v33+s31+$0x0] =	vst.idx.msk $0xffff, v32;
	v32 =	vld [tilespmem:s13+$0x180]  }
0x181: {  	v36 =	vmul.f32 $8.000000000e+00, v36;
	[tilespmem:v42+s31+$0x0] =	vst.idx.msk $0xffff, v58;
	v58 =	vld [tilespmem:s13+$0x140]  }
0x182: {  	[tilespmem:v57+s31+$0x0] =	vst.idx.msk $0xffff, v62;
	v57 =	vmul.f32 $8.000000000e+00, v45;
	v45 =	vld [tilespmem:s13+$0x100]  }
0x183: {  	v38 =	vadd.s32 v20, v35;
	v59 =	vmul.f32 $8.000000000e+00, v39;
	[tilespmem:v40+s31+$0x0] =	vst.idx.msk $0xffff, v36;
	v40 =	vld [tilespmem:s13+$0x1C0]  }
0x184: {  	v54 =	vadd.s32 v4, v35;
	v44 =	vld [tilespmem:s30+$0x90]  }
0x185: {  	[tilespmem:v56+s31+$0x0] =	vst.idx.msk $0xffff, v59;
	v61 =	vld [tilespmem:s30+$0x1D0]  }
0x186: {  	v48 =	vadd.s32 v24, v35;
	v55 =	vmul.f32 $8.000000000e+00, v34;
	v53 =	vld [tilespmem:s30+$0xD0]  }
0x187: {  	v60 =	vadd.s32 v9, v35;
	v63 =	vld [tilespmem:s30+$0x110]  }
0x188: {  	[tilespmem:v38+s31+$0x0] =	vst.idx.msk $0xffff, v55;
	v56 =	vadd.s32 v13, v35;
	v55 =	vld [tilespmem:s30+$0x10]  }
0x189: {  	v47 =	vadd.s32 v29, v35;
	v43 =	vmul.f32 $8.000000000e+00, v43;
	v38 =	vld [tilespmem:s30+$0x150];
	[tilespmem:v54+s31+$0x0] =	vst.idx.msk $0xffff, v57  }
0x18a: {  	v46 =	vadd.s32 v1, v35;
	v42 =	vld [tilespmem:s30+$0x50];
	v52 =	vmul.f32 $8.000000000e+00, v44  }
0x18b: {  	v59 =	vadd.s32 v21, v35;
	[tilespmem:v48+s31+$0x0] =	vst.idx.msk $0xffff, v43;
	v54 =	vmul.f32 $8.000000000e+00, v49;
	v49 =	vld [tilespmem:s13+$0x40];
	v34 =	vmul.f32 $8.000000000e+00, v53  }
0x18c: {  	v50 =	vadd.s32 v5, v35;
	v39 =	vmul.f32 $8.000000000e+00, v61;
	v33 =	vmul.f32 $8.000000000e+00, v63;
	v63 =	vld [tilespmem:s30+$0x190];
	[tilespmem:v60+s31+$0x0] =	vst.idx.msk $0xffff, v52  }
0x18d: {  	v41 =	vmul.f32 $8.000000000e+00, v55;
	[tilespmem:v56+s31+$0x0] =	vst.idx.msk $0xffff, v34;
	v52 =	vld [tilespmem:s13+$0x0];
	v60 =	vadd.s32 v17, v35  }
0x18e: {  	v38 =	vmul.f32 $8.000000000e+00, v38;
	v34 =	vadd.s32 $0x8, v35;
	[tilespmem:v47+s31+$0x0] =	vst.idx.msk $0xffff, v39;
	v47 =	vld [tilespmem:s13+$0xC0];
	v56 =	vadd.s32 v25, v35  }
0x18f: {  	[tilespmem:v46+s31+$0x0] =	vst.idx.msk $0xffff, v41;
	v42 =	vmul.f32 $8.000000000e+00, v42;
	v36 =	vld [tilespmem:s30+$0xA0];
	v61 =	vadd.s32 v8, v34  }
0x190: {  	[tilespmem:v59+s31+$0x0] =	vst.idx.msk $0xffff, v38;
	v51 =	vld [tilespmem:s30+$0xE0];
	v62 =	vadd.s32 v20, v34  }
0x191: {  	v46 =	vld [tilespmem:s30+$0x20];
	[tilespmem:v50+s31+$0x0] =	vst.idx.msk $0xffff, v42;
	v50 =	vadd.s32 v28, v34;
	v37 =	vmul.f32 $8.000000000e+00, v63  }
0x192: {  	v53 =	vadd.s32 v10, v35;
	v42 =	vld [tilespmem:s30+$0x1E0];
	[tilespmem:v60+s31+$0x0] =	vst.idx.msk $0xffff, v33  }
0x193: {  	v58 =	vmul.f32 $8.000000000e+00, v58;
	v55 =	vadd.s32 v2, v35;
	v33 =	vld [tilespmem:s30+$0x160];
	[tilespmem:v56+s31+$0x0] =	vst.idx.msk $0xffff, v37  }
0x194: {  	v40 =	vmul.f32 $8.000000000e+00, v40;
	v59 =	vadd.s32 v14, v35;
	[tilespmem:v61+s31+$0x0] =	vst.idx.msk $0xffff, v54;
	v63 =	vld [tilespmem:s30+$0x120]  }
0x195: {  	v36 =	vmul.f32 $8.000000000e+00, v36;
	v61 =	vadd.s32 v22, v35;
	[tilespmem:v62+s31+$0x0] =	vst.idx.msk $0xffff, v58;
	v39 =	vld [tilespmem:s30+$0x1A0]  }
0x196: {  	v38 =	vadd.s32 v30, v35;
	v60 =	vmul.f32 $8.000000000e+00, v46;
	v46 =	vld [tilespmem:s13+$0x90];
	[tilespmem:v50+s31+$0x0] =	vst.idx.msk $0xffff, v40  }
0x197: {  	v57 =	vadd.s32 v12, v34;
	v62 =	vmul.f32 $8.000000000e+00, v51;
	v54 =	vld [tilespmem:s13+$0x150];
	[tilespmem:v53+s31+$0x0] =	vst.idx.msk $0xffff, v36  }
0x198: {  	v58 =	vadd.s32 v16, v34;
	[tilespmem:v55+s31+$0x0] =	vst.idx.msk $0xffff, v60;
	v53 =	vld [tilespmem:s30+$0x60];
	v33 =	vmul.f32 $8.000000000e+00, v33  }
0x199: {  	v44 =	vadd.s32 v18, v35;
	[tilespmem:v59+s31+$0x0] =	vst.idx.msk $0xffff, v62;
	v59 =	vmul.f32 $8.000000000e+00, v42;
	v62 =	vmul.f32 $8.000000000e+00, v45;
	v45 =	vld [tilespmem:s13+$0x1D0]  }
0x19a: {  	v60 =	vmul.f32 $8.000000000e+00, v47;
	v43 =	vld [tilespmem:s30+$0xB0];
	[tilespmem:v61+s31+$0x0] =	vst.idx.msk $0xffff, v33;
	v61 =	vadd.s32 v26, v35  }
0x19b: {  	v55 =	vadd.s32 v0, v34;
	v42 =	vld [tilespmem:s30+$0xF0];
	[tilespmem:v38+s31+$0x0] =	vst.idx.msk $0xffff, v59  }
0x19c: {  	v51 =	vadd.s32 v6, v35;
	v38 =	vld [tilespmem:s30+$0x30];
	[tilespmem:v57+s31+$0x0] =	vst.idx.msk $0xffff, v60;
	v63 =	vmul.f32 $8.000000000e+00, v63  }
0x19d: {  	v56 =	vadd.s32 v15, v35;
	[tilespmem:v58+s31+$0x0] =	vst.idx.msk $0xffff, v62;
	v48 =	vmul.f32 $8.000000000e+00, v39;
	v57 =	vld [tilespmem:s30+$0x1F0]  }
0x19e: {  	v41 =	vmul.f32 $8.000000000e+00, v49;
	v50 =	vmul.f32 $8.000000000e+00, v52;
	v52 =	vadd.s32 v9, v34;
	v40 =	vld [tilespmem:s13+$0x110];
	[tilespmem:v44+s31+$0x0] =	vst.idx.msk $0xffff, v63  }
0x19f: {  	v49 =	vadd.s32 v19, v35;
	v58 =	vadd.s32 v11, v35;
	v60 =	vmul.f32 $8.000000000e+00, v53;
	v59 =	vld [tilespmem:s30+$0x130];
	[tilespmem:v61+s31+$0x0] =	vst.idx.msk $0xffff, v48  }
0x1a0: {  	v36 =	vadd.s32 v27, v35;
	[tilespmem:v55+s31+$0x0] =	vst.idx.msk $0xffff, v50;
	v50 =	vadd.s32 v4, v34;
	v62 =	vmul.f32 $8.000000000e+00, v42;
	v47 =	vld [tilespmem:s30+$0x1B0]  }
0x1a1: {  	v39 =	vadd.s32 v23, v35;
	[tilespmem:v51+s31+$0x0] =	vst.idx.msk $0xffff, v60;
	v61 =	vmul.f32 $8.000000000e+00, v46;
	v46 =	vld [tilespmem:s13+$0xD0];
	v48 =	vadd.s32 v29, v34  }
0x1a2: {  	v33 =	vadd.s32 v27, v34;
	v37 =	vmul.f32 $8.000000000e+00, v54;
	v63 =	vmul.f32 $8.000000000e+00, v43;
	v44 =	vld [tilespmem:s30+$0x70];
	[tilespmem:v56+s31+$0x0] =	vst.idx.msk $0xffff, v62  }
0x1a3: {  	v53 =	vmul.f32 $8.000000000e+00, v45;
	v42 =	vadd.s32 v7, v35;
	v43 =	vld [tilespmem:s30+$0x170];
	[tilespmem:v52+s31+$0x0] =	vst.idx.msk $0xffff, v61;
	v52 =	vadd.s32 v31, v35  }
0x1a4: {  	s14 =	simm.s32 $0x8;
	s24 =	simm.s32 $0xA800;
	v45 =	vld [tilespmem:s13+$0x10];
	v51 =	vadd.s32 v3, v35;
	[tilespmem:v58+s31+$0x0] =	vst.idx.msk $0xffff, v63;
	v54 =	vmul.f32 $8.000000000e+00, v57;
	v55 =	vmul.f32 $8.000000000e+00, v59;
	v35 =	vmovc v34  }
.LBB2_11:
0x1a5: {  	s14 =	sadd.s32 $0x8, s14;
	[tilespmem:v50+s31+$0x0] =	vst.idx.msk $0xffff, v41;
	v41 =	vmul.f32 $8.000000000e+00, v32;
	v32 =	vld [tilespmem:s24+$0x180];
	v34 =	vadd.s32 $0x8, v34;
	v47 =	vmul.f32 $8.000000000e+00, v47  }
0x1a6: {  	v56 =	vadd.s32 v13, v35;
	v40 =	vmul.f32 $8.000000000e+00, v40;
	p1 =	slt.u32 s14, $0x78;
	v50 =	vld [tilespmem:s13+$0xA0];
	v46 =	vmul.f32 $8.000000000e+00, v46;
	[tilespmem:v48+s31+$0x0] =	vst.idx.msk $0xffff, v53  }
0x1a7: {  	v38 =	vmul.f32 $8.000000000e+00, v38;
	v48 =	vadd.s32 v8, v34;
	v53 =	vld [tilespmem:s24+$0x140];
	v44 =	vmul.f32 $8.000000000e+00, v44;
	[tilespmem:v49+s31+$0x0] =	vst.idx.msk $0xffff, v55  }
0x1a8: {  	v57 =	vadd.s32 v1, v35;
	v49 =	vadd.s32 v0, v34;
	v55 =	vld [tilespmem:s24+$0x100];
	v43 =	vmul.f32 $8.000000000e+00, v43;
	[tilespmem:v52+s31+$0x0] =	vst.idx.msk $0xffff, v54  }
0x1a9: {  	v52 =	vadd.s32 v27, v34;
	v54 =	vld [tilespmem:s24+$0x1C0];
	[tilespmem:v51+s31+$0x0] =	vst.idx.msk $0xffff, v38  }
0x1aa: {  	v38 =	vmul.f32 $8.000000000e+00, v45;
	v51 =	vadd.s32 v24, v35;
	v45 =	vld [tilespmem:s13+$0x50];
	[tilespmem:v36+s31+$0x0] =	vst.idx.msk $0xffff, v47;
	v36 =	vmovc v33;
	v33 =	vmov v52  }
0x1ab: {  	v47 =	vld [tilespmem:s24+$0x80];
	[tilespmem:v56+s31+$0x0] =	vst.idx.msk $0xffff, v46;
	v46 =	vadd.s32 v21, v35  }
0x1ac: {  	v52 =	vadd.s32 v5, v35;
	v50 =	vmul.f32 $8.000000000e+00, v50;
	v56 =	vld [tilespmem:s13+$0xE0];
	[tilespmem:v42+s31+$0x0] =	vst.idx.msk $0xffff, v44  }
0x1ad: {  	v42 =	vld [tilespmem:s24+$0x0];
	[tilespmem:v57+s31+$0x0] =	vst.idx.msk $0xffff, v38;
	v38 =	vadd.s32 v17, v35  }
0x1ae: {  	v44 =	vld [tilespmem:s13+$0x20];
	[tilespmem:v39+s31+$0x0] =	vst.idx.msk $0xffff, v43  }
0x1af: {  	v39 =	vld [tilespmem:s24+$0xC0];
	v43 =	vmul.f32 $8.000000000e+00, v45;
	v45 =	vadd.s32 v10, v35;
	[tilespmem:v51+s31+$0x0] =	vst.idx.msk $0xffff, v41  }
0x1b0: {  	v41 =	vmul.f32 $8.000000000e+00, v47;
	v47 =	vadd.s32 v20, v34;
	[tilespmem:v46+s31+$0x0] =	vst.idx.msk $0xffff, v37;
	v37 =	vld [tilespmem:s13+$0x190]  }
0x1b1: {  	v51 =	vadd.s32 v2, v35;
	v46 =	vadd.s32 v28, v34;
	[tilespmem:v52+s31+$0x0] =	vst.idx.msk $0xffff, v43;
	v43 =	vld [tilespmem:s13+$0x1E0]  }
0x1b2: {  	[tilespmem:v38+s31+$0x0] =	vst.idx.msk $0xffff, v40;
	v38 =	vld [tilespmem:s13+$0x160];
	v40 =	vadd.s32 v25, v35  }
0x1b3: {  	v52 =	vld [tilespmem:s24+$0x40];
	[tilespmem:v48+s31+$0x0] =	vst.idx.msk $0xffff, v41;
	v41 =	vmul.f32 $8.000000000e+00, v53;
	v44 =	vmul.f32 $8.000000000e+00, v44;
	v48 =	vadd.s32 v14, v35  }
0x1b4: {  	v54 =	vmul.f32 $8.000000000e+00, v54;
	v53 =	vld [tilespmem:s24+$0x90];
	[tilespmem:v45+s31+$0x0] =	vst.idx.msk $0xffff, v50;
	v45 =	vadd.s32 v22, v35  }
0x1b5: {  	v39 =	vmul.f32 $8.000000000e+00, v39;
	v50 =	vadd.s32 v30, v35;
	[tilespmem:v47+s31+$0x0] =	vst.idx.msk $0xffff, v41;
	v47 =	vld [tilespmem:s13+$0xB0];
	v37 =	vmul.f32 $8.000000000e+00, v37  }
0x1b6: {  	v55 =	vmul.f32 $8.000000000e+00, v55;
	v41 =	vmul.f32 $8.000000000e+00, v56;
	[tilespmem:v51+s31+$0x0] =	vst.idx.msk $0xffff, v44;
	v44 =	vld [tilespmem:s13+$0x120]  }
0x1b7: {  	v51 =	vadd.s32 v12, v34;
	v56 =	vld [tilespmem:s13+$0x60];
	v38 =	vmul.f32 $8.000000000e+00, v38;
	[tilespmem:v40+s31+$0x0] =	vst.idx.msk $0xffff, v37  }
0x1b8: {  	v43 =	vmul.f32 $8.000000000e+00, v43;
	v37 =	vadd.s32 v16, v34;
	[tilespmem:v48+s31+$0x0] =	vst.idx.msk $0xffff, v41;
	v40 =	vld [tilespmem:s13+$0x1A0]  }
0x1b9: {  	v57 =	vadd.s32 v18, v35;
	v48 =	vld [tilespmem:s13+$0xF0];
	[tilespmem:v45+s31+$0x0] =	vst.idx.msk $0xffff, v38  }
0x1ba: {  	v41 =	vmul.f32 $8.000000000e+00, v52;
	v52 =	vadd.s32 v26, v35;
	v45 =	vld [tilespmem:s24+$0x150];
	[tilespmem:v50+s31+$0x0] =	vst.idx.msk $0xffff, v43  }
0x1bb: {  	[tilespmem:v46+s31+$0x0] =	vst.idx.msk $0xffff, v54;
	v38 =	vld [tilespmem:s13+$0x30]  }
0x1bc: {  	v44 =	vmul.f32 $8.000000000e+00, v44;
	[tilespmem:v51+s31+$0x0] =	vst.idx.msk $0xffff, v39;
	v43 =	vld [tilespmem:s24+$0x1D0];
	v39 =	vmul.f32 $8.000000000e+00, v56;
	v51 =	vadd.s32 v6, v35  }
0x1bd: {  	v53 =	vmul.f32 $8.000000000e+00, v53;
	v54 =	vadd.s32 v15, v35;
	[tilespmem:v37+s31+$0x0] =	vst.idx.msk $0xffff, v55;
	v37 =	vmul.f32 $8.000000000e+00, v40;
	v56 =	vld [tilespmem:s13+$0x1F0]  }
0x1be: {  	v42 =	vmul.f32 $8.000000000e+00, v42;
	v55 =	vadd.s32 v9, v34;
	v40 =	vld [tilespmem:s24+$0x110];
	[tilespmem:v57+s31+$0x0] =	vst.idx.msk $0xffff, v44  }
0x1bf: {  	v58 =	vadd.s32 v11, v35;
	v57 =	vmul.f32 $8.000000000e+00, v47;
	v59 =	vld [tilespmem:s13+$0x130];
	[tilespmem:v52+s31+$0x0] =	vst.idx.msk $0xffff, v37  }
.Ltmp4:
0x1c0: {  	v50 =	vadd.s32 v4, v34;
	v37 =	vmul.f32 $8.000000000e+00, v45;
	[tilespmem:v49+s31+$0x0] =	vst.idx.msk $0xffff, v42;
	v42 =	vmul.f32 $8.000000000e+00, v48;
	v47 =	vld [tilespmem:s13+$0x1B0];
	(pc) =	sbr.rel @p1 .LBB2_11-.Ltmp4, $4  }
0x1c1: {  	v48 =	vadd.s32 v29, v34;
	v46 =	vld [tilespmem:s24+$0xD0];
	[tilespmem:v51+s31+$0x0] =	vst.idx.msk $0xffff, v39  }
0x1c2: {  	v49 =	vadd.s32 v19, v35;
	v39 =	vadd.s32 v23, v35;
	v44 =	vld [tilespmem:s13+$0x70];
	[tilespmem:v54+s31+$0x0] =	vst.idx.msk $0xffff, v42  }
0x1c3: {  	v52 =	vadd.s32 v31, v35;
	v42 =	vadd.s32 v7, v35;
	[tilespmem:v55+s31+$0x0] =	vst.idx.msk $0xffff, v53;
	v53 =	vmul.f32 $8.000000000e+00, v43;
	v43 =	vld [tilespmem:s13+$0x170];
	s13 =	smov.u32 s24  }
0x1c4: {  	v51 =	vadd.s32 v3, v35;
	v54 =	vmul.f32 $8.000000000e+00, v56;
	v35 =	vmovc v34;
	s24 =	sadd.s32 $0x200, s24;
	v45 =	vld [tilespmem:s13+$0x10];
	[tilespmem:v58+s31+$0x0] =	vst.idx.msk $0xffff, v57;
	v55 =	vmul.f32 $8.000000000e+00, v59  }
0x1c5: {  	_ =	sdelay $0x3  }
0x1c6: {  	v34 =	vadd.s32 v24, v35;
	[tilespmem:v50+s31+$0x0] =	vst.idx.msk $0xffff, v41  }
0x1c7: {  	[tilespmem:v48+s31+$0x0] =	vst.idx.msk $0xffff, v53  }
0x1c8: {  	v57 =	vadd.s32 v13, v35;
	v38 =	vmul.f32 $8.000000000e+00, v38;
	[tilespmem:v49+s31+$0x0] =	vst.idx.msk $0xffff, v55  }
0x1c9: {  	v32 =	vmul.f32 $8.000000000e+00, v32;
	v58 =	vadd.s32 v17, v35;
	[tilespmem:v52+s31+$0x0] =	vst.idx.msk $0xffff, v54  }
0x1ca: {  	v62 =	vld [tilespmem:s13+$0x50];
	[tilespmem:v51+s31+$0x0] =	vst.idx.msk $0xffff, v38;
	v44 =	vmul.f32 $8.000000000e+00, v44  }
0x1cb: {  	v60 =	vadd.s32 v1, v35;
	v59 =	vmul.f32 $8.000000000e+00, v46;
	[tilespmem:v34+s31+$0x0] =	vst.idx.msk $0xffff, v32  }
0x1cc: {  	v63 =	vmul.f32 $8.000000000e+00, v40;
	v51 =	vadd.s32 v5, v35;
	[tilespmem:v42+s31+$0x0] =	vst.idx.msk $0xffff, v44;
	v61 =	vld [tilespmem:s13+$0x190]  }
0x1cd: {  	v53 =	vld [tilespmem:s13+$0xA0];
	v54 =	vadd.s32 v21, v35;
	v43 =	vmul.f32 $8.000000000e+00, v43;
	[tilespmem:v57+s31+$0x0] =	vst.idx.msk $0xffff, v59  }
0x1ce: {  	v49 =	vadd.s32 v25, v35;
	v50 =	vmul.f32 $8.000000000e+00, v45;
	[tilespmem:v58+s31+$0x0] =	vst.idx.msk $0xffff, v63;
	v52 =	vld [tilespmem:s13+$0xE0]  }
0x1cf: {  	[tilespmem:v39+s31+$0x0] =	vst.idx.msk $0xffff, v43;
	v59 =	vadd.s32 v10, v35;
	v57 =	vld [tilespmem:s13+$0x120];
	v58 =	vmul.f32 $8.000000000e+00, v62  }
0x1d0: {  	v55 =	vadd.s32 v14, v35;
	[tilespmem:v60+s31+$0x0] =	vst.idx.msk $0xffff, v50;
	v60 =	vld [tilespmem:s13+$0x1E0]  }
0x1d1: {  	v62 =	vadd.s32 v18, v35;
	[tilespmem:v51+s31+$0x0] =	vst.idx.msk $0xffff, v58;
	v56 =	vmul.f32 $8.000000000e+00, v61;
	v61 =	vld [tilespmem:s13+$0x20]  }
0x1d2: {  	v63 =	vadd.s32 v30, v35;
	v42 =	vmul.f32 $8.000000000e+00, v53;
	[tilespmem:v54+s31+$0x0] =	vst.idx.msk $0xffff, v37;
	v51 =	vld [tilespmem:s13+$0x60]  }
0x1d3: {  	v50 =	vadd.s32 v2, v35;
	v48 =	vmul.f32 $8.000000000e+00, v52;
	v52 =	vld [tilespmem:s13+$0x160];
	[tilespmem:v49+s31+$0x0] =	vst.idx.msk $0xffff, v56  }
0x1d4: {  	[tilespmem:v59+s31+$0x0] =	vst.idx.msk $0xffff, v42;
	v38 =	vmul.f32 $8.000000000e+00, v57;
	v56 =	vadd.s32 v6, v35;
	v49 =	vld [tilespmem:s13+$0x1A0]  }
0x1d5: {  	v58 =	vadd.s32 v22, v35;
	v54 =	vmul.f32 $8.000000000e+00, v60;
	v59 =	vld [tilespmem:s13+$0xB0];
	[tilespmem:v55+s31+$0x0] =	vst.idx.msk $0xffff, v48  }
0x1d6: {  	v53 =	vadd.s32 v26, v35;
	[tilespmem:v62+s31+$0x0] =	vst.idx.msk $0xffff, v38;
	v55 =	vld [tilespmem:s13+$0xF0];
	v57 =	vmul.f32 $8.000000000e+00, v61  }
0x1d7: {  	[tilespmem:v63+s31+$0x0] =	vst.idx.msk $0xffff, v54;
	v62 =	vmul.f32 $8.000000000e+00, v51  }
0x1d8: {  	v63 =	vadd.s32 v11, v35;
	v38 =	vld [tilespmem:s13+$0x130];
	v48 =	vmul.f32 $8.000000000e+00, v52;
	[tilespmem:v50+s31+$0x0] =	vst.idx.msk $0xffff, v57  }
0x1d9: {  	v60 =	vadd.s32 v15, v35;
	v39 =	vld [tilespmem:s13+$0x1F0];
	[tilespmem:v56+s31+$0x0] =	vst.idx.msk $0xffff, v62;
	v61 =	vmul.f32 $8.000000000e+00, v49  }
0x1da: {  	v47 =	vmul.f32 $8.000000000e+00, v47;
	v50 =	vadd.s32 v19, v35;
	[tilespmem:v58+s31+$0x0] =	vst.idx.msk $0xffff, v48;
	v49 =	vld [tilespmem:s13+$0x30]  }
0x1db: {  	v54 =	vmul.f32 $8.000000000e+00, v59;
	v51 =	vmul.f32 $8.000000000e+00, v55;
	v55 =	vld [tilespmem:s13+$0x70];
	[tilespmem:v53+s31+$0x0] =	vst.idx.msk $0xffff, v61;
	v53 =	vadd.s32 v31, v35  }
0x1dc: {  	[tilespmem:v36+s31+$0x0] =	vst.idx.msk $0xffff, v47;
	v56 =	vadd.s32 v3, v35;
	v57 =	vld [tilespmem:s13+$0x170]  }
0x1dd: {  	v59 =	vadd.s32 v7, v35;
	[tilespmem:v63+s31+$0x0] =	vst.idx.msk $0xffff, v54;
	v58 =	vmul.f32 $8.000000000e+00, v38;
	v52 =	vld [tilespmem:s13+$0x1B0]  }
0x1de: {  	v39 =	vmul.f32 $8.000000000e+00, v39;
	[tilespmem:v60+s31+$0x0] =	vst.idx.msk $0xffff, v51;
	v60 =	vadd.s32 v23, v35  }
0x1df: {  	[tilespmem:v50+s31+$0x0] =	vst.idx.msk $0xffff, v58;
	v61 =	vmul.f32 $8.000000000e+00, v49  }
0x1e0: {  	v63 =	vmul.f32 $8.000000000e+00, v55;
	[tilespmem:v53+s31+$0x0] =	vst.idx.msk $0xffff, v39  }
0x1e1: {  	v32 =	vmul.f32 $8.000000000e+00, v57;
	[tilespmem:v56+s31+$0x0] =	vst.idx.msk $0xffff, v61  }
0x1e2: {  	[tilespmem:v59+s31+$0x0] =	vst.idx.msk $0xffff, v63;
	v62 =	vmul.f32 $8.000000000e+00, v52  }
0x1e3: {  	[tilespmem:v60+s31+$0x0] =	vst.idx.msk $0xffff, v32  }
0x1e4: {  	[tilespmem:v33+s31+$0x0] =	vst.idx.msk $0xffff, v62  }
0x1e5: {  	s2 =	rddreg [dreg:$0x5]  }
0x1e6: {  	s7 =	simm.s32 $0x16400;
	s2 =	sadd.s32 s28, s2  }
0x1e7: {  	[hbm4b:s2+s3] =	stream.linear.scatter [tilespmem:s7], [sflag:$0x9], $0x80, $0x38;
	[tilespmem:$0x1A800] =	vst v63  }
0x1e8: {  	s13 =	simm.s32 $0x16488;
	s14 =	sadd.s32 $0x10, s2  }
0x1e9: {  	[hbm4b:s14+s3] =	stream.linear.scatter [tilespmem:s13], [sflag:$0x9], $0x80, $0x38;
	[tilespmem:$0x1A800] =	vst v63  }
0x1ea: {  	s15 =	simm.s32 $0x16510;
	s24 =	sadd.s32 $0x20, s2  }
0x1eb: {  	[hbm4b:s24+s3] =	stream.linear.scatter [tilespmem:s15], [sflag:$0x9], $0x80, $0x38;
	[tilespmem:$0x1A800] =	vst v63  }
0x1ec: {  	s13 =	simm.s32 $0x16598;
	s14 =	sadd.s32 $0x30, s2  }
0x1ed: {  	[hbm4b:s14+s3] =	stream.linear.scatter [tilespmem:s13], [sflag:$0x9], $0x80, $0x38;
	[tilespmem:$0x1A800] =	vst v63  }
0x1ee: {  	s15 =	simm.s32 $0x16620;
	s24 =	sadd.s32 $0x40, s2  }
0x1ef: {  	[hbm4b:s24+s3] =	stream.linear.scatter [tilespmem:s15], [sflag:$0x9], $0x80, $0x38;
	[tilespmem:$0x1A800] =	vst v63  }
0x1f0: {  	s30 =	simm.s32 $0x167B8;
	s13 =	simm.s32 $0x166A8;
	s14 =	sadd.s32 $0x50, s2  }
0x1f1: {  	[hbm4b:s14+s3] =	stream.linear.scatter [tilespmem:s13], [sflag:$0x9], $0x80, $0x38;
	[tilespmem:$0x1A800] =	vst v63  }
0x1f2: {  	s15 =	simm.s32 $0x16730;
	s24 =	sadd.s32 $0x60, s2;
	s13 =	simm.s32 $0x440  }
0x1f3: {  	[hbm4b:s24+s3] =	stream.linear.scatter [tilespmem:s15], [sflag:$0x9], $0x80, $0x38;
	[tilespmem:$0x1A800] =	vst v63  }
0x1f4: {  	s14 =	sadd.s32 $0x1000, s2;
	s24 =	simm.s32 $0x2200;
	s15 =	sadd.s32 $0x70, s2  }
.LBB2_13:
0x1f5: {  	[hbm4b:s15+s3] =	stream.linear.scatter [tilespmem:s30], [sflag:$0x9], $0x80, $0x38;
	[tilespmem:$0x1A800] =	vst v63  }
0x1f6: {  	s2 =	smov.u32 s13;
	s7 =	smov.u32 s24  }
0x1f7: {  	s13 =	sshra.s32 s7, $0x2;
	s7 =	sadd.s32 $0x1100, s24;
	s15 =	sadd.s32 $0x16400, s2  }
0x1f8: {  	[hbm4b:s14+s3] =	stream.linear.scatter [tilespmem:s15], [sflag:$0x9], $0x80, $0x38;
	[tilespmem:$0x1A800] =	vst v63  }
0x1f9: {  	p1 =	sne.s32 s24, $0x7700;
	s24 =	sadd.s32 $0x10, s14;
	s15 =	sadd.s32 $0x16488, s2  }
0x1fa: {  	[hbm4b:s24+s3] =	stream.linear.scatter [tilespmem:s15], [sflag:$0x9], $0x80, $0x38;
	[tilespmem:$0x1A800] =	vst v63  }
0x1fb: {  	s15 =	sadd.s32 $0x16510, s2;
	s24 =	sadd.s32 $0x20, s14  }
0x1fc: {  	[hbm4b:s24+s3] =	stream.linear.scatter [tilespmem:s15], [sflag:$0x9], $0x80, $0x38;
	[tilespmem:$0x1A800] =	vst v63  }
0x1fd: {  	s15 =	sadd.s32 $0x16598, s2;
	s24 =	sadd.s32 $0x30, s14  }
0x1fe: {  	[hbm4b:s24+s3] =	stream.linear.scatter [tilespmem:s15], [sflag:$0x9], $0x80, $0x38;
	[tilespmem:$0x1A800] =	vst v63  }
0x1ff: {  	s15 =	sadd.s32 $0x16620, s2;
	s24 =	sadd.s32 $0x40, s14  }
0x200: {  	[hbm4b:s24+s3] =	stream.linear.scatter [tilespmem:s15], [sflag:$0x9], $0x80, $0x38;
	[tilespmem:$0x1A800] =	vst v63  }
.Ltmp5:
0x201: {  	s15 =	sadd.s32 $0x166A8, s2;
	s24 =	sadd.s32 $0x50, s14;
	(pc) =	sbr.rel @p1 .LBB2_13-.Ltmp5, $4  }
0x202: {  	[hbm4b:s24+s3] =	stream.linear.scatter [tilespmem:s15], [sflag:$0x9], $0x80, $0x38;
	[tilespmem:$0x1A800] =	vst v63  }
0x203: {  	s30 =	sadd.s32 $0x167B8, s2;
	s15 =	sadd.s32 $0x16730, s2;
	s24 =	sadd.s32 $0x60, s14  }
0x204: {  	[hbm4b:s24+s3] =	stream.linear.scatter [tilespmem:s15], [sflag:$0x9], $0x80, $0x38;
	[tilespmem:$0x1A800] =	vst v63  }
0x205: {  	s15 =	sadd.s32 $0x70, s14;
	s14 =	sadd.s32 $0x1000, s14;
	s24 =	smov.u32 s7  }
0x206: {  	[hbm4b:s15+s3] =	stream.linear.scatter [tilespmem:s30], [sflag:$0x9], $0x80, $0x38;
	[tilespmem:$0x1A800] =	vst v63  }
0x207: {  	s2 =	sadd.s32 $0x16400, s13  }
0x208: {  	[hbm4b:s14+s3] =	stream.linear.scatter [tilespmem:s2], [sflag:$0x9], $0x80, $0x38;
	[tilespmem:$0x1A800] =	vst v63  }
0x209: {  	s15 =	sadd.s32 $0x16488, s13;
	s7 =	sadd.s32 $0x10, s14  }
0x20a: {  	[hbm4b:s7+s3] =	stream.linear.scatter [tilespmem:s15], [sflag:$0x9], $0x80, $0x38;
	[tilespmem:$0x1A800] =	vst v63  }
0x20b: {  	s24 =	sadd.s32 $0x16510, s13;
	s30 =	sadd.s32 $0x20, s14  }
0x20c: {  	[hbm4b:s30+s3] =	stream.linear.scatter [tilespmem:s24], [sflag:$0x9], $0x80, $0x38;
	[tilespmem:$0x1A800] =	vst v63  }
0x20d: {  	s7 =	sadd.s32 $0x16598, s13;
	s15 =	sadd.s32 $0x30, s14  }
0x20e: {  	[hbm4b:s15+s3] =	stream.linear.scatter [tilespmem:s7], [sflag:$0x9], $0x80, $0x38;
	[tilespmem:$0x1A800] =	vst v63  }
0x20f: {  	s24 =	sadd.s32 $0x16620, s13;
	s30 =	sadd.s32 $0x40, s14  }
0x210: {  	[hbm4b:s30+s3] =	stream.linear.scatter [tilespmem:s24], [sflag:$0x9], $0x80, $0x38;
	[tilespmem:$0x1A800] =	vst v63  }
0x211: {  	s7 =	sadd.s32 $0x166A8, s13;
	s15 =	sadd.s32 $0x50, s14  }
0x212: {  	[hbm4b:s15+s3] =	stream.linear.scatter [tilespmem:s7], [sflag:$0x9], $0x80, $0x38;
	[tilespmem:$0x1A800] =	vst v63  }
0x213: {  	s24 =	sadd.s32 $0x16730, s13;
	s30 =	sadd.s32 $0x60, s14  }
0x214: {  	[hbm4b:s30+s3] =	stream.linear.scatter [tilespmem:s24], [sflag:$0x9], $0x80, $0x38;
	[tilespmem:$0x1A800] =	vst v63  }
0x215: {  	s15 =	sadd.s32 $0x167B8, s13;
	s24 =	sadd.s32 $0x70, s14  }
0x216: {  	[hbm4b:s24+s3] =	stream.linear.scatter [tilespmem:s15], [sflag:$0x9], $0x80, $0x38;
	[tilespmem:$0x1A800] =	vst v63  }
0x217: {  	_ =	swait.ge [sflag:s18], $0x2000  }
0x218: {  	s2 =	sadd.s32 @!p0 $0x500, s5;
	[sflag:s18] =	ssyncset.done $0x0  }
0x219: {  	s7 =	simm.s32 @!p0 $0x80;
	s13 =	simm.s32 @!p0 $0xA400;
	[sflag:s18] =	ssyncadd.s32 $0xFFFFE000  }
0x21a: {  	[tilespmem:s13], [sflag:$0x3] =	stream.indirect.gather @!p0 [hbm4b:s4+s7], $0x40, s2, s7, $0xb8;
	[tilespmem:$0x1A800] =	vst v63  }
0x21b: {  	_ =	swait.ge [sflag:s19], $0x2000  }
0x21c: {  	[sflag:s19] =	ssyncset.done $0x0  }
0x21d: {  	s30 =	simm.s32 $0xC400;
	[sflag:s19] =	ssyncadd.s32 $0xFFFFE000  }
0x21e: {  	v32 =	vld [tilespmem:s30+$0x80]  }
0x21f: {  	v34 =	vld [tilespmem:s30+$0x140]  }
0x220: {  	v36 =	vld [tilespmem:s30+$0x1C0]  }
0x221: {  	v35 =	vimm.s32 $0x0;
	v37 =	vld [tilespmem:s30+$0x100]  }
0x222: {  	v33 =	vadd.s32 v8, v35;
	v41 =	vld [tilespmem:s30+$0x0]  }
0x223: {  	v42 =	vadd.s32 v16, v35;
	v39 =	vld [tilespmem:s30+$0xC0]  }
0x224: {  	v57 =	vadd.s32 v0, v35;
	v45 =	vld [tilespmem:s30+$0x40]  }
0x225: {  	v40 =	vadd.s32 v28, v35;
	s13 =	simm.s32 $0xC600;
	v43 =	vld [tilespmem:s30+$0x180];
	v32 =	vmul.f32 $8.000000000e+00, v32  }
0x226: {  	v49 =	vld [tilespmem:s13+$0x80];
	v58 =	vmul.f32 $8.000000000e+00, v37  }
0x227: {  	v56 =	vadd.s32 v12, v35;
	v62 =	vmul.f32 $8.000000000e+00, v41;
	[tilespmem:v33+s0+$0x0] =	vst.idx.msk $0xffff, v32;
	v32 =	vld [tilespmem:s13+$0x180]  }
0x228: {  	v36 =	vmul.f32 $8.000000000e+00, v36;
	[tilespmem:v42+s0+$0x0] =	vst.idx.msk $0xffff, v58;
	v58 =	vld [tilespmem:s13+$0x140]  }
0x229: {  	[tilespmem:v57+s0+$0x0] =	vst.idx.msk $0xffff, v62;
	v57 =	vmul.f32 $8.000000000e+00, v45;
	v45 =	vld [tilespmem:s13+$0x100]  }
0x22a: {  	v38 =	vadd.s32 v20, v35;
	v59 =	vmul.f32 $8.000000000e+00, v39;
	[tilespmem:v40+s0+$0x0] =	vst.idx.msk $0xffff, v36;
	v40 =	vld [tilespmem:s13+$0x1C0]  }
0x22b: {  	v54 =	vadd.s32 v4, v35;
	v44 =	vld [tilespmem:s30+$0x90]  }
0x22c: {  	[tilespmem:v56+s0+$0x0] =	vst.idx.msk $0xffff, v59;
	v61 =	vld [tilespmem:s30+$0x1D0]  }
0x22d: {  	v48 =	vadd.s32 v24, v35;
	v55 =	vmul.f32 $8.000000000e+00, v34;
	v53 =	vld [tilespmem:s30+$0xD0]  }
0x22e: {  	v60 =	vadd.s32 v9, v35;
	v63 =	vld [tilespmem:s30+$0x110]  }
0x22f: {  	[tilespmem:v38+s0+$0x0] =	vst.idx.msk $0xffff, v55;
	v56 =	vadd.s32 v13, v35;
	v55 =	vld [tilespmem:s30+$0x10]  }
0x230: {  	v47 =	vadd.s32 v29, v35;
	v43 =	vmul.f32 $8.000000000e+00, v43;
	v38 =	vld [tilespmem:s30+$0x150];
	[tilespmem:v54+s0+$0x0] =	vst.idx.msk $0xffff, v57  }
0x231: {  	v46 =	vadd.s32 v1, v35;
	v42 =	vld [tilespmem:s30+$0x50];
	v52 =	vmul.f32 $8.000000000e+00, v44  }
0x232: {  	v59 =	vadd.s32 v21, v35;
	[tilespmem:v48+s0+$0x0] =	vst.idx.msk $0xffff, v43;
	v54 =	vmul.f32 $8.000000000e+00, v49;
	v49 =	vld [tilespmem:s13+$0x40];
	v34 =	vmul.f32 $8.000000000e+00, v53  }
0x233: {  	v50 =	vadd.s32 v5, v35;
	v39 =	vmul.f32 $8.000000000e+00, v61;
	v33 =	vmul.f32 $8.000000000e+00, v63;
	v63 =	vld [tilespmem:s30+$0x190];
	[tilespmem:v60+s0+$0x0] =	vst.idx.msk $0xffff, v52  }
0x234: {  	v41 =	vmul.f32 $8.000000000e+00, v55;
	[tilespmem:v56+s0+$0x0] =	vst.idx.msk $0xffff, v34;
	v52 =	vld [tilespmem:s13+$0x0];
	v60 =	vadd.s32 v17, v35  }
0x235: {  	v38 =	vmul.f32 $8.000000000e+00, v38;
	v34 =	vadd.s32 $0x8, v35;
	[tilespmem:v47+s0+$0x0] =	vst.idx.msk $0xffff, v39;
	v47 =	vld [tilespmem:s13+$0xC0];
	v56 =	vadd.s32 v25, v35  }
0x236: {  	[tilespmem:v46+s0+$0x0] =	vst.idx.msk $0xffff, v41;
	v42 =	vmul.f32 $8.000000000e+00, v42;
	v36 =	vld [tilespmem:s30+$0xA0];
	v61 =	vadd.s32 v8, v34  }
0x237: {  	[tilespmem:v59+s0+$0x0] =	vst.idx.msk $0xffff, v38;
	v51 =	vld [tilespmem:s30+$0xE0];
	v62 =	vadd.s32 v20, v34  }
0x238: {  	v46 =	vld [tilespmem:s30+$0x20];
	[tilespmem:v50+s0+$0x0] =	vst.idx.msk $0xffff, v42;
	v50 =	vadd.s32 v28, v34;
	v37 =	vmul.f32 $8.000000000e+00, v63  }
0x239: {  	v53 =	vadd.s32 v10, v35;
	v42 =	vld [tilespmem:s30+$0x1E0];
	[tilespmem:v60+s0+$0x0] =	vst.idx.msk $0xffff, v33  }
0x23a: {  	v58 =	vmul.f32 $8.000000000e+00, v58;
	v55 =	vadd.s32 v2, v35;
	v33 =	vld [tilespmem:s30+$0x160];
	[tilespmem:v56+s0+$0x0] =	vst.idx.msk $0xffff, v37  }
0x23b: {  	v40 =	vmul.f32 $8.000000000e+00, v40;
	v59 =	vadd.s32 v14, v35;
	[tilespmem:v61+s0+$0x0] =	vst.idx.msk $0xffff, v54;
	v63 =	vld [tilespmem:s30+$0x120]  }
0x23c: {  	v36 =	vmul.f32 $8.000000000e+00, v36;
	v61 =	vadd.s32 v22, v35;
	[tilespmem:v62+s0+$0x0] =	vst.idx.msk $0xffff, v58;
	v39 =	vld [tilespmem:s30+$0x1A0]  }
0x23d: {  	v38 =	vadd.s32 v30, v35;
	v60 =	vmul.f32 $8.000000000e+00, v46;
	v46 =	vld [tilespmem:s13+$0x90];
	[tilespmem:v50+s0+$0x0] =	vst.idx.msk $0xffff, v40  }
0x23e: {  	v57 =	vadd.s32 v12, v34;
	v62 =	vmul.f32 $8.000000000e+00, v51;
	v54 =	vld [tilespmem:s13+$0x150];
	[tilespmem:v53+s0+$0x0] =	vst.idx.msk $0xffff, v36  }
0x23f: {  	v58 =	vadd.s32 v16, v34;
	[tilespmem:v55+s0+$0x0] =	vst.idx.msk $0xffff, v60;
	v53 =	vld [tilespmem:s30+$0x60];
	v33 =	vmul.f32 $8.000000000e+00, v33  }
0x240: {  	v44 =	vadd.s32 v18, v35;
	[tilespmem:v59+s0+$0x0] =	vst.idx.msk $0xffff, v62;
	v59 =	vmul.f32 $8.000000000e+00, v42;
	v62 =	vmul.f32 $8.000000000e+00, v45;
	v45 =	vld [tilespmem:s13+$0x1D0]  }
0x241: {  	v60 =	vmul.f32 $8.000000000e+00, v47;
	v43 =	vld [tilespmem:s30+$0xB0];
	[tilespmem:v61+s0+$0x0] =	vst.idx.msk $0xffff, v33;
	v61 =	vadd.s32 v26, v35  }
0x242: {  	v55 =	vadd.s32 v0, v34;
	v42 =	vld [tilespmem:s30+$0xF0];
	[tilespmem:v38+s0+$0x0] =	vst.idx.msk $0xffff, v59  }
0x243: {  	v51 =	vadd.s32 v6, v35;
	v38 =	vld [tilespmem:s30+$0x30];
	[tilespmem:v57+s0+$0x0] =	vst.idx.msk $0xffff, v60;
	v63 =	vmul.f32 $8.000000000e+00, v63  }
0x244: {  	v56 =	vadd.s32 v15, v35;
	[tilespmem:v58+s0+$0x0] =	vst.idx.msk $0xffff, v62;
	v48 =	vmul.f32 $8.000000000e+00, v39;
	v57 =	vld [tilespmem:s30+$0x1F0]  }
0x245: {  	v41 =	vmul.f32 $8.000000000e+00, v49;
	v50 =	vmul.f32 $8.000000000e+00, v52;
	v52 =	vadd.s32 v9, v34;
	v40 =	vld [tilespmem:s13+$0x110];
	[tilespmem:v44+s0+$0x0] =	vst.idx.msk $0xffff, v63  }
0x246: {  	v49 =	vadd.s32 v19, v35;
	v58 =	vadd.s32 v11, v35;
	v60 =	vmul.f32 $8.000000000e+00, v53;
	v59 =	vld [tilespmem:s30+$0x130];
	[tilespmem:v61+s0+$0x0] =	vst.idx.msk $0xffff, v48  }
0x247: {  	v36 =	vadd.s32 v27, v35;
	[tilespmem:v55+s0+$0x0] =	vst.idx.msk $0xffff, v50;
	v50 =	vadd.s32 v4, v34;
	v62 =	vmul.f32 $8.000000000e+00, v42;
	v47 =	vld [tilespmem:s30+$0x1B0]  }
0x248: {  	v39 =	vadd.s32 v23, v35;
	[tilespmem:v51+s0+$0x0] =	vst.idx.msk $0xffff, v60;
	v61 =	vmul.f32 $8.000000000e+00, v46;
	v46 =	vld [tilespmem:s13+$0xD0];
	v48 =	vadd.s32 v29, v34  }
0x249: {  	v33 =	vadd.s32 v27, v34;
	v37 =	vmul.f32 $8.000000000e+00, v54;
	v63 =	vmul.f32 $8.000000000e+00, v43;
	v44 =	vld [tilespmem:s30+$0x70];
	[tilespmem:v56+s0+$0x0] =	vst.idx.msk $0xffff, v62  }
0x24a: {  	v53 =	vmul.f32 $8.000000000e+00, v45;
	v42 =	vadd.s32 v7, v35;
	v43 =	vld [tilespmem:s30+$0x170];
	[tilespmem:v52+s0+$0x0] =	vst.idx.msk $0xffff, v61;
	v52 =	vadd.s32 v31, v35  }
0x24b: {  	s14 =	simm.s32 $0x8;
	s24 =	simm.s32 $0xC800;
	v45 =	vld [tilespmem:s13+$0x10];
	v51 =	vadd.s32 v3, v35;
	[tilespmem:v58+s0+$0x0] =	vst.idx.msk $0xffff, v63;
	v54 =	vmul.f32 $8.000000000e+00, v57;
	v55 =	vmul.f32 $8.000000000e+00, v59;
	v35 =	vmovc v34  }
.LBB2_15:
0x24c: {  	s14 =	sadd.s32 $0x8, s14;
	[tilespmem:v50+s0+$0x0] =	vst.idx.msk $0xffff, v41;
	v41 =	vmul.f32 $8.000000000e+00, v32;
	v32 =	vld [tilespmem:s24+$0x180];
	v34 =	vadd.s32 $0x8, v34;
	v47 =	vmul.f32 $8.000000000e+00, v47  }
0x24d: {  	v56 =	vadd.s32 v13, v35;
	v40 =	vmul.f32 $8.000000000e+00, v40;
	p1 =	slt.u32 s14, $0x78;
	v50 =	vld [tilespmem:s13+$0xA0];
	v46 =	vmul.f32 $8.000000000e+00, v46;
	[tilespmem:v48+s0+$0x0] =	vst.idx.msk $0xffff, v53  }
0x24e: {  	v38 =	vmul.f32 $8.000000000e+00, v38;
	v48 =	vadd.s32 v8, v34;
	v53 =	vld [tilespmem:s24+$0x140];
	v44 =	vmul.f32 $8.000000000e+00, v44;
	[tilespmem:v49+s0+$0x0] =	vst.idx.msk $0xffff, v55  }
0x24f: {  	v57 =	vadd.s32 v1, v35;
	v49 =	vadd.s32 v0, v34;
	v55 =	vld [tilespmem:s24+$0x100];
	v43 =	vmul.f32 $8.000000000e+00, v43;
	[tilespmem:v52+s0+$0x0] =	vst.idx.msk $0xffff, v54  }
0x250: {  	v52 =	vadd.s32 v27, v34;
	v54 =	vld [tilespmem:s24+$0x1C0];
	[tilespmem:v51+s0+$0x0] =	vst.idx.msk $0xffff, v38  }
0x251: {  	v38 =	vmul.f32 $8.000000000e+00, v45;
	v51 =	vadd.s32 v24, v35;
	v45 =	vld [tilespmem:s13+$0x50];
	[tilespmem:v36+s0+$0x0] =	vst.idx.msk $0xffff, v47;
	v36 =	vmovc v33;
	v33 =	vmov v52  }
0x252: {  	v47 =	vld [tilespmem:s24+$0x80];
	[tilespmem:v56+s0+$0x0] =	vst.idx.msk $0xffff, v46;
	v46 =	vadd.s32 v21, v35  }
0x253: {  	v52 =	vadd.s32 v5, v35;
	v50 =	vmul.f32 $8.000000000e+00, v50;
	v56 =	vld [tilespmem:s13+$0xE0];
	[tilespmem:v42+s0+$0x0] =	vst.idx.msk $0xffff, v44  }
0x254: {  	v42 =	vld [tilespmem:s24+$0x0];
	[tilespmem:v57+s0+$0x0] =	vst.idx.msk $0xffff, v38;
	v38 =	vadd.s32 v17, v35  }
0x255: {  	v44 =	vld [tilespmem:s13+$0x20];
	[tilespmem:v39+s0+$0x0] =	vst.idx.msk $0xffff, v43  }
0x256: {  	v39 =	vld [tilespmem:s24+$0xC0];
	v43 =	vmul.f32 $8.000000000e+00, v45;
	v45 =	vadd.s32 v10, v35;
	[tilespmem:v51+s0+$0x0] =	vst.idx.msk $0xffff, v41  }
0x257: {  	v41 =	vmul.f32 $8.000000000e+00, v47;
	v47 =	vadd.s32 v20, v34;
	[tilespmem:v46+s0+$0x0] =	vst.idx.msk $0xffff, v37;
	v37 =	vld [tilespmem:s13+$0x190]  }
0x258: {  	v51 =	vadd.s32 v2, v35;
	v46 =	vadd.s32 v28, v34;
	[tilespmem:v52+s0+$0x0] =	vst.idx.msk $0xffff, v43;
	v43 =	vld [tilespmem:s13+$0x1E0]  }
0x259: {  	[tilespmem:v38+s0+$0x0] =	vst.idx.msk $0xffff, v40;
	v38 =	vld [tilespmem:s13+$0x160];
	v40 =	vadd.s32 v25, v35  }
0x25a: {  	v52 =	vld [tilespmem:s24+$0x40];
	[tilespmem:v48+s0+$0x0] =	vst.idx.msk $0xffff, v41;
	v41 =	vmul.f32 $8.000000000e+00, v53;
	v44 =	vmul.f32 $8.000000000e+00, v44;
	v48 =	vadd.s32 v14, v35  }
0x25b: {  	v54 =	vmul.f32 $8.000000000e+00, v54;
	v53 =	vld [tilespmem:s24+$0x90];
	[tilespmem:v45+s0+$0x0] =	vst.idx.msk $0xffff, v50;
	v45 =	vadd.s32 v22, v35  }
0x25c: {  	v39 =	vmul.f32 $8.000000000e+00, v39;
	v50 =	vadd.s32 v30, v35;
	[tilespmem:v47+s0+$0x0] =	vst.idx.msk $0xffff, v41;
	v47 =	vld [tilespmem:s13+$0xB0];
	v37 =	vmul.f32 $8.000000000e+00, v37  }
0x25d: {  	v55 =	vmul.f32 $8.000000000e+00, v55;
	v41 =	vmul.f32 $8.000000000e+00, v56;
	[tilespmem:v51+s0+$0x0] =	vst.idx.msk $0xffff, v44;
	v44 =	vld [tilespmem:s13+$0x120]  }
0x25e: {  	v51 =	vadd.s32 v12, v34;
	v56 =	vld [tilespmem:s13+$0x60];
	v38 =	vmul.f32 $8.000000000e+00, v38;
	[tilespmem:v40+s0+$0x0] =	vst.idx.msk $0xffff, v37  }
0x25f: {  	v43 =	vmul.f32 $8.000000000e+00, v43;
	v37 =	vadd.s32 v16, v34;
	[tilespmem:v48+s0+$0x0] =	vst.idx.msk $0xffff, v41;
	v40 =	vld [tilespmem:s13+$0x1A0]  }
0x260: {  	v57 =	vadd.s32 v18, v35;
	v48 =	vld [tilespmem:s13+$0xF0];
	[tilespmem:v45+s0+$0x0] =	vst.idx.msk $0xffff, v38  }
0x261: {  	v41 =	vmul.f32 $8.000000000e+00, v52;
	v52 =	vadd.s32 v26, v35;
	v45 =	vld [tilespmem:s24+$0x150];
	[tilespmem:v50+s0+$0x0] =	vst.idx.msk $0xffff, v43  }
0x262: {  	[tilespmem:v46+s0+$0x0] =	vst.idx.msk $0xffff, v54;
	v38 =	vld [tilespmem:s13+$0x30]  }
0x263: {  	v44 =	vmul.f32 $8.000000000e+00, v44;
	[tilespmem:v51+s0+$0x0] =	vst.idx.msk $0xffff, v39;
	v43 =	vld [tilespmem:s24+$0x1D0];
	v39 =	vmul.f32 $8.000000000e+00, v56;
	v51 =	vadd.s32 v6, v35  }
0x264: {  	v53 =	vmul.f32 $8.000000000e+00, v53;
	v54 =	vadd.s32 v15, v35;
	[tilespmem:v37+s0+$0x0] =	vst.idx.msk $0xffff, v55;
	v37 =	vmul.f32 $8.000000000e+00, v40;
	v56 =	vld [tilespmem:s13+$0x1F0]  }
0x265: {  	v42 =	vmul.f32 $8.000000000e+00, v42;
	v55 =	vadd.s32 v9, v34;
	v40 =	vld [tilespmem:s24+$0x110];
	[tilespmem:v57+s0+$0x0] =	vst.idx.msk $0xffff, v44  }
0x266: {  	v58 =	vadd.s32 v11, v35;
	v57 =	vmul.f32 $8.000000000e+00, v47;
	v59 =	vld [tilespmem:s13+$0x130];
	[tilespmem:v52+s0+$0x0] =	vst.idx.msk $0xffff, v37  }
.Ltmp6:
0x267: {  	v50 =	vadd.s32 v4, v34;
	v37 =	vmul.f32 $8.000000000e+00, v45;
	[tilespmem:v49+s0+$0x0] =	vst.idx.msk $0xffff, v42;
	v42 =	vmul.f32 $8.000000000e+00, v48;
	v47 =	vld [tilespmem:s13+$0x1B0];
	(pc) =	sbr.rel @p1 .LBB2_15-.Ltmp6, $4  }
0x268: {  	v48 =	vadd.s32 v29, v34;
	v46 =	vld [tilespmem:s24+$0xD0];
	[tilespmem:v51+s0+$0x0] =	vst.idx.msk $0xffff, v39  }
0x269: {  	v49 =	vadd.s32 v19, v35;
	v39 =	vadd.s32 v23, v35;
	v44 =	vld [tilespmem:s13+$0x70];
	[tilespmem:v54+s0+$0x0] =	vst.idx.msk $0xffff, v42  }
0x26a: {  	v52 =	vadd.s32 v31, v35;
	v42 =	vadd.s32 v7, v35;
	[tilespmem:v55+s0+$0x0] =	vst.idx.msk $0xffff, v53;
	v53 =	vmul.f32 $8.000000000e+00, v43;
	v43 =	vld [tilespmem:s13+$0x170];
	s13 =	smov.u32 s24  }
0x26b: {  	v51 =	vadd.s32 v3, v35;
	v54 =	vmul.f32 $8.000000000e+00, v56;
	v35 =	vmovc v34;
	s24 =	sadd.s32 $0x200, s24;
	v45 =	vld [tilespmem:s13+$0x10];
	[tilespmem:v58+s0+$0x0] =	vst.idx.msk $0xffff, v57;
	v55 =	vmul.f32 $8.000000000e+00, v59  }
0x26c: {  	_ =	sdelay $0x3  }
0x26d: {  	v34 =	vadd.s32 v24, v35;
	[tilespmem:v50+s0+$0x0] =	vst.idx.msk $0xffff, v41  }
0x26e: {  	[tilespmem:v48+s0+$0x0] =	vst.idx.msk $0xffff, v53  }
0x26f: {  	v57 =	vadd.s32 v13, v35;
	v38 =	vmul.f32 $8.000000000e+00, v38;
	[tilespmem:v49+s0+$0x0] =	vst.idx.msk $0xffff, v55  }
0x270: {  	v32 =	vmul.f32 $8.000000000e+00, v32;
	v58 =	vadd.s32 v17, v35;
	[tilespmem:v52+s0+$0x0] =	vst.idx.msk $0xffff, v54  }
0x271: {  	v62 =	vld [tilespmem:s13+$0x50];
	[tilespmem:v51+s0+$0x0] =	vst.idx.msk $0xffff, v38;
	v44 =	vmul.f32 $8.000000000e+00, v44  }
0x272: {  	v60 =	vadd.s32 v1, v35;
	v59 =	vmul.f32 $8.000000000e+00, v46;
	[tilespmem:v34+s0+$0x0] =	vst.idx.msk $0xffff, v32  }
0x273: {  	v63 =	vmul.f32 $8.000000000e+00, v40;
	v51 =	vadd.s32 v5, v35;
	[tilespmem:v42+s0+$0x0] =	vst.idx.msk $0xffff, v44;
	v61 =	vld [tilespmem:s13+$0x190]  }
0x274: {  	v53 =	vld [tilespmem:s13+$0xA0];
	v54 =	vadd.s32 v21, v35;
	v43 =	vmul.f32 $8.000000000e+00, v43;
	[tilespmem:v57+s0+$0x0] =	vst.idx.msk $0xffff, v59  }
0x275: {  	v49 =	vadd.s32 v25, v35;
	v50 =	vmul.f32 $8.000000000e+00, v45;
	[tilespmem:v58+s0+$0x0] =	vst.idx.msk $0xffff, v63;
	v52 =	vld [tilespmem:s13+$0xE0]  }
0x276: {  	[tilespmem:v39+s0+$0x0] =	vst.idx.msk $0xffff, v43;
	v59 =	vadd.s32 v10, v35;
	v57 =	vld [tilespmem:s13+$0x120];
	v58 =	vmul.f32 $8.000000000e+00, v62  }
0x277: {  	v55 =	vadd.s32 v14, v35;
	[tilespmem:v60+s0+$0x0] =	vst.idx.msk $0xffff, v50;
	v60 =	vld [tilespmem:s13+$0x1E0]  }
0x278: {  	v62 =	vadd.s32 v18, v35;
	[tilespmem:v51+s0+$0x0] =	vst.idx.msk $0xffff, v58;
	v56 =	vmul.f32 $8.000000000e+00, v61;
	v61 =	vld [tilespmem:s13+$0x20]  }
0x279: {  	v63 =	vadd.s32 v30, v35;
	v42 =	vmul.f32 $8.000000000e+00, v53;
	[tilespmem:v54+s0+$0x0] =	vst.idx.msk $0xffff, v37;
	v51 =	vld [tilespmem:s13+$0x60]  }
0x27a: {  	v50 =	vadd.s32 v2, v35;
	v48 =	vmul.f32 $8.000000000e+00, v52;
	v52 =	vld [tilespmem:s13+$0x160];
	[tilespmem:v49+s0+$0x0] =	vst.idx.msk $0xffff, v56  }
0x27b: {  	[tilespmem:v59+s0+$0x0] =	vst.idx.msk $0xffff, v42;
	v38 =	vmul.f32 $8.000000000e+00, v57;
	v56 =	vadd.s32 v6, v35;
	v49 =	vld [tilespmem:s13+$0x1A0]  }
0x27c: {  	v58 =	vadd.s32 v22, v35;
	v54 =	vmul.f32 $8.000000000e+00, v60;
	v59 =	vld [tilespmem:s13+$0xB0];
	[tilespmem:v55+s0+$0x0] =	vst.idx.msk $0xffff, v48  }
0x27d: {  	v53 =	vadd.s32 v26, v35;
	[tilespmem:v62+s0+$0x0] =	vst.idx.msk $0xffff, v38;
	v55 =	vld [tilespmem:s13+$0xF0];
	v57 =	vmul.f32 $8.000000000e+00, v61  }
0x27e: {  	[tilespmem:v63+s0+$0x0] =	vst.idx.msk $0xffff, v54;
	v62 =	vmul.f32 $8.000000000e+00, v51  }
0x27f: {  	v63 =	vadd.s32 v11, v35;
	v38 =	vld [tilespmem:s13+$0x130];
	v48 =	vmul.f32 $8.000000000e+00, v52;
	[tilespmem:v50+s0+$0x0] =	vst.idx.msk $0xffff, v57  }
0x280: {  	v60 =	vadd.s32 v15, v35;
	v39 =	vld [tilespmem:s13+$0x1F0];
	[tilespmem:v56+s0+$0x0] =	vst.idx.msk $0xffff, v62;
	v61 =	vmul.f32 $8.000000000e+00, v49  }
0x281: {  	v47 =	vmul.f32 $8.000000000e+00, v47;
	v50 =	vadd.s32 v19, v35;
	[tilespmem:v58+s0+$0x0] =	vst.idx.msk $0xffff, v48;
	v49 =	vld [tilespmem:s13+$0x30]  }
0x282: {  	v54 =	vmul.f32 $8.000000000e+00, v59;
	v51 =	vmul.f32 $8.000000000e+00, v55;
	v55 =	vld [tilespmem:s13+$0x70];
	[tilespmem:v53+s0+$0x0] =	vst.idx.msk $0xffff, v61;
	v53 =	vadd.s32 v31, v35  }
0x283: {  	[tilespmem:v36+s0+$0x0] =	vst.idx.msk $0xffff, v47;
	v56 =	vadd.s32 v3, v35;
	v57 =	vld [tilespmem:s13+$0x170]  }
0x284: {  	v59 =	vadd.s32 v7, v35;
	[tilespmem:v63+s0+$0x0] =	vst.idx.msk $0xffff, v54;
	v58 =	vmul.f32 $8.000000000e+00, v38;
	v52 =	vld [tilespmem:s13+$0x1B0]  }
0x285: {  	v39 =	vmul.f32 $8.000000000e+00, v39;
	[tilespmem:v60+s0+$0x0] =	vst.idx.msk $0xffff, v51;
	v60 =	vadd.s32 v23, v35  }
0x286: {  	[tilespmem:v50+s0+$0x0] =	vst.idx.msk $0xffff, v58;
	v61 =	vmul.f32 $8.000000000e+00, v49  }
0x287: {  	v63 =	vmul.f32 $8.000000000e+00, v55;
	[tilespmem:v53+s0+$0x0] =	vst.idx.msk $0xffff, v39  }
0x288: {  	v32 =	vmul.f32 $8.000000000e+00, v57;
	[tilespmem:v56+s0+$0x0] =	vst.idx.msk $0xffff, v61  }
0x289: {  	[tilespmem:v59+s0+$0x0] =	vst.idx.msk $0xffff, v63;
	v62 =	vmul.f32 $8.000000000e+00, v52  }
0x28a: {  	[tilespmem:v60+s0+$0x0] =	vst.idx.msk $0xffff, v32  }
0x28b: {  	s2 =	sadd.s32 s28, s9;
	s7 =	simm.s32 $0x18600;
	[tilespmem:v33+s0+$0x0] =	vst.idx.msk $0xffff, v62  }
0x28c: {  	[hbm4b:s2+s3] =	stream.linear.scatter [tilespmem:s7], [sflag:$0xA], $0x80, $0x38;
	[tilespmem:$0x1A800] =	vst v63  }
0x28d: {  	s14 =	sadd.s32 $0x10, s2;
	s13 =	simm.s32 $0x18688  }
0x28e: {  	[hbm4b:s14+s3] =	stream.linear.scatter [tilespmem:s13], [sflag:$0xA], $0x80, $0x38;
	[tilespmem:$0x1A800] =	vst v63  }
0x28f: {  	s15 =	simm.s32 $0x18710;
	s24 =	sadd.s32 $0x20, s2  }
0x290: {  	[hbm4b:s24+s3] =	stream.linear.scatter [tilespmem:s15], [sflag:$0xA], $0x80, $0x38;
	[tilespmem:$0x1A800] =	vst v63  }
0x291: {  	s13 =	simm.s32 $0x18798;
	s14 =	sadd.s32 $0x30, s2  }
0x292: {  	[hbm4b:s14+s3] =	stream.linear.scatter [tilespmem:s13], [sflag:$0xA], $0x80, $0x38;
	[tilespmem:$0x1A800] =	vst v63  }
0x293: {  	s15 =	simm.s32 $0x18820;
	s24 =	sadd.s32 $0x40, s2  }
0x294: {  	[hbm4b:s24+s3] =	stream.linear.scatter [tilespmem:s15], [sflag:$0xA], $0x80, $0x38;
	[tilespmem:$0x1A800] =	vst v63  }
0x295: {  	s30 =	simm.s32 $0x189B8;
	s13 =	simm.s32 $0x188A8;
	s14 =	sadd.s32 $0x50, s2  }
0x296: {  	[hbm4b:s14+s3] =	stream.linear.scatter [tilespmem:s13], [sflag:$0xA], $0x80, $0x38;
	[tilespmem:$0x1A800] =	vst v63  }
0x297: {  	s15 =	simm.s32 $0x18930;
	s24 =	sadd.s32 $0x60, s2;
	s13 =	simm.s32 $0x440  }
0x298: {  	[hbm4b:s24+s3] =	stream.linear.scatter [tilespmem:s15], [sflag:$0xA], $0x80, $0x38;
	[tilespmem:$0x1A800] =	vst v63  }
0x299: {  	s14 =	sadd.s32 $0x1000, s2;
	s24 =	simm.s32 $0x2200;
	s15 =	sadd.s32 $0x70, s2  }
.LBB2_17:
0x29a: {  	[hbm4b:s15+s3] =	stream.linear.scatter [tilespmem:s30], [sflag:$0xA], $0x80, $0x38;
	[tilespmem:$0x1A800] =	vst v63  }
0x29b: {  	s2 =	smov.u32 s13;
	s7 =	smov.u32 s24  }
0x29c: {  	s13 =	sshra.s32 s7, $0x2;
	s7 =	sadd.s32 $0x1100, s24;
	s15 =	sadd.s32 $0x18600, s2  }
0x29d: {  	[hbm4b:s14+s3] =	stream.linear.scatter [tilespmem:s15], [sflag:$0xA], $0x80, $0x38;
	[tilespmem:$0x1A800] =	vst v63  }
0x29e: {  	p1 =	sne.s32 s24, $0x7700;
	s24 =	sadd.s32 $0x10, s14;
	s15 =	sadd.s32 $0x18688, s2  }
0x29f: {  	[hbm4b:s24+s3] =	stream.linear.scatter [tilespmem:s15], [sflag:$0xA], $0x80, $0x38;
	[tilespmem:$0x1A800] =	vst v63  }
0x2a0: {  	s15 =	sadd.s32 $0x18710, s2;
	s24 =	sadd.s32 $0x20, s14  }
0x2a1: {  	[hbm4b:s24+s3] =	stream.linear.scatter [tilespmem:s15], [sflag:$0xA], $0x80, $0x38;
	[tilespmem:$0x1A800] =	vst v63  }
0x2a2: {  	s15 =	sadd.s32 $0x18798, s2;
	s24 =	sadd.s32 $0x30, s14  }
0x2a3: {  	[hbm4b:s24+s3] =	stream.linear.scatter [tilespmem:s15], [sflag:$0xA], $0x80, $0x38;
	[tilespmem:$0x1A800] =	vst v63  }
0x2a4: {  	s15 =	sadd.s32 $0x18820, s2;
	s24 =	sadd.s32 $0x40, s14  }
0x2a5: {  	[hbm4b:s24+s3] =	stream.linear.scatter [tilespmem:s15], [sflag:$0xA], $0x80, $0x38;
	[tilespmem:$0x1A800] =	vst v63  }
.Ltmp7:
0x2a6: {  	s15 =	sadd.s32 $0x188A8, s2;
	s24 =	sadd.s32 $0x50, s14;
	(pc) =	sbr.rel @p1 .LBB2_17-.Ltmp7, $4  }
0x2a7: {  	[hbm4b:s24+s3] =	stream.linear.scatter [tilespmem:s15], [sflag:$0xA], $0x80, $0x38;
	[tilespmem:$0x1A800] =	vst v63  }
0x2a8: {  	s30 =	sadd.s32 $0x189B8, s2;
	s15 =	sadd.s32 $0x18930, s2;
	s24 =	sadd.s32 $0x60, s14  }
0x2a9: {  	[hbm4b:s24+s3] =	stream.linear.scatter [tilespmem:s15], [sflag:$0xA], $0x80, $0x38;
	[tilespmem:$0x1A800] =	vst v63  }
0x2aa: {  	s15 =	sadd.s32 $0x70, s14;
	s14 =	sadd.s32 $0x1000, s14;
	s24 =	smov.u32 s7  }
0x2ab: {  	[hbm4b:s15+s3] =	stream.linear.scatter [tilespmem:s30], [sflag:$0xA], $0x80, $0x38;
	[tilespmem:$0x1A800] =	vst v63  }
0x2ac: {  	s2 =	sadd.s32 $0x18600, s13  }
0x2ad: {  	[hbm4b:s14+s3] =	stream.linear.scatter [tilespmem:s2], [sflag:$0xA], $0x80, $0x38;
	[tilespmem:$0x1A800] =	vst v63  }
0x2ae: {  	s15 =	sadd.s32 $0x18688, s13;
	s7 =	sadd.s32 $0x10, s14  }
0x2af: {  	[hbm4b:s7+s3] =	stream.linear.scatter [tilespmem:s15], [sflag:$0xA], $0x80, $0x38;
	[tilespmem:$0x1A800] =	vst v63  }
0x2b0: {  	s24 =	sadd.s32 $0x18710, s13;
	s30 =	sadd.s32 $0x20, s14  }
0x2b1: {  	[hbm4b:s30+s3] =	stream.linear.scatter [tilespmem:s24], [sflag:$0xA], $0x80, $0x38;
	[tilespmem:$0x1A800] =	vst v63  }
0x2b2: {  	s7 =	sadd.s32 $0x18798, s13;
	s15 =	sadd.s32 $0x30, s14  }
0x2b3: {  	[hbm4b:s15+s3] =	stream.linear.scatter [tilespmem:s7], [sflag:$0xA], $0x80, $0x38;
	[tilespmem:$0x1A800] =	vst v63  }
0x2b4: {  	s24 =	sadd.s32 $0x18820, s13;
	s30 =	sadd.s32 $0x40, s14  }
0x2b5: {  	[hbm4b:s30+s3] =	stream.linear.scatter [tilespmem:s24], [sflag:$0xA], $0x80, $0x38;
	[tilespmem:$0x1A800] =	vst v63  }
0x2b6: {  	s7 =	sadd.s32 $0x188A8, s13;
	s15 =	sadd.s32 $0x50, s14  }
0x2b7: {  	[hbm4b:s15+s3] =	stream.linear.scatter [tilespmem:s7], [sflag:$0xA], $0x80, $0x38;
	[tilespmem:$0x1A800] =	vst v63  }
0x2b8: {  	s24 =	sadd.s32 $0x18930, s13;
	s30 =	sadd.s32 $0x60, s14  }
0x2b9: {  	[hbm4b:s30+s3] =	stream.linear.scatter [tilespmem:s24], [sflag:$0xA], $0x80, $0x38;
	[tilespmem:$0x1A800] =	vst v63  }
0x2ba: {  	s15 =	sadd.s32 $0x189B8, s13;
	s24 =	sadd.s32 $0x70, s14  }
0x2bb: {  	[hbm4b:s24+s3] =	stream.linear.scatter [tilespmem:s15], [sflag:$0xA], $0x80, $0x38;
	[tilespmem:$0x1A800] =	vst v63  }
0x2bc: {  	_ =	swait.ge [sflag:s20], $0x2000  }
0x2bd: {  	s2 =	sadd.s32 @!p0 $0x580, s5;
	[sflag:s20] =	ssyncset.done $0x0  }
0x2be: {  	s7 =	simm.s32 @!p0 $0x80;
	s13 =	simm.s32 @!p0 $0xC400;
	[sflag:s20] =	ssyncadd.s32 $0xFFFFE000  }
0x2bf: {  	[tilespmem:s13], [sflag:$0x4] =	stream.indirect.gather @!p0 [hbm4b:s4+s7], $0x40, s2, s7, $0xb8;
	[tilespmem:$0x1A800] =	vst v63  }
0x2c0: {  	_ =	swait.ge [sflag:s17], $0x2000  }
0x2c1: {  	[sflag:s17] =	ssyncset.done $0x0  }
0x2c2: {  	s30 =	simm.s32 $0xE400;
	[sflag:s17] =	ssyncadd.s32 $0xFFFFE000  }
0x2c3: {  	v32 =	vld [tilespmem:s30+$0x80]  }
0x2c4: {  	v34 =	vld [tilespmem:s30+$0x140]  }
0x2c5: {  	v36 =	vld [tilespmem:s30+$0x1C0]  }
0x2c6: {  	v35 =	vimm.s32 $0x0;
	v37 =	vld [tilespmem:s30+$0x100]  }
0x2c7: {  	v33 =	vadd.s32 v8, v35;
	v41 =	vld [tilespmem:s30+$0x0]  }
0x2c8: {  	v42 =	vadd.s32 v16, v35;
	v39 =	vld [tilespmem:s30+$0xC0]  }
0x2c9: {  	v57 =	vadd.s32 v0, v35;
	v45 =	vld [tilespmem:s30+$0x40]  }
0x2ca: {  	v40 =	vadd.s32 v28, v35;
	s13 =	simm.s32 $0xE600;
	v43 =	vld [tilespmem:s30+$0x180];
	v32 =	vmul.f32 $8.000000000e+00, v32  }
0x2cb: {  	v49 =	vld [tilespmem:s13+$0x80];
	v58 =	vmul.f32 $8.000000000e+00, v37  }
0x2cc: {  	v56 =	vadd.s32 v12, v35;
	v62 =	vmul.f32 $8.000000000e+00, v41;
	[tilespmem:v33+s31+$0x0] =	vst.idx.msk $0xffff, v32;
	v32 =	vld [tilespmem:s13+$0x180]  }
0x2cd: {  	v36 =	vmul.f32 $8.000000000e+00, v36;
	[tilespmem:v42+s31+$0x0] =	vst.idx.msk $0xffff, v58;
	v58 =	vld [tilespmem:s13+$0x140]  }
0x2ce: {  	[tilespmem:v57+s31+$0x0] =	vst.idx.msk $0xffff, v62;
	v57 =	vmul.f32 $8.000000000e+00, v45;
	v45 =	vld [tilespmem:s13+$0x100]  }
0x2cf: {  	v38 =	vadd.s32 v20, v35;
	v59 =	vmul.f32 $8.000000000e+00, v39;
	[tilespmem:v40+s31+$0x0] =	vst.idx.msk $0xffff, v36;
	v40 =	vld [tilespmem:s13+$0x1C0]  }
0x2d0: {  	v54 =	vadd.s32 v4, v35;
	v44 =	vld [tilespmem:s30+$0x90]  }
0x2d1: {  	[tilespmem:v56+s31+$0x0] =	vst.idx.msk $0xffff, v59;
	v61 =	vld [tilespmem:s30+$0x1D0]  }
0x2d2: {  	v48 =	vadd.s32 v24, v35;
	v55 =	vmul.f32 $8.000000000e+00, v34;
	v53 =	vld [tilespmem:s30+$0xD0]  }
0x2d3: {  	v60 =	vadd.s32 v9, v35;
	v63 =	vld [tilespmem:s30+$0x110]  }
0x2d4: {  	[tilespmem:v38+s31+$0x0] =	vst.idx.msk $0xffff, v55;
	v56 =	vadd.s32 v13, v35;
	v55 =	vld [tilespmem:s30+$0x10]  }
0x2d5: {  	v47 =	vadd.s32 v29, v35;
	v43 =	vmul.f32 $8.000000000e+00, v43;
	v38 =	vld [tilespmem:s30+$0x150];
	[tilespmem:v54+s31+$0x0] =	vst.idx.msk $0xffff, v57  }
0x2d6: {  	v46 =	vadd.s32 v1, v35;
	v42 =	vld [tilespmem:s30+$0x50];
	v52 =	vmul.f32 $8.000000000e+00, v44  }
0x2d7: {  	v59 =	vadd.s32 v21, v35;
	[tilespmem:v48+s31+$0x0] =	vst.idx.msk $0xffff, v43;
	v54 =	vmul.f32 $8.000000000e+00, v49;
	v49 =	vld [tilespmem:s13+$0x40];
	v34 =	vmul.f32 $8.000000000e+00, v53  }
0x2d8: {  	v50 =	vadd.s32 v5, v35;
	v39 =	vmul.f32 $8.000000000e+00, v61;
	v33 =	vmul.f32 $8.000000000e+00, v63;
	v63 =	vld [tilespmem:s30+$0x190];
	[tilespmem:v60+s31+$0x0] =	vst.idx.msk $0xffff, v52  }
0x2d9: {  	v41 =	vmul.f32 $8.000000000e+00, v55;
	[tilespmem:v56+s31+$0x0] =	vst.idx.msk $0xffff, v34;
	v52 =	vld [tilespmem:s13+$0x0];
	v60 =	vadd.s32 v17, v35  }
0x2da: {  	v38 =	vmul.f32 $8.000000000e+00, v38;
	v34 =	vadd.s32 $0x8, v35;
	[tilespmem:v47+s31+$0x0] =	vst.idx.msk $0xffff, v39;
	v47 =	vld [tilespmem:s13+$0xC0];
	v56 =	vadd.s32 v25, v35  }
0x2db: {  	[tilespmem:v46+s31+$0x0] =	vst.idx.msk $0xffff, v41;
	v42 =	vmul.f32 $8.000000000e+00, v42;
	v36 =	vld [tilespmem:s30+$0xA0];
	v61 =	vadd.s32 v8, v34  }
0x2dc: {  	[tilespmem:v59+s31+$0x0] =	vst.idx.msk $0xffff, v38;
	v51 =	vld [tilespmem:s30+$0xE0];
	v62 =	vadd.s32 v20, v34  }
0x2dd: {  	v46 =	vld [tilespmem:s30+$0x20];
	[tilespmem:v50+s31+$0x0] =	vst.idx.msk $0xffff, v42;
	v50 =	vadd.s32 v28, v34;
	v37 =	vmul.f32 $8.000000000e+00, v63  }
0x2de: {  	v53 =	vadd.s32 v10, v35;
	v42 =	vld [tilespmem:s30+$0x1E0];
	[tilespmem:v60+s31+$0x0] =	vst.idx.msk $0xffff, v33  }
0x2df: {  	v58 =	vmul.f32 $8.000000000e+00, v58;
	v55 =	vadd.s32 v2, v35;
	v33 =	vld [tilespmem:s30+$0x160];
	[tilespmem:v56+s31+$0x0] =	vst.idx.msk $0xffff, v37  }
0x2e0: {  	v40 =	vmul.f32 $8.000000000e+00, v40;
	v59 =	vadd.s32 v14, v35;
	[tilespmem:v61+s31+$0x0] =	vst.idx.msk $0xffff, v54;
	v63 =	vld [tilespmem:s30+$0x120]  }
0x2e1: {  	v36 =	vmul.f32 $8.000000000e+00, v36;
	v61 =	vadd.s32 v22, v35;
	[tilespmem:v62+s31+$0x0] =	vst.idx.msk $0xffff, v58;
	v39 =	vld [tilespmem:s30+$0x1A0]  }
0x2e2: {  	v38 =	vadd.s32 v30, v35;
	v60 =	vmul.f32 $8.000000000e+00, v46;
	v46 =	vld [tilespmem:s13+$0x90];
	[tilespmem:v50+s31+$0x0] =	vst.idx.msk $0xffff, v40  }
0x2e3: {  	v57 =	vadd.s32 v12, v34;
	v62 =	vmul.f32 $8.000000000e+00, v51;
	v54 =	vld [tilespmem:s13+$0x150];
	[tilespmem:v53+s31+$0x0] =	vst.idx.msk $0xffff, v36  }
0x2e4: {  	v58 =	vadd.s32 v16, v34;
	[tilespmem:v55+s31+$0x0] =	vst.idx.msk $0xffff, v60;
	v53 =	vld [tilespmem:s30+$0x60];
	v33 =	vmul.f32 $8.000000000e+00, v33  }
0x2e5: {  	v44 =	vadd.s32 v18, v35;
	[tilespmem:v59+s31+$0x0] =	vst.idx.msk $0xffff, v62;
	v59 =	vmul.f32 $8.000000000e+00, v42;
	v62 =	vmul.f32 $8.000000000e+00, v45;
	v45 =	vld [tilespmem:s13+$0x1D0]  }
0x2e6: {  	v60 =	vmul.f32 $8.000000000e+00, v47;
	v43 =	vld [tilespmem:s30+$0xB0];
	[tilespmem:v61+s31+$0x0] =	vst.idx.msk $0xffff, v33;
	v61 =	vadd.s32 v26, v35  }
0x2e7: {  	v55 =	vadd.s32 v0, v34;
	v42 =	vld [tilespmem:s30+$0xF0];
	[tilespmem:v38+s31+$0x0] =	vst.idx.msk $0xffff, v59  }
0x2e8: {  	v51 =	vadd.s32 v6, v35;
	v38 =	vld [tilespmem:s30+$0x30];
	[tilespmem:v57+s31+$0x0] =	vst.idx.msk $0xffff, v60;
	v63 =	vmul.f32 $8.000000000e+00, v63  }
0x2e9: {  	v56 =	vadd.s32 v15, v35;
	[tilespmem:v58+s31+$0x0] =	vst.idx.msk $0xffff, v62;
	v48 =	vmul.f32 $8.000000000e+00, v39;
	v57 =	vld [tilespmem:s30+$0x1F0]  }
0x2ea: {  	v41 =	vmul.f32 $8.000000000e+00, v49;
	v50 =	vmul.f32 $8.000000000e+00, v52;
	v52 =	vadd.s32 v9, v34;
	v40 =	vld [tilespmem:s13+$0x110];
	[tilespmem:v44+s31+$0x0] =	vst.idx.msk $0xffff, v63  }
0x2eb: {  	v49 =	vadd.s32 v19, v35;
	v58 =	vadd.s32 v11, v35;
	v60 =	vmul.f32 $8.000000000e+00, v53;
	v59 =	vld [tilespmem:s30+$0x130];
	[tilespmem:v61+s31+$0x0] =	vst.idx.msk $0xffff, v48  }
0x2ec: {  	v36 =	vadd.s32 v27, v35;
	[tilespmem:v55+s31+$0x0] =	vst.idx.msk $0xffff, v50;
	v50 =	vadd.s32 v4, v34;
	v62 =	vmul.f32 $8.000000000e+00, v42;
	v47 =	vld [tilespmem:s30+$0x1B0]  }
0x2ed: {  	v39 =	vadd.s32 v23, v35;
	[tilespmem:v51+s31+$0x0] =	vst.idx.msk $0xffff, v60;
	v61 =	vmul.f32 $8.000000000e+00, v46;
	v46 =	vld [tilespmem:s13+$0xD0];
	v48 =	vadd.s32 v29, v34  }
0x2ee: {  	v33 =	vadd.s32 v27, v34;
	v37 =	vmul.f32 $8.000000000e+00, v54;
	v63 =	vmul.f32 $8.000000000e+00, v43;
	v44 =	vld [tilespmem:s30+$0x70];
	[tilespmem:v56+s31+$0x0] =	vst.idx.msk $0xffff, v62  }
0x2ef: {  	v53 =	vmul.f32 $8.000000000e+00, v45;
	v42 =	vadd.s32 v7, v35;
	v43 =	vld [tilespmem:s30+$0x170];
	[tilespmem:v52+s31+$0x0] =	vst.idx.msk $0xffff, v61;
	v52 =	vadd.s32 v31, v35  }
0x2f0: {  	s14 =	simm.s32 $0x8;
	s24 =	simm.s32 $0xE800;
	v45 =	vld [tilespmem:s13+$0x10];
	v51 =	vadd.s32 v3, v35;
	[tilespmem:v58+s31+$0x0] =	vst.idx.msk $0xffff, v63;
	v54 =	vmul.f32 $8.000000000e+00, v57;
	v55 =	vmul.f32 $8.000000000e+00, v59;
	v35 =	vmovc v34  }
.LBB2_19:
0x2f1: {  	s14 =	sadd.s32 $0x8, s14;
	[tilespmem:v50+s31+$0x0] =	vst.idx.msk $0xffff, v41;
	v41 =	vmul.f32 $8.000000000e+00, v32;
	v32 =	vld [tilespmem:s24+$0x180];
	v34 =	vadd.s32 $0x8, v34;
	v47 =	vmul.f32 $8.000000000e+00, v47  }
0x2f2: {  	v56 =	vadd.s32 v13, v35;
	v40 =	vmul.f32 $8.000000000e+00, v40;
	p1 =	slt.u32 s14, $0x78;
	v50 =	vld [tilespmem:s13+$0xA0];
	v46 =	vmul.f32 $8.000000000e+00, v46;
	[tilespmem:v48+s31+$0x0] =	vst.idx.msk $0xffff, v53  }
0x2f3: {  	v38 =	vmul.f32 $8.000000000e+00, v38;
	v48 =	vadd.s32 v8, v34;
	v53 =	vld [tilespmem:s24+$0x140];
	v44 =	vmul.f32 $8.000000000e+00, v44;
	[tilespmem:v49+s31+$0x0] =	vst.idx.msk $0xffff, v55  }
0x2f4: {  	v57 =	vadd.s32 v1, v35;
	v49 =	vadd.s32 v0, v34;
	v55 =	vld [tilespmem:s24+$0x100];
	v43 =	vmul.f32 $8.000000000e+00, v43;
	[tilespmem:v52+s31+$0x0] =	vst.idx.msk $0xffff, v54  }
0x2f5: {  	v52 =	vadd.s32 v27, v34;
	v54 =	vld [tilespmem:s24+$0x1C0];
	[tilespmem:v51+s31+$0x0] =	vst.idx.msk $0xffff, v38  }
0x2f6: {  	v38 =	vmul.f32 $8.000000000e+00, v45;
	v51 =	vadd.s32 v24, v35;
	v45 =	vld [tilespmem:s13+$0x50];
	[tilespmem:v36+s31+$0x0] =	vst.idx.msk $0xffff, v47;
	v36 =	vmovc v33;
	v33 =	vmov v52  }
0x2f7: {  	v47 =	vld [tilespmem:s24+$0x80];
	[tilespmem:v56+s31+$0x0] =	vst.idx.msk $0xffff, v46;
	v46 =	vadd.s32 v21, v35  }
0x2f8: {  	v52 =	vadd.s32 v5, v35;
	v50 =	vmul.f32 $8.000000000e+00, v50;
	v56 =	vld [tilespmem:s13+$0xE0];
	[tilespmem:v42+s31+$0x0] =	vst.idx.msk $0xffff, v44  }
0x2f9: {  	v42 =	vld [tilespmem:s24+$0x0];
	[tilespmem:v57+s31+$0x0] =	vst.idx.msk $0xffff, v38;
	v38 =	vadd.s32 v17, v35  }
0x2fa: {  	v44 =	vld [tilespmem:s13+$0x20];
	[tilespmem:v39+s31+$0x0] =	vst.idx.msk $0xffff, v43  }
0x2fb: {  	v39 =	vld [tilespmem:s24+$0xC0];
	v43 =	vmul.f32 $8.000000000e+00, v45;
	v45 =	vadd.s32 v10, v35;
	[tilespmem:v51+s31+$0x0] =	vst.idx.msk $0xffff, v41  }
0x2fc: {  	v41 =	vmul.f32 $8.000000000e+00, v47;
	v47 =	vadd.s32 v20, v34;
	[tilespmem:v46+s31+$0x0] =	vst.idx.msk $0xffff, v37;
	v37 =	vld [tilespmem:s13+$0x190]  }
0x2fd: {  	v51 =	vadd.s32 v2, v35;
	v46 =	vadd.s32 v28, v34;
	[tilespmem:v52+s31+$0x0] =	vst.idx.msk $0xffff, v43;
	v43 =	vld [tilespmem:s13+$0x1E0]  }
0x2fe: {  	[tilespmem:v38+s31+$0x0] =	vst.idx.msk $0xffff, v40;
	v38 =	vld [tilespmem:s13+$0x160];
	v40 =	vadd.s32 v25, v35  }
0x2ff: {  	v52 =	vld [tilespmem:s24+$0x40];
	[tilespmem:v48+s31+$0x0] =	vst.idx.msk $0xffff, v41;
	v41 =	vmul.f32 $8.000000000e+00, v53;
	v44 =	vmul.f32 $8.000000000e+00, v44;
	v48 =	vadd.s32 v14, v35  }
0x300: {  	v54 =	vmul.f32 $8.000000000e+00, v54;
	v53 =	vld [tilespmem:s24+$0x90];
	[tilespmem:v45+s31+$0x0] =	vst.idx.msk $0xffff, v50;
	v45 =	vadd.s32 v22, v35  }
0x301: {  	v39 =	vmul.f32 $8.000000000e+00, v39;
	v50 =	vadd.s32 v30, v35;
	[tilespmem:v47+s31+$0x0] =	vst.idx.msk $0xffff, v41;
	v47 =	vld [tilespmem:s13+$0xB0];
	v37 =	vmul.f32 $8.000000000e+00, v37  }
0x302: {  	v55 =	vmul.f32 $8.000000000e+00, v55;
	v41 =	vmul.f32 $8.000000000e+00, v56;
	[tilespmem:v51+s31+$0x0] =	vst.idx.msk $0xffff, v44;
	v44 =	vld [tilespmem:s13+$0x120]  }
0x303: {  	v51 =	vadd.s32 v12, v34;
	v56 =	vld [tilespmem:s13+$0x60];
	v38 =	vmul.f32 $8.000000000e+00, v38;
	[tilespmem:v40+s31+$0x0] =	vst.idx.msk $0xffff, v37  }
0x304: {  	v43 =	vmul.f32 $8.000000000e+00, v43;
	v37 =	vadd.s32 v16, v34;
	[tilespmem:v48+s31+$0x0] =	vst.idx.msk $0xffff, v41;
	v40 =	vld [tilespmem:s13+$0x1A0]  }
0x305: {  	v57 =	vadd.s32 v18, v35;
	v48 =	vld [tilespmem:s13+$0xF0];
	[tilespmem:v45+s31+$0x0] =	vst.idx.msk $0xffff, v38  }
0x306: {  	v41 =	vmul.f32 $8.000000000e+00, v52;
	v52 =	vadd.s32 v26, v35;
	v45 =	vld [tilespmem:s24+$0x150];
	[tilespmem:v50+s31+$0x0] =	vst.idx.msk $0xffff, v43  }
0x307: {  	[tilespmem:v46+s31+$0x0] =	vst.idx.msk $0xffff, v54;
	v38 =	vld [tilespmem:s13+$0x30]  }
0x308: {  	v44 =	vmul.f32 $8.000000000e+00, v44;
	[tilespmem:v51+s31+$0x0] =	vst.idx.msk $0xffff, v39;
	v43 =	vld [tilespmem:s24+$0x1D0];
	v39 =	vmul.f32 $8.000000000e+00, v56;
	v51 =	vadd.s32 v6, v35  }
0x309: {  	v53 =	vmul.f32 $8.000000000e+00, v53;
	v54 =	vadd.s32 v15, v35;
	[tilespmem:v37+s31+$0x0] =	vst.idx.msk $0xffff, v55;
	v37 =	vmul.f32 $8.000000000e+00, v40;
	v56 =	vld [tilespmem:s13+$0x1F0]  }
0x30a: {  	v42 =	vmul.f32 $8.000000000e+00, v42;
	v55 =	vadd.s32 v9, v34;
	v40 =	vld [tilespmem:s24+$0x110];
	[tilespmem:v57+s31+$0x0] =	vst.idx.msk $0xffff, v44  }
0x30b: {  	v58 =	vadd.s32 v11, v35;
	v57 =	vmul.f32 $8.000000000e+00, v47;
	v59 =	vld [tilespmem:s13+$0x130];
	[tilespmem:v52+s31+$0x0] =	vst.idx.msk $0xffff, v37  }
.Ltmp8:
0x30c: {  	v50 =	vadd.s32 v4, v34;
	v37 =	vmul.f32 $8.000000000e+00, v45;
	[tilespmem:v49+s31+$0x0] =	vst.idx.msk $0xffff, v42;
	v42 =	vmul.f32 $8.000000000e+00, v48;
	v47 =	vld [tilespmem:s13+$0x1B0];
	(pc) =	sbr.rel @p1 .LBB2_19-.Ltmp8, $4  }
0x30d: {  	v48 =	vadd.s32 v29, v34;
	v46 =	vld [tilespmem:s24+$0xD0];
	[tilespmem:v51+s31+$0x0] =	vst.idx.msk $0xffff, v39  }
0x30e: {  	v49 =	vadd.s32 v19, v35;
	v39 =	vadd.s32 v23, v35;
	v44 =	vld [tilespmem:s13+$0x70];
	[tilespmem:v54+s31+$0x0] =	vst.idx.msk $0xffff, v42  }
0x30f: {  	v52 =	vadd.s32 v31, v35;
	v42 =	vadd.s32 v7, v35;
	[tilespmem:v55+s31+$0x0] =	vst.idx.msk $0xffff, v53;
	v53 =	vmul.f32 $8.000000000e+00, v43;
	v43 =	vld [tilespmem:s13+$0x170];
	s13 =	smov.u32 s24  }
0x310: {  	v51 =	vadd.s32 v3, v35;
	v54 =	vmul.f32 $8.000000000e+00, v56;
	v35 =	vmovc v34;
	s24 =	sadd.s32 $0x200, s24;
	v45 =	vld [tilespmem:s13+$0x10];
	[tilespmem:v58+s31+$0x0] =	vst.idx.msk $0xffff, v57;
	v55 =	vmul.f32 $8.000000000e+00, v59  }
0x311: {  	_ =	sdelay $0x3  }
0x312: {  	v34 =	vadd.s32 v24, v35;
	[tilespmem:v50+s31+$0x0] =	vst.idx.msk $0xffff, v41  }
0x313: {  	[tilespmem:v48+s31+$0x0] =	vst.idx.msk $0xffff, v53  }
0x314: {  	v57 =	vadd.s32 v13, v35;
	v38 =	vmul.f32 $8.000000000e+00, v38;
	[tilespmem:v49+s31+$0x0] =	vst.idx.msk $0xffff, v55  }
0x315: {  	v32 =	vmul.f32 $8.000000000e+00, v32;
	v58 =	vadd.s32 v17, v35;
	[tilespmem:v52+s31+$0x0] =	vst.idx.msk $0xffff, v54  }
0x316: {  	v62 =	vld [tilespmem:s13+$0x50];
	[tilespmem:v51+s31+$0x0] =	vst.idx.msk $0xffff, v38;
	v44 =	vmul.f32 $8.000000000e+00, v44  }
0x317: {  	v60 =	vadd.s32 v1, v35;
	v59 =	vmul.f32 $8.000000000e+00, v46;
	[tilespmem:v34+s31+$0x0] =	vst.idx.msk $0xffff, v32  }
0x318: {  	v63 =	vmul.f32 $8.000000000e+00, v40;
	v51 =	vadd.s32 v5, v35;
	[tilespmem:v42+s31+$0x0] =	vst.idx.msk $0xffff, v44;
	v61 =	vld [tilespmem:s13+$0x190]  }
0x319: {  	v53 =	vld [tilespmem:s13+$0xA0];
	v54 =	vadd.s32 v21, v35;
	v43 =	vmul.f32 $8.000000000e+00, v43;
	[tilespmem:v57+s31+$0x0] =	vst.idx.msk $0xffff, v59  }
0x31a: {  	v49 =	vadd.s32 v25, v35;
	v50 =	vmul.f32 $8.000000000e+00, v45;
	[tilespmem:v58+s31+$0x0] =	vst.idx.msk $0xffff, v63;
	v52 =	vld [tilespmem:s13+$0xE0]  }
0x31b: {  	[tilespmem:v39+s31+$0x0] =	vst.idx.msk $0xffff, v43;
	v59 =	vadd.s32 v10, v35;
	v57 =	vld [tilespmem:s13+$0x120];
	v58 =	vmul.f32 $8.000000000e+00, v62  }
0x31c: {  	v55 =	vadd.s32 v14, v35;
	[tilespmem:v60+s31+$0x0] =	vst.idx.msk $0xffff, v50;
	v60 =	vld [tilespmem:s13+$0x1E0]  }
0x31d: {  	v62 =	vadd.s32 v18, v35;
	[tilespmem:v51+s31+$0x0] =	vst.idx.msk $0xffff, v58;
	v56 =	vmul.f32 $8.000000000e+00, v61;
	v61 =	vld [tilespmem:s13+$0x20]  }
0x31e: {  	v63 =	vadd.s32 v30, v35;
	v42 =	vmul.f32 $8.000000000e+00, v53;
	[tilespmem:v54+s31+$0x0] =	vst.idx.msk $0xffff, v37;
	v51 =	vld [tilespmem:s13+$0x60]  }
0x31f: {  	v50 =	vadd.s32 v2, v35;
	v48 =	vmul.f32 $8.000000000e+00, v52;
	v52 =	vld [tilespmem:s13+$0x160];
	[tilespmem:v49+s31+$0x0] =	vst.idx.msk $0xffff, v56  }
0x320: {  	[tilespmem:v59+s31+$0x0] =	vst.idx.msk $0xffff, v42;
	v38 =	vmul.f32 $8.000000000e+00, v57;
	v56 =	vadd.s32 v6, v35;
	v49 =	vld [tilespmem:s13+$0x1A0]  }
0x321: {  	v58 =	vadd.s32 v22, v35;
	v54 =	vmul.f32 $8.000000000e+00, v60;
	v59 =	vld [tilespmem:s13+$0xB0];
	[tilespmem:v55+s31+$0x0] =	vst.idx.msk $0xffff, v48  }
0x322: {  	v53 =	vadd.s32 v26, v35;
	[tilespmem:v62+s31+$0x0] =	vst.idx.msk $0xffff, v38;
	v55 =	vld [tilespmem:s13+$0xF0];
	v57 =	vmul.f32 $8.000000000e+00, v61  }
0x323: {  	[tilespmem:v63+s31+$0x0] =	vst.idx.msk $0xffff, v54;
	v62 =	vmul.f32 $8.000000000e+00, v51  }
0x324: {  	v63 =	vadd.s32 v11, v35;
	v38 =	vld [tilespmem:s13+$0x130];
	v48 =	vmul.f32 $8.000000000e+00, v52;
	[tilespmem:v50+s31+$0x0] =	vst.idx.msk $0xffff, v57  }
0x325: {  	v60 =	vadd.s32 v15, v35;
	v39 =	vld [tilespmem:s13+$0x1F0];
	[tilespmem:v56+s31+$0x0] =	vst.idx.msk $0xffff, v62;
	v61 =	vmul.f32 $8.000000000e+00, v49  }
0x326: {  	v47 =	vmul.f32 $8.000000000e+00, v47;
	v50 =	vadd.s32 v19, v35;
	[tilespmem:v58+s31+$0x0] =	vst.idx.msk $0xffff, v48;
	v49 =	vld [tilespmem:s13+$0x30]  }
0x327: {  	v54 =	vmul.f32 $8.000000000e+00, v59;
	v51 =	vmul.f32 $8.000000000e+00, v55;
	v55 =	vld [tilespmem:s13+$0x70];
	[tilespmem:v53+s31+$0x0] =	vst.idx.msk $0xffff, v61;
	v53 =	vadd.s32 v31, v35  }
0x328: {  	[tilespmem:v36+s31+$0x0] =	vst.idx.msk $0xffff, v47;
	v56 =	vadd.s32 v3, v35;
	v57 =	vld [tilespmem:s13+$0x170]  }
0x329: {  	v59 =	vadd.s32 v7, v35;
	[tilespmem:v63+s31+$0x0] =	vst.idx.msk $0xffff, v54;
	v58 =	vmul.f32 $8.000000000e+00, v38;
	v52 =	vld [tilespmem:s13+$0x1B0]  }
0x32a: {  	v39 =	vmul.f32 $8.000000000e+00, v39;
	[tilespmem:v60+s31+$0x0] =	vst.idx.msk $0xffff, v51;
	v60 =	vadd.s32 v23, v35  }
0x32b: {  	[tilespmem:v50+s31+$0x0] =	vst.idx.msk $0xffff, v58;
	v61 =	vmul.f32 $8.000000000e+00, v49  }
0x32c: {  	v63 =	vmul.f32 $8.000000000e+00, v55;
	[tilespmem:v53+s31+$0x0] =	vst.idx.msk $0xffff, v39  }
0x32d: {  	v32 =	vmul.f32 $8.000000000e+00, v57;
	[tilespmem:v56+s31+$0x0] =	vst.idx.msk $0xffff, v61  }
0x32e: {  	[tilespmem:v59+s31+$0x0] =	vst.idx.msk $0xffff, v63;
	v62 =	vmul.f32 $8.000000000e+00, v52  }
0x32f: {  	[tilespmem:v60+s31+$0x0] =	vst.idx.msk $0xffff, v32  }
0x330: {  	s2 =	sadd.s32 s28, s10;
	s7 =	simm.s32 $0x16400;
	[tilespmem:v33+s31+$0x0] =	vst.idx.msk $0xffff, v62  }
0x331: {  	[hbm4b:s2+s3] =	stream.linear.scatter [tilespmem:s7], [sflag:$0x9], $0x80, $0x38;
	[tilespmem:$0x1A800] =	vst v63  }
0x332: {  	s14 =	sadd.s32 $0x10, s2;
	s13 =	simm.s32 $0x16488  }
0x333: {  	[hbm4b:s14+s3] =	stream.linear.scatter [tilespmem:s13], [sflag:$0x9], $0x80, $0x38;
	[tilespmem:$0x1A800] =	vst v63  }
0x334: {  	s15 =	simm.s32 $0x16510;
	s24 =	sadd.s32 $0x20, s2  }
0x335: {  	[hbm4b:s24+s3] =	stream.linear.scatter [tilespmem:s15], [sflag:$0x9], $0x80, $0x38;
	[tilespmem:$0x1A800] =	vst v63  }
0x336: {  	s13 =	simm.s32 $0x16598;
	s14 =	sadd.s32 $0x30, s2  }
0x337: {  	[hbm4b:s14+s3] =	stream.linear.scatter [tilespmem:s13], [sflag:$0x9], $0x80, $0x38;
	[tilespmem:$0x1A800] =	vst v63  }
0x338: {  	s15 =	simm.s32 $0x16620;
	s24 =	sadd.s32 $0x40, s2  }
0x339: {  	[hbm4b:s24+s3] =	stream.linear.scatter [tilespmem:s15], [sflag:$0x9], $0x80, $0x38;
	[tilespmem:$0x1A800] =	vst v63  }
0x33a: {  	s30 =	simm.s32 $0x167B8;
	s13 =	simm.s32 $0x166A8;
	s14 =	sadd.s32 $0x50, s2  }
0x33b: {  	[hbm4b:s14+s3] =	stream.linear.scatter [tilespmem:s13], [sflag:$0x9], $0x80, $0x38;
	[tilespmem:$0x1A800] =	vst v63  }
0x33c: {  	s15 =	simm.s32 $0x16730;
	s24 =	sadd.s32 $0x60, s2;
	s13 =	simm.s32 $0x440  }
0x33d: {  	[hbm4b:s24+s3] =	stream.linear.scatter [tilespmem:s15], [sflag:$0x9], $0x80, $0x38;
	[tilespmem:$0x1A800] =	vst v63  }
0x33e: {  	s14 =	sadd.s32 $0x1000, s2;
	s24 =	simm.s32 $0x2200;
	s15 =	sadd.s32 $0x70, s2  }
.LBB2_21:
0x33f: {  	[hbm4b:s15+s3] =	stream.linear.scatter [tilespmem:s30], [sflag:$0x9], $0x80, $0x38;
	[tilespmem:$0x1A800] =	vst v63  }
0x340: {  	s2 =	smov.u32 s13;
	s7 =	smov.u32 s24  }
0x341: {  	s13 =	sshra.s32 s7, $0x2;
	s7 =	sadd.s32 $0x1100, s24;
	s15 =	sadd.s32 $0x16400, s2  }
0x342: {  	[hbm4b:s14+s3] =	stream.linear.scatter [tilespmem:s15], [sflag:$0x9], $0x80, $0x38;
	[tilespmem:$0x1A800] =	vst v63  }
0x343: {  	p1 =	sne.s32 s24, $0x7700;
	s24 =	sadd.s32 $0x10, s14;
	s15 =	sadd.s32 $0x16488, s2  }
0x344: {  	[hbm4b:s24+s3] =	stream.linear.scatter [tilespmem:s15], [sflag:$0x9], $0x80, $0x38;
	[tilespmem:$0x1A800] =	vst v63  }
0x345: {  	s15 =	sadd.s32 $0x16510, s2;
	s24 =	sadd.s32 $0x20, s14  }
0x346: {  	[hbm4b:s24+s3] =	stream.linear.scatter [tilespmem:s15], [sflag:$0x9], $0x80, $0x38;
	[tilespmem:$0x1A800] =	vst v63  }
0x347: {  	s15 =	sadd.s32 $0x16598, s2;
	s24 =	sadd.s32 $0x30, s14  }
0x348: {  	[hbm4b:s24+s3] =	stream.linear.scatter [tilespmem:s15], [sflag:$0x9], $0x80, $0x38;
	[tilespmem:$0x1A800] =	vst v63  }
0x349: {  	s15 =	sadd.s32 $0x16620, s2;
	s24 =	sadd.s32 $0x40, s14  }
0x34a: {  	[hbm4b:s24+s3] =	stream.linear.scatter [tilespmem:s15], [sflag:$0x9], $0x80, $0x38;
	[tilespmem:$0x1A800] =	vst v63  }
.Ltmp9:
0x34b: {  	s15 =	sadd.s32 $0x166A8, s2;
	s24 =	sadd.s32 $0x50, s14;
	(pc) =	sbr.rel @p1 .LBB2_21-.Ltmp9, $4  }
0x34c: {  	[hbm4b:s24+s3] =	stream.linear.scatter [tilespmem:s15], [sflag:$0x9], $0x80, $0x38;
	[tilespmem:$0x1A800] =	vst v63  }
0x34d: {  	s30 =	sadd.s32 $0x167B8, s2;
	s15 =	sadd.s32 $0x16730, s2;
	s24 =	sadd.s32 $0x60, s14  }
0x34e: {  	[hbm4b:s24+s3] =	stream.linear.scatter [tilespmem:s15], [sflag:$0x9], $0x80, $0x38;
	[tilespmem:$0x1A800] =	vst v63  }
0x34f: {  	s15 =	sadd.s32 $0x70, s14;
	s14 =	sadd.s32 $0x1000, s14;
	s24 =	smov.u32 s7  }
0x350: {  	[hbm4b:s15+s3] =	stream.linear.scatter [tilespmem:s30], [sflag:$0x9], $0x80, $0x38;
	[tilespmem:$0x1A800] =	vst v63  }
0x351: {  	s2 =	sadd.s32 $0x16400, s13  }
0x352: {  	[hbm4b:s14+s3] =	stream.linear.scatter [tilespmem:s2], [sflag:$0x9], $0x80, $0x38;
	[tilespmem:$0x1A800] =	vst v63  }
0x353: {  	s15 =	sadd.s32 $0x16488, s13;
	s7 =	sadd.s32 $0x10, s14  }
0x354: {  	[hbm4b:s7+s3] =	stream.linear.scatter [tilespmem:s15], [sflag:$0x9], $0x80, $0x38;
	[tilespmem:$0x1A800] =	vst v63  }
0x355: {  	s24 =	sadd.s32 $0x16510, s13;
	s30 =	sadd.s32 $0x20, s14  }
0x356: {  	[hbm4b:s30+s3] =	stream.linear.scatter [tilespmem:s24], [sflag:$0x9], $0x80, $0x38;
	[tilespmem:$0x1A800] =	vst v63  }
0x357: {  	s7 =	sadd.s32 $0x16598, s13;
	s15 =	sadd.s32 $0x30, s14  }
0x358: {  	[hbm4b:s15+s3] =	stream.linear.scatter [tilespmem:s7], [sflag:$0x9], $0x80, $0x38;
	[tilespmem:$0x1A800] =	vst v63  }
0x359: {  	s24 =	sadd.s32 $0x16620, s13;
	s30 =	sadd.s32 $0x40, s14  }
0x35a: {  	[hbm4b:s30+s3] =	stream.linear.scatter [tilespmem:s24], [sflag:$0x9], $0x80, $0x38;
	[tilespmem:$0x1A800] =	vst v63  }
0x35b: {  	s7 =	sadd.s32 $0x166A8, s13;
	s15 =	sadd.s32 $0x50, s14  }
0x35c: {  	[hbm4b:s15+s3] =	stream.linear.scatter [tilespmem:s7], [sflag:$0x9], $0x80, $0x38;
	[tilespmem:$0x1A800] =	vst v63  }
0x35d: {  	s24 =	sadd.s32 $0x16730, s13;
	s30 =	sadd.s32 $0x60, s14  }
0x35e: {  	[hbm4b:s30+s3] =	stream.linear.scatter [tilespmem:s24], [sflag:$0x9], $0x80, $0x38;
	[tilespmem:$0x1A800] =	vst v63  }
0x35f: {  	s15 =	sadd.s32 $0x167B8, s13;
	s24 =	sadd.s32 $0x70, s14  }
0x360: {  	[hbm4b:s24+s3] =	stream.linear.scatter [tilespmem:s15], [sflag:$0x9], $0x80, $0x38;
	[tilespmem:$0x1A800] =	vst v63  }
0x361: {  	_ =	swait.ge [sflag:s21], $0x2000  }
0x362: {  	s2 =	sadd.s32 @!p0 $0x600, s5;
	[sflag:s21] =	ssyncset.done $0x0  }
0x363: {  	s7 =	simm.s32 @!p0 $0x80;
	s13 =	simm.s32 @!p0 $0xE400;
	[sflag:s21] =	ssyncadd.s32 $0xFFFFE000  }
0x364: {  	[tilespmem:s13], [sflag:$0x5] =	stream.indirect.gather @!p0 [hbm4b:s4+s7], $0x40, s2, s7, $0xb8;
	[tilespmem:$0x1A800] =	vst v63  }
0x365: {  	_ =	swait.ge [sflag:s19], $0x2000  }
0x366: {  	[sflag:s19] =	ssyncset.done $0x0  }
0x367: {  	s30 =	simm.s32 $0x10400;
	[sflag:s19] =	ssyncadd.s32 $0xFFFFE000  }
0x368: {  	v32 =	vld [tilespmem:s30+$0x80]  }
0x369: {  	v34 =	vld [tilespmem:s30+$0x140]  }
0x36a: {  	v36 =	vld [tilespmem:s30+$0x1C0]  }
0x36b: {  	v35 =	vimm.s32 $0x0;
	v37 =	vld [tilespmem:s30+$0x100]  }
0x36c: {  	v33 =	vadd.s32 v8, v35;
	v41 =	vld [tilespmem:s30+$0x0]  }
0x36d: {  	v42 =	vadd.s32 v16, v35;
	v39 =	vld [tilespmem:s30+$0xC0]  }
0x36e: {  	v57 =	vadd.s32 v0, v35;
	v45 =	vld [tilespmem:s30+$0x40]  }
0x36f: {  	v40 =	vadd.s32 v28, v35;
	s13 =	simm.s32 $0x10600;
	v43 =	vld [tilespmem:s30+$0x180];
	v32 =	vmul.f32 $8.000000000e+00, v32  }
0x370: {  	v49 =	vld [tilespmem:s13+$0x80];
	v58 =	vmul.f32 $8.000000000e+00, v37  }
0x371: {  	v56 =	vadd.s32 v12, v35;
	v62 =	vmul.f32 $8.000000000e+00, v41;
	[tilespmem:v33+s0+$0x0] =	vst.idx.msk $0xffff, v32;
	v32 =	vld [tilespmem:s13+$0x180]  }
0x372: {  	v36 =	vmul.f32 $8.000000000e+00, v36;
	[tilespmem:v42+s0+$0x0] =	vst.idx.msk $0xffff, v58;
	v58 =	vld [tilespmem:s13+$0x140]  }
0x373: {  	[tilespmem:v57+s0+$0x0] =	vst.idx.msk $0xffff, v62;
	v57 =	vmul.f32 $8.000000000e+00, v45;
	v45 =	vld [tilespmem:s13+$0x100]  }
0x374: {  	v38 =	vadd.s32 v20, v35;
	v59 =	vmul.f32 $8.000000000e+00, v39;
	[tilespmem:v40+s0+$0x0] =	vst.idx.msk $0xffff, v36;
	v40 =	vld [tilespmem:s13+$0x1C0]  }
0x375: {  	v54 =	vadd.s32 v4, v35;
	v44 =	vld [tilespmem:s30+$0x90]  }
0x376: {  	[tilespmem:v56+s0+$0x0] =	vst.idx.msk $0xffff, v59;
	v61 =	vld [tilespmem:s30+$0x1D0]  }
0x377: {  	v48 =	vadd.s32 v24, v35;
	v55 =	vmul.f32 $8.000000000e+00, v34;
	v53 =	vld [tilespmem:s30+$0xD0]  }
0x378: {  	v60 =	vadd.s32 v9, v35;
	v63 =	vld [tilespmem:s30+$0x110]  }
0x379: {  	[tilespmem:v38+s0+$0x0] =	vst.idx.msk $0xffff, v55;
	v56 =	vadd.s32 v13, v35;
	v55 =	vld [tilespmem:s30+$0x10]  }
0x37a: {  	v47 =	vadd.s32 v29, v35;
	v43 =	vmul.f32 $8.000000000e+00, v43;
	v38 =	vld [tilespmem:s30+$0x150];
	[tilespmem:v54+s0+$0x0] =	vst.idx.msk $0xffff, v57  }
0x37b: {  	v46 =	vadd.s32 v1, v35;
	v42 =	vld [tilespmem:s30+$0x50];
	v52 =	vmul.f32 $8.000000000e+00, v44  }
0x37c: {  	v59 =	vadd.s32 v21, v35;
	[tilespmem:v48+s0+$0x0] =	vst.idx.msk $0xffff, v43;
	v54 =	vmul.f32 $8.000000000e+00, v49;
	v49 =	vld [tilespmem:s13+$0x40];
	v34 =	vmul.f32 $8.000000000e+00, v53  }
0x37d: {  	v50 =	vadd.s32 v5, v35;
	v39 =	vmul.f32 $8.000000000e+00, v61;
	v33 =	vmul.f32 $8.000000000e+00, v63;
	v63 =	vld [tilespmem:s30+$0x190];
	[tilespmem:v60+s0+$0x0] =	vst.idx.msk $0xffff, v52  }
0x37e: {  	v41 =	vmul.f32 $8.000000000e+00, v55;
	[tilespmem:v56+s0+$0x0] =	vst.idx.msk $0xffff, v34;
	v52 =	vld [tilespmem:s13+$0x0];
	v60 =	vadd.s32 v17, v35  }
0x37f: {  	v38 =	vmul.f32 $8.000000000e+00, v38;
	v34 =	vadd.s32 $0x8, v35;
	[tilespmem:v47+s0+$0x0] =	vst.idx.msk $0xffff, v39;
	v47 =	vld [tilespmem:s13+$0xC0];
	v56 =	vadd.s32 v25, v35  }
0x380: {  	[tilespmem:v46+s0+$0x0] =	vst.idx.msk $0xffff, v41;
	v42 =	vmul.f32 $8.000000000e+00, v42;
	v36 =	vld [tilespmem:s30+$0xA0];
	v61 =	vadd.s32 v8, v34  }
0x381: {  	[tilespmem:v59+s0+$0x0] =	vst.idx.msk $0xffff, v38;
	v51 =	vld [tilespmem:s30+$0xE0];
	v62 =	vadd.s32 v20, v34  }
0x382: {  	v46 =	vld [tilespmem:s30+$0x20];
	[tilespmem:v50+s0+$0x0] =	vst.idx.msk $0xffff, v42;
	v50 =	vadd.s32 v28, v34;
	v37 =	vmul.f32 $8.000000000e+00, v63  }
0x383: {  	v53 =	vadd.s32 v10, v35;
	v42 =	vld [tilespmem:s30+$0x1E0];
	[tilespmem:v60+s0+$0x0] =	vst.idx.msk $0xffff, v33  }
0x384: {  	v58 =	vmul.f32 $8.000000000e+00, v58;
	v55 =	vadd.s32 v2, v35;
	v33 =	vld [tilespmem:s30+$0x160];
	[tilespmem:v56+s0+$0x0] =	vst.idx.msk $0xffff, v37  }
0x385: {  	v40 =	vmul.f32 $8.000000000e+00, v40;
	v59 =	vadd.s32 v14, v35;
	[tilespmem:v61+s0+$0x0] =	vst.idx.msk $0xffff, v54;
	v63 =	vld [tilespmem:s30+$0x120]  }
0x386: {  	v36 =	vmul.f32 $8.000000000e+00, v36;
	v61 =	vadd.s32 v22, v35;
	[tilespmem:v62+s0+$0x0] =	vst.idx.msk $0xffff, v58;
	v39 =	vld [tilespmem:s30+$0x1A0]  }
0x387: {  	v38 =	vadd.s32 v30, v35;
	v60 =	vmul.f32 $8.000000000e+00, v46;
	v46 =	vld [tilespmem:s13+$0x90];
	[tilespmem:v50+s0+$0x0] =	vst.idx.msk $0xffff, v40  }
0x388: {  	v57 =	vadd.s32 v12, v34;
	v62 =	vmul.f32 $8.000000000e+00, v51;
	v54 =	vld [tilespmem:s13+$0x150];
	[tilespmem:v53+s0+$0x0] =	vst.idx.msk $0xffff, v36  }
0x389: {  	v58 =	vadd.s32 v16, v34;
	[tilespmem:v55+s0+$0x0] =	vst.idx.msk $0xffff, v60;
	v53 =	vld [tilespmem:s30+$0x60];
	v33 =	vmul.f32 $8.000000000e+00, v33  }
0x38a: {  	v44 =	vadd.s32 v18, v35;
	[tilespmem:v59+s0+$0x0] =	vst.idx.msk $0xffff, v62;
	v59 =	vmul.f32 $8.000000000e+00, v42;
	v62 =	vmul.f32 $8.000000000e+00, v45;
	v45 =	vld [tilespmem:s13+$0x1D0]  }
0x38b: {  	v60 =	vmul.f32 $8.000000000e+00, v47;
	v43 =	vld [tilespmem:s30+$0xB0];
	[tilespmem:v61+s0+$0x0] =	vst.idx.msk $0xffff, v33;
	v61 =	vadd.s32 v26, v35  }
0x38c: {  	v55 =	vadd.s32 v0, v34;
	v42 =	vld [tilespmem:s30+$0xF0];
	[tilespmem:v38+s0+$0x0] =	vst.idx.msk $0xffff, v59  }
0x38d: {  	v51 =	vadd.s32 v6, v35;
	v38 =	vld [tilespmem:s30+$0x30];
	[tilespmem:v57+s0+$0x0] =	vst.idx.msk $0xffff, v60;
	v63 =	vmul.f32 $8.000000000e+00, v63  }
0x38e: {  	v56 =	vadd.s32 v15, v35;
	[tilespmem:v58+s0+$0x0] =	vst.idx.msk $0xffff, v62;
	v48 =	vmul.f32 $8.000000000e+00, v39;
	v57 =	vld [tilespmem:s30+$0x1F0]  }
0x38f: {  	v41 =	vmul.f32 $8.000000000e+00, v49;
	v50 =	vmul.f32 $8.000000000e+00, v52;
	v52 =	vadd.s32 v9, v34;
	v40 =	vld [tilespmem:s13+$0x110];
	[tilespmem:v44+s0+$0x0] =	vst.idx.msk $0xffff, v63  }
0x390: {  	v49 =	vadd.s32 v19, v35;
	v58 =	vadd.s32 v11, v35;
	v60 =	vmul.f32 $8.000000000e+00, v53;
	v59 =	vld [tilespmem:s30+$0x130];
	[tilespmem:v61+s0+$0x0] =	vst.idx.msk $0xffff, v48  }
0x391: {  	v36 =	vadd.s32 v27, v35;
	[tilespmem:v55+s0+$0x0] =	vst.idx.msk $0xffff, v50;
	v50 =	vadd.s32 v4, v34;
	v62 =	vmul.f32 $8.000000000e+00, v42;
	v47 =	vld [tilespmem:s30+$0x1B0]  }
0x392: {  	v39 =	vadd.s32 v23, v35;
	[tilespmem:v51+s0+$0x0] =	vst.idx.msk $0xffff, v60;
	v61 =	vmul.f32 $8.000000000e+00, v46;
	v46 =	vld [tilespmem:s13+$0xD0];
	v48 =	vadd.s32 v29, v34  }
0x393: {  	v33 =	vadd.s32 v27, v34;
	v37 =	vmul.f32 $8.000000000e+00, v54;
	v63 =	vmul.f32 $8.000000000e+00, v43;
	v44 =	vld [tilespmem:s30+$0x70];
	[tilespmem:v56+s0+$0x0] =	vst.idx.msk $0xffff, v62  }
0x394: {  	v53 =	vmul.f32 $8.000000000e+00, v45;
	v42 =	vadd.s32 v7, v35;
	v43 =	vld [tilespmem:s30+$0x170];
	[tilespmem:v52+s0+$0x0] =	vst.idx.msk $0xffff, v61;
	v52 =	vadd.s32 v31, v35  }
0x395: {  	s14 =	simm.s32 $0x8;
	s24 =	simm.s32 $0x10800;
	v45 =	vld [tilespmem:s13+$0x10];
	v51 =	vadd.s32 v3, v35;
	[tilespmem:v58+s0+$0x0] =	vst.idx.msk $0xffff, v63;
	v54 =	vmul.f32 $8.000000000e+00, v57;
	v55 =	vmul.f32 $8.000000000e+00, v59;
	v35 =	vmovc v34  }
.LBB2_23:
0x396: {  	s14 =	sadd.s32 $0x8, s14;
	[tilespmem:v50+s0+$0x0] =	vst.idx.msk $0xffff, v41;
	v41 =	vmul.f32 $8.000000000e+00, v32;
	v32 =	vld [tilespmem:s24+$0x180];
	v34 =	vadd.s32 $0x8, v34;
	v47 =	vmul.f32 $8.000000000e+00, v47  }
0x397: {  	v56 =	vadd.s32 v13, v35;
	v40 =	vmul.f32 $8.000000000e+00, v40;
	p1 =	slt.u32 s14, $0x78;
	v50 =	vld [tilespmem:s13+$0xA0];
	v46 =	vmul.f32 $8.000000000e+00, v46;
	[tilespmem:v48+s0+$0x0] =	vst.idx.msk $0xffff, v53  }
0x398: {  	v38 =	vmul.f32 $8.000000000e+00, v38;
	v48 =	vadd.s32 v8, v34;
	v53 =	vld [tilespmem:s24+$0x140];
	v44 =	vmul.f32 $8.000000000e+00, v44;
	[tilespmem:v49+s0+$0x0] =	vst.idx.msk $0xffff, v55  }
0x399: {  	v57 =	vadd.s32 v1, v35;
	v49 =	vadd.s32 v0, v34;
	v55 =	vld [tilespmem:s24+$0x100];
	v43 =	vmul.f32 $8.000000000e+00, v43;
	[tilespmem:v52+s0+$0x0] =	vst.idx.msk $0xffff, v54  }
0x39a: {  	v52 =	vadd.s32 v27, v34;
	v54 =	vld [tilespmem:s24+$0x1C0];
	[tilespmem:v51+s0+$0x0] =	vst.idx.msk $0xffff, v38  }
0x39b: {  	v38 =	vmul.f32 $8.000000000e+00, v45;
	v51 =	vadd.s32 v24, v35;
	v45 =	vld [tilespmem:s13+$0x50];
	[tilespmem:v36+s0+$0x0] =	vst.idx.msk $0xffff, v47;
	v36 =	vmovc v33;
	v33 =	vmov v52  }
0x39c: {  	v47 =	vld [tilespmem:s24+$0x80];
	[tilespmem:v56+s0+$0x0] =	vst.idx.msk $0xffff, v46;
	v46 =	vadd.s32 v21, v35  }
0x39d: {  	v52 =	vadd.s32 v5, v35;
	v50 =	vmul.f32 $8.000000000e+00, v50;
	v56 =	vld [tilespmem:s13+$0xE0];
	[tilespmem:v42+s0+$0x0] =	vst.idx.msk $0xffff, v44  }
0x39e: {  	v42 =	vld [tilespmem:s24+$0x0];
	[tilespmem:v57+s0+$0x0] =	vst.idx.msk $0xffff, v38;
	v38 =	vadd.s32 v17, v35  }
0x39f: {  	v44 =	vld [tilespmem:s13+$0x20];
	[tilespmem:v39+s0+$0x0] =	vst.idx.msk $0xffff, v43  }
0x3a0: {  	v39 =	vld [tilespmem:s24+$0xC0];
	v43 =	vmul.f32 $8.000000000e+00, v45;
	v45 =	vadd.s32 v10, v35;
	[tilespmem:v51+s0+$0x0] =	vst.idx.msk $0xffff, v41  }
0x3a1: {  	v41 =	vmul.f32 $8.000000000e+00, v47;
	v47 =	vadd.s32 v20, v34;
	[tilespmem:v46+s0+$0x0] =	vst.idx.msk $0xffff, v37;
	v37 =	vld [tilespmem:s13+$0x190]  }
0x3a2: {  	v51 =	vadd.s32 v2, v35;
	v46 =	vadd.s32 v28, v34;
	[tilespmem:v52+s0+$0x0] =	vst.idx.msk $0xffff, v43;
	v43 =	vld [tilespmem:s13+$0x1E0]  }
0x3a3: {  	[tilespmem:v38+s0+$0x0] =	vst.idx.msk $0xffff, v40;
	v38 =	vld [tilespmem:s13+$0x160];
	v40 =	vadd.s32 v25, v35  }
0x3a4: {  	v52 =	vld [tilespmem:s24+$0x40];
	[tilespmem:v48+s0+$0x0] =	vst.idx.msk $0xffff, v41;
	v41 =	vmul.f32 $8.000000000e+00, v53;
	v44 =	vmul.f32 $8.000000000e+00, v44;
	v48 =	vadd.s32 v14, v35  }
0x3a5: {  	v54 =	vmul.f32 $8.000000000e+00, v54;
	v53 =	vld [tilespmem:s24+$0x90];
	[tilespmem:v45+s0+$0x0] =	vst.idx.msk $0xffff, v50;
	v45 =	vadd.s32 v22, v35  }
0x3a6: {  	v39 =	vmul.f32 $8.000000000e+00, v39;
	v50 =	vadd.s32 v30, v35;
	[tilespmem:v47+s0+$0x0] =	vst.idx.msk $0xffff, v41;
	v47 =	vld [tilespmem:s13+$0xB0];
	v37 =	vmul.f32 $8.000000000e+00, v37  }
0x3a7: {  	v55 =	vmul.f32 $8.000000000e+00, v55;
	v41 =	vmul.f32 $8.000000000e+00, v56;
	[tilespmem:v51+s0+$0x0] =	vst.idx.msk $0xffff, v44;
	v44 =	vld [tilespmem:s13+$0x120]  }
0x3a8: {  	v51 =	vadd.s32 v12, v34;
	v56 =	vld [tilespmem:s13+$0x60];
	v38 =	vmul.f32 $8.000000000e+00, v38;
	[tilespmem:v40+s0+$0x0] =	vst.idx.msk $0xffff, v37  }
0x3a9: {  	v43 =	vmul.f32 $8.000000000e+00, v43;
	v37 =	vadd.s32 v16, v34;
	[tilespmem:v48+s0+$0x0] =	vst.idx.msk $0xffff, v41;
	v40 =	vld [tilespmem:s13+$0x1A0]  }
0x3aa: {  	v57 =	vadd.s32 v18, v35;
	v48 =	vld [tilespmem:s13+$0xF0];
	[tilespmem:v45+s0+$0x0] =	vst.idx.msk $0xffff, v38  }
0x3ab: {  	v41 =	vmul.f32 $8.000000000e+00, v52;
	v52 =	vadd.s32 v26, v35;
	v45 =	vld [tilespmem:s24+$0x150];
	[tilespmem:v50+s0+$0x0] =	vst.idx.msk $0xffff, v43  }
0x3ac: {  	[tilespmem:v46+s0+$0x0] =	vst.idx.msk $0xffff, v54;
	v38 =	vld [tilespmem:s13+$0x30]  }
0x3ad: {  	v44 =	vmul.f32 $8.000000000e+00, v44;
	[tilespmem:v51+s0+$0x0] =	vst.idx.msk $0xffff, v39;
	v43 =	vld [tilespmem:s24+$0x1D0];
	v39 =	vmul.f32 $8.000000000e+00, v56;
	v51 =	vadd.s32 v6, v35  }
0x3ae: {  	v53 =	vmul.f32 $8.000000000e+00, v53;
	v54 =	vadd.s32 v15, v35;
	[tilespmem:v37+s0+$0x0] =	vst.idx.msk $0xffff, v55;
	v37 =	vmul.f32 $8.000000000e+00, v40;
	v56 =	vld [tilespmem:s13+$0x1F0]  }
0x3af: {  	v42 =	vmul.f32 $8.000000000e+00, v42;
	v55 =	vadd.s32 v9, v34;
	v40 =	vld [tilespmem:s24+$0x110];
	[tilespmem:v57+s0+$0x0] =	vst.idx.msk $0xffff, v44  }
0x3b0: {  	v58 =	vadd.s32 v11, v35;
	v57 =	vmul.f32 $8.000000000e+00, v47;
	v59 =	vld [tilespmem:s13+$0x130];
	[tilespmem:v52+s0+$0x0] =	vst.idx.msk $0xffff, v37  }
.Ltmp10:
0x3b1: {  	v50 =	vadd.s32 v4, v34;
	v37 =	vmul.f32 $8.000000000e+00, v45;
	[tilespmem:v49+s0+$0x0] =	vst.idx.msk $0xffff, v42;
	v42 =	vmul.f32 $8.000000000e+00, v48;
	v47 =	vld [tilespmem:s13+$0x1B0];
	(pc) =	sbr.rel @p1 .LBB2_23-.Ltmp10, $4  }
0x3b2: {  	v48 =	vadd.s32 v29, v34;
	v46 =	vld [tilespmem:s24+$0xD0];
	[tilespmem:v51+s0+$0x0] =	vst.idx.msk $0xffff, v39  }
0x3b3: {  	v49 =	vadd.s32 v19, v35;
	v39 =	vadd.s32 v23, v35;
	v44 =	vld [tilespmem:s13+$0x70];
	[tilespmem:v54+s0+$0x0] =	vst.idx.msk $0xffff, v42  }
0x3b4: {  	v52 =	vadd.s32 v31, v35;
	v42 =	vadd.s32 v7, v35;
	[tilespmem:v55+s0+$0x0] =	vst.idx.msk $0xffff, v53;
	v53 =	vmul.f32 $8.000000000e+00, v43;
	v43 =	vld [tilespmem:s13+$0x170];
	s13 =	smov.u32 s24  }
0x3b5: {  	v51 =	vadd.s32 v3, v35;
	v54 =	vmul.f32 $8.000000000e+00, v56;
	v35 =	vmovc v34;
	s24 =	sadd.s32 $0x200, s24;
	v45 =	vld [tilespmem:s13+$0x10];
	[tilespmem:v58+s0+$0x0] =	vst.idx.msk $0xffff, v57;
	v55 =	vmul.f32 $8.000000000e+00, v59  }
0x3b6: {  	_ =	sdelay $0x3  }
0x3b7: {  	v34 =	vadd.s32 v24, v35;
	[tilespmem:v50+s0+$0x0] =	vst.idx.msk $0xffff, v41  }
0x3b8: {  	[tilespmem:v48+s0+$0x0] =	vst.idx.msk $0xffff, v53  }
0x3b9: {  	v57 =	vadd.s32 v13, v35;
	v38 =	vmul.f32 $8.000000000e+00, v38;
	[tilespmem:v49+s0+$0x0] =	vst.idx.msk $0xffff, v55  }
0x3ba: {  	v32 =	vmul.f32 $8.000000000e+00, v32;
	v58 =	vadd.s32 v17, v35;
	[tilespmem:v52+s0+$0x0] =	vst.idx.msk $0xffff, v54  }
0x3bb: {  	v62 =	vld [tilespmem:s13+$0x50];
	[tilespmem:v51+s0+$0x0] =	vst.idx.msk $0xffff, v38;
	v44 =	vmul.f32 $8.000000000e+00, v44  }
0x3bc: {  	v60 =	vadd.s32 v1, v35;
	v59 =	vmul.f32 $8.000000000e+00, v46;
	[tilespmem:v34+s0+$0x0] =	vst.idx.msk $0xffff, v32  }
0x3bd: {  	v63 =	vmul.f32 $8.000000000e+00, v40;
	v51 =	vadd.s32 v5, v35;
	[tilespmem:v42+s0+$0x0] =	vst.idx.msk $0xffff, v44;
	v61 =	vld [tilespmem:s13+$0x190]  }
0x3be: {  	v53 =	vld [tilespmem:s13+$0xA0];
	v54 =	vadd.s32 v21, v35;
	v43 =	vmul.f32 $8.000000000e+00, v43;
	[tilespmem:v57+s0+$0x0] =	vst.idx.msk $0xffff, v59  }
0x3bf: {  	v49 =	vadd.s32 v25, v35;
	v50 =	vmul.f32 $8.000000000e+00, v45;
	[tilespmem:v58+s0+$0x0] =	vst.idx.msk $0xffff, v63;
	v52 =	vld [tilespmem:s13+$0xE0]  }
0x3c0: {  	[tilespmem:v39+s0+$0x0] =	vst.idx.msk $0xffff, v43;
	v59 =	vadd.s32 v10, v35;
	v57 =	vld [tilespmem:s13+$0x120];
	v58 =	vmul.f32 $8.000000000e+00, v62  }
0x3c1: {  	v55 =	vadd.s32 v14, v35;
	[tilespmem:v60+s0+$0x0] =	vst.idx.msk $0xffff, v50;
	v60 =	vld [tilespmem:s13+$0x1E0]  }
0x3c2: {  	v62 =	vadd.s32 v18, v35;
	[tilespmem:v51+s0+$0x0] =	vst.idx.msk $0xffff, v58;
	v56 =	vmul.f32 $8.000000000e+00, v61;
	v61 =	vld [tilespmem:s13+$0x20]  }
0x3c3: {  	v63 =	vadd.s32 v30, v35;
	v42 =	vmul.f32 $8.000000000e+00, v53;
	[tilespmem:v54+s0+$0x0] =	vst.idx.msk $0xffff, v37;
	v51 =	vld [tilespmem:s13+$0x60]  }
0x3c4: {  	v50 =	vadd.s32 v2, v35;
	v48 =	vmul.f32 $8.000000000e+00, v52;
	v52 =	vld [tilespmem:s13+$0x160];
	[tilespmem:v49+s0+$0x0] =	vst.idx.msk $0xffff, v56  }
0x3c5: {  	[tilespmem:v59+s0+$0x0] =	vst.idx.msk $0xffff, v42;
	v38 =	vmul.f32 $8.000000000e+00, v57;
	v56 =	vadd.s32 v6, v35;
	v49 =	vld [tilespmem:s13+$0x1A0]  }
0x3c6: {  	v58 =	vadd.s32 v22, v35;
	v54 =	vmul.f32 $8.000000000e+00, v60;
	v59 =	vld [tilespmem:s13+$0xB0];
	[tilespmem:v55+s0+$0x0] =	vst.idx.msk $0xffff, v48  }
0x3c7: {  	v53 =	vadd.s32 v26, v35;
	[tilespmem:v62+s0+$0x0] =	vst.idx.msk $0xffff, v38;
	v55 =	vld [tilespmem:s13+$0xF0];
	v57 =	vmul.f32 $8.000000000e+00, v61  }
0x3c8: {  	[tilespmem:v63+s0+$0x0] =	vst.idx.msk $0xffff, v54;
	v62 =	vmul.f32 $8.000000000e+00, v51  }
0x3c9: {  	v63 =	vadd.s32 v11, v35;
	v38 =	vld [tilespmem:s13+$0x130];
	v48 =	vmul.f32 $8.000000000e+00, v52;
	[tilespmem:v50+s0+$0x0] =	vst.idx.msk $0xffff, v57  }
0x3ca: {  	v60 =	vadd.s32 v15, v35;
	v39 =	vld [tilespmem:s13+$0x1F0];
	[tilespmem:v56+s0+$0x0] =	vst.idx.msk $0xffff, v62;
	v61 =	vmul.f32 $8.000000000e+00, v49  }
0x3cb: {  	v47 =	vmul.f32 $8.000000000e+00, v47;
	v50 =	vadd.s32 v19, v35;
	[tilespmem:v58+s0+$0x0] =	vst.idx.msk $0xffff, v48;
	v49 =	vld [tilespmem:s13+$0x30]  }
0x3cc: {  	v54 =	vmul.f32 $8.000000000e+00, v59;
	v51 =	vmul.f32 $8.000000000e+00, v55;
	v55 =	vld [tilespmem:s13+$0x70];
	[tilespmem:v53+s0+$0x0] =	vst.idx.msk $0xffff, v61;
	v53 =	vadd.s32 v31, v35  }
0x3cd: {  	[tilespmem:v36+s0+$0x0] =	vst.idx.msk $0xffff, v47;
	v56 =	vadd.s32 v3, v35;
	v57 =	vld [tilespmem:s13+$0x170]  }
0x3ce: {  	v59 =	vadd.s32 v7, v35;
	[tilespmem:v63+s0+$0x0] =	vst.idx.msk $0xffff, v54;
	v58 =	vmul.f32 $8.000000000e+00, v38;
	v52 =	vld [tilespmem:s13+$0x1B0]  }
0x3cf: {  	v39 =	vmul.f32 $8.000000000e+00, v39;
	[tilespmem:v60+s0+$0x0] =	vst.idx.msk $0xffff, v51;
	v60 =	vadd.s32 v23, v35  }
0x3d0: {  	[tilespmem:v50+s0+$0x0] =	vst.idx.msk $0xffff, v58;
	v61 =	vmul.f32 $8.000000000e+00, v49  }
0x3d1: {  	v63 =	vmul.f32 $8.000000000e+00, v55;
	[tilespmem:v53+s0+$0x0] =	vst.idx.msk $0xffff, v39  }
0x3d2: {  	v32 =	vmul.f32 $8.000000000e+00, v57;
	[tilespmem:v56+s0+$0x0] =	vst.idx.msk $0xffff, v61  }
0x3d3: {  	[tilespmem:v59+s0+$0x0] =	vst.idx.msk $0xffff, v63;
	v62 =	vmul.f32 $8.000000000e+00, v52  }
0x3d4: {  	[tilespmem:v60+s0+$0x0] =	vst.idx.msk $0xffff, v32  }
0x3d5: {  	s2 =	sadd.s32 s28, s11;
	s7 =	simm.s32 $0x18600;
	[tilespmem:v33+s0+$0x0] =	vst.idx.msk $0xffff, v62  }
0x3d6: {  	[hbm4b:s2+s3] =	stream.linear.scatter [tilespmem:s7], [sflag:$0xA], $0x80, $0x38;
	[tilespmem:$0x1A800] =	vst v63  }
0x3d7: {  	s14 =	sadd.s32 $0x10, s2;
	s13 =	simm.s32 $0x18688  }
0x3d8: {  	[hbm4b:s14+s3] =	stream.linear.scatter [tilespmem:s13], [sflag:$0xA], $0x80, $0x38;
	[tilespmem:$0x1A800] =	vst v63  }
0x3d9: {  	s15 =	simm.s32 $0x18710;
	s24 =	sadd.s32 $0x20, s2  }
0x3da: {  	[hbm4b:s24+s3] =	stream.linear.scatter [tilespmem:s15], [sflag:$0xA], $0x80, $0x38;
	[tilespmem:$0x1A800] =	vst v63  }
0x3db: {  	s13 =	simm.s32 $0x18798;
	s14 =	sadd.s32 $0x30, s2  }
0x3dc: {  	[hbm4b:s14+s3] =	stream.linear.scatter [tilespmem:s13], [sflag:$0xA], $0x80, $0x38;
	[tilespmem:$0x1A800] =	vst v63  }
0x3dd: {  	s15 =	simm.s32 $0x18820;
	s24 =	sadd.s32 $0x40, s2  }
0x3de: {  	[hbm4b:s24+s3] =	stream.linear.scatter [tilespmem:s15], [sflag:$0xA], $0x80, $0x38;
	[tilespmem:$0x1A800] =	vst v63  }
0x3df: {  	s30 =	simm.s32 $0x189B8;
	s13 =	simm.s32 $0x188A8;
	s14 =	sadd.s32 $0x50, s2  }
0x3e0: {  	[hbm4b:s14+s3] =	stream.linear.scatter [tilespmem:s13], [sflag:$0xA], $0x80, $0x38;
	[tilespmem:$0x1A800] =	vst v63  }
0x3e1: {  	s15 =	simm.s32 $0x18930;
	s24 =	sadd.s32 $0x60, s2;
	s13 =	simm.s32 $0x440  }
0x3e2: {  	[hbm4b:s24+s3] =	stream.linear.scatter [tilespmem:s15], [sflag:$0xA], $0x80, $0x38;
	[tilespmem:$0x1A800] =	vst v63  }
0x3e3: {  	s14 =	sadd.s32 $0x1000, s2;
	s24 =	simm.s32 $0x2200;
	s15 =	sadd.s32 $0x70, s2  }
.LBB2_25:
0x3e4: {  	[hbm4b:s15+s3] =	stream.linear.scatter [tilespmem:s30], [sflag:$0xA], $0x80, $0x38;
	[tilespmem:$0x1A800] =	vst v63  }
0x3e5: {  	s2 =	smov.u32 s13;
	s7 =	smov.u32 s24  }
0x3e6: {  	s13 =	sshra.s32 s7, $0x2;
	s7 =	sadd.s32 $0x1100, s24;
	s15 =	sadd.s32 $0x18600, s2  }
0x3e7: {  	[hbm4b:s14+s3] =	stream.linear.scatter [tilespmem:s15], [sflag:$0xA], $0x80, $0x38;
	[tilespmem:$0x1A800] =	vst v63  }
0x3e8: {  	p1 =	sne.s32 s24, $0x7700;
	s24 =	sadd.s32 $0x10, s14;
	s15 =	sadd.s32 $0x18688, s2  }
0x3e9: {  	[hbm4b:s24+s3] =	stream.linear.scatter [tilespmem:s15], [sflag:$0xA], $0x80, $0x38;
	[tilespmem:$0x1A800] =	vst v63  }
0x3ea: {  	s15 =	sadd.s32 $0x18710, s2;
	s24 =	sadd.s32 $0x20, s14  }
0x3eb: {  	[hbm4b:s24+s3] =	stream.linear.scatter [tilespmem:s15], [sflag:$0xA], $0x80, $0x38;
	[tilespmem:$0x1A800] =	vst v63  }
0x3ec: {  	s15 =	sadd.s32 $0x18798, s2;
	s24 =	sadd.s32 $0x30, s14  }
0x3ed: {  	[hbm4b:s24+s3] =	stream.linear.scatter [tilespmem:s15], [sflag:$0xA], $0x80, $0x38;
	[tilespmem:$0x1A800] =	vst v63  }
0x3ee: {  	s15 =	sadd.s32 $0x18820, s2;
	s24 =	sadd.s32 $0x40, s14  }
0x3ef: {  	[hbm4b:s24+s3] =	stream.linear.scatter [tilespmem:s15], [sflag:$0xA], $0x80, $0x38;
	[tilespmem:$0x1A800] =	vst v63  }
.Ltmp11:
0x3f0: {  	s15 =	sadd.s32 $0x188A8, s2;
	s24 =	sadd.s32 $0x50, s14;
	(pc) =	sbr.rel @p1 .LBB2_25-.Ltmp11, $4  }
0x3f1: {  	[hbm4b:s24+s3] =	stream.linear.scatter [tilespmem:s15], [sflag:$0xA], $0x80, $0x38;
	[tilespmem:$0x1A800] =	vst v63  }
0x3f2: {  	s30 =	sadd.s32 $0x189B8, s2;
	s15 =	sadd.s32 $0x18930, s2;
	s24 =	sadd.s32 $0x60, s14  }
0x3f3: {  	[hbm4b:s24+s3] =	stream.linear.scatter [tilespmem:s15], [sflag:$0xA], $0x80, $0x38;
	[tilespmem:$0x1A800] =	vst v63  }
0x3f4: {  	s15 =	sadd.s32 $0x70, s14;
	s14 =	sadd.s32 $0x1000, s14;
	s24 =	smov.u32 s7  }
0x3f5: {  	[hbm4b:s15+s3] =	stream.linear.scatter [tilespmem:s30], [sflag:$0xA], $0x80, $0x38;
	[tilespmem:$0x1A800] =	vst v63  }
0x3f6: {  	s2 =	sadd.s32 $0x18600, s13  }
0x3f7: {  	[hbm4b:s14+s3] =	stream.linear.scatter [tilespmem:s2], [sflag:$0xA], $0x80, $0x38;
	[tilespmem:$0x1A800] =	vst v63  }
0x3f8: {  	s15 =	sadd.s32 $0x18688, s13;
	s7 =	sadd.s32 $0x10, s14  }
0x3f9: {  	[hbm4b:s7+s3] =	stream.linear.scatter [tilespmem:s15], [sflag:$0xA], $0x80, $0x38;
	[tilespmem:$0x1A800] =	vst v63  }
0x3fa: {  	s24 =	sadd.s32 $0x18710, s13;
	s30 =	sadd.s32 $0x20, s14  }
0x3fb: {  	[hbm4b:s30+s3] =	stream.linear.scatter [tilespmem:s24], [sflag:$0xA], $0x80, $0x38;
	[tilespmem:$0x1A800] =	vst v63  }
0x3fc: {  	s7 =	sadd.s32 $0x18798, s13;
	s15 =	sadd.s32 $0x30, s14  }
0x3fd: {  	[hbm4b:s15+s3] =	stream.linear.scatter [tilespmem:s7], [sflag:$0xA], $0x80, $0x38;
	[tilespmem:$0x1A800] =	vst v63  }
0x3fe: {  	s24 =	sadd.s32 $0x18820, s13;
	s30 =	sadd.s32 $0x40, s14  }
0x3ff: {  	[hbm4b:s30+s3] =	stream.linear.scatter [tilespmem:s24], [sflag:$0xA], $0x80, $0x38;
	[tilespmem:$0x1A800] =	vst v63  }
0x400: {  	s7 =	sadd.s32 $0x188A8, s13;
	s15 =	sadd.s32 $0x50, s14  }
0x401: {  	[hbm4b:s15+s3] =	stream.linear.scatter [tilespmem:s7], [sflag:$0xA], $0x80, $0x38;
	[tilespmem:$0x1A800] =	vst v63  }
0x402: {  	s24 =	sadd.s32 $0x18930, s13;
	s30 =	sadd.s32 $0x60, s14  }
0x403: {  	[hbm4b:s30+s3] =	stream.linear.scatter [tilespmem:s24], [sflag:$0xA], $0x80, $0x38;
	[tilespmem:$0x1A800] =	vst v63  }
0x404: {  	s15 =	sadd.s32 $0x189B8, s13;
	s24 =	sadd.s32 $0x70, s14  }
0x405: {  	[hbm4b:s24+s3] =	stream.linear.scatter [tilespmem:s15], [sflag:$0xA], $0x80, $0x38;
	[tilespmem:$0x1A800] =	vst v63  }
0x406: {  	_ =	swait.ge [sflag:s22], $0x2000  }
0x407: {  	s2 =	sadd.s32 @!p0 $0x680, s5;
	[sflag:s22] =	ssyncset.done $0x0  }
0x408: {  	s7 =	simm.s32 @!p0 $0x80;
	s13 =	simm.s32 @!p0 $0x10400;
	[sflag:s22] =	ssyncadd.s32 $0xFFFFE000  }
0x409: {  	[tilespmem:s13], [sflag:$0x6] =	stream.indirect.gather @!p0 [hbm4b:s4+s7], $0x40, s2, s7, $0xb8;
	[tilespmem:$0x1A800] =	vst v63  }
0x40a: {  	_ =	swait.ge [sflag:s17], $0x2000  }
0x40b: {  	[sflag:s17] =	ssyncset.done $0x0  }
0x40c: {  	s30 =	simm.s32 $0x12400;
	[sflag:s17] =	ssyncadd.s32 $0xFFFFE000  }
0x40d: {  	v32 =	vld [tilespmem:s30+$0x80]  }
0x40e: {  	v34 =	vld [tilespmem:s30+$0x140]  }
0x40f: {  	v36 =	vld [tilespmem:s30+$0x1C0]  }
0x410: {  	v35 =	vimm.s32 $0x0;
	v37 =	vld [tilespmem:s30+$0x100]  }
0x411: {  	v33 =	vadd.s32 v8, v35;
	v41 =	vld [tilespmem:s30+$0x0]  }
0x412: {  	v42 =	vadd.s32 v16, v35;
	v39 =	vld [tilespmem:s30+$0xC0]  }
0x413: {  	v57 =	vadd.s32 v0, v35;
	v45 =	vld [tilespmem:s30+$0x40]  }
0x414: {  	v40 =	vadd.s32 v28, v35;
	s13 =	simm.s32 $0x12600;
	v43 =	vld [tilespmem:s30+$0x180];
	v32 =	vmul.f32 $8.000000000e+00, v32  }
0x415: {  	v49 =	vld [tilespmem:s13+$0x80];
	v58 =	vmul.f32 $8.000000000e+00, v37  }
0x416: {  	v56 =	vadd.s32 v12, v35;
	v62 =	vmul.f32 $8.000000000e+00, v41;
	[tilespmem:v33+s31+$0x0] =	vst.idx.msk $0xffff, v32;
	v32 =	vld [tilespmem:s13+$0x180]  }
0x417: {  	v36 =	vmul.f32 $8.000000000e+00, v36;
	[tilespmem:v42+s31+$0x0] =	vst.idx.msk $0xffff, v58;
	v58 =	vld [tilespmem:s13+$0x140]  }
0x418: {  	[tilespmem:v57+s31+$0x0] =	vst.idx.msk $0xffff, v62;
	v57 =	vmul.f32 $8.000000000e+00, v45;
	v45 =	vld [tilespmem:s13+$0x100]  }
0x419: {  	v38 =	vadd.s32 v20, v35;
	v59 =	vmul.f32 $8.000000000e+00, v39;
	[tilespmem:v40+s31+$0x0] =	vst.idx.msk $0xffff, v36;
	v40 =	vld [tilespmem:s13+$0x1C0]  }
0x41a: {  	v54 =	vadd.s32 v4, v35;
	v44 =	vld [tilespmem:s30+$0x90]  }
0x41b: {  	[tilespmem:v56+s31+$0x0] =	vst.idx.msk $0xffff, v59;
	v61 =	vld [tilespmem:s30+$0x1D0]  }
0x41c: {  	v48 =	vadd.s32 v24, v35;
	v55 =	vmul.f32 $8.000000000e+00, v34;
	v53 =	vld [tilespmem:s30+$0xD0]  }
0x41d: {  	v60 =	vadd.s32 v9, v35;
	v63 =	vld [tilespmem:s30+$0x110]  }
0x41e: {  	[tilespmem:v38+s31+$0x0] =	vst.idx.msk $0xffff, v55;
	v56 =	vadd.s32 v13, v35;
	v55 =	vld [tilespmem:s30+$0x10]  }
0x41f: {  	v47 =	vadd.s32 v29, v35;
	v43 =	vmul.f32 $8.000000000e+00, v43;
	v38 =	vld [tilespmem:s30+$0x150];
	[tilespmem:v54+s31+$0x0] =	vst.idx.msk $0xffff, v57  }
0x420: {  	v46 =	vadd.s32 v1, v35;
	v42 =	vld [tilespmem:s30+$0x50];
	v52 =	vmul.f32 $8.000000000e+00, v44  }
0x421: {  	v59 =	vadd.s32 v21, v35;
	[tilespmem:v48+s31+$0x0] =	vst.idx.msk $0xffff, v43;
	v54 =	vmul.f32 $8.000000000e+00, v49;
	v49 =	vld [tilespmem:s13+$0x40];
	v34 =	vmul.f32 $8.000000000e+00, v53  }
0x422: {  	v50 =	vadd.s32 v5, v35;
	v39 =	vmul.f32 $8.000000000e+00, v61;
	v33 =	vmul.f32 $8.000000000e+00, v63;
	v63 =	vld [tilespmem:s30+$0x190];
	[tilespmem:v60+s31+$0x0] =	vst.idx.msk $0xffff, v52  }
0x423: {  	v41 =	vmul.f32 $8.000000000e+00, v55;
	[tilespmem:v56+s31+$0x0] =	vst.idx.msk $0xffff, v34;
	v52 =	vld [tilespmem:s13+$0x0];
	v60 =	vadd.s32 v17, v35  }
0x424: {  	v38 =	vmul.f32 $8.000000000e+00, v38;
	v34 =	vadd.s32 $0x8, v35;
	[tilespmem:v47+s31+$0x0] =	vst.idx.msk $0xffff, v39;
	v47 =	vld [tilespmem:s13+$0xC0];
	v56 =	vadd.s32 v25, v35  }
0x425: {  	[tilespmem:v46+s31+$0x0] =	vst.idx.msk $0xffff, v41;
	v42 =	vmul.f32 $8.000000000e+00, v42;
	v36 =	vld [tilespmem:s30+$0xA0];
	v61 =	vadd.s32 v8, v34  }
0x426: {  	[tilespmem:v59+s31+$0x0] =	vst.idx.msk $0xffff, v38;
	v51 =	vld [tilespmem:s30+$0xE0];
	v62 =	vadd.s32 v20, v34  }
0x427: {  	v46 =	vld [tilespmem:s30+$0x20];
	[tilespmem:v50+s31+$0x0] =	vst.idx.msk $0xffff, v42;
	v50 =	vadd.s32 v28, v34;
	v37 =	vmul.f32 $8.000000000e+00, v63  }
0x428: {  	v53 =	vadd.s32 v10, v35;
	v42 =	vld [tilespmem:s30+$0x1E0];
	[tilespmem:v60+s31+$0x0] =	vst.idx.msk $0xffff, v33  }
0x429: {  	v58 =	vmul.f32 $8.000000000e+00, v58;
	v55 =	vadd.s32 v2, v35;
	v33 =	vld [tilespmem:s30+$0x160];
	[tilespmem:v56+s31+$0x0] =	vst.idx.msk $0xffff, v37  }
0x42a: {  	v40 =	vmul.f32 $8.000000000e+00, v40;
	v59 =	vadd.s32 v14, v35;
	[tilespmem:v61+s31+$0x0] =	vst.idx.msk $0xffff, v54;
	v63 =	vld [tilespmem:s30+$0x120]  }
0x42b: {  	v36 =	vmul.f32 $8.000000000e+00, v36;
	v61 =	vadd.s32 v22, v35;
	[tilespmem:v62+s31+$0x0] =	vst.idx.msk $0xffff, v58;
	v39 =	vld [tilespmem:s30+$0x1A0]  }
0x42c: {  	v38 =	vadd.s32 v30, v35;
	v60 =	vmul.f32 $8.000000000e+00, v46;
	v46 =	vld [tilespmem:s13+$0x90];
	[tilespmem:v50+s31+$0x0] =	vst.idx.msk $0xffff, v40  }
0x42d: {  	v57 =	vadd.s32 v12, v34;
	v62 =	vmul.f32 $8.000000000e+00, v51;
	v54 =	vld [tilespmem:s13+$0x150];
	[tilespmem:v53+s31+$0x0] =	vst.idx.msk $0xffff, v36  }
0x42e: {  	v58 =	vadd.s32 v16, v34;
	[tilespmem:v55+s31+$0x0] =	vst.idx.msk $0xffff, v60;
	v53 =	vld [tilespmem:s30+$0x60];
	v33 =	vmul.f32 $8.000000000e+00, v33  }
0x42f: {  	v44 =	vadd.s32 v18, v35;
	[tilespmem:v59+s31+$0x0] =	vst.idx.msk $0xffff, v62;
	v59 =	vmul.f32 $8.000000000e+00, v42;
	v62 =	vmul.f32 $8.000000000e+00, v45;
	v45 =	vld [tilespmem:s13+$0x1D0]  }
0x430: {  	v60 =	vmul.f32 $8.000000000e+00, v47;
	v43 =	vld [tilespmem:s30+$0xB0];
	[tilespmem:v61+s31+$0x0] =	vst.idx.msk $0xffff, v33;
	v61 =	vadd.s32 v26, v35  }
0x431: {  	v55 =	vadd.s32 v0, v34;
	v42 =	vld [tilespmem:s30+$0xF0];
	[tilespmem:v38+s31+$0x0] =	vst.idx.msk $0xffff, v59  }
0x432: {  	v51 =	vadd.s32 v6, v35;
	v38 =	vld [tilespmem:s30+$0x30];
	[tilespmem:v57+s31+$0x0] =	vst.idx.msk $0xffff, v60;
	v63 =	vmul.f32 $8.000000000e+00, v63  }
0x433: {  	v56 =	vadd.s32 v15, v35;
	[tilespmem:v58+s31+$0x0] =	vst.idx.msk $0xffff, v62;
	v48 =	vmul.f32 $8.000000000e+00, v39;
	v57 =	vld [tilespmem:s30+$0x1F0]  }
0x434: {  	v41 =	vmul.f32 $8.000000000e+00, v49;
	v50 =	vmul.f32 $8.000000000e+00, v52;
	v52 =	vadd.s32 v9, v34;
	v40 =	vld [tilespmem:s13+$0x110];
	[tilespmem:v44+s31+$0x0] =	vst.idx.msk $0xffff, v63  }
0x435: {  	v49 =	vadd.s32 v19, v35;
	v58 =	vadd.s32 v11, v35;
	v60 =	vmul.f32 $8.000000000e+00, v53;
	v59 =	vld [tilespmem:s30+$0x130];
	[tilespmem:v61+s31+$0x0] =	vst.idx.msk $0xffff, v48  }
0x436: {  	v36 =	vadd.s32 v27, v35;
	[tilespmem:v55+s31+$0x0] =	vst.idx.msk $0xffff, v50;
	v50 =	vadd.s32 v4, v34;
	v62 =	vmul.f32 $8.000000000e+00, v42;
	v47 =	vld [tilespmem:s30+$0x1B0]  }
0x437: {  	v39 =	vadd.s32 v23, v35;
	[tilespmem:v51+s31+$0x0] =	vst.idx.msk $0xffff, v60;
	v61 =	vmul.f32 $8.000000000e+00, v46;
	v46 =	vld [tilespmem:s13+$0xD0];
	v48 =	vadd.s32 v29, v34  }
0x438: {  	v33 =	vadd.s32 v27, v34;
	v37 =	vmul.f32 $8.000000000e+00, v54;
	v63 =	vmul.f32 $8.000000000e+00, v43;
	v44 =	vld [tilespmem:s30+$0x70];
	[tilespmem:v56+s31+$0x0] =	vst.idx.msk $0xffff, v62  }
0x439: {  	v53 =	vmul.f32 $8.000000000e+00, v45;
	v42 =	vadd.s32 v7, v35;
	v43 =	vld [tilespmem:s30+$0x170];
	[tilespmem:v52+s31+$0x0] =	vst.idx.msk $0xffff, v61;
	v52 =	vadd.s32 v31, v35  }
0x43a: {  	s14 =	simm.s32 $0x8;
	s24 =	simm.s32 $0x12800;
	v45 =	vld [tilespmem:s13+$0x10];
	v51 =	vadd.s32 v3, v35;
	[tilespmem:v58+s31+$0x0] =	vst.idx.msk $0xffff, v63;
	v54 =	vmul.f32 $8.000000000e+00, v57;
	v55 =	vmul.f32 $8.000000000e+00, v59;
	v35 =	vmovc v34  }
.LBB2_27:
0x43b: {  	s14 =	sadd.s32 $0x8, s14;
	[tilespmem:v50+s31+$0x0] =	vst.idx.msk $0xffff, v41;
	v41 =	vmul.f32 $8.000000000e+00, v32;
	v32 =	vld [tilespmem:s24+$0x180];
	v34 =	vadd.s32 $0x8, v34;
	v47 =	vmul.f32 $8.000000000e+00, v47  }
0x43c: {  	v56 =	vadd.s32 v13, v35;
	v40 =	vmul.f32 $8.000000000e+00, v40;
	p1 =	slt.u32 s14, $0x78;
	v50 =	vld [tilespmem:s13+$0xA0];
	v46 =	vmul.f32 $8.000000000e+00, v46;
	[tilespmem:v48+s31+$0x0] =	vst.idx.msk $0xffff, v53  }
0x43d: {  	v38 =	vmul.f32 $8.000000000e+00, v38;
	v48 =	vadd.s32 v8, v34;
	v53 =	vld [tilespmem:s24+$0x140];
	v44 =	vmul.f32 $8.000000000e+00, v44;
	[tilespmem:v49+s31+$0x0] =	vst.idx.msk $0xffff, v55  }
0x43e: {  	v57 =	vadd.s32 v1, v35;
	v49 =	vadd.s32 v0, v34;
	v55 =	vld [tilespmem:s24+$0x100];
	v43 =	vmul.f32 $8.000000000e+00, v43;
	[tilespmem:v52+s31+$0x0] =	vst.idx.msk $0xffff, v54  }
0x43f: {  	v52 =	vadd.s32 v27, v34;
	v54 =	vld [tilespmem:s24+$0x1C0];
	[tilespmem:v51+s31+$0x0] =	vst.idx.msk $0xffff, v38  }
0x440: {  	v38 =	vmul.f32 $8.000000000e+00, v45;
	v51 =	vadd.s32 v24, v35;
	v45 =	vld [tilespmem:s13+$0x50];
	[tilespmem:v36+s31+$0x0] =	vst.idx.msk $0xffff, v47;
	v36 =	vmovc v33;
	v33 =	vmov v52  }
0x441: {  	v47 =	vld [tilespmem:s24+$0x80];
	[tilespmem:v56+s31+$0x0] =	vst.idx.msk $0xffff, v46;
	v46 =	vadd.s32 v21, v35  }
0x442: {  	v52 =	vadd.s32 v5, v35;
	v50 =	vmul.f32 $8.000000000e+00, v50;
	v56 =	vld [tilespmem:s13+$0xE0];
	[tilespmem:v42+s31+$0x0] =	vst.idx.msk $0xffff, v44  }
0x443: {  	v42 =	vld [tilespmem:s24+$0x0];
	[tilespmem:v57+s31+$0x0] =	vst.idx.msk $0xffff, v38;
	v38 =	vadd.s32 v17, v35  }
0x444: {  	v44 =	vld [tilespmem:s13+$0x20];
	[tilespmem:v39+s31+$0x0] =	vst.idx.msk $0xffff, v43  }
0x445: {  	v39 =	vld [tilespmem:s24+$0xC0];
	v43 =	vmul.f32 $8.000000000e+00, v45;
	v45 =	vadd.s32 v10, v35;
	[tilespmem:v51+s31+$0x0] =	vst.idx.msk $0xffff, v41  }
0x446: {  	v41 =	vmul.f32 $8.000000000e+00, v47;
	v47 =	vadd.s32 v20, v34;
	[tilespmem:v46+s31+$0x0] =	vst.idx.msk $0xffff, v37;
	v37 =	vld [tilespmem:s13+$0x190]  }
0x447: {  	v51 =	vadd.s32 v2, v35;
	v46 =	vadd.s32 v28, v34;
	[tilespmem:v52+s31+$0x0] =	vst.idx.msk $0xffff, v43;
	v43 =	vld [tilespmem:s13+$0x1E0]  }
0x448: {  	[tilespmem:v38+s31+$0x0] =	vst.idx.msk $0xffff, v40;
	v38 =	vld [tilespmem:s13+$0x160];
	v40 =	vadd.s32 v25, v35  }
0x449: {  	v52 =	vld [tilespmem:s24+$0x40];
	[tilespmem:v48+s31+$0x0] =	vst.idx.msk $0xffff, v41;
	v41 =	vmul.f32 $8.000000000e+00, v53;
	v44 =	vmul.f32 $8.000000000e+00, v44;
	v48 =	vadd.s32 v14, v35  }
0x44a: {  	v54 =	vmul.f32 $8.000000000e+00, v54;
	v53 =	vld [tilespmem:s24+$0x90];
	[tilespmem:v45+s31+$0x0] =	vst.idx.msk $0xffff, v50;
	v45 =	vadd.s32 v22, v35  }
0x44b: {  	v39 =	vmul.f32 $8.000000000e+00, v39;
	v50 =	vadd.s32 v30, v35;
	[tilespmem:v47+s31+$0x0] =	vst.idx.msk $0xffff, v41;
	v47 =	vld [tilespmem:s13+$0xB0];
	v37 =	vmul.f32 $8.000000000e+00, v37  }
0x44c: {  	v55 =	vmul.f32 $8.000000000e+00, v55;
	v41 =	vmul.f32 $8.000000000e+00, v56;
	[tilespmem:v51+s31+$0x0] =	vst.idx.msk $0xffff, v44;
	v44 =	vld [tilespmem:s13+$0x120]  }
0x44d: {  	v51 =	vadd.s32 v12, v34;
	v56 =	vld [tilespmem:s13+$0x60];
	v38 =	vmul.f32 $8.000000000e+00, v38;
	[tilespmem:v40+s31+$0x0] =	vst.idx.msk $0xffff, v37  }
0x44e: {  	v43 =	vmul.f32 $8.000000000e+00, v43;
	v37 =	vadd.s32 v16, v34;
	[tilespmem:v48+s31+$0x0] =	vst.idx.msk $0xffff, v41;
	v40 =	vld [tilespmem:s13+$0x1A0]  }
0x44f: {  	v57 =	vadd.s32 v18, v35;
	v48 =	vld [tilespmem:s13+$0xF0];
	[tilespmem:v45+s31+$0x0] =	vst.idx.msk $0xffff, v38  }
0x450: {  	v41 =	vmul.f32 $8.000000000e+00, v52;
	v52 =	vadd.s32 v26, v35;
	v45 =	vld [tilespmem:s24+$0x150];
	[tilespmem:v50+s31+$0x0] =	vst.idx.msk $0xffff, v43  }
0x451: {  	[tilespmem:v46+s31+$0x0] =	vst.idx.msk $0xffff, v54;
	v38 =	vld [tilespmem:s13+$0x30]  }
0x452: {  	v44 =	vmul.f32 $8.000000000e+00, v44;
	[tilespmem:v51+s31+$0x0] =	vst.idx.msk $0xffff, v39;
	v43 =	vld [tilespmem:s24+$0x1D0];
	v39 =	vmul.f32 $8.000000000e+00, v56;
	v51 =	vadd.s32 v6, v35  }
0x453: {  	v53 =	vmul.f32 $8.000000000e+00, v53;
	v54 =	vadd.s32 v15, v35;
	[tilespmem:v37+s31+$0x0] =	vst.idx.msk $0xffff, v55;
	v37 =	vmul.f32 $8.000000000e+00, v40;
	v56 =	vld [tilespmem:s13+$0x1F0]  }
0x454: {  	v42 =	vmul.f32 $8.000000000e+00, v42;
	v55 =	vadd.s32 v9, v34;
	v40 =	vld [tilespmem:s24+$0x110];
	[tilespmem:v57+s31+$0x0] =	vst.idx.msk $0xffff, v44  }
0x455: {  	v58 =	vadd.s32 v11, v35;
	v57 =	vmul.f32 $8.000000000e+00, v47;
	v59 =	vld [tilespmem:s13+$0x130];
	[tilespmem:v52+s31+$0x0] =	vst.idx.msk $0xffff, v37  }
.Ltmp12:
0x456: {  	v50 =	vadd.s32 v4, v34;
	v37 =	vmul.f32 $8.000000000e+00, v45;
	[tilespmem:v49+s31+$0x0] =	vst.idx.msk $0xffff, v42;
	v42 =	vmul.f32 $8.000000000e+00, v48;
	v47 =	vld [tilespmem:s13+$0x1B0];
	(pc) =	sbr.rel @p1 .LBB2_27-.Ltmp12, $4  }
0x457: {  	v48 =	vadd.s32 v29, v34;
	v46 =	vld [tilespmem:s24+$0xD0];
	[tilespmem:v51+s31+$0x0] =	vst.idx.msk $0xffff, v39  }
0x458: {  	v49 =	vadd.s32 v19, v35;
	v39 =	vadd.s32 v23, v35;
	v44 =	vld [tilespmem:s13+$0x70];
	[tilespmem:v54+s31+$0x0] =	vst.idx.msk $0xffff, v42  }
0x459: {  	v52 =	vadd.s32 v31, v35;
	v42 =	vadd.s32 v7, v35;
	[tilespmem:v55+s31+$0x0] =	vst.idx.msk $0xffff, v53;
	v53 =	vmul.f32 $8.000000000e+00, v43;
	v43 =	vld [tilespmem:s13+$0x170];
	s13 =	smov.u32 s24  }
0x45a: {  	v51 =	vadd.s32 v3, v35;
	v54 =	vmul.f32 $8.000000000e+00, v56;
	v35 =	vmovc v34;
	s24 =	sadd.s32 $0x200, s24;
	v45 =	vld [tilespmem:s13+$0x10];
	[tilespmem:v58+s31+$0x0] =	vst.idx.msk $0xffff, v57;
	v55 =	vmul.f32 $8.000000000e+00, v59  }
0x45b: {  	_ =	sdelay $0x3  }
0x45c: {  	v34 =	vadd.s32 v24, v35;
	[tilespmem:v50+s31+$0x0] =	vst.idx.msk $0xffff, v41  }
0x45d: {  	[tilespmem:v48+s31+$0x0] =	vst.idx.msk $0xffff, v53  }
0x45e: {  	v57 =	vadd.s32 v13, v35;
	v38 =	vmul.f32 $8.000000000e+00, v38;
	[tilespmem:v49+s31+$0x0] =	vst.idx.msk $0xffff, v55  }
0x45f: {  	v32 =	vmul.f32 $8.000000000e+00, v32;
	v58 =	vadd.s32 v17, v35;
	[tilespmem:v52+s31+$0x0] =	vst.idx.msk $0xffff, v54  }
0x460: {  	v62 =	vld [tilespmem:s13+$0x50];
	[tilespmem:v51+s31+$0x0] =	vst.idx.msk $0xffff, v38;
	v44 =	vmul.f32 $8.000000000e+00, v44  }
0x461: {  	v60 =	vadd.s32 v1, v35;
	v59 =	vmul.f32 $8.000000000e+00, v46;
	[tilespmem:v34+s31+$0x0] =	vst.idx.msk $0xffff, v32  }
0x462: {  	v63 =	vmul.f32 $8.000000000e+00, v40;
	v51 =	vadd.s32 v5, v35;
	[tilespmem:v42+s31+$0x0] =	vst.idx.msk $0xffff, v44;
	v61 =	vld [tilespmem:s13+$0x190]  }
0x463: {  	v53 =	vld [tilespmem:s13+$0xA0];
	v54 =	vadd.s32 v21, v35;
	v43 =	vmul.f32 $8.000000000e+00, v43;
	[tilespmem:v57+s31+$0x0] =	vst.idx.msk $0xffff, v59  }
0x464: {  	v49 =	vadd.s32 v25, v35;
	v50 =	vmul.f32 $8.000000000e+00, v45;
	[tilespmem:v58+s31+$0x0] =	vst.idx.msk $0xffff, v63;
	v52 =	vld [tilespmem:s13+$0xE0]  }
0x465: {  	[tilespmem:v39+s31+$0x0] =	vst.idx.msk $0xffff, v43;
	v59 =	vadd.s32 v10, v35;
	v57 =	vld [tilespmem:s13+$0x120];
	v58 =	vmul.f32 $8.000000000e+00, v62  }
0x466: {  	v55 =	vadd.s32 v14, v35;
	[tilespmem:v60+s31+$0x0] =	vst.idx.msk $0xffff, v50;
	v60 =	vld [tilespmem:s13+$0x1E0]  }
0x467: {  	v62 =	vadd.s32 v18, v35;
	[tilespmem:v51+s31+$0x0] =	vst.idx.msk $0xffff, v58;
	v56 =	vmul.f32 $8.000000000e+00, v61;
	v61 =	vld [tilespmem:s13+$0x20]  }
0x468: {  	v63 =	vadd.s32 v30, v35;
	v42 =	vmul.f32 $8.000000000e+00, v53;
	[tilespmem:v54+s31+$0x0] =	vst.idx.msk $0xffff, v37;
	v51 =	vld [tilespmem:s13+$0x60]  }
0x469: {  	v50 =	vadd.s32 v2, v35;
	v48 =	vmul.f32 $8.000000000e+00, v52;
	v52 =	vld [tilespmem:s13+$0x160];
	[tilespmem:v49+s31+$0x0] =	vst.idx.msk $0xffff, v56  }
0x46a: {  	[tilespmem:v59+s31+$0x0] =	vst.idx.msk $0xffff, v42;
	v38 =	vmul.f32 $8.000000000e+00, v57;
	v56 =	vadd.s32 v6, v35;
	v49 =	vld [tilespmem:s13+$0x1A0]  }
0x46b: {  	v58 =	vadd.s32 v22, v35;
	v54 =	vmul.f32 $8.000000000e+00, v60;
	v59 =	vld [tilespmem:s13+$0xB0];
	[tilespmem:v55+s31+$0x0] =	vst.idx.msk $0xffff, v48  }
0x46c: {  	v53 =	vadd.s32 v26, v35;
	[tilespmem:v62+s31+$0x0] =	vst.idx.msk $0xffff, v38;
	v55 =	vld [tilespmem:s13+$0xF0];
	v57 =	vmul.f32 $8.000000000e+00, v61  }
0x46d: {  	[tilespmem:v63+s31+$0x0] =	vst.idx.msk $0xffff, v54;
	v62 =	vmul.f32 $8.000000000e+00, v51  }
0x46e: {  	v63 =	vadd.s32 v11, v35;
	v38 =	vld [tilespmem:s13+$0x130];
	v48 =	vmul.f32 $8.000000000e+00, v52;
	[tilespmem:v50+s31+$0x0] =	vst.idx.msk $0xffff, v57  }
0x46f: {  	v60 =	vadd.s32 v15, v35;
	v39 =	vld [tilespmem:s13+$0x1F0];
	[tilespmem:v56+s31+$0x0] =	vst.idx.msk $0xffff, v62;
	v61 =	vmul.f32 $8.000000000e+00, v49  }
0x470: {  	v47 =	vmul.f32 $8.000000000e+00, v47;
	v50 =	vadd.s32 v19, v35;
	[tilespmem:v58+s31+$0x0] =	vst.idx.msk $0xffff, v48;
	v49 =	vld [tilespmem:s13+$0x30]  }
0x471: {  	v54 =	vmul.f32 $8.000000000e+00, v59;
	v51 =	vmul.f32 $8.000000000e+00, v55;
	v55 =	vld [tilespmem:s13+$0x70];
	[tilespmem:v53+s31+$0x0] =	vst.idx.msk $0xffff, v61;
	v53 =	vadd.s32 v31, v35  }
0x472: {  	[tilespmem:v36+s31+$0x0] =	vst.idx.msk $0xffff, v47;
	v56 =	vadd.s32 v3, v35;
	v57 =	vld [tilespmem:s13+$0x170]  }
0x473: {  	v59 =	vadd.s32 v7, v35;
	[tilespmem:v63+s31+$0x0] =	vst.idx.msk $0xffff, v54;
	v58 =	vmul.f32 $8.000000000e+00, v38;
	v52 =	vld [tilespmem:s13+$0x1B0]  }
0x474: {  	v39 =	vmul.f32 $8.000000000e+00, v39;
	[tilespmem:v60+s31+$0x0] =	vst.idx.msk $0xffff, v51;
	v60 =	vadd.s32 v23, v35  }
0x475: {  	[tilespmem:v50+s31+$0x0] =	vst.idx.msk $0xffff, v58;
	v61 =	vmul.f32 $8.000000000e+00, v49  }
0x476: {  	v63 =	vmul.f32 $8.000000000e+00, v55;
	[tilespmem:v53+s31+$0x0] =	vst.idx.msk $0xffff, v39  }
0x477: {  	v32 =	vmul.f32 $8.000000000e+00, v57;
	[tilespmem:v56+s31+$0x0] =	vst.idx.msk $0xffff, v61  }
0x478: {  	[tilespmem:v59+s31+$0x0] =	vst.idx.msk $0xffff, v63;
	v62 =	vmul.f32 $8.000000000e+00, v52  }
0x479: {  	[tilespmem:v60+s31+$0x0] =	vst.idx.msk $0xffff, v32  }
0x47a: {  	s2 =	sadd.s32 s28, s12;
	s7 =	simm.s32 $0x16400;
	[tilespmem:v33+s31+$0x0] =	vst.idx.msk $0xffff, v62  }
0x47b: {  	[hbm4b:s2+s3] =	stream.linear.scatter [tilespmem:s7], [sflag:$0x9], $0x80, $0x38;
	[tilespmem:$0x1A800] =	vst v63  }
0x47c: {  	s14 =	sadd.s32 $0x10, s2;
	s13 =	simm.s32 $0x16488  }
0x47d: {  	[hbm4b:s14+s3] =	stream.linear.scatter [tilespmem:s13], [sflag:$0x9], $0x80, $0x38;
	[tilespmem:$0x1A800] =	vst v63  }
0x47e: {  	s15 =	simm.s32 $0x16510;
	s24 =	sadd.s32 $0x20, s2  }
0x47f: {  	[hbm4b:s24+s3] =	stream.linear.scatter [tilespmem:s15], [sflag:$0x9], $0x80, $0x38;
	[tilespmem:$0x1A800] =	vst v63  }
0x480: {  	s13 =	simm.s32 $0x16598;
	s14 =	sadd.s32 $0x30, s2  }
0x481: {  	[hbm4b:s14+s3] =	stream.linear.scatter [tilespmem:s13], [sflag:$0x9], $0x80, $0x38;
	[tilespmem:$0x1A800] =	vst v63  }
0x482: {  	s28 =	simm.s32 $0x167B8;
	s15 =	simm.s32 $0x16620;
	s24 =	sadd.s32 $0x40, s2  }
0x483: {  	[hbm4b:s24+s3] =	stream.linear.scatter [tilespmem:s15], [sflag:$0x9], $0x80, $0x38;
	[tilespmem:$0x1A800] =	vst v63  }
0x484: {  	s30 =	smov.u32 s8;
	s13 =	simm.s32 $0x166A8;
	s14 =	sadd.s32 $0x50, s2  }
0x485: {  	[hbm4b:s14+s3] =	stream.linear.scatter [tilespmem:s13], [sflag:$0x9], $0x80, $0x38;
	[tilespmem:$0x1A800] =	vst v63  }
0x486: {  	s15 =	simm.s32 $0x16730;
	s24 =	sadd.s32 $0x60, s2;
	s13 =	simm.s32 $0x440  }
0x487: {  	[hbm4b:s24+s3] =	stream.linear.scatter [tilespmem:s15], [sflag:$0x9], $0x80, $0x38;
	[tilespmem:$0x1A800] =	vst v63  }
0x488: {  	s14 =	sadd.s32 $0x1000, s2;
	s24 =	simm.s32 $0x2200;
	s15 =	sadd.s32 $0x70, s2  }
.LBB2_29:
0x489: {  	[hbm4b:s15+s3] =	stream.linear.scatter [tilespmem:s28], [sflag:$0x9], $0x80, $0x38;
	[tilespmem:$0x1A800] =	vst v63  }
0x48a: {  	s2 =	smov.u32 s13;
	s7 =	smov.u32 s24  }
0x48b: {  	s13 =	sshra.s32 s7, $0x2;
	s7 =	sadd.s32 $0x1100, s24;
	s15 =	sadd.s32 $0x16400, s2  }
0x48c: {  	[hbm4b:s14+s3] =	stream.linear.scatter [tilespmem:s15], [sflag:$0x9], $0x80, $0x38;
	[tilespmem:$0x1A800] =	vst v63  }
0x48d: {  	p1 =	sne.s32 s24, $0x7700;
	s24 =	sadd.s32 $0x10, s14;
	s15 =	sadd.s32 $0x16488, s2  }
0x48e: {  	[hbm4b:s24+s3] =	stream.linear.scatter [tilespmem:s15], [sflag:$0x9], $0x80, $0x38;
	[tilespmem:$0x1A800] =	vst v63  }
0x48f: {  	s15 =	sadd.s32 $0x16510, s2;
	s24 =	sadd.s32 $0x20, s14  }
0x490: {  	[hbm4b:s24+s3] =	stream.linear.scatter [tilespmem:s15], [sflag:$0x9], $0x80, $0x38;
	[tilespmem:$0x1A800] =	vst v63  }
0x491: {  	s15 =	sadd.s32 $0x16598, s2;
	s24 =	sadd.s32 $0x30, s14  }
0x492: {  	[hbm4b:s24+s3] =	stream.linear.scatter [tilespmem:s15], [sflag:$0x9], $0x80, $0x38;
	[tilespmem:$0x1A800] =	vst v63  }
0x493: {  	s15 =	sadd.s32 $0x16620, s2;
	s24 =	sadd.s32 $0x40, s14  }
0x494: {  	[hbm4b:s24+s3] =	stream.linear.scatter [tilespmem:s15], [sflag:$0x9], $0x80, $0x38;
	[tilespmem:$0x1A800] =	vst v63  }
.Ltmp13:
0x495: {  	s15 =	sadd.s32 $0x166A8, s2;
	s24 =	sadd.s32 $0x50, s14;
	(pc) =	sbr.rel @p1 .LBB2_29-.Ltmp13, $4  }
0x496: {  	[hbm4b:s24+s3] =	stream.linear.scatter [tilespmem:s15], [sflag:$0x9], $0x80, $0x38;
	[tilespmem:$0x1A800] =	vst v63  }
0x497: {  	s28 =	sadd.s32 $0x167B8, s2;
	s15 =	sadd.s32 $0x16730, s2;
	s24 =	sadd.s32 $0x60, s14  }
0x498: {  	[hbm4b:s24+s3] =	stream.linear.scatter [tilespmem:s15], [sflag:$0x9], $0x80, $0x38;
	[tilespmem:$0x1A800] =	vst v63  }
0x499: {  	s15 =	sadd.s32 $0x70, s14;
	s14 =	sadd.s32 $0x1000, s14;
	s24 =	smov.u32 s7  }
0x49a: {  	[hbm4b:s15+s3] =	stream.linear.scatter [tilespmem:s28], [sflag:$0x9], $0x80, $0x38;
	[tilespmem:$0x1A800] =	vst v63  }
0x49b: {  	s2 =	sadd.s32 $0x16400, s13  }
0x49c: {  	[hbm4b:s14+s3] =	stream.linear.scatter [tilespmem:s2], [sflag:$0x9], $0x80, $0x38;
	[tilespmem:$0x1A800] =	vst v63  }
0x49d: {  	s28 =	sadd.s32 $0x16488, s13;
	s7 =	sadd.s32 $0x10, s14  }
0x49e: {  	[hbm4b:s7+s3] =	stream.linear.scatter [tilespmem:s28], [sflag:$0x9], $0x80, $0x38;
	[tilespmem:$0x1A800] =	vst v63  }
0x49f: {  	s8 =	sadd.s32 $0x16510, s13;
	s15 =	sadd.s32 $0x20, s14  }
0x4a0: {  	[hbm4b:s15+s3] =	stream.linear.scatter [tilespmem:s8], [sflag:$0x9], $0x80, $0x38;
	[tilespmem:$0x1A800] =	vst v63  }
0x4a1: {  	s24 =	sadd.s32 $0x16598, s13;
	s28 =	sadd.s32 $0x30, s14  }
0x4a2: {  	[hbm4b:s28+s3] =	stream.linear.scatter [tilespmem:s24], [sflag:$0x9], $0x80, $0x38;
	[tilespmem:$0x1A800] =	vst v63  }
0x4a3: {  	s8 =	sadd.s32 $0x16620, s13;
	s15 =	sadd.s32 $0x40, s14  }
0x4a4: {  	[hbm4b:s15+s3] =	stream.linear.scatter [tilespmem:s8], [sflag:$0x9], $0x80, $0x38;
	[tilespmem:$0x1A800] =	vst v63  }
0x4a5: {  	s24 =	sadd.s32 $0x166A8, s13;
	s28 =	sadd.s32 $0x50, s14  }
0x4a6: {  	[hbm4b:s28+s3] =	stream.linear.scatter [tilespmem:s24], [sflag:$0x9], $0x80, $0x38;
	[tilespmem:$0x1A800] =	vst v63  }
0x4a7: {  	s7 =	sadd.s32 $0x16730, s13;
	s8 =	sadd.s32 $0x60, s14  }
0x4a8: {  	[hbm4b:s8+s3] =	stream.linear.scatter [tilespmem:s7], [sflag:$0x9], $0x80, $0x38;
	[tilespmem:$0x1A800] =	vst v63  }
0x4a9: {  	s15 =	sadd.s32 $0x167B8, s13;
	s24 =	sadd.s32 $0x70, s14  }
0x4aa: {  	[hbm4b:s24+s3] =	stream.linear.scatter [tilespmem:s15], [sflag:$0x9], $0x80, $0x38;
	[tilespmem:$0x1A800] =	vst v63  }
0x4ab: {  	_ =	swait.ge [sflag:s23], $0x2000  }
0x4ac: {  	s2 =	sadd.s32 @!p0 $0x700, s5;
	[sflag:s23] =	ssyncset.done $0x0  }
0x4ad: {  	s5 =	simm.s32 @!p0 $0x80;
	s7 =	simm.s32 @!p0 $0x12400;
	[sflag:s23] =	ssyncadd.s32 $0xFFFFE000  }
0x4ae: {  	[tilespmem:s7], [sflag:$0x7] =	stream.indirect.gather @!p0 [hbm4b:s4+s5], $0x40, s2, s5, $0xb8;
	[tilespmem:$0x1A800] =	vst v63  }
0x4af: {  	_ =	swait.ge [sflag:s19], $0x2000  }
0x4b0: {  	[sflag:s19] =	ssyncset.done $0x0  }
0x4b1: {  	s28 =	simm.s32 $0x14400;
	[sflag:s19] =	ssyncadd.s32 $0xFFFFE000  }
0x4b2: {  	v32 =	vld [tilespmem:s28+$0x80]  }
0x4b3: {  	v34 =	vld [tilespmem:s28+$0x140]  }
0x4b4: {  	v36 =	vld [tilespmem:s28+$0x1C0]  }
0x4b5: {  	v35 =	vimm.s32 $0x0;
	v37 =	vld [tilespmem:s28+$0x100]  }
0x4b6: {  	v33 =	vadd.s32 v8, v35;
	v41 =	vld [tilespmem:s28+$0x0]  }
0x4b7: {  	v42 =	vadd.s32 v16, v35;
	v39 =	vld [tilespmem:s28+$0xC0]  }
0x4b8: {  	v57 =	vadd.s32 v0, v35;
	v45 =	vld [tilespmem:s28+$0x40]  }
0x4b9: {  	v40 =	vadd.s32 v28, v35;
	s5 =	simm.s32 $0x14600;
	v43 =	vld [tilespmem:s28+$0x180];
	v32 =	vmul.f32 $8.000000000e+00, v32  }
0x4ba: {  	v49 =	vld [tilespmem:s5+$0x80];
	v58 =	vmul.f32 $8.000000000e+00, v37  }
0x4bb: {  	v56 =	vadd.s32 v12, v35;
	v62 =	vmul.f32 $8.000000000e+00, v41;
	[tilespmem:v33+s0+$0x0] =	vst.idx.msk $0xffff, v32;
	v32 =	vld [tilespmem:s5+$0x180]  }
0x4bc: {  	v36 =	vmul.f32 $8.000000000e+00, v36;
	[tilespmem:v42+s0+$0x0] =	vst.idx.msk $0xffff, v58;
	v58 =	vld [tilespmem:s5+$0x140]  }
0x4bd: {  	[tilespmem:v57+s0+$0x0] =	vst.idx.msk $0xffff, v62;
	v57 =	vmul.f32 $8.000000000e+00, v45;
	v45 =	vld [tilespmem:s5+$0x100]  }
0x4be: {  	v38 =	vadd.s32 v20, v35;
	v59 =	vmul.f32 $8.000000000e+00, v39;
	[tilespmem:v40+s0+$0x0] =	vst.idx.msk $0xffff, v36;
	v40 =	vld [tilespmem:s5+$0x1C0]  }
0x4bf: {  	v54 =	vadd.s32 v4, v35;
	v44 =	vld [tilespmem:s28+$0x90]  }
0x4c0: {  	[tilespmem:v56+s0+$0x0] =	vst.idx.msk $0xffff, v59;
	v61 =	vld [tilespmem:s28+$0x1D0]  }
0x4c1: {  	v48 =	vadd.s32 v24, v35;
	v55 =	vmul.f32 $8.000000000e+00, v34;
	v53 =	vld [tilespmem:s28+$0xD0]  }
0x4c2: {  	v60 =	vadd.s32 v9, v35;
	v63 =	vld [tilespmem:s28+$0x110]  }
0x4c3: {  	[tilespmem:v38+s0+$0x0] =	vst.idx.msk $0xffff, v55;
	v56 =	vadd.s32 v13, v35;
	v55 =	vld [tilespmem:s28+$0x10]  }
0x4c4: {  	v47 =	vadd.s32 v29, v35;
	v43 =	vmul.f32 $8.000000000e+00, v43;
	v38 =	vld [tilespmem:s28+$0x150];
	[tilespmem:v54+s0+$0x0] =	vst.idx.msk $0xffff, v57  }
0x4c5: {  	v46 =	vadd.s32 v1, v35;
	v42 =	vld [tilespmem:s28+$0x50];
	v52 =	vmul.f32 $8.000000000e+00, v44  }
0x4c6: {  	v59 =	vadd.s32 v21, v35;
	[tilespmem:v48+s0+$0x0] =	vst.idx.msk $0xffff, v43;
	v54 =	vmul.f32 $8.000000000e+00, v49;
	v49 =	vld [tilespmem:s5+$0x40];
	v34 =	vmul.f32 $8.000000000e+00, v53  }
0x4c7: {  	v50 =	vadd.s32 v5, v35;
	v39 =	vmul.f32 $8.000000000e+00, v61;
	v33 =	vmul.f32 $8.000000000e+00, v63;
	v63 =	vld [tilespmem:s28+$0x190];
	[tilespmem:v60+s0+$0x0] =	vst.idx.msk $0xffff, v52  }
0x4c8: {  	v41 =	vmul.f32 $8.000000000e+00, v55;
	[tilespmem:v56+s0+$0x0] =	vst.idx.msk $0xffff, v34;
	v52 =	vld [tilespmem:s5+$0x0];
	v60 =	vadd.s32 v17, v35  }
0x4c9: {  	v38 =	vmul.f32 $8.000000000e+00, v38;
	v34 =	vadd.s32 $0x8, v35;
	[tilespmem:v47+s0+$0x0] =	vst.idx.msk $0xffff, v39;
	v47 =	vld [tilespmem:s5+$0xC0];
	v56 =	vadd.s32 v25, v35  }
0x4ca: {  	[tilespmem:v46+s0+$0x0] =	vst.idx.msk $0xffff, v41;
	v42 =	vmul.f32 $8.000000000e+00, v42;
	v36 =	vld [tilespmem:s28+$0xA0];
	v61 =	vadd.s32 v8, v34  }
0x4cb: {  	[tilespmem:v59+s0+$0x0] =	vst.idx.msk $0xffff, v38;
	v51 =	vld [tilespmem:s28+$0xE0];
	v62 =	vadd.s32 v20, v34  }
0x4cc: {  	v46 =	vld [tilespmem:s28+$0x20];
	[tilespmem:v50+s0+$0x0] =	vst.idx.msk $0xffff, v42;
	v50 =	vadd.s32 v28, v34;
	v37 =	vmul.f32 $8.000000000e+00, v63  }
0x4cd: {  	v53 =	vadd.s32 v10, v35;
	v42 =	vld [tilespmem:s28+$0x1E0];
	[tilespmem:v60+s0+$0x0] =	vst.idx.msk $0xffff, v33  }
0x4ce: {  	v58 =	vmul.f32 $8.000000000e+00, v58;
	v55 =	vadd.s32 v2, v35;
	v33 =	vld [tilespmem:s28+$0x160];
	[tilespmem:v56+s0+$0x0] =	vst.idx.msk $0xffff, v37  }
0x4cf: {  	v40 =	vmul.f32 $8.000000000e+00, v40;
	v59 =	vadd.s32 v14, v35;
	[tilespmem:v61+s0+$0x0] =	vst.idx.msk $0xffff, v54;
	v63 =	vld [tilespmem:s28+$0x120]  }
0x4d0: {  	v36 =	vmul.f32 $8.000000000e+00, v36;
	v61 =	vadd.s32 v22, v35;
	[tilespmem:v62+s0+$0x0] =	vst.idx.msk $0xffff, v58;
	v39 =	vld [tilespmem:s28+$0x1A0]  }
0x4d1: {  	v38 =	vadd.s32 v30, v35;
	v60 =	vmul.f32 $8.000000000e+00, v46;
	v46 =	vld [tilespmem:s5+$0x90];
	[tilespmem:v50+s0+$0x0] =	vst.idx.msk $0xffff, v40  }
0x4d2: {  	v57 =	vadd.s32 v12, v34;
	v62 =	vmul.f32 $8.000000000e+00, v51;
	v54 =	vld [tilespmem:s5+$0x150];
	[tilespmem:v53+s0+$0x0] =	vst.idx.msk $0xffff, v36  }
0x4d3: {  	v58 =	vadd.s32 v16, v34;
	[tilespmem:v55+s0+$0x0] =	vst.idx.msk $0xffff, v60;
	v53 =	vld [tilespmem:s28+$0x60];
	v33 =	vmul.f32 $8.000000000e+00, v33  }
0x4d4: {  	v44 =	vadd.s32 v18, v35;
	[tilespmem:v59+s0+$0x0] =	vst.idx.msk $0xffff, v62;
	v59 =	vmul.f32 $8.000000000e+00, v42;
	v62 =	vmul.f32 $8.000000000e+00, v45;
	v45 =	vld [tilespmem:s5+$0x1D0]  }
0x4d5: {  	v60 =	vmul.f32 $8.000000000e+00, v47;
	v43 =	vld [tilespmem:s28+$0xB0];
	[tilespmem:v61+s0+$0x0] =	vst.idx.msk $0xffff, v33;
	v61 =	vadd.s32 v26, v35  }
0x4d6: {  	v55 =	vadd.s32 v0, v34;
	v42 =	vld [tilespmem:s28+$0xF0];
	[tilespmem:v38+s0+$0x0] =	vst.idx.msk $0xffff, v59  }
0x4d7: {  	v51 =	vadd.s32 v6, v35;
	v38 =	vld [tilespmem:s28+$0x30];
	[tilespmem:v57+s0+$0x0] =	vst.idx.msk $0xffff, v60;
	v63 =	vmul.f32 $8.000000000e+00, v63  }
0x4d8: {  	v56 =	vadd.s32 v15, v35;
	[tilespmem:v58+s0+$0x0] =	vst.idx.msk $0xffff, v62;
	v48 =	vmul.f32 $8.000000000e+00, v39;
	v57 =	vld [tilespmem:s28+$0x1F0]  }
0x4d9: {  	v41 =	vmul.f32 $8.000000000e+00, v49;
	v50 =	vmul.f32 $8.000000000e+00, v52;
	v52 =	vadd.s32 v9, v34;
	v40 =	vld [tilespmem:s5+$0x110];
	[tilespmem:v44+s0+$0x0] =	vst.idx.msk $0xffff, v63  }
0x4da: {  	v49 =	vadd.s32 v19, v35;
	v58 =	vadd.s32 v11, v35;
	v60 =	vmul.f32 $8.000000000e+00, v53;
	v59 =	vld [tilespmem:s28+$0x130];
	[tilespmem:v61+s0+$0x0] =	vst.idx.msk $0xffff, v48  }
0x4db: {  	v36 =	vadd.s32 v27, v35;
	[tilespmem:v55+s0+$0x0] =	vst.idx.msk $0xffff, v50;
	v50 =	vadd.s32 v4, v34;
	v62 =	vmul.f32 $8.000000000e+00, v42;
	v47 =	vld [tilespmem:s28+$0x1B0]  }
0x4dc: {  	v39 =	vadd.s32 v23, v35;
	[tilespmem:v51+s0+$0x0] =	vst.idx.msk $0xffff, v60;
	v61 =	vmul.f32 $8.000000000e+00, v46;
	v46 =	vld [tilespmem:s5+$0xD0];
	v48 =	vadd.s32 v29, v34  }
0x4dd: {  	v33 =	vadd.s32 v27, v34;
	v37 =	vmul.f32 $8.000000000e+00, v54;
	v63 =	vmul.f32 $8.000000000e+00, v43;
	v44 =	vld [tilespmem:s28+$0x70];
	[tilespmem:v56+s0+$0x0] =	vst.idx.msk $0xffff, v62  }
0x4de: {  	v53 =	vmul.f32 $8.000000000e+00, v45;
	v42 =	vadd.s32 v7, v35;
	v43 =	vld [tilespmem:s28+$0x170];
	[tilespmem:v52+s0+$0x0] =	vst.idx.msk $0xffff, v61;
	v52 =	vadd.s32 v31, v35  }
0x4df: {  	s13 =	simm.s32 $0x8;
	s14 =	simm.s32 $0x14800;
	v45 =	vld [tilespmem:s5+$0x10];
	v51 =	vadd.s32 v3, v35;
	[tilespmem:v58+s0+$0x0] =	vst.idx.msk $0xffff, v63;
	v54 =	vmul.f32 $8.000000000e+00, v57;
	v55 =	vmul.f32 $8.000000000e+00, v59;
	v35 =	vmovc v34  }
.LBB2_31:
0x4e0: {  	s13 =	sadd.s32 $0x8, s13;
	[tilespmem:v50+s0+$0x0] =	vst.idx.msk $0xffff, v41;
	v41 =	vmul.f32 $8.000000000e+00, v32;
	v32 =	vld [tilespmem:s14+$0x180];
	v34 =	vadd.s32 $0x8, v34;
	v47 =	vmul.f32 $8.000000000e+00, v47  }
0x4e1: {  	v56 =	vadd.s32 v13, v35;
	v40 =	vmul.f32 $8.000000000e+00, v40;
	p0 =	slt.u32 s13, $0x78;
	v50 =	vld [tilespmem:s5+$0xA0];
	v46 =	vmul.f32 $8.000000000e+00, v46;
	[tilespmem:v48+s0+$0x0] =	vst.idx.msk $0xffff, v53  }
0x4e2: {  	v38 =	vmul.f32 $8.000000000e+00, v38;
	v48 =	vadd.s32 v8, v34;
	v53 =	vld [tilespmem:s14+$0x140];
	v44 =	vmul.f32 $8.000000000e+00, v44;
	[tilespmem:v49+s0+$0x0] =	vst.idx.msk $0xffff, v55  }
0x4e3: {  	v57 =	vadd.s32 v1, v35;
	v49 =	vadd.s32 v0, v34;
	v55 =	vld [tilespmem:s14+$0x100];
	v43 =	vmul.f32 $8.000000000e+00, v43;
	[tilespmem:v52+s0+$0x0] =	vst.idx.msk $0xffff, v54  }
0x4e4: {  	v52 =	vadd.s32 v27, v34;
	v54 =	vld [tilespmem:s14+$0x1C0];
	[tilespmem:v51+s0+$0x0] =	vst.idx.msk $0xffff, v38  }
0x4e5: {  	v38 =	vmul.f32 $8.000000000e+00, v45;
	v51 =	vadd.s32 v24, v35;
	v45 =	vld [tilespmem:s5+$0x50];
	[tilespmem:v36+s0+$0x0] =	vst.idx.msk $0xffff, v47;
	v36 =	vmovc v33;
	v33 =	vmov v52  }
0x4e6: {  	v47 =	vld [tilespmem:s14+$0x80];
	[tilespmem:v56+s0+$0x0] =	vst.idx.msk $0xffff, v46;
	v46 =	vadd.s32 v21, v35  }
0x4e7: {  	v52 =	vadd.s32 v5, v35;
	v50 =	vmul.f32 $8.000000000e+00, v50;
	v56 =	vld [tilespmem:s5+$0xE0];
	[tilespmem:v42+s0+$0x0] =	vst.idx.msk $0xffff, v44  }
0x4e8: {  	v42 =	vld [tilespmem:s14+$0x0];
	[tilespmem:v57+s0+$0x0] =	vst.idx.msk $0xffff, v38;
	v38 =	vadd.s32 v17, v35  }
0x4e9: {  	v44 =	vld [tilespmem:s5+$0x20];
	[tilespmem:v39+s0+$0x0] =	vst.idx.msk $0xffff, v43  }
0x4ea: {  	v39 =	vld [tilespmem:s14+$0xC0];
	v43 =	vmul.f32 $8.000000000e+00, v45;
	v45 =	vadd.s32 v10, v35;
	[tilespmem:v51+s0+$0x0] =	vst.idx.msk $0xffff, v41  }
0x4eb: {  	v41 =	vmul.f32 $8.000000000e+00, v47;
	v47 =	vadd.s32 v20, v34;
	[tilespmem:v46+s0+$0x0] =	vst.idx.msk $0xffff, v37;
	v37 =	vld [tilespmem:s5+$0x190]  }
0x4ec: {  	v51 =	vadd.s32 v2, v35;
	v46 =	vadd.s32 v28, v34;
	[tilespmem:v52+s0+$0x0] =	vst.idx.msk $0xffff, v43;
	v43 =	vld [tilespmem:s5+$0x1E0]  }
0x4ed: {  	[tilespmem:v38+s0+$0x0] =	vst.idx.msk $0xffff, v40;
	v38 =	vld [tilespmem:s5+$0x160];
	v40 =	vadd.s32 v25, v35  }
0x4ee: {  	v52 =	vld [tilespmem:s14+$0x40];
	[tilespmem:v48+s0+$0x0] =	vst.idx.msk $0xffff, v41;
	v41 =	vmul.f32 $8.000000000e+00, v53;
	v44 =	vmul.f32 $8.000000000e+00, v44;
	v48 =	vadd.s32 v14, v35  }
0x4ef: {  	v54 =	vmul.f32 $8.000000000e+00, v54;
	v53 =	vld [tilespmem:s14+$0x90];
	[tilespmem:v45+s0+$0x0] =	vst.idx.msk $0xffff, v50;
	v45 =	vadd.s32 v22, v35  }
0x4f0: {  	v39 =	vmul.f32 $8.000000000e+00, v39;
	v50 =	vadd.s32 v30, v35;
	[tilespmem:v47+s0+$0x0] =	vst.idx.msk $0xffff, v41;
	v47 =	vld [tilespmem:s5+$0xB0];
	v37 =	vmul.f32 $8.000000000e+00, v37  }
0x4f1: {  	v55 =	vmul.f32 $8.000000000e+00, v55;
	v41 =	vmul.f32 $8.000000000e+00, v56;
	[tilespmem:v51+s0+$0x0] =	vst.idx.msk $0xffff, v44;
	v44 =	vld [tilespmem:s5+$0x120]  }
0x4f2: {  	v51 =	vadd.s32 v12, v34;
	v56 =	vld [tilespmem:s5+$0x60];
	v38 =	vmul.f32 $8.000000000e+00, v38;
	[tilespmem:v40+s0+$0x0] =	vst.idx.msk $0xffff, v37  }
0x4f3: {  	v43 =	vmul.f32 $8.000000000e+00, v43;
	v37 =	vadd.s32 v16, v34;
	[tilespmem:v48+s0+$0x0] =	vst.idx.msk $0xffff, v41;
	v40 =	vld [tilespmem:s5+$0x1A0]  }
0x4f4: {  	v57 =	vadd.s32 v18, v35;
	v48 =	vld [tilespmem:s5+$0xF0];
	[tilespmem:v45+s0+$0x0] =	vst.idx.msk $0xffff, v38  }
0x4f5: {  	v41 =	vmul.f32 $8.000000000e+00, v52;
	v52 =	vadd.s32 v26, v35;
	v45 =	vld [tilespmem:s14+$0x150];
	[tilespmem:v50+s0+$0x0] =	vst.idx.msk $0xffff, v43  }
0x4f6: {  	[tilespmem:v46+s0+$0x0] =	vst.idx.msk $0xffff, v54;
	v38 =	vld [tilespmem:s5+$0x30]  }
0x4f7: {  	v44 =	vmul.f32 $8.000000000e+00, v44;
	[tilespmem:v51+s0+$0x0] =	vst.idx.msk $0xffff, v39;
	v43 =	vld [tilespmem:s14+$0x1D0];
	v39 =	vmul.f32 $8.000000000e+00, v56;
	v51 =	vadd.s32 v6, v35  }
0x4f8: {  	v53 =	vmul.f32 $8.000000000e+00, v53;
	v54 =	vadd.s32 v15, v35;
	[tilespmem:v37+s0+$0x0] =	vst.idx.msk $0xffff, v55;
	v37 =	vmul.f32 $8.000000000e+00, v40;
	v56 =	vld [tilespmem:s5+$0x1F0]  }
0x4f9: {  	v42 =	vmul.f32 $8.000000000e+00, v42;
	v55 =	vadd.s32 v9, v34;
	v40 =	vld [tilespmem:s14+$0x110];
	[tilespmem:v57+s0+$0x0] =	vst.idx.msk $0xffff, v44  }
0x4fa: {  	v58 =	vadd.s32 v11, v35;
	v57 =	vmul.f32 $8.000000000e+00, v47;
	v59 =	vld [tilespmem:s5+$0x130];
	[tilespmem:v52+s0+$0x0] =	vst.idx.msk $0xffff, v37  }
.Ltmp14:
0x4fb: {  	v50 =	vadd.s32 v4, v34;
	v37 =	vmul.f32 $8.000000000e+00, v45;
	[tilespmem:v49+s0+$0x0] =	vst.idx.msk $0xffff, v42;
	v42 =	vmul.f32 $8.000000000e+00, v48;
	v47 =	vld [tilespmem:s5+$0x1B0];
	(pc) =	sbr.rel @p0 .LBB2_31-.Ltmp14, $4  }
0x4fc: {  	v48 =	vadd.s32 v29, v34;
	v46 =	vld [tilespmem:s14+$0xD0];
	[tilespmem:v51+s0+$0x0] =	vst.idx.msk $0xffff, v39  }
0x4fd: {  	v49 =	vadd.s32 v19, v35;
	v39 =	vadd.s32 v23, v35;
	v44 =	vld [tilespmem:s5+$0x70];
	[tilespmem:v54+s0+$0x0] =	vst.idx.msk $0xffff, v42  }
0x4fe: {  	v52 =	vadd.s32 v31, v35;
	v42 =	vadd.s32 v7, v35;
	[tilespmem:v55+s0+$0x0] =	vst.idx.msk $0xffff, v53;
	v53 =	vmul.f32 $8.000000000e+00, v43;
	v43 =	vld [tilespmem:s5+$0x170];
	s5 =	smov.u32 s14  }
0x4ff: {  	v51 =	vadd.s32 v3, v35;
	v54 =	vmul.f32 $8.000000000e+00, v56;
	v35 =	vmovc v34;
	s14 =	sadd.s32 $0x200, s14;
	v45 =	vld [tilespmem:s5+$0x10];
	[tilespmem:v58+s0+$0x0] =	vst.idx.msk $0xffff, v57;
	v55 =	vmul.f32 $8.000000000e+00, v59  }
0x500: {  	_ =	sdelay $0x3  }
0x501: {  	v34 =	vadd.s32 v24, v35;
	[tilespmem:v50+s0+$0x0] =	vst.idx.msk $0xffff, v41  }
0x502: {  	[tilespmem:v48+s0+$0x0] =	vst.idx.msk $0xffff, v53  }
0x503: {  	v57 =	vadd.s32 v13, v35;
	v38 =	vmul.f32 $8.000000000e+00, v38;
	[tilespmem:v49+s0+$0x0] =	vst.idx.msk $0xffff, v55  }
0x504: {  	v32 =	vmul.f32 $8.000000000e+00, v32;
	v58 =	vadd.s32 v17, v35;
	[tilespmem:v52+s0+$0x0] =	vst.idx.msk $0xffff, v54  }
0x505: {  	v62 =	vld [tilespmem:s5+$0x50];
	[tilespmem:v51+s0+$0x0] =	vst.idx.msk $0xffff, v38;
	v44 =	vmul.f32 $8.000000000e+00, v44  }
0x506: {  	v60 =	vadd.s32 v1, v35;
	v59 =	vmul.f32 $8.000000000e+00, v46;
	[tilespmem:v34+s0+$0x0] =	vst.idx.msk $0xffff, v32  }
0x507: {  	v63 =	vmul.f32 $8.000000000e+00, v40;
	v51 =	vadd.s32 v5, v35;
	[tilespmem:v42+s0+$0x0] =	vst.idx.msk $0xffff, v44;
	v61 =	vld [tilespmem:s5+$0x190]  }
0x508: {  	v53 =	vld [tilespmem:s5+$0xA0];
	v54 =	vadd.s32 v21, v35;
	v43 =	vmul.f32 $8.000000000e+00, v43;
	[tilespmem:v57+s0+$0x0] =	vst.idx.msk $0xffff, v59  }
0x509: {  	v49 =	vadd.s32 v25, v35;
	v50 =	vmul.f32 $8.000000000e+00, v45;
	[tilespmem:v58+s0+$0x0] =	vst.idx.msk $0xffff, v63;
	v52 =	vld [tilespmem:s5+$0xE0]  }
0x50a: {  	[tilespmem:v39+s0+$0x0] =	vst.idx.msk $0xffff, v43;
	v59 =	vadd.s32 v10, v35;
	v57 =	vld [tilespmem:s5+$0x120];
	v58 =	vmul.f32 $8.000000000e+00, v62  }
0x50b: {  	v55 =	vadd.s32 v14, v35;
	[tilespmem:v60+s0+$0x0] =	vst.idx.msk $0xffff, v50;
	v60 =	vld [tilespmem:s5+$0x1E0]  }
0x50c: {  	v62 =	vadd.s32 v18, v35;
	[tilespmem:v51+s0+$0x0] =	vst.idx.msk $0xffff, v58;
	v56 =	vmul.f32 $8.000000000e+00, v61;
	v61 =	vld [tilespmem:s5+$0x20]  }
0x50d: {  	v63 =	vadd.s32 v30, v35;
	v42 =	vmul.f32 $8.000000000e+00, v53;
	[tilespmem:v54+s0+$0x0] =	vst.idx.msk $0xffff, v37;
	v51 =	vld [tilespmem:s5+$0x60]  }
0x50e: {  	v50 =	vadd.s32 v2, v35;
	v48 =	vmul.f32 $8.000000000e+00, v52;
	v52 =	vld [tilespmem:s5+$0x160];
	[tilespmem:v49+s0+$0x0] =	vst.idx.msk $0xffff, v56  }
0x50f: {  	[tilespmem:v59+s0+$0x0] =	vst.idx.msk $0xffff, v42;
	v38 =	vmul.f32 $8.000000000e+00, v57;
	v56 =	vadd.s32 v6, v35;
	v49 =	vld [tilespmem:s5+$0x1A0]  }
0x510: {  	v58 =	vadd.s32 v22, v35;
	v54 =	vmul.f32 $8.000000000e+00, v60;
	v59 =	vld [tilespmem:s5+$0xB0];
	[tilespmem:v55+s0+$0x0] =	vst.idx.msk $0xffff, v48  }
0x511: {  	v53 =	vadd.s32 v26, v35;
	[tilespmem:v62+s0+$0x0] =	vst.idx.msk $0xffff, v38;
	v55 =	vld [tilespmem:s5+$0xF0];
	v57 =	vmul.f32 $8.000000000e+00, v61  }
0x512: {  	[tilespmem:v63+s0+$0x0] =	vst.idx.msk $0xffff, v54;
	v62 =	vmul.f32 $8.000000000e+00, v51  }
0x513: {  	v63 =	vadd.s32 v11, v35;
	v38 =	vld [tilespmem:s5+$0x130];
	v48 =	vmul.f32 $8.000000000e+00, v52;
	[tilespmem:v50+s0+$0x0] =	vst.idx.msk $0xffff, v57  }
0x514: {  	v60 =	vadd.s32 v15, v35;
	v39 =	vld [tilespmem:s5+$0x1F0];
	[tilespmem:v56+s0+$0x0] =	vst.idx.msk $0xffff, v62;
	v61 =	vmul.f32 $8.000000000e+00, v49  }
0x515: {  	v47 =	vmul.f32 $8.000000000e+00, v47;
	v50 =	vadd.s32 v19, v35;
	[tilespmem:v58+s0+$0x0] =	vst.idx.msk $0xffff, v48;
	v49 =	vld [tilespmem:s5+$0x30]  }
0x516: {  	v54 =	vmul.f32 $8.000000000e+00, v59;
	v51 =	vmul.f32 $8.000000000e+00, v55;
	v55 =	vld [tilespmem:s5+$0x70];
	[tilespmem:v53+s0+$0x0] =	vst.idx.msk $0xffff, v61;
	v53 =	vadd.s32 v31, v35  }
0x517: {  	[tilespmem:v36+s0+$0x0] =	vst.idx.msk $0xffff, v47;
	v56 =	vadd.s32 v3, v35;
	v57 =	vld [tilespmem:s5+$0x170]  }
0x518: {  	v59 =	vadd.s32 v7, v35;
	[tilespmem:v63+s0+$0x0] =	vst.idx.msk $0xffff, v54;
	v58 =	vmul.f32 $8.000000000e+00, v38;
	v52 =	vld [tilespmem:s5+$0x1B0]  }
0x519: {  	v39 =	vmul.f32 $8.000000000e+00, v39;
	[tilespmem:v60+s0+$0x0] =	vst.idx.msk $0xffff, v51;
	v60 =	vadd.s32 v23, v35  }
0x51a: {  	[tilespmem:v50+s0+$0x0] =	vst.idx.msk $0xffff, v58;
	v61 =	vmul.f32 $8.000000000e+00, v49  }
0x51b: {  	v63 =	vmul.f32 $8.000000000e+00, v55;
	[tilespmem:v53+s0+$0x0] =	vst.idx.msk $0xffff, v39  }
0x51c: {  	s2 =	sshll.u32 s26, $0x12;
	v32 =	vmul.f32 $8.000000000e+00, v57;
	[tilespmem:v56+s0+$0x0] =	vst.idx.msk $0xffff, v61  }
0x51d: {  	s2 =	sor.u32 s6, s2;
	[tilespmem:v59+s0+$0x0] =	vst.idx.msk $0xffff, v63;
	v62 =	vmul.f32 $8.000000000e+00, v52  }
0x51e: {  	s2 =	sshrl.u32 s2, $0x3;
	[tilespmem:v60+s0+$0x0] =	vst.idx.msk $0xffff, v32  }
0x51f: {  	s15 =	simm.s32 $0x18600;
	s2 =	sadd.s32 s30, s2;
	[tilespmem:v33+s0+$0x0] =	vst.idx.msk $0xffff, v62  }
0x520: {  	[hbm4b:s2+s3] =	stream.linear.scatter [tilespmem:s15], [sflag:$0xA], $0x80, $0x38;
	[tilespmem:$0x1A800] =	vst v63  }
0x521: {  	s24 =	simm.s32 $0x18688;
	s7 =	sadd.s32 $0x10, s2  }
0x522: {  	[hbm4b:s7+s3] =	stream.linear.scatter [tilespmem:s24], [sflag:$0xA], $0x80, $0x38;
	[tilespmem:$0x1A800] =	vst v63  }
0x523: {  	s26 =	simm.s32 $0x18710;
	s13 =	simm.s32 $0x18820;
	s28 =	sadd.s32 $0x20, s2  }
0x524: {  	[hbm4b:s28+s3] =	stream.linear.scatter [tilespmem:s26], [sflag:$0xA], $0x80, $0x38;
	[tilespmem:$0x1A800] =	vst v63  }
0x525: {  	s8 =	sadd.s32 $0x30, s2;
	s14 =	sadd.s32 $0x40, s2;
	s7 =	simm.s32 $0x18798  }
0x526: {  	[hbm4b:s8+s3] =	stream.linear.scatter [tilespmem:s7], [sflag:$0xA], $0x80, $0x38;
	[tilespmem:$0x1A800] =	vst v63  }
0x527: {  	s5 =	simm.s32 $0x440;
	s15 =	simm.s32 $0x188A8;
	s24 =	sadd.s32 $0x50, s2  }
0x528: {  	[hbm4b:s14+s3] =	stream.linear.scatter [tilespmem:s13], [sflag:$0xA], $0x80, $0x38;
	[tilespmem:$0x1A800] =	vst v63  }
0x529: {  	s26 =	simm.s32 $0x18930;
	s28 =	sadd.s32 $0x60, s2;
	s14 =	simm.s32 $0x2200  }
0x52a: {  	[hbm4b:s24+s3] =	stream.linear.scatter [tilespmem:s15], [sflag:$0xA], $0x80, $0x38;
	[tilespmem:$0x1A800] =	vst v63  }
0x52b: {  	s13 =	sadd.s32 $0x1000, s2;
	s24 =	simm.s32 $0x189B8;
	s15 =	sadd.s32 $0x70, s2  }
0x52c: {  	[hbm4b:s28+s3] =	stream.linear.scatter [tilespmem:s26], [sflag:$0xA], $0x80, $0x38;
	[tilespmem:$0x1A800] =	vst v63  }
.LBB2_33:
0x52d: {  	[hbm4b:s15+s3] =	stream.linear.scatter [tilespmem:s24], [sflag:$0xA], $0x80, $0x38;
	[tilespmem:$0x1A800] =	vst v63  }
0x52e: {  	s2 =	smov.u32 s5;
	s5 =	smov.u32 s14  }
0x52f: {  	s7 =	sadd.s32 $0x1100, s14;
	s5 =	sshra.s32 s5, $0x2;
	s15 =	sadd.s32 $0x18600, s2  }
0x530: {  	[hbm4b:s13+s3] =	stream.linear.scatter [tilespmem:s15], [sflag:$0xA], $0x80, $0x38;
	[tilespmem:$0x1A800] =	vst v63  }
0x531: {  	p0 =	sne.s32 s14, $0x7700;
	s14 =	sadd.s32 $0x18688, s2;
	s15 =	sadd.s32 $0x10, s13  }
0x532: {  	[hbm4b:s15+s3] =	stream.linear.scatter [tilespmem:s14], [sflag:$0xA], $0x80, $0x38;
	[tilespmem:$0x1A800] =	vst v63  }
0x533: {  	s14 =	sadd.s32 $0x18710, s2;
	s15 =	sadd.s32 $0x20, s13  }
0x534: {  	[hbm4b:s15+s3] =	stream.linear.scatter [tilespmem:s14], [sflag:$0xA], $0x80, $0x38;
	[tilespmem:$0x1A800] =	vst v63  }
0x535: {  	s14 =	sadd.s32 $0x18798, s2;
	s15 =	sadd.s32 $0x30, s13  }
0x536: {  	[hbm4b:s15+s3] =	stream.linear.scatter [tilespmem:s14], [sflag:$0xA], $0x80, $0x38;
	[tilespmem:$0x1A800] =	vst v63  }
0x537: {  	s14 =	sadd.s32 $0x18820, s2;
	s15 =	sadd.s32 $0x40, s13  }
0x538: {  	[hbm4b:s15+s3] =	stream.linear.scatter [tilespmem:s14], [sflag:$0xA], $0x80, $0x38;
	[tilespmem:$0x1A800] =	vst v63  }
.Ltmp15:
0x539: {  	s14 =	sadd.s32 $0x188A8, s2;
	s15 =	sadd.s32 $0x50, s13;
	(pc) =	sbr.rel @p0 .LBB2_33-.Ltmp15, $4  }
0x53a: {  	[hbm4b:s15+s3] =	stream.linear.scatter [tilespmem:s14], [sflag:$0xA], $0x80, $0x38;
	[tilespmem:$0x1A800] =	vst v63  }
0x53b: {  	s24 =	sadd.s32 $0x189B8, s2;
	s14 =	sadd.s32 $0x18930, s2;
	s15 =	sadd.s32 $0x60, s13  }
0x53c: {  	[hbm4b:s15+s3] =	stream.linear.scatter [tilespmem:s14], [sflag:$0xA], $0x80, $0x38;
	[tilespmem:$0x1A800] =	vst v63  }
0x53d: {  	s15 =	sadd.s32 $0x70, s13;
	s13 =	sadd.s32 $0x1000, s13;
	s14 =	smov.u32 s7  }
0x53e: {  	[hbm4b:s15+s3] =	stream.linear.scatter [tilespmem:s24], [sflag:$0xA], $0x80, $0x38;
	[tilespmem:$0x1A800] =	vst v63  }
0x53f: {  	s2 =	sadd.s32 $0x18600, s5  }
0x540: {  	[hbm4b:s13+s3] =	stream.linear.scatter [tilespmem:s2], [sflag:$0xA], $0x80, $0x38;
	[tilespmem:$0x1A800] =	vst v63  }
0x541: {  	s28 =	sadd.s32 $0x18688, s5;
	s7 =	sadd.s32 $0x10, s13  }
0x542: {  	[hbm4b:s7+s3] =	stream.linear.scatter [tilespmem:s28], [sflag:$0xA], $0x80, $0x38;
	[tilespmem:$0x1A800] =	vst v63  }
0x543: {  	s8 =	sadd.s32 $0x18710, s5;
	s14 =	sadd.s32 $0x20, s13  }
0x544: {  	[hbm4b:s14+s3] =	stream.linear.scatter [tilespmem:s8], [sflag:$0xA], $0x80, $0x38;
	[tilespmem:$0x1A800] =	vst v63  }
0x545: {  	s15 =	sadd.s32 $0x18798, s5;
	s24 =	sadd.s32 $0x30, s13  }
0x546: {  	[hbm4b:s24+s3] =	stream.linear.scatter [tilespmem:s15], [sflag:$0xA], $0x80, $0x38;
	[tilespmem:$0x1A800] =	vst v63  }
0x547: {  	s26 =	sadd.s32 $0x18820, s5;
	s25 =	sadd.s32 $0x1, s25;
	s28 =	sadd.s32 $0x40, s13  }
0x548: {  	[hbm4b:s28+s3] =	stream.linear.scatter [tilespmem:s26], [sflag:$0xA], $0x80, $0x38;
	[tilespmem:$0x1A800] =	vst v63  }
0x549: {  	p0 =	sne.s32 s25, $0x19;
	s8 =	sadd.s32 $0x188A8, s5;
	s14 =	sadd.s32 $0x50, s13  }
0x54a: {  	[hbm4b:s14+s3] =	stream.linear.scatter [tilespmem:s8], [sflag:$0xA], $0x80, $0x38;
	[tilespmem:$0x1A800] =	vst v63  }
.Ltmp16:
0x54b: {  	_ = 	snop;
	(pc) =	sbr.rel @p0 .LBB2_2-.Ltmp16, $4  }
0x54c: {  	s15 =	sadd.s32 $0x18930, s5;
	s24 =	sadd.s32 $0x60, s13  }
0x54d: {  	[hbm4b:s24+s3] =	stream.linear.scatter [tilespmem:s15], [sflag:$0xA], $0x80, $0x38;
	[tilespmem:$0x1A800] =	vst v63  }
0x54e: {  	s26 =	sadd.s32 $0x189B8, s5;
	s28 =	sadd.s32 $0x70, s13  }
0x54f: {  	[hbm4b:s28+s3] =	stream.linear.scatter [tilespmem:s26], [sflag:$0xA], $0x80, $0x38;
	[tilespmem:$0x1A800] =	vst v63  }
0x550: {  	_ =	swait.ge [sflag:s17], $0x2000  }
0x551: {  	[sflag:s17] =	ssyncset.done $0x0  }
0x552: {  	[sflag:s17] =	ssyncadd.s32 $0xFFFFE000  }
0x553: {  	_ =	swait.ge [sflag:s19], $0x2000  }
0x554: {  	s5 =	rddreg [dreg:$0x7]  }
0x555: {  	s2 =	rddreg [dreg:$0x6];
	s5 =	sadd.s32 $0x1, s5  }
0x556: {  	p0 =	sne.s32 s5, s2  }
.Ltmp17:
0x557: {  	_ = 	snop;
	(pc) =	sbr.rel @p0 .LBB2_1-.Ltmp17, $3  }
0x558: {  	_ =	sdelay $0x1  }
0x559: {  	[sflag:s19] =	ssyncset.done $0x0  }
0x55a: {  	[sflag:s19] =	ssyncadd.s32 $0xFFFFE000  }
0x55b: {  	_ =	sfence.sel $0x180000  }
0x55c: {  	[bflag:$0x0] =	sbarrier.arrive $0xFFFF  }
0x55d: {  	_ =	strace $0x90000047  }
0x55e: {  	s0 =	stileid.u32;
	[bflag:$0x2] =	sbarrier.arrive $0xFFFF  }
0x55f: {  	p0 =	sne.s32 s0, $0x0;
	s0 =	rddreg [dreg:$0x2]  }
0x560: {  	s0 =	sadd.s32 @!p0 $0x100000, s0  }
0x561: {  	[sflag:s0] =	ssyncadd.tile.s32 @!p0 $0x1;
	_ =	shalt  }
.Lfunc_end2:
_tile_overlayer_lowered:
.L_overlay_start_2:
0x562: {  	(tag) =	ssettag $0x2  }
0x563: {  	s0 =	rddreg [dreg:$0x0];
	s2 =	stileid.u32  }
0x564: {  	s1 =	rddreg [dreg:$0x1];
	p0 =	sne.s32 s2, $0x0  }
0x565: {  	s3 =	rddreg [dreg:$0x2];
	[bflag:$0x3] =	sbarrier.arrive $0xFFFF;
	s2 =	simm.s32 @!p0 $0x1C0B  }
0x566: {  	[timem:s3], [sflag:s2] =	dma.local @!p0 [hbm:s0], s1  }
0x567: {  	s0 =	simm.s32 @!p0 $0xB  }
0x568: {  	_ =	swait.ge @!p0 [sflag:s0], s1  }
0x569: {  	s1 =	ssub.s32 @!p0 $0x0, s1;
	[sflag:s0] =	ssyncset.done @!p0 $0x0  }
0x56a: {  	[sflag:s0] =	ssyncadd.s32 @!p0 s1  }
0x56b: {  	[bflag:$0x3] =	sbarrier.arrive $0xFFFF  }
0x56c: {  	_ =	shalt  }

</sc_bundles>
